<compile_context>
chip_gen: v7x
topology: tpu7x:2x2x1
jax: 0.10.2.dev20260603
libtpu: 0.0.44.dev20260713+nightly
codegen_flags: <defaults>
</compile_context>

<pallas_src>
import functools

import jax
import jax.numpy as jnp
from jax import lax
from jax.experimental import pallas as pl
from jax.experimental.pallas import tpu as pltpu
from jax.experimental.pallas import tpu_sc as plsc

B, T = 4096, 200
D = 2
N = B * T
V = 1000000
VPAD = 1000448
ROWS = 250112
PLANE_ROWS = 125056

_info = plsc.get_sparse_core_info()
NC, NS, L = _info.num_cores, _info.num_subcores, _info.num_lanes
NW = NC * NS
PER_W = N // NW
C = 640
NCH = PER_W // C
DEPTH = 4
GR = C // L
UNROLL = 4


def _gather_body(idx_hbm, table_hbm, out_hbm, idx_v, out_v, *bufs):
    sx_b = bufs[0:DEPTH]
    sy_b = bufs[DEPTH:2 * DEPTH]
    col_b = bufs[2 * DEPTH:3 * DEPTH]
    rx_b = bufs[3 * DEPTH:4 * DEPTH]
    ry_b = bufs[4 * DEPTH:5 * DEPTH]
    semx = bufs[5 * DEPTH:6 * DEPTH]
    semy = bufs[6 * DEPTH:7 * DEPTH]

    wid = lax.axis_index("s") * NC + lax.axis_index("c")
    pltpu.sync_copy(idx_hbm.at[:, wid], idx_v)
    lane = lax.iota(jnp.int32, L)

    def prep_group(m, d, j):
        t = m // 128
        c0 = m - t * 128
        v = idx_v[t // 8, pl.ds((t % 8) * 128 + c0, L)]
        sx = lax.shift_right_logical(v, 3) + lax.shift_left(
            lax.shift_right_logical(v, 7), 4)
        sx_b[d][pl.ds(j, L)] = sx
        sy_b[d][pl.ds(j, L)] = sx + 16
        col_b[d][pl.ds(j, L)] = v & 7

    def sel_group(m, d, j):
        rl = lane + j
        cf = col_b[d][pl.ds(j, L)]
        v0 = plsc.load_gather(rx_b[d], [rl, cf])
        v1 = plsc.load_gather(ry_b[d], [rl, cf])
        tq = m // 128
        cs = m - tq * 128
        out_v[tq, pl.ds(cs, L)] = v0
        out_v[tq, pl.ds(cs + 128, L)] = v1

    def prep(c, d):
        def step(i, carry):
            j0 = i * (L * UNROLL)
            for u in range(UNROLL):
                j = j0 + u * L
                prep_group(c * C + j, d, j)
            return carry
        lax.fori_loop(0, GR // UNROLL, step, 0)

    def select(c, d):
        def step(i, carry):
            j0 = i * (L * UNROLL)
            for u in range(UNROLL):
                j = j0 + u * L
                sel_group(c * C + j, d, j)
            return carry
        lax.fori_loop(0, GR // UNROLL, step, 0)

    def fire(d):
        pltpu.async_copy(table_hbm.at[sx_b[d]], rx_b[d], semx[d])
        pltpu.async_copy(table_hbm.at[sy_b[d]], ry_b[d], semy[d])

    def drain(d):
        pltpu.make_async_copy(table_hbm.at[sx_b[d]], rx_b[d], semx[d]).wait()
        pltpu.make_async_copy(table_hbm.at[sy_b[d]], ry_b[d], semy[d]).wait()

    for d in range(DEPTH - 1):
        prep(d, d)
        fire(d)

    def pipe(i, carry):
        cbase = i * DEPTH
        for d in range(DEPTH):
            c = cbase + d
            cn = c + DEPTH - 1
            dn = (d + DEPTH - 1) % DEPTH

            @pl.when(cn < NCH)
            def _():
                prep(cn, dn)
                fire(dn)

            drain(d)
            select(c, d)
        return carry

    lax.fori_loop(0, NCH // DEPTH, pipe, 0)
    pltpu.sync_copy(out_v, out_hbm.at[:, wid])


@jax.jit
def _gather(ids_native, table8):
    mesh = plsc.VectorSubcoreMesh(core_axis_name="c", subcore_axis_name="s")
    run = pl.kernel(
        _gather_body,
        out_type=jax.ShapeDtypeStruct((T, NW, 2 * 128), jnp.float32),
        mesh=mesh,
        scratch_types=(
            [pltpu.VMEM((25, 1024), jnp.int32),
             pltpu.VMEM((T, 2 * 128), jnp.float32)]
            + [pltpu.VMEM((C,), jnp.int32) for _ in range(3 * DEPTH)]
            + [pltpu.VMEM((C, 8), jnp.float32) for _ in range(2 * DEPTH)]
            + [pltpu.SemaphoreType.DMA for _ in range(2 * DEPTH)]
        ),
        compiler_params=pltpu.CompilerParams(
            use_tc_tiling_on_sc=False, needs_layout_passes=False
        ),
    )
    return run(ids_native, table8)


def kernel(sensor_ids, positions):
    ids = sensor_ids.astype(jnp.int32)
    ids_native = (
        ids.reshape(32, 128, 25, 8)
        .transpose(2, 0, 3, 1)
        .reshape(25, 32, 1024)
    )
    table8 = (
        jnp.pad(positions, ((0, VPAD - V), (0, 0)))
        .reshape(1, VPAD // 128, 128, 2)
        .transpose(0, 1, 3, 2)
        .reshape(ROWS, 8)
    )
    out3 = _gather(ids_native, table8)
    return (
        out3.reshape(T, NW, 2, 128)
        .transpose(1, 3, 0, 2)
        .reshape(B, T, D)
    )

# --- scband reference (transcript-rebuilt; emitter-appended) ---
"""Pipeline reference for scband-position-head-21784074125412 (READ-ONLY COPY).

The authoritative reference and input builder live on the scoring server;
editing this copy changes nothing except your own understanding.
"""

import jax, jax.numpy as jnp
import numpy as np

VOCAB_SIZE = 1000000
INIT_SCALE = 0.1
B, T = 4096, 200

def setup_inputs(seed: int = 0) -> dict:
    key = jax.random.key(seed)
    k_ids, k_pos = jax.random.split(key)
    sensor_ids = jax.random.randint(k_ids, (B, T), 0, VOCAB_SIZE, dtype=jnp.int64) if jax.config.jax_enable_x64 else jax.random.randint(k_ids, (B, T), 0, VOCAB_SIZE, dtype=jnp.int32)
    positions = jax.random.uniform(k_pos, (VOCAB_SIZE, 2), dtype=jnp.float32, minval=-INIT_SCALE, maxval=INIT_SCALE)
    return {"sensor_ids": sensor_ids, "positions": positions}

def reference(sensor_ids, positions):
    # PositionHead.forward: gather 2D positions by sensor id -> [B, T, 2]
    return jnp.take(positions, sensor_ids, axis=0)

if __name__ == "__main__":
    import jax
    _d = setup_inputs()
    print(jax.jit(kernel)(*tuple(_d.values())))

</pallas_src>

<mosaic_0001>
#map = affine_map<(d0, d1) -> (0, 0, 0)>
#map1 = affine_map<(d0, d1) -> (0, 0)>
module attributes {stable_mosaic.version = 14 : i64} {
  func.func @_gather_body(%arg0: i32, %arg1: i32, %arg2: memref<25x32x1024xi32, #tpu.memory_space<hbm>>, %arg3: memref<250112x8xf32, #tpu.memory_space<hbm>>, %arg4: memref<200x32x256xf32, #tpu.memory_space<hbm>>, %arg5: memref<25x1024xi32, #tpu.memory_space<vmem>>, %arg6: memref<200x256xf32, #tpu.memory_space<vmem>>, %arg7: memref<640xi32, #tpu.memory_space<vmem>>, %arg8: memref<640xi32, #tpu.memory_space<vmem>>, %arg9: memref<640xi32, #tpu.memory_space<vmem>>, %arg10: memref<640xi32, #tpu.memory_space<vmem>>, %arg11: memref<640xi32, #tpu.memory_space<vmem>>, %arg12: memref<640xi32, #tpu.memory_space<vmem>>, %arg13: memref<640xi32, #tpu.memory_space<vmem>>, %arg14: memref<640xi32, #tpu.memory_space<vmem>>, %arg15: memref<640xi32, #tpu.memory_space<vmem>>, %arg16: memref<640xi32, #tpu.memory_space<vmem>>, %arg17: memref<640xi32, #tpu.memory_space<vmem>>, %arg18: memref<640xi32, #tpu.memory_space<vmem>>, %arg19: memref<640x8xf32, #tpu.memory_space<vmem>>, %arg20: memref<640x8xf32, #tpu.memory_space<vmem>>, %arg21: memref<640x8xf32, #tpu.memory_space<vmem>>, %arg22: memref<640x8xf32, #tpu.memory_space<vmem>>, %arg23: memref<640x8xf32, #tpu.memory_space<vmem>>, %arg24: memref<640x8xf32, #tpu.memory_space<vmem>>, %arg25: memref<640x8xf32, #tpu.memory_space<vmem>>, %arg26: memref<640x8xf32, #tpu.memory_space<vmem>>, %arg27: memref<!tpu.dma_semaphore, #tpu.memory_space<semaphore_mem>>, %arg28: memref<!tpu.dma_semaphore, #tpu.memory_space<semaphore_mem>>, %arg29: memref<!tpu.dma_semaphore, #tpu.memory_space<semaphore_mem>>, %arg30: memref<!tpu.dma_semaphore, #tpu.memory_space<semaphore_mem>>, %arg31: memref<!tpu.dma_semaphore, #tpu.memory_space<semaphore_mem>>, %arg32: memref<!tpu.dma_semaphore, #tpu.memory_space<semaphore_mem>>, %arg33: memref<!tpu.dma_semaphore, #tpu.memory_space<semaphore_mem>>, %arg34: memref<!tpu.dma_semaphore, #tpu.memory_space<semaphore_mem>>) attributes {dimension_semantics = [#tpu.dimension_semantics<core_parallel>, #tpu.dimension_semantics<subcore_parallel>], iteration_bounds = array<i64: 2, 16>, scalar_prefetch = 0 : i64, scratch_operands = 30 : i64, tpu.core_type = #tpu.core_type<sc_vector_subcore>, window_params = [{transform_indices = #map}, {transform_indices = #map1}, {transform_indices = #map}]} {
    %mul3A = arith.constant 2 : i32
    %mul3A_0 = arith.muli %arg1, %mul3A : i32
    %add3A = arith.addi %mul3A_0, %arg0 : i32
    "tpu.region"() ({
      %run_scoped3A = tpu.sem_alloc : memref<!tpu.dma_semaphore, #tpu.memory_space<semaphore_mem>>
      %dma_start3A_41 = arith.constant 0 : i32
      %dma_start3A_42 = arith.constant 0 : i32
      %dma_start3A_43 = tpu.memref_slice %arg2[%dma_start3A_41, %add3A, %dma_start3A_42] : memref<25x32x1024xi32, #tpu.memory_space<hbm>> -> memref<25x1x1024xi32, #tpu.memory_space<hbm>>
      %dma_start3A_44 = tpu.memref_squeeze %dma_start3A_43 : memref<25x1x1024xi32, #tpu.memory_space<hbm>> -> memref<25x1024xi32, #tpu.memory_space<hbm>>
      %dma_start3A_45 = arith.constant 0 : i32
      %dma_start3A_46 = arith.constant 0 : i32
      %dma_start3A_47 = tpu.memref_slice %arg2[%dma_start3A_45, %add3A, %dma_start3A_46] : memref<25x32x1024xi32, #tpu.memory_space<hbm>> -> memref<25x1x1024xi32, #tpu.memory_space<hbm>>
      %dma_start3A_48 = tpu.memref_squeeze %dma_start3A_47 : memref<25x1x1024xi32, #tpu.memory_space<hbm>> -> memref<25x1024xi32, #tpu.memory_space<hbm>>
      tpu.enqueue_dma source(%dma_start3A_48 : memref<25x1024xi32, #tpu.memory_space<hbm>>) target(%arg5 : memref<25x1024xi32, #tpu.memory_space<vmem>>) target_semaphore(%run_scoped3A : memref<!tpu.dma_semaphore, #tpu.memory_space<semaphore_mem>>)
      %dma_wait3A = arith.constant 0 : i32
      %dma_wait3A_49 = arith.constant 0 : i32
      %dma_wait3A_50 = tpu.memref_slice %arg2[%dma_wait3A, %add3A, %dma_wait3A_49] : memref<25x32x1024xi32, #tpu.memory_space<hbm>> -> memref<25x1x1024xi32, #tpu.memory_space<hbm>>
      %dma_wait3A_51 = tpu.memref_squeeze %dma_wait3A_50 : memref<25x1x1024xi32, #tpu.memory_space<hbm>> -> memref<25x1024xi32, #tpu.memory_space<hbm>>
      %dma_wait3A_52 = arith.constant 0 : i32
      %dma_wait3A_53 = arith.constant 0 : i32
      %dma_wait3A_54 = tpu.memref_slice %arg2[%dma_wait3A_52, %add3A, %dma_wait3A_53] : memref<25x32x1024xi32, #tpu.memory_space<hbm>> -> memref<25x1x1024xi32, #tpu.memory_space<hbm>>
      %dma_wait3A_55 = tpu.memref_squeeze %dma_wait3A_54 : memref<25x1x1024xi32, #tpu.memory_space<hbm>> -> memref<25x1024xi32, #tpu.memory_space<hbm>>
      tpu.wait_dma2 semaphore(%run_scoped3A : memref<!tpu.dma_semaphore, #tpu.memory_space<semaphore_mem>>) src(%dma_wait3A_55 : memref<25x1024xi32, #tpu.memory_space<hbm>>) dst(%arg5 : memref<25x1024xi32, #tpu.memory_space<vmem>>)
      tpu.yield
    }) : () -> ()
    %iota3A = tpu.iota {dimensions = array<i32: 0>} : vector<16xi32>
    %scan3A = arith.constant 0 : i32
    %scan3A_1 = arith.constant 0 : i32
    %scan3A_2 = arith.constant 10 : i32
    %scan3A_3 = arith.addi %scan3A_1, %scan3A_2 : i32
    %scan3A_4 = arith.constant 1 : i32
    scf.for %scan3A_41 = %scan3A_1 to %scan3A_3 step %scan3A_4  : i32 {
      %mul3A_42 = arith.constant 64 : i32
      %mul3A_43 = arith.muli %scan3A_41, %mul3A_42 : i32
      %add3A_44 = arith.constant 0 : i32
      %add3A_45 = arith.addi %mul3A_43, %add3A_44 : i32
      %add3A_46 = arith.constant 0 : i32
      %add3A_47 = arith.addi %add3A_46, %add3A_45 : i32
      %jit3A = arith.constant 128 : i32
      %div3A = arith.divsi %add3A_47, %jit3A : i32
      %sign3A = arith.constant 0 : i32
      %sign3A_48 = arith.cmpi sgt, %add3A_47, %sign3A : i32
      %sign3A_49 = arith.extui %sign3A_48 : i1 to i32
      %sign3A_50 = arith.constant 0 : i32
      %sign3A_51 = arith.cmpi slt, %add3A_47, %sign3A_50 : i32
      %sign3A_52 = arith.extui %sign3A_51 : i1 to i32
      %sign3A_53 = arith.subi %sign3A_49, %sign3A_52 : i32
      %sign3A_54 = arith.constant 0 : i32
      %sign3A_55 = arith.cmpi sgt, %jit3A, %sign3A_54 : i32
      %sign3A_56 = arith.extui %sign3A_55 : i1 to i32
      %sign3A_57 = arith.constant 0 : i32
      %sign3A_58 = arith.cmpi slt, %jit3A, %sign3A_57 : i32
      %sign3A_59 = arith.extui %sign3A_58 : i1 to i32
      %sign3A_60 = arith.subi %sign3A_56, %sign3A_59 : i32
      %ne3A = arith.cmpi ne, %sign3A_53, %sign3A_60 : i32
      %rem3A = arith.remsi %add3A_47, %jit3A : i32
      %ne3A_61 = arith.constant 0 : i32
      %ne3A_62 = arith.cmpi ne, %rem3A, %ne3A_61 : i32
      %and3A = arith.andi %ne3A, %ne3A_62 : i1
      %sub3A = arith.constant 1 : i32
      %sub3A_63 = arith.subi %div3A, %sub3A : i32
      %select_n3A = arith.select %and3A, %sub3A_63, %div3A : i32
      %mul3A_64 = arith.constant 128 : i32
      %mul3A_65 = arith.muli %select_n3A, %mul3A_64 : i32
      %sub3A_66 = arith.subi %add3A_47, %mul3A_65 : i32
      %jit3A_67 = arith.constant 8 : i32
      %div3A_68 = arith.divsi %select_n3A, %jit3A_67 : i32
      %sign3A_69 = arith.constant 0 : i32
      %sign3A_70 = arith.cmpi sgt, %select_n3A, %sign3A_69 : i32
      %sign3A_71 = arith.extui %sign3A_70 : i1 to i32
      %sign3A_72 = arith.constant 0 : i32
      %sign3A_73 = arith.cmpi slt, %select_n3A, %sign3A_72 : i32
      %sign3A_74 = arith.extui %sign3A_73 : i1 to i32
      %sign3A_75 = arith.subi %sign3A_71, %sign3A_74 : i32
      %sign3A_76 = arith.constant 0 : i32
      %sign3A_77 = arith.cmpi sgt, %jit3A_67, %sign3A_76 : i32
      %sign3A_78 = arith.extui %sign3A_77 : i1 to i32
      %sign3A_79 = arith.constant 0 : i32
      %sign3A_80 = arith.cmpi slt, %jit3A_67, %sign3A_79 : i32
      %sign3A_81 = arith.extui %sign3A_80 : i1 to i32
      %sign3A_82 = arith.subi %sign3A_78, %sign3A_81 : i32
      %ne3A_83 = arith.cmpi ne, %sign3A_75, %sign3A_82 : i32
      %rem3A_84 = arith.remsi %select_n3A, %jit3A_67 : i32
      %ne3A_85 = arith.constant 0 : i32
      %ne3A_86 = arith.cmpi ne, %rem3A_84, %ne3A_85 : i32
      %and3A_87 = arith.andi %ne3A_83, %ne3A_86 : i1
      %sub3A_88 = arith.constant 1 : i32
      %sub3A_89 = arith.subi %div3A_68, %sub3A_88 : i32
      %select_n3A_90 = arith.select %and3A_87, %sub3A_89, %div3A_68 : i32
      %jit3A_91 = arith.constant 8 : i32
      %eq3A = arith.constant 0 : i32
      %eq3A_92 = arith.cmpi eq, %jit3A_91, %eq3A : i32
      %jit3A_93 = arith.constant 1 : i32
      %select_n3A_94 = arith.select %eq3A_92, %jit3A_93, %jit3A_91 : i32
      %rem3A_95 = arith.remsi %select_n3A, %select_n3A_94 : i32
      %ne3A_96 = arith.constant 0 : i32
      %ne3A_97 = arith.cmpi ne, %rem3A_95, %ne3A_96 : i32
      %lt3A = arith.constant 0 : i32
      %lt3A_98 = arith.cmpi slt, %rem3A_95, %lt3A : i32
      %lt3A_99 = arith.constant 0 : i32
      %lt3A_100 = arith.cmpi slt, %select_n3A_94, %lt3A_99 : i32
      %ne3A_101 = arith.xori %lt3A_98, %lt3A_100 : i1
      %and3A_102 = arith.andi %ne3A_101, %ne3A_97 : i1
      %add3A_103 = arith.addi %rem3A_95, %select_n3A_94 : i32
      %select_n3A_104 = arith.select %and3A_102, %add3A_103, %rem3A_95 : i32
      %mul3A_105 = arith.constant 128 : i32
      %mul3A_106 = arith.muli %select_n3A_104, %mul3A_105 : i32
      %add3A_107 = arith.addi %mul3A_106, %sub3A_66 : i32
      %get3A = arith.index_cast %select_n3A_90 : i32 to index
      %get3A_108 = arith.index_cast %add3A_107 : i32 to index
      %get3A_109 = tpu.vector_load %arg5[%get3A, %get3A_108] {strides = array<i32>} : memref<25x1024xi32, #tpu.memory_space<vmem>>, vector<16xi32>,
      %shift_right_logical3A = arith.constant 3 : i32
      %shift_right_logical3A_110 = vector.broadcast %shift_right_logical3A : i32 to vector<16xi32>
      %shift_right_logical3A_111 = arith.shrui %get3A_109, %shift_right_logical3A_110 : vector<16xi32>
      %shift_right_logical3A_112 = arith.constant 7 : i32
      %shift_right_logical3A_113 = vector.broadcast %shift_right_logical3A_112 : i32 to vector<16xi32>
      %shift_right_logical3A_114 = arith.shrui %get3A_109, %shift_right_logical3A_113 : vector<16xi32>
      %shift_left3A = arith.constant 4 : i32
      %shift_left3A_115 = vector.broadcast %shift_left3A : i32 to vector<16xi32>
      %shift_left3A_116 = arith.shli %shift_right_logical3A_114, %shift_left3A_115 : vector<16xi32>
      %add3A_117 = arith.addi %shift_right_logical3A_111, %shift_left3A_116 : vector<16xi32>
      %swap3A = arith.index_cast %add3A_45 : i32 to index
      %swap3A_118 = tpu.vector_load %arg7[%swap3A] {strides = array<i32>} : memref<640xi32, #tpu.memory_space<vmem>>, vector<16xi32>,
      tpu.vector_store %arg7[%swap3A], %add3A_117 {strides = array<i32>} : memref<640xi32, #tpu.memory_space<vmem>>, vector<16xi32>,
      %add3A_119 = arith.constant 16 : i32
      %add3A_120 = vector.broadcast %add3A_119 : i32 to vector<16xi32>
      %add3A_121 = arith.addi %add3A_117, %add3A_120 : vector<16xi32>
      %swap3A_122 = arith.index_cast %add3A_45 : i32 to index
      %swap3A_123 = tpu.vector_load %arg11[%swap3A_122] {strides = array<i32>} : memref<640xi32, #tpu.memory_space<vmem>>, vector<16xi32>,
      tpu.vector_store %arg11[%swap3A_122], %add3A_121 {strides = array<i32>} : memref<640xi32, #tpu.memory_space<vmem>>, vector<16xi32>,
      %and3A_124 = arith.constant 7 : i32
      %and3A_125 = vector.broadcast %and3A_124 : i32 to vector<16xi32>
      %and3A_126 = arith.andi %get3A_109, %and3A_125 : vector<16xi32>
      %swap3A_127 = arith.index_cast %add3A_45 : i32 to index
      %swap3A_128 = tpu.vector_load %arg15[%swap3A_127] {strides = array<i32>} : memref<640xi32, #tpu.memory_space<vmem>>, vector<16xi32>,
      tpu.vector_store %arg15[%swap3A_127], %and3A_126 {strides = array<i32>} : memref<640xi32, #tpu.memory_space<vmem>>, vector<16xi32>,
      %add3A_129 = arith.constant 16 : i32
      %add3A_130 = arith.addi %mul3A_43, %add3A_129 : i32
      %add3A_131 = arith.constant 0 : i32
      %add3A_132 = arith.addi %add3A_131, %add3A_130 : i32
      %jit3A_133 = arith.constant 128 : i32
      %div3A_134 = arith.divsi %add3A_132, %jit3A_133 : i32
      %sign3A_135 = arith.constant 0 : i32
      %sign3A_136 = arith.cmpi sgt, %add3A_132, %sign3A_135 : i32
      %sign3A_137 = arith.extui %sign3A_136 : i1 to i32
      %sign3A_138 = arith.constant 0 : i32
      %sign3A_139 = arith.cmpi slt, %add3A_132, %sign3A_138 : i32
      %sign3A_140 = arith.extui %sign3A_139 : i1 to i32
      %sign3A_141 = arith.subi %sign3A_137, %sign3A_140 : i32
      %sign3A_142 = arith.constant 0 : i32
      %sign3A_143 = arith.cmpi sgt, %jit3A_133, %sign3A_142 : i32
      %sign3A_144 = arith.extui %sign3A_143 : i1 to i32
      %sign3A_145 = arith.constant 0 : i32
      %sign3A_146 = arith.cmpi slt, %jit3A_133, %sign3A_145 : i32
      %sign3A_147 = arith.extui %sign3A_146 : i1 to i32
      %sign3A_148 = arith.subi %sign3A_144, %sign3A_147 : i32
      %ne3A_149 = arith.cmpi ne, %sign3A_141, %sign3A_148 : i32
      %rem3A_150 = arith.remsi %add3A_132, %jit3A_133 : i32
      %ne3A_151 = arith.constant 0 : i32
      %ne3A_152 = arith.cmpi ne, %rem3A_150, %ne3A_151 : i32
      %and3A_153 = arith.andi %ne3A_149, %ne3A_152 : i1
      %sub3A_154 = arith.constant 1 : i32
      %sub3A_155 = arith.subi %div3A_134, %sub3A_154 : i32
      %select_n3A_156 = arith.select %and3A_153, %sub3A_155, %div3A_134 : i32
      %mul3A_157 = arith.constant 128 : i32
      %mul3A_158 = arith.muli %select_n3A_156, %mul3A_157 : i32
      %sub3A_159 = arith.subi %add3A_132, %mul3A_158 : i32
      %jit3A_160 = arith.constant 8 : i32
      %div3A_161 = arith.divsi %select_n3A_156, %jit3A_160 : i32
      %sign3A_162 = arith.constant 0 : i32
      %sign3A_163 = arith.cmpi sgt, %select_n3A_156, %sign3A_162 : i32
      %sign3A_164 = arith.extui %sign3A_163 : i1 to i32
      %sign3A_165 = arith.constant 0 : i32
      %sign3A_166 = arith.cmpi slt, %select_n3A_156, %sign3A_165 : i32
      %sign3A_167 = arith.extui %sign3A_166 : i1 to i32
      %sign3A_168 = arith.subi %sign3A_164, %sign3A_167 : i32
      %sign3A_169 = arith.constant 0 : i32
      %sign3A_170 = arith.cmpi sgt, %jit3A_160, %sign3A_169 : i32
      %sign3A_171 = arith.extui %sign3A_170 : i1 to i32
      %sign3A_172 = arith.constant 0 : i32
      %sign3A_173 = arith.cmpi slt, %jit3A_160, %sign3A_172 : i32
      %sign3A_174 = arith.extui %sign3A_173 : i1 to i32
      %sign3A_175 = arith.subi %sign3A_171, %sign3A_174 : i32
      %ne3A_176 = arith.cmpi ne, %sign3A_168, %sign3A_175 : i32
      %rem3A_177 = arith.remsi %select_n3A_156, %jit3A_160 : i32
      %ne3A_178 = arith.constant 0 : i32
      %ne3A_179 = arith.cmpi ne, %rem3A_177, %ne3A_178 : i32
      %and3A_180 = arith.andi %ne3A_176, %ne3A_179 : i1
      %sub3A_181 = arith.constant 1 : i32
      %sub3A_182 = arith.subi %div3A_161, %sub3A_181 : i32
      %select_n3A_183 = arith.select %and3A_180, %sub3A_182, %div3A_161 : i32
      %jit3A_184 = arith.constant 8 : i32
      %eq3A_185 = arith.constant 0 : i32
      %eq3A_186 = arith.cmpi eq, %jit3A_184, %eq3A_185 : i32
      %jit3A_187 = arith.constant 1 : i32
      %select_n3A_188 = arith.select %eq3A_186, %jit3A_187, %jit3A_184 : i32
      %rem3A_189 = arith.remsi %select_n3A_156, %select_n3A_188 : i32
      %ne3A_190 = arith.constant 0 : i32
      %ne3A_191 = arith.cmpi ne, %rem3A_189, %ne3A_190 : i32
      %lt3A_192 = arith.constant 0 : i32
      %lt3A_193 = arith.cmpi slt, %rem3A_189, %lt3A_192 : i32
      %lt3A_194 = arith.constant 0 : i32
      %lt3A_195 = arith.cmpi slt, %select_n3A_188, %lt3A_194 : i32
      %ne3A_196 = arith.xori %lt3A_193, %lt3A_195 : i1
      %and3A_197 = arith.andi %ne3A_196, %ne3A_191 : i1
      %add3A_198 = arith.addi %rem3A_189, %select_n3A_188 : i32
      %select_n3A_199 = arith.select %and3A_197, %add3A_198, %rem3A_189 : i32
      %mul3A_200 = arith.constant 128 : i32
      %mul3A_201 = arith.muli %select_n3A_199, %mul3A_200 : i32
      %add3A_202 = arith.addi %mul3A_201, %sub3A_159 : i32
      %get3A_203 = arith.index_cast %select_n3A_183 : i32 to index
      %get3A_204 = arith.index_cast %add3A_202 : i32 to index
      %get3A_205 = tpu.vector_load %arg5[%get3A_203, %get3A_204] {strides = array<i32>} : memref<25x1024xi32, #tpu.memory_space<vmem>>, vector<16xi32>,
      %shift_right_logical3A_206 = arith.constant 3 : i32
      %shift_right_logical3A_207 = vector.broadcast %shift_right_logical3A_206 : i32 to vector<16xi32>
      %shift_right_logical3A_208 = arith.shrui %get3A_205, %shift_right_logical3A_207 : vector<16xi32>
      %shift_right_logical3A_209 = arith.constant 7 : i32
      %shift_right_logical3A_210 = vector.broadcast %shift_right_logical3A_209 : i32 to vector<16xi32>
      %shift_right_logical3A_211 = arith.shrui %get3A_205, %shift_right_logical3A_210 : vector<16xi32>
      %shift_left3A_212 = arith.constant 4 : i32
      %shift_left3A_213 = vector.broadcast %shift_left3A_212 : i32 to vector<16xi32>
      %shift_left3A_214 = arith.shli %shift_right_logical3A_211, %shift_left3A_213 : vector<16xi32>
      %add3A_215 = arith.addi %shift_right_logical3A_208, %shift_left3A_214 : vector<16xi32>
      %swap3A_216 = arith.index_cast %add3A_130 : i32 to index
      %swap3A_217 = tpu.vector_load %arg7[%swap3A_216] {strides = array<i32>} : memref<640xi32, #tpu.memory_space<vmem>>, vector<16xi32>,
      tpu.vector_store %arg7[%swap3A_216], %add3A_215 {strides = array<i32>} : memref<640xi32, #tpu.memory_space<vmem>>, vector<16xi32>,
      %add3A_218 = arith.constant 16 : i32
      %add3A_219 = vector.broadcast %add3A_218 : i32 to vector<16xi32>
      %add3A_220 = arith.addi %add3A_215, %add3A_219 : vector<16xi32>
      %swap3A_221 = arith.index_cast %add3A_130 : i32 to index
      %swap3A_222 = tpu.vector_load %arg11[%swap3A_221] {strides = array<i32>} : memref<640xi32, #tpu.memory_space<vmem>>, vector<16xi32>,
      tpu.vector_store %arg11[%swap3A_221], %add3A_220 {strides = array<i32>} : memref<640xi32, #tpu.memory_space<vmem>>, vector<16xi32>,
      %and3A_223 = arith.constant 7 : i32
      %and3A_224 = vector.broadcast %and3A_223 : i32 to vector<16xi32>
      %and3A_225 = arith.andi %get3A_205, %and3A_224 : vector<16xi32>
      %swap3A_226 = arith.index_cast %add3A_130 : i32 to index
      %swap3A_227 = tpu.vector_load %arg15[%swap3A_226] {strides = array<i32>} : memref<640xi32, #tpu.memory_space<vmem>>, vector<16xi32>,
      tpu.vector_store %arg15[%swap3A_226], %and3A_225 {strides = array<i32>} : memref<640xi32, #tpu.memory_space<vmem>>, vector<16xi32>,
      %add3A_228 = arith.constant 32 : i32
      %add3A_229 = arith.addi %mul3A_43, %add3A_228 : i32
      %add3A_230 = arith.constant 0 : i32
      %add3A_231 = arith.addi %add3A_230, %add3A_229 : i32
      %jit3A_232 = arith.constant 128 : i32
      %div3A_233 = arith.divsi %add3A_231, %jit3A_232 : i32
      %sign3A_234 = arith.constant 0 : i32
      %sign3A_235 = arith.cmpi sgt, %add3A_231, %sign3A_234 : i32
      %sign3A_236 = arith.extui %sign3A_235 : i1 to i32
      %sign3A_237 = arith.constant 0 : i32
      %sign3A_238 = arith.cmpi slt, %add3A_231, %sign3A_237 : i32
      %sign3A_239 = arith.extui %sign3A_238 : i1 to i32
      %sign3A_240 = arith.subi %sign3A_236, %sign3A_239 : i32
      %sign3A_241 = arith.constant 0 : i32
      %sign3A_242 = arith.cmpi sgt, %jit3A_232, %sign3A_241 : i32
      %sign3A_243 = arith.extui %sign3A_242 : i1 to i32
      %sign3A_244 = arith.constant 0 : i32
      %sign3A_245 = arith.cmpi slt, %jit3A_232, %sign3A_244 : i32
      %sign3A_246 = arith.extui %sign3A_245 : i1 to i32
      %sign3A_247 = arith.subi %sign3A_243, %sign3A_246 : i32
      %ne3A_248 = arith.cmpi ne, %sign3A_240, %sign3A_247 : i32
      %rem3A_249 = arith.remsi %add3A_231, %jit3A_232 : i32
      %ne3A_250 = arith.constant 0 : i32
      %ne3A_251 = arith.cmpi ne, %rem3A_249, %ne3A_250 : i32
      %and3A_252 = arith.andi %ne3A_248, %ne3A_251 : i1
      %sub3A_253 = arith.constant 1 : i32
      %sub3A_254 = arith.subi %div3A_233, %sub3A_253 : i32
      %select_n3A_255 = arith.select %and3A_252, %sub3A_254, %div3A_233 : i32
      %mul3A_256 = arith.constant 128 : i32
      %mul3A_257 = arith.muli %select_n3A_255, %mul3A_256 : i32
      %sub3A_258 = arith.subi %add3A_231, %mul3A_257 : i32
      %jit3A_259 = arith.constant 8 : i32
      %div3A_260 = arith.divsi %select_n3A_255, %jit3A_259 : i32
      %sign3A_261 = arith.constant 0 : i32
      %sign3A_262 = arith.cmpi sgt, %select_n3A_255, %sign3A_261 : i32
      %sign3A_263 = arith.extui %sign3A_262 : i1 to i32
      %sign3A_264 = arith.constant 0 : i32
      %sign3A_265 = arith.cmpi slt, %select_n3A_255, %sign3A_264 : i32
      %sign3A_266 = arith.extui %sign3A_265 : i1 to i32
      %sign3A_267 = arith.subi %sign3A_263, %sign3A_266 : i32
      %sign3A_268 = arith.constant 0 : i32
      %sign3A_269 = arith.cmpi sgt, %jit3A_259, %sign3A_268 : i32
      %sign3A_270 = arith.extui %sign3A_269 : i1 to i32
      %sign3A_271 = arith.constant 0 : i32
      %sign3A_272 = arith.cmpi slt, %jit3A_259, %sign3A_271 : i32
      %sign3A_273 = arith.extui %sign3A_272 : i1 to i32
      %sign3A_274 = arith.subi %sign3A_270, %sign3A_273 : i32
      %ne3A_275 = arith.cmpi ne, %sign3A_267, %sign3A_274 : i32
      %rem3A_276 = arith.remsi %select_n3A_255, %jit3A_259 : i32
      %ne3A_277 = arith.constant 0 : i32
      %ne3A_278 = arith.cmpi ne, %rem3A_276, %ne3A_277 : i32
      %and3A_279 = arith.andi %ne3A_275, %ne3A_278 : i1
      %sub3A_280 = arith.constant 1 : i32
      %sub3A_281 = arith.subi %div3A_260, %sub3A_280 : i32
      %select_n3A_282 = arith.select %and3A_279, %sub3A_281, %div3A_260 : i32
      %jit3A_283 = arith.constant 8 : i32
      %eq3A_284 = arith.constant 0 : i32
      %eq3A_285 = arith.cmpi eq, %jit3A_283, %eq3A_284 : i32
      %jit3A_286 = arith.constant 1 : i32
      %select_n3A_287 = arith.select %eq3A_285, %jit3A_286, %jit3A_283 : i32
      %rem3A_288 = arith.remsi %select_n3A_255, %select_n3A_287 : i32
      %ne3A_289 = arith.constant 0 : i32
      %ne3A_290 = arith.cmpi ne, %rem3A_288, %ne3A_289 : i32
      %lt3A_291 = arith.constant 0 : i32
      %lt3A_292 = arith.cmpi slt, %rem3A_288, %lt3A_291 : i32
      %lt3A_293 = arith.constant 0 : i32
      %lt3A_294 = arith.cmpi slt, %select_n3A_287, %lt3A_293 : i32
      %ne3A_295 = arith.xori %lt3A_292, %lt3A_294 : i1
      %and3A_296 = arith.andi %ne3A_295, %ne3A_290 : i1
      %add3A_297 = arith.addi %rem3A_288, %select_n3A_287 : i32
      %select_n3A_298 = arith.select %and3A_296, %add3A_297, %rem3A_288 : i32
      %mul3A_299 = arith.constant 128 : i32
      %mul3A_300 = arith.muli %select_n3A_298, %mul3A_299 : i32
      %add3A_301 = arith.addi %mul3A_300, %sub3A_258 : i32
      %get3A_302 = arith.index_cast %select_n3A_282 : i32 to index
      %get3A_303 = arith.index_cast %add3A_301 : i32 to index
      %get3A_304 = tpu.vector_load %arg5[%get3A_302, %get3A_303] {strides = array<i32>} : memref<25x1024xi32, #tpu.memory_space<vmem>>, vector<16xi32>,
      %shift_right_logical3A_305 = arith.constant 3 : i32
      %shift_right_logical3A_306 = vector.broadcast %shift_right_logical3A_305 : i32 to vector<16xi32>
      %shift_right_logical3A_307 = arith.shrui %get3A_304, %shift_right_logical3A_306 : vector<16xi32>
      %shift_right_logical3A_308 = arith.constant 7 : i32
      %shift_right_logical3A_309 = vector.broadcast %shift_right_logical3A_308 : i32 to vector<16xi32>
      %shift_right_logical3A_310 = arith.shrui %get3A_304, %shift_right_logical3A_309 : vector<16xi32>
      %shift_left3A_311 = arith.constant 4 : i32
      %shift_left3A_312 = vector.broadcast %shift_left3A_311 : i32 to vector<16xi32>
      %shift_left3A_313 = arith.shli %shift_right_logical3A_310, %shift_left3A_312 : vector<16xi32>
      %add3A_314 = arith.addi %shift_right_logical3A_307, %shift_left3A_313 : vector<16xi32>
      %swap3A_315 = arith.index_cast %add3A_229 : i32 to index
      %swap3A_316 = tpu.vector_load %arg7[%swap3A_315] {strides = array<i32>} : memref<640xi32, #tpu.memory_space<vmem>>, vector<16xi32>,
      tpu.vector_store %arg7[%swap3A_315], %add3A_314 {strides = array<i32>} : memref<640xi32, #tpu.memory_space<vmem>>, vector<16xi32>,
      %add3A_317 = arith.constant 16 : i32
      %add3A_318 = vector.broadcast %add3A_317 : i32 to vector<16xi32>
      %add3A_319 = arith.addi %add3A_314, %add3A_318 : vector<16xi32>
      %swap3A_320 = arith.index_cast %add3A_229 : i32 to index
      %swap3A_321 = tpu.vector_load %arg11[%swap3A_320] {strides = array<i32>} : memref<640xi32, #tpu.memory_space<vmem>>, vector<16xi32>,
      tpu.vector_store %arg11[%swap3A_320], %add3A_319 {strides = array<i32>} : memref<640xi32, #tpu.memory_space<vmem>>, vector<16xi32>,
      %and3A_322 = arith.constant 7 : i32
      %and3A_323 = vector.broadcast %and3A_322 : i32 to vector<16xi32>
      %and3A_324 = arith.andi %get3A_304, %and3A_323 : vector<16xi32>
      %swap3A_325 = arith.index_cast %add3A_229 : i32 to index
      %swap3A_326 = tpu.vector_load %arg15[%swap3A_325] {strides = array<i32>} : memref<640xi32, #tpu.memory_space<vmem>>, vector<16xi32>,
      tpu.vector_store %arg15[%swap3A_325], %and3A_324 {strides = array<i32>} : memref<640xi32, #tpu.memory_space<vmem>>, vector<16xi32>,
      %add3A_327 = arith.constant 48 : i32
      %add3A_328 = arith.addi %mul3A_43, %add3A_327 : i32
      %add3A_329 = arith.constant 0 : i32
      %add3A_330 = arith.addi %add3A_329, %add3A_328 : i32
      %jit3A_331 = arith.constant 128 : i32
      %div3A_332 = arith.divsi %add3A_330, %jit3A_331 : i32
      %sign3A_333 = arith.constant 0 : i32
      %sign3A_334 = arith.cmpi sgt, %add3A_330, %sign3A_333 : i32
      %sign3A_335 = arith.extui %sign3A_334 : i1 to i32
      %sign3A_336 = arith.constant 0 : i32
      %sign3A_337 = arith.cmpi slt, %add3A_330, %sign3A_336 : i32
      %sign3A_338 = arith.extui %sign3A_337 : i1 to i32
      %sign3A_339 = arith.subi %sign3A_335, %sign3A_338 : i32
      %sign3A_340 = arith.constant 0 : i32
      %sign3A_341 = arith.cmpi sgt, %jit3A_331, %sign3A_340 : i32
      %sign3A_342 = arith.extui %sign3A_341 : i1 to i32
      %sign3A_343 = arith.constant 0 : i32
      %sign3A_344 = arith.cmpi slt, %jit3A_331, %sign3A_343 : i32
      %sign3A_345 = arith.extui %sign3A_344 : i1 to i32
      %sign3A_346 = arith.subi %sign3A_342, %sign3A_345 : i32
      %ne3A_347 = arith.cmpi ne, %sign3A_339, %sign3A_346 : i32
      %rem3A_348 = arith.remsi %add3A_330, %jit3A_331 : i32
      %ne3A_349 = arith.constant 0 : i32
      %ne3A_350 = arith.cmpi ne, %rem3A_348, %ne3A_349 : i32
      %and3A_351 = arith.andi %ne3A_347, %ne3A_350 : i1
      %sub3A_352 = arith.constant 1 : i32
      %sub3A_353 = arith.subi %div3A_332, %sub3A_352 : i32
      %select_n3A_354 = arith.select %and3A_351, %sub3A_353, %div3A_332 : i32
      %mul3A_355 = arith.constant 128 : i32
      %mul3A_356 = arith.muli %select_n3A_354, %mul3A_355 : i32
      %sub3A_357 = arith.subi %add3A_330, %mul3A_356 : i32
      %jit3A_358 = arith.constant 8 : i32
      %div3A_359 = arith.divsi %select_n3A_354, %jit3A_358 : i32
      %sign3A_360 = arith.constant 0 : i32
      %sign3A_361 = arith.cmpi sgt, %select_n3A_354, %sign3A_360 : i32
      %sign3A_362 = arith.extui %sign3A_361 : i1 to i32
      %sign3A_363 = arith.constant 0 : i32
      %sign3A_364 = arith.cmpi slt, %select_n3A_354, %sign3A_363 : i32
      %sign3A_365 = arith.extui %sign3A_364 : i1 to i32
      %sign3A_366 = arith.subi %sign3A_362, %sign3A_365 : i32
      %sign3A_367 = arith.constant 0 : i32
      %sign3A_368 = arith.cmpi sgt, %jit3A_358, %sign3A_367 : i32
      %sign3A_369 = arith.extui %sign3A_368 : i1 to i32
      %sign3A_370 = arith.constant 0 : i32
      %sign3A_371 = arith.cmpi slt, %jit3A_358, %sign3A_370 : i32
      %sign3A_372 = arith.extui %sign3A_371 : i1 to i32
      %sign3A_373 = arith.subi %sign3A_369, %sign3A_372 : i32
      %ne3A_374 = arith.cmpi ne, %sign3A_366, %sign3A_373 : i32
      %rem3A_375 = arith.remsi %select_n3A_354, %jit3A_358 : i32
      %ne3A_376 = arith.constant 0 : i32
      %ne3A_377 = arith.cmpi ne, %rem3A_375, %ne3A_376 : i32
      %and3A_378 = arith.andi %ne3A_374, %ne3A_377 : i1
      %sub3A_379 = arith.constant 1 : i32
      %sub3A_380 = arith.subi %div3A_359, %sub3A_379 : i32
      %select_n3A_381 = arith.select %and3A_378, %sub3A_380, %div3A_359 : i32
      %jit3A_382 = arith.constant 8 : i32
      %eq3A_383 = arith.constant 0 : i32
      %eq3A_384 = arith.cmpi eq, %jit3A_382, %eq3A_383 : i32
      %jit3A_385 = arith.constant 1 : i32
      %select_n3A_386 = arith.select %eq3A_384, %jit3A_385, %jit3A_382 : i32
      %rem3A_387 = arith.remsi %select_n3A_354, %select_n3A_386 : i32
      %ne3A_388 = arith.constant 0 : i32
      %ne3A_389 = arith.cmpi ne, %rem3A_387, %ne3A_388 : i32
      %lt3A_390 = arith.constant 0 : i32
      %lt3A_391 = arith.cmpi slt, %rem3A_387, %lt3A_390 : i32
      %lt3A_392 = arith.constant 0 : i32
      %lt3A_393 = arith.cmpi slt, %select_n3A_386, %lt3A_392 : i32
      %ne3A_394 = arith.xori %lt3A_391, %lt3A_393 : i1
      %and3A_395 = arith.andi %ne3A_394, %ne3A_389 : i1
      %add3A_396 = arith.addi %rem3A_387, %select_n3A_386 : i32
      %select_n3A_397 = arith.select %and3A_395, %add3A_396, %rem3A_387 : i32
      %mul3A_398 = arith.constant 128 : i32
      %mul3A_399 = arith.muli %select_n3A_397, %mul3A_398 : i32
      %add3A_400 = arith.addi %mul3A_399, %sub3A_357 : i32
      %get3A_401 = arith.index_cast %select_n3A_381 : i32 to index
      %get3A_402 = arith.index_cast %add3A_400 : i32 to index
      %get3A_403 = tpu.vector_load %arg5[%get3A_401, %get3A_402] {strides = array<i32>} : memref<25x1024xi32, #tpu.memory_space<vmem>>, vector<16xi32>,
      %shift_right_logical3A_404 = arith.constant 3 : i32
      %shift_right_logical3A_405 = vector.broadcast %shift_right_logical3A_404 : i32 to vector<16xi32>
      %shift_right_logical3A_406 = arith.shrui %get3A_403, %shift_right_logical3A_405 : vector<16xi32>
      %shift_right_logical3A_407 = arith.constant 7 : i32
      %shift_right_logical3A_408 = vector.broadcast %shift_right_logical3A_407 : i32 to vector<16xi32>
      %shift_right_logical3A_409 = arith.shrui %get3A_403, %shift_right_logical3A_408 : vector<16xi32>
      %shift_left3A_410 = arith.constant 4 : i32
      %shift_left3A_411 = vector.broadcast %shift_left3A_410 : i32 to vector<16xi32>
      %shift_left3A_412 = arith.shli %shift_right_logical3A_409, %shift_left3A_411 : vector<16xi32>
      %add3A_413 = arith.addi %shift_right_logical3A_406, %shift_left3A_412 : vector<16xi32>
      %swap3A_414 = arith.index_cast %add3A_328 : i32 to index
      %swap3A_415 = tpu.vector_load %arg7[%swap3A_414] {strides = array<i32>} : memref<640xi32, #tpu.memory_space<vmem>>, vector<16xi32>,
      tpu.vector_store %arg7[%swap3A_414], %add3A_413 {strides = array<i32>} : memref<640xi32, #tpu.memory_space<vmem>>, vector<16xi32>,
      %add3A_416 = arith.constant 16 : i32
      %add3A_417 = vector.broadcast %add3A_416 : i32 to vector<16xi32>
      %add3A_418 = arith.addi %add3A_413, %add3A_417 : vector<16xi32>
      %swap3A_419 = arith.index_cast %add3A_328 : i32 to index
      %swap3A_420 = tpu.vector_load %arg11[%swap3A_419] {strides = array<i32>} : memref<640xi32, #tpu.memory_space<vmem>>, vector<16xi32>,
      tpu.vector_store %arg11[%swap3A_419], %add3A_418 {strides = array<i32>} : memref<640xi32, #tpu.memory_space<vmem>>, vector<16xi32>,
      %and3A_421 = arith.constant 7 : i32
      %and3A_422 = vector.broadcast %and3A_421 : i32 to vector<16xi32>
      %and3A_423 = arith.andi %get3A_403, %and3A_422 : vector<16xi32>
      %swap3A_424 = arith.index_cast %add3A_328 : i32 to index
      %swap3A_425 = tpu.vector_load %arg15[%swap3A_424] {strides = array<i32>} : memref<640xi32, #tpu.memory_space<vmem>>, vector<16xi32>,
      tpu.vector_store %arg15[%swap3A_424], %and3A_423 {strides = array<i32>} : memref<640xi32, #tpu.memory_space<vmem>>, vector<16xi32>,
    }
    %scan3A_5 = arith.constant 10 : i32
    %dma_start3A = arith.constant 0 : i32
    %dma_start3A_6 = arith.constant 0 : i32
    %dma_start3A_7 = tpu.memref_slice %arg3[%dma_start3A, %dma_start3A_6] : memref<250112x8xf32, #tpu.memory_space<hbm>> -> memref<250112x8xf32, #tpu.memory_space<hbm>>
    tpu.enqueue_indirect_dma source(%dma_start3A_7 : memref<250112x8xf32, #tpu.memory_space<hbm>>) target(%arg19 : memref<640x8xf32, #tpu.memory_space<vmem>>) offsets(%arg7 : memref<640xi32, #tpu.memory_space<vmem>>) semaphore(%arg27 : memref<!tpu.dma_semaphore, #tpu.memory_space<semaphore_mem>>)
    %dma_start3A_8 = arith.constant 0 : i32
    %dma_start3A_9 = arith.constant 0 : i32
    %dma_start3A_10 = tpu.memref_slice %arg3[%dma_start3A_8, %dma_start3A_9] : memref<250112x8xf32, #tpu.memory_space<hbm>> -> memref<250112x8xf32, #tpu.memory_space<hbm>>
    tpu.enqueue_indirect_dma source(%dma_start3A_10 : memref<250112x8xf32, #tpu.memory_space<hbm>>) target(%arg23 : memref<640x8xf32, #tpu.memory_space<vmem>>) offsets(%arg11 : memref<640xi32, #tpu.memory_space<vmem>>) semaphore(%arg31 : memref<!tpu.dma_semaphore, #tpu.memory_space<semaphore_mem>>)
    %scan3A_11 = arith.constant 0 : i32
    %scan3A_12 = arith.constant 0 : i32
    %scan3A_13 = arith.constant 10 : i32
    %scan3A_14 = arith.addi %scan3A_12, %scan3A_13 : i32
    %scan3A_15 = arith.constant 1 : i32
    scf.for %scan3A_41 = %scan3A_12 to %scan3A_14 step %scan3A_15  : i32 {
      %mul3A_42 = arith.constant 64 : i32
      %mul3A_43 = arith.muli %scan3A_41, %mul3A_42 : i32
      %add3A_44 = arith.constant 0 : i32
      %add3A_45 = arith.addi %mul3A_43, %add3A_44 : i32
      %add3A_46 = arith.constant 640 : i32
      %add3A_47 = arith.addi %add3A_46, %add3A_45 : i32
      %jit3A = arith.constant 128 : i32
      %div3A = arith.divsi %add3A_47, %jit3A : i32
      %sign3A = arith.constant 0 : i32
      %sign3A_48 = arith.cmpi sgt, %add3A_47, %sign3A : i32
      %sign3A_49 = arith.extui %sign3A_48 : i1 to i32
      %sign3A_50 = arith.constant 0 : i32
      %sign3A_51 = arith.cmpi slt, %add3A_47, %sign3A_50 : i32
      %sign3A_52 = arith.extui %sign3A_51 : i1 to i32
      %sign3A_53 = arith.subi %sign3A_49, %sign3A_52 : i32
      %sign3A_54 = arith.constant 0 : i32
      %sign3A_55 = arith.cmpi sgt, %jit3A, %sign3A_54 : i32
      %sign3A_56 = arith.extui %sign3A_55 : i1 to i32
      %sign3A_57 = arith.constant 0 : i32
      %sign3A_58 = arith.cmpi slt, %jit3A, %sign3A_57 : i32
      %sign3A_59 = arith.extui %sign3A_58 : i1 to i32
      %sign3A_60 = arith.subi %sign3A_56, %sign3A_59 : i32
      %ne3A = arith.cmpi ne, %sign3A_53, %sign3A_60 : i32
      %rem3A = arith.remsi %add3A_47, %jit3A : i32
      %ne3A_61 = arith.constant 0 : i32
      %ne3A_62 = arith.cmpi ne, %rem3A, %ne3A_61 : i32
      %and3A = arith.andi %ne3A, %ne3A_62 : i1
      %sub3A = arith.constant 1 : i32
      %sub3A_63 = arith.subi %div3A, %sub3A : i32
      %select_n3A = arith.select %and3A, %sub3A_63, %div3A : i32
      %mul3A_64 = arith.constant 128 : i32
      %mul3A_65 = arith.muli %select_n3A, %mul3A_64 : i32
      %sub3A_66 = arith.subi %add3A_47, %mul3A_65 : i32
      %jit3A_67 = arith.constant 8 : i32
      %div3A_68 = arith.divsi %select_n3A, %jit3A_67 : i32
      %sign3A_69 = arith.constant 0 : i32
      %sign3A_70 = arith.cmpi sgt, %select_n3A, %sign3A_69 : i32
      %sign3A_71 = arith.extui %sign3A_70 : i1 to i32
      %sign3A_72 = arith.constant 0 : i32
      %sign3A_73 = arith.cmpi slt, %select_n3A, %sign3A_72 : i32
      %sign3A_74 = arith.extui %sign3A_73 : i1 to i32
      %sign3A_75 = arith.subi %sign3A_71, %sign3A_74 : i32
      %sign3A_76 = arith.constant 0 : i32
      %sign3A_77 = arith.cmpi sgt, %jit3A_67, %sign3A_76 : i32
      %sign3A_78 = arith.extui %sign3A_77 : i1 to i32
      %sign3A_79 = arith.constant 0 : i32
      %sign3A_80 = arith.cmpi slt, %jit3A_67, %sign3A_79 : i32
      %sign3A_81 = arith.extui %sign3A_80 : i1 to i32
      %sign3A_82 = arith.subi %sign3A_78, %sign3A_81 : i32
      %ne3A_83 = arith.cmpi ne, %sign3A_75, %sign3A_82 : i32
      %rem3A_84 = arith.remsi %select_n3A, %jit3A_67 : i32
      %ne3A_85 = arith.constant 0 : i32
      %ne3A_86 = arith.cmpi ne, %rem3A_84, %ne3A_85 : i32
      %and3A_87 = arith.andi %ne3A_83, %ne3A_86 : i1
      %sub3A_88 = arith.constant 1 : i32
      %sub3A_89 = arith.subi %div3A_68, %sub3A_88 : i32
      %select_n3A_90 = arith.select %and3A_87, %sub3A_89, %div3A_68 : i32
      %jit3A_91 = arith.constant 8 : i32
      %eq3A = arith.constant 0 : i32
      %eq3A_92 = arith.cmpi eq, %jit3A_91, %eq3A : i32
      %jit3A_93 = arith.constant 1 : i32
      %select_n3A_94 = arith.select %eq3A_92, %jit3A_93, %jit3A_91 : i32
      %rem3A_95 = arith.remsi %select_n3A, %select_n3A_94 : i32
      %ne3A_96 = arith.constant 0 : i32
      %ne3A_97 = arith.cmpi ne, %rem3A_95, %ne3A_96 : i32
      %lt3A = arith.constant 0 : i32
      %lt3A_98 = arith.cmpi slt, %rem3A_95, %lt3A : i32
      %lt3A_99 = arith.constant 0 : i32
      %lt3A_100 = arith.cmpi slt, %select_n3A_94, %lt3A_99 : i32
      %ne3A_101 = arith.xori %lt3A_98, %lt3A_100 : i1
      %and3A_102 = arith.andi %ne3A_101, %ne3A_97 : i1
      %add3A_103 = arith.addi %rem3A_95, %select_n3A_94 : i32
      %select_n3A_104 = arith.select %and3A_102, %add3A_103, %rem3A_95 : i32
      %mul3A_105 = arith.constant 128 : i32
      %mul3A_106 = arith.muli %select_n3A_104, %mul3A_105 : i32
      %add3A_107 = arith.addi %mul3A_106, %sub3A_66 : i32
      %get3A = arith.index_cast %select_n3A_90 : i32 to index
      %get3A_108 = arith.index_cast %add3A_107 : i32 to index
      %get3A_109 = tpu.vector_load %arg5[%get3A, %get3A_108] {strides = array<i32>} : memref<25x1024xi32, #tpu.memory_space<vmem>>, vector<16xi32>,
      %shift_right_logical3A = arith.constant 3 : i32
      %shift_right_logical3A_110 = vector.broadcast %shift_right_logical3A : i32 to vector<16xi32>
      %shift_right_logical3A_111 = arith.shrui %get3A_109, %shift_right_logical3A_110 : vector<16xi32>
      %shift_right_logical3A_112 = arith.constant 7 : i32
      %shift_right_logical3A_113 = vector.broadcast %shift_right_logical3A_112 : i32 to vector<16xi32>
      %shift_right_logical3A_114 = arith.shrui %get3A_109, %shift_right_logical3A_113 : vector<16xi32>
      %shift_left3A = arith.constant 4 : i32
      %shift_left3A_115 = vector.broadcast %shift_left3A : i32 to vector<16xi32>
      %shift_left3A_116 = arith.shli %shift_right_logical3A_114, %shift_left3A_115 : vector<16xi32>
      %add3A_117 = arith.addi %shift_right_logical3A_111, %shift_left3A_116 : vector<16xi32>
      %swap3A = arith.index_cast %add3A_45 : i32 to index
      %swap3A_118 = tpu.vector_load %arg8[%swap3A] {strides = array<i32>} : memref<640xi32, #tpu.memory_space<vmem>>, vector<16xi32>,
      tpu.vector_store %arg8[%swap3A], %add3A_117 {strides = array<i32>} : memref<640xi32, #tpu.memory_space<vmem>>, vector<16xi32>,
      %add3A_119 = arith.constant 16 : i32
      %add3A_120 = vector.broadcast %add3A_119 : i32 to vector<16xi32>
      %add3A_121 = arith.addi %add3A_117, %add3A_120 : vector<16xi32>
      %swap3A_122 = arith.index_cast %add3A_45 : i32 to index
      %swap3A_123 = tpu.vector_load %arg12[%swap3A_122] {strides = array<i32>} : memref<640xi32, #tpu.memory_space<vmem>>, vector<16xi32>,
      tpu.vector_store %arg12[%swap3A_122], %add3A_121 {strides = array<i32>} : memref<640xi32, #tpu.memory_space<vmem>>, vector<16xi32>,
      %and3A_124 = arith.constant 7 : i32
      %and3A_125 = vector.broadcast %and3A_124 : i32 to vector<16xi32>
      %and3A_126 = arith.andi %get3A_109, %and3A_125 : vector<16xi32>
      %swap3A_127 = arith.index_cast %add3A_45 : i32 to index
      %swap3A_128 = tpu.vector_load %arg16[%swap3A_127] {strides = array<i32>} : memref<640xi32, #tpu.memory_space<vmem>>, vector<16xi32>,
      tpu.vector_store %arg16[%swap3A_127], %and3A_126 {strides = array<i32>} : memref<640xi32, #tpu.memory_space<vmem>>, vector<16xi32>,
      %add3A_129 = arith.constant 16 : i32
      %add3A_130 = arith.addi %mul3A_43, %add3A_129 : i32
      %add3A_131 = arith.constant 640 : i32
      %add3A_132 = arith.addi %add3A_131, %add3A_130 : i32
      %jit3A_133 = arith.constant 128 : i32
      %div3A_134 = arith.divsi %add3A_132, %jit3A_133 : i32
      %sign3A_135 = arith.constant 0 : i32
      %sign3A_136 = arith.cmpi sgt, %add3A_132, %sign3A_135 : i32
      %sign3A_137 = arith.extui %sign3A_136 : i1 to i32
      %sign3A_138 = arith.constant 0 : i32
      %sign3A_139 = arith.cmpi slt, %add3A_132, %sign3A_138 : i32
      %sign3A_140 = arith.extui %sign3A_139 : i1 to i32
      %sign3A_141 = arith.subi %sign3A_137, %sign3A_140 : i32
      %sign3A_142 = arith.constant 0 : i32
      %sign3A_143 = arith.cmpi sgt, %jit3A_133, %sign3A_142 : i32
      %sign3A_144 = arith.extui %sign3A_143 : i1 to i32
      %sign3A_145 = arith.constant 0 : i32
      %sign3A_146 = arith.cmpi slt, %jit3A_133, %sign3A_145 : i32
      %sign3A_147 = arith.extui %sign3A_146 : i1 to i32
      %sign3A_148 = arith.subi %sign3A_144, %sign3A_147 : i32
      %ne3A_149 = arith.cmpi ne, %sign3A_141, %sign3A_148 : i32
      %rem3A_150 = arith.remsi %add3A_132, %jit3A_133 : i32
      %ne3A_151 = arith.constant 0 : i32
      %ne3A_152 = arith.cmpi ne, %rem3A_150, %ne3A_151 : i32
      %and3A_153 = arith.andi %ne3A_149, %ne3A_152 : i1
      %sub3A_154 = arith.constant 1 : i32
      %sub3A_155 = arith.subi %div3A_134, %sub3A_154 : i32
      %select_n3A_156 = arith.select %and3A_153, %sub3A_155, %div3A_134 : i32
      %mul3A_157 = arith.constant 128 : i32
      %mul3A_158 = arith.muli %select_n3A_156, %mul3A_157 : i32
      %sub3A_159 = arith.subi %add3A_132, %mul3A_158 : i32
      %jit3A_160 = arith.constant 8 : i32
      %div3A_161 = arith.divsi %select_n3A_156, %jit3A_160 : i32
      %sign3A_162 = arith.constant 0 : i32
      %sign3A_163 = arith.cmpi sgt, %select_n3A_156, %sign3A_162 : i32
      %sign3A_164 = arith.extui %sign3A_163 : i1 to i32
      %sign3A_165 = arith.constant 0 : i32
      %sign3A_166 = arith.cmpi slt, %select_n3A_156, %sign3A_165 : i32
      %sign3A_167 = arith.extui %sign3A_166 : i1 to i32
      %sign3A_168 = arith.subi %sign3A_164, %sign3A_167 : i32
      %sign3A_169 = arith.constant 0 : i32
      %sign3A_170 = arith.cmpi sgt, %jit3A_160, %sign3A_169 : i32
      %sign3A_171 = arith.extui %sign3A_170 : i1 to i32
      %sign3A_172 = arith.constant 0 : i32
      %sign3A_173 = arith.cmpi slt, %jit3A_160, %sign3A_172 : i32
      %sign3A_174 = arith.extui %sign3A_173 : i1 to i32
      %sign3A_175 = arith.subi %sign3A_171, %sign3A_174 : i32
      %ne3A_176 = arith.cmpi ne, %sign3A_168, %sign3A_175 : i32
      %rem3A_177 = arith.remsi %select_n3A_156, %jit3A_160 : i32
      %ne3A_178 = arith.constant 0 : i32
      %ne3A_179 = arith.cmpi ne, %rem3A_177, %ne3A_178 : i32
      %and3A_180 = arith.andi %ne3A_176, %ne3A_179 : i1
      %sub3A_181 = arith.constant 1 : i32
      %sub3A_182 = arith.subi %div3A_161, %sub3A_181 : i32
      %select_n3A_183 = arith.select %and3A_180, %sub3A_182, %div3A_161 : i32
      %jit3A_184 = arith.constant 8 : i32
      %eq3A_185 = arith.constant 0 : i32
      %eq3A_186 = arith.cmpi eq, %jit3A_184, %eq3A_185 : i32
      %jit3A_187 = arith.constant 1 : i32
      %select_n3A_188 = arith.select %eq3A_186, %jit3A_187, %jit3A_184 : i32
      %rem3A_189 = arith.remsi %select_n3A_156, %select_n3A_188 : i32
      %ne3A_190 = arith.constant 0 : i32
      %ne3A_191 = arith.cmpi ne, %rem3A_189, %ne3A_190 : i32
      %lt3A_192 = arith.constant 0 : i32
      %lt3A_193 = arith.cmpi slt, %rem3A_189, %lt3A_192 : i32
      %lt3A_194 = arith.constant 0 : i32
      %lt3A_195 = arith.cmpi slt, %select_n3A_188, %lt3A_194 : i32
      %ne3A_196 = arith.xori %lt3A_193, %lt3A_195 : i1
      %and3A_197 = arith.andi %ne3A_196, %ne3A_191 : i1
      %add3A_198 = arith.addi %rem3A_189, %select_n3A_188 : i32
      %select_n3A_199 = arith.select %and3A_197, %add3A_198, %rem3A_189 : i32
      %mul3A_200 = arith.constant 128 : i32
      %mul3A_201 = arith.muli %select_n3A_199, %mul3A_200 : i32
      %add3A_202 = arith.addi %mul3A_201, %sub3A_159 : i32
      %get3A_203 = arith.index_cast %select_n3A_183 : i32 to index
      %get3A_204 = arith.index_cast %add3A_202 : i32 to index
      %get3A_205 = tpu.vector_load %arg5[%get3A_203, %get3A_204] {strides = array<i32>} : memref<25x1024xi32, #tpu.memory_space<vmem>>, vector<16xi32>,
      %shift_right_logical3A_206 = arith.constant 3 : i32
      %shift_right_logical3A_207 = vector.broadcast %shift_right_logical3A_206 : i32 to vector<16xi32>
      %shift_right_logical3A_208 = arith.shrui %get3A_205, %shift_right_logical3A_207 : vector<16xi32>
      %shift_right_logical3A_209 = arith.constant 7 : i32
      %shift_right_logical3A_210 = vector.broadcast %shift_right_logical3A_209 : i32 to vector<16xi32>
      %shift_right_logical3A_211 = arith.shrui %get3A_205, %shift_right_logical3A_210 : vector<16xi32>
      %shift_left3A_212 = arith.constant 4 : i32
      %shift_left3A_213 = vector.broadcast %shift_left3A_212 : i32 to vector<16xi32>
      %shift_left3A_214 = arith.shli %shift_right_logical3A_211, %shift_left3A_213 : vector<16xi32>
      %add3A_215 = arith.addi %shift_right_logical3A_208, %shift_left3A_214 : vector<16xi32>
      %swap3A_216 = arith.index_cast %add3A_130 : i32 to index
      %swap3A_217 = tpu.vector_load %arg8[%swap3A_216] {strides = array<i32>} : memref<640xi32, #tpu.memory_space<vmem>>, vector<16xi32>,
      tpu.vector_store %arg8[%swap3A_216], %add3A_215 {strides = array<i32>} : memref<640xi32, #tpu.memory_space<vmem>>, vector<16xi32>,
      %add3A_218 = arith.constant 16 : i32
      %add3A_219 = vector.broadcast %add3A_218 : i32 to vector<16xi32>
      %add3A_220 = arith.addi %add3A_215, %add3A_219 : vector<16xi32>
      %swap3A_221 = arith.index_cast %add3A_130 : i32 to index
      %swap3A_222 = tpu.vector_load %arg12[%swap3A_221] {strides = array<i32>} : memref<640xi32, #tpu.memory_space<vmem>>, vector<16xi32>,
      tpu.vector_store %arg12[%swap3A_221], %add3A_220 {strides = array<i32>} : memref<640xi32, #tpu.memory_space<vmem>>, vector<16xi32>,
      %and3A_223 = arith.constant 7 : i32
      %and3A_224 = vector.broadcast %and3A_223 : i32 to vector<16xi32>
      %and3A_225 = arith.andi %get3A_205, %and3A_224 : vector<16xi32>
      %swap3A_226 = arith.index_cast %add3A_130 : i32 to index
      %swap3A_227 = tpu.vector_load %arg16[%swap3A_226] {strides = array<i32>} : memref<640xi32, #tpu.memory_space<vmem>>, vector<16xi32>,
      tpu.vector_store %arg16[%swap3A_226], %and3A_225 {strides = array<i32>} : memref<640xi32, #tpu.memory_space<vmem>>, vector<16xi32>,
      %add3A_228 = arith.constant 32 : i32
      %add3A_229 = arith.addi %mul3A_43, %add3A_228 : i32
      %add3A_230 = arith.constant 640 : i32
      %add3A_231 = arith.addi %add3A_230, %add3A_229 : i32
      %jit3A_232 = arith.constant 128 : i32
      %div3A_233 = arith.divsi %add3A_231, %jit3A_232 : i32
      %sign3A_234 = arith.constant 0 : i32
      %sign3A_235 = arith.cmpi sgt, %add3A_231, %sign3A_234 : i32
      %sign3A_236 = arith.extui %sign3A_235 : i1 to i32
      %sign3A_237 = arith.constant 0 : i32
      %sign3A_238 = arith.cmpi slt, %add3A_231, %sign3A_237 : i32
      %sign3A_239 = arith.extui %sign3A_238 : i1 to i32
      %sign3A_240 = arith.subi %sign3A_236, %sign3A_239 : i32
      %sign3A_241 = arith.constant 0 : i32
      %sign3A_242 = arith.cmpi sgt, %jit3A_232, %sign3A_241 : i32
      %sign3A_243 = arith.extui %sign3A_242 : i1 to i32
      %sign3A_244 = arith.constant 0 : i32
      %sign3A_245 = arith.cmpi slt, %jit3A_232, %sign3A_244 : i32
      %sign3A_246 = arith.extui %sign3A_245 : i1 to i32
      %sign3A_247 = arith.subi %sign3A_243, %sign3A_246 : i32
      %ne3A_248 = arith.cmpi ne, %sign3A_240, %sign3A_247 : i32
      %rem3A_249 = arith.remsi %add3A_231, %jit3A_232 : i32
      %ne3A_250 = arith.constant 0 : i32
      %ne3A_251 = arith.cmpi ne, %rem3A_249, %ne3A_250 : i32
      %and3A_252 = arith.andi %ne3A_248, %ne3A_251 : i1
      %sub3A_253 = arith.constant 1 : i32
      %sub3A_254 = arith.subi %div3A_233, %sub3A_253 : i32
      %select_n3A_255 = arith.select %and3A_252, %sub3A_254, %div3A_233 : i32
      %mul3A_256 = arith.constant 128 : i32
      %mul3A_257 = arith.muli %select_n3A_255, %mul3A_256 : i32
      %sub3A_258 = arith.subi %add3A_231, %mul3A_257 : i32
      %jit3A_259 = arith.constant 8 : i32
      %div3A_260 = arith.divsi %select_n3A_255, %jit3A_259 : i32
      %sign3A_261 = arith.constant 0 : i32
      %sign3A_262 = arith.cmpi sgt, %select_n3A_255, %sign3A_261 : i32
      %sign3A_263 = arith.extui %sign3A_262 : i1 to i32
      %sign3A_264 = arith.constant 0 : i32
      %sign3A_265 = arith.cmpi slt, %select_n3A_255, %sign3A_264 : i32
      %sign3A_266 = arith.extui %sign3A_265 : i1 to i32
      %sign3A_267 = arith.subi %sign3A_263, %sign3A_266 : i32
      %sign3A_268 = arith.constant 0 : i32
      %sign3A_269 = arith.cmpi sgt, %jit3A_259, %sign3A_268 : i32
      %sign3A_270 = arith.extui %sign3A_269 : i1 to i32
      %sign3A_271 = arith.constant 0 : i32
      %sign3A_272 = arith.cmpi slt, %jit3A_259, %sign3A_271 : i32
      %sign3A_273 = arith.extui %sign3A_272 : i1 to i32
      %sign3A_274 = arith.subi %sign3A_270, %sign3A_273 : i32
      %ne3A_275 = arith.cmpi ne, %sign3A_267, %sign3A_274 : i32
      %rem3A_276 = arith.remsi %select_n3A_255, %jit3A_259 : i32
      %ne3A_277 = arith.constant 0 : i32
      %ne3A_278 = arith.cmpi ne, %rem3A_276, %ne3A_277 : i32
      %and3A_279 = arith.andi %ne3A_275, %ne3A_278 : i1
      %sub3A_280 = arith.constant 1 : i32
      %sub3A_281 = arith.subi %div3A_260, %sub3A_280 : i32
      %select_n3A_282 = arith.select %and3A_279, %sub3A_281, %div3A_260 : i32
      %jit3A_283 = arith.constant 8 : i32
      %eq3A_284 = arith.constant 0 : i32
      %eq3A_285 = arith.cmpi eq, %jit3A_283, %eq3A_284 : i32
      %jit3A_286 = arith.constant 1 : i32
      %select_n3A_287 = arith.select %eq3A_285, %jit3A_286, %jit3A_283 : i32
      %rem3A_288 = arith.remsi %select_n3A_255, %select_n3A_287 : i32
      %ne3A_289 = arith.constant 0 : i32
      %ne3A_290 = arith.cmpi ne, %rem3A_288, %ne3A_289 : i32
      %lt3A_291 = arith.constant 0 : i32
      %lt3A_292 = arith.cmpi slt, %rem3A_288, %lt3A_291 : i32
      %lt3A_293 = arith.constant 0 : i32
      %lt3A_294 = arith.cmpi slt, %select_n3A_287, %lt3A_293 : i32
      %ne3A_295 = arith.xori %lt3A_292, %lt3A_294 : i1
      %and3A_296 = arith.andi %ne3A_295, %ne3A_290 : i1
      %add3A_297 = arith.addi %rem3A_288, %select_n3A_287 : i32
      %select_n3A_298 = arith.select %and3A_296, %add3A_297, %rem3A_288 : i32
      %mul3A_299 = arith.constant 128 : i32
      %mul3A_300 = arith.muli %select_n3A_298, %mul3A_299 : i32
      %add3A_301 = arith.addi %mul3A_300, %sub3A_258 : i32
      %get3A_302 = arith.index_cast %select_n3A_282 : i32 to index
      %get3A_303 = arith.index_cast %add3A_301 : i32 to index
      %get3A_304 = tpu.vector_load %arg5[%get3A_302, %get3A_303] {strides = array<i32>} : memref<25x1024xi32, #tpu.memory_space<vmem>>, vector<16xi32>,
      %shift_right_logical3A_305 = arith.constant 3 : i32
      %shift_right_logical3A_306 = vector.broadcast %shift_right_logical3A_305 : i32 to vector<16xi32>
      %shift_right_logical3A_307 = arith.shrui %get3A_304, %shift_right_logical3A_306 : vector<16xi32>
      %shift_right_logical3A_308 = arith.constant 7 : i32
      %shift_right_logical3A_309 = vector.broadcast %shift_right_logical3A_308 : i32 to vector<16xi32>
      %shift_right_logical3A_310 = arith.shrui %get3A_304, %shift_right_logical3A_309 : vector<16xi32>
      %shift_left3A_311 = arith.constant 4 : i32
      %shift_left3A_312 = vector.broadcast %shift_left3A_311 : i32 to vector<16xi32>
      %shift_left3A_313 = arith.shli %shift_right_logical3A_310, %shift_left3A_312 : vector<16xi32>
      %add3A_314 = arith.addi %shift_right_logical3A_307, %shift_left3A_313 : vector<16xi32>
      %swap3A_315 = arith.index_cast %add3A_229 : i32 to index
      %swap3A_316 = tpu.vector_load %arg8[%swap3A_315] {strides = array<i32>} : memref<640xi32, #tpu.memory_space<vmem>>, vector<16xi32>,
      tpu.vector_store %arg8[%swap3A_315], %add3A_314 {strides = array<i32>} : memref<640xi32, #tpu.memory_space<vmem>>, vector<16xi32>,
      %add3A_317 = arith.constant 16 : i32
      %add3A_318 = vector.broadcast %add3A_317 : i32 to vector<16xi32>
      %add3A_319 = arith.addi %add3A_314, %add3A_318 : vector<16xi32>
      %swap3A_320 = arith.index_cast %add3A_229 : i32 to index
      %swap3A_321 = tpu.vector_load %arg12[%swap3A_320] {strides = array<i32>} : memref<640xi32, #tpu.memory_space<vmem>>, vector<16xi32>,
      tpu.vector_store %arg12[%swap3A_320], %add3A_319 {strides = array<i32>} : memref<640xi32, #tpu.memory_space<vmem>>, vector<16xi32>,
      %and3A_322 = arith.constant 7 : i32
      %and3A_323 = vector.broadcast %and3A_322 : i32 to vector<16xi32>
      %and3A_324 = arith.andi %get3A_304, %and3A_323 : vector<16xi32>
      %swap3A_325 = arith.index_cast %add3A_229 : i32 to index
      %swap3A_326 = tpu.vector_load %arg16[%swap3A_325] {strides = array<i32>} : memref<640xi32, #tpu.memory_space<vmem>>, vector<16xi32>,
      tpu.vector_store %arg16[%swap3A_325], %and3A_324 {strides = array<i32>} : memref<640xi32, #tpu.memory_space<vmem>>, vector<16xi32>,
      %add3A_327 = arith.constant 48 : i32
      %add3A_328 = arith.addi %mul3A_43, %add3A_327 : i32
      %add3A_329 = arith.constant 640 : i32
      %add3A_330 = arith.addi %add3A_329, %add3A_328 : i32
      %jit3A_331 = arith.constant 128 : i32
      %div3A_332 = arith.divsi %add3A_330, %jit3A_331 : i32
      %sign3A_333 = arith.constant 0 : i32
      %sign3A_334 = arith.cmpi sgt, %add3A_330, %sign3A_333 : i32
      %sign3A_335 = arith.extui %sign3A_334 : i1 to i32
      %sign3A_336 = arith.constant 0 : i32
      %sign3A_337 = arith.cmpi slt, %add3A_330, %sign3A_336 : i32
      %sign3A_338 = arith.extui %sign3A_337 : i1 to i32
      %sign3A_339 = arith.subi %sign3A_335, %sign3A_338 : i32
      %sign3A_340 = arith.constant 0 : i32
      %sign3A_341 = arith.cmpi sgt, %jit3A_331, %sign3A_340 : i32
      %sign3A_342 = arith.extui %sign3A_341 : i1 to i32
      %sign3A_343 = arith.constant 0 : i32
      %sign3A_344 = arith.cmpi slt, %jit3A_331, %sign3A_343 : i32
      %sign3A_345 = arith.extui %sign3A_344 : i1 to i32
      %sign3A_346 = arith.subi %sign3A_342, %sign3A_345 : i32
      %ne3A_347 = arith.cmpi ne, %sign3A_339, %sign3A_346 : i32
      %rem3A_348 = arith.remsi %add3A_330, %jit3A_331 : i32
      %ne3A_349 = arith.constant 0 : i32
      %ne3A_350 = arith.cmpi ne, %rem3A_348, %ne3A_349 : i32
      %and3A_351 = arith.andi %ne3A_347, %ne3A_350 : i1
      %sub3A_352 = arith.constant 1 : i32
      %sub3A_353 = arith.subi %div3A_332, %sub3A_352 : i32
      %select_n3A_354 = arith.select %and3A_351, %sub3A_353, %div3A_332 : i32
      %mul3A_355 = arith.constant 128 : i32
      %mul3A_356 = arith.muli %select_n3A_354, %mul3A_355 : i32
      %sub3A_357 = arith.subi %add3A_330, %mul3A_356 : i32
      %jit3A_358 = arith.constant 8 : i32
      %div3A_359 = arith.divsi %select_n3A_354, %jit3A_358 : i32
      %sign3A_360 = arith.constant 0 : i32
      %sign3A_361 = arith.cmpi sgt, %select_n3A_354, %sign3A_360 : i32
      %sign3A_362 = arith.extui %sign3A_361 : i1 to i32
      %sign3A_363 = arith.constant 0 : i32
      %sign3A_364 = arith.cmpi slt, %select_n3A_354, %sign3A_363 : i32
      %sign3A_365 = arith.extui %sign3A_364 : i1 to i32
      %sign3A_366 = arith.subi %sign3A_362, %sign3A_365 : i32
      %sign3A_367 = arith.constant 0 : i32
      %sign3A_368 = arith.cmpi sgt, %jit3A_358, %sign3A_367 : i32
      %sign3A_369 = arith.extui %sign3A_368 : i1 to i32
      %sign3A_370 = arith.constant 0 : i32
      %sign3A_371 = arith.cmpi slt, %jit3A_358, %sign3A_370 : i32
      %sign3A_372 = arith.extui %sign3A_371 : i1 to i32
      %sign3A_373 = arith.subi %sign3A_369, %sign3A_372 : i32
      %ne3A_374 = arith.cmpi ne, %sign3A_366, %sign3A_373 : i32
      %rem3A_375 = arith.remsi %select_n3A_354, %jit3A_358 : i32
      %ne3A_376 = arith.constant 0 : i32
      %ne3A_377 = arith.cmpi ne, %rem3A_375, %ne3A_376 : i32
      %and3A_378 = arith.andi %ne3A_374, %ne3A_377 : i1
      %sub3A_379 = arith.constant 1 : i32
      %sub3A_380 = arith.subi %div3A_359, %sub3A_379 : i32
      %select_n3A_381 = arith.select %and3A_378, %sub3A_380, %div3A_359 : i32
      %jit3A_382 = arith.constant 8 : i32
      %eq3A_383 = arith.constant 0 : i32
      %eq3A_384 = arith.cmpi eq, %jit3A_382, %eq3A_383 : i32
      %jit3A_385 = arith.constant 1 : i32
      %select_n3A_386 = arith.select %eq3A_384, %jit3A_385, %jit3A_382 : i32
      %rem3A_387 = arith.remsi %select_n3A_354, %select_n3A_386 : i32
      %ne3A_388 = arith.constant 0 : i32
      %ne3A_389 = arith.cmpi ne, %rem3A_387, %ne3A_388 : i32
      %lt3A_390 = arith.constant 0 : i32
      %lt3A_391 = arith.cmpi slt, %rem3A_387, %lt3A_390 : i32
      %lt3A_392 = arith.constant 0 : i32
      %lt3A_393 = arith.cmpi slt, %select_n3A_386, %lt3A_392 : i32
      %ne3A_394 = arith.xori %lt3A_391, %lt3A_393 : i1
      %and3A_395 = arith.andi %ne3A_394, %ne3A_389 : i1
      %add3A_396 = arith.addi %rem3A_387, %select_n3A_386 : i32
      %select_n3A_397 = arith.select %and3A_395, %add3A_396, %rem3A_387 : i32
      %mul3A_398 = arith.constant 128 : i32
      %mul3A_399 = arith.muli %select_n3A_397, %mul3A_398 : i32
      %add3A_400 = arith.addi %mul3A_399, %sub3A_357 : i32
      %get3A_401 = arith.index_cast %select_n3A_381 : i32 to index
      %get3A_402 = arith.index_cast %add3A_400 : i32 to index
      %get3A_403 = tpu.vector_load %arg5[%get3A_401, %get3A_402] {strides = array<i32>} : memref<25x1024xi32, #tpu.memory_space<vmem>>, vector<16xi32>,
      %shift_right_logical3A_404 = arith.constant 3 : i32
      %shift_right_logical3A_405 = vector.broadcast %shift_right_logical3A_404 : i32 to vector<16xi32>
      %shift_right_logical3A_406 = arith.shrui %get3A_403, %shift_right_logical3A_405 : vector<16xi32>
      %shift_right_logical3A_407 = arith.constant 7 : i32
      %shift_right_logical3A_408 = vector.broadcast %shift_right_logical3A_407 : i32 to vector<16xi32>
      %shift_right_logical3A_409 = arith.shrui %get3A_403, %shift_right_logical3A_408 : vector<16xi32>
      %shift_left3A_410 = arith.constant 4 : i32
      %shift_left3A_411 = vector.broadcast %shift_left3A_410 : i32 to vector<16xi32>
      %shift_left3A_412 = arith.shli %shift_right_logical3A_409, %shift_left3A_411 : vector<16xi32>
      %add3A_413 = arith.addi %shift_right_logical3A_406, %shift_left3A_412 : vector<16xi32>
      %swap3A_414 = arith.index_cast %add3A_328 : i32 to index
      %swap3A_415 = tpu.vector_load %arg8[%swap3A_414] {strides = array<i32>} : memref<640xi32, #tpu.memory_space<vmem>>, vector<16xi32>,
      tpu.vector_store %arg8[%swap3A_414], %add3A_413 {strides = array<i32>} : memref<640xi32, #tpu.memory_space<vmem>>, vector<16xi32>,
      %add3A_416 = arith.constant 16 : i32
      %add3A_417 = vector.broadcast %add3A_416 : i32 to vector<16xi32>
      %add3A_418 = arith.addi %add3A_413, %add3A_417 : vector<16xi32>
      %swap3A_419 = arith.index_cast %add3A_328 : i32 to index
      %swap3A_420 = tpu.vector_load %arg12[%swap3A_419] {strides = array<i32>} : memref<640xi32, #tpu.memory_space<vmem>>, vector<16xi32>,
      tpu.vector_store %arg12[%swap3A_419], %add3A_418 {strides = array<i32>} : memref<640xi32, #tpu.memory_space<vmem>>, vector<16xi32>,
      %and3A_421 = arith.constant 7 : i32
      %and3A_422 = vector.broadcast %and3A_421 : i32 to vector<16xi32>
      %and3A_423 = arith.andi %get3A_403, %and3A_422 : vector<16xi32>
      %swap3A_424 = arith.index_cast %add3A_328 : i32 to index
      %swap3A_425 = tpu.vector_load %arg16[%swap3A_424] {strides = array<i32>} : memref<640xi32, #tpu.memory_space<vmem>>, vector<16xi32>,
      tpu.vector_store %arg16[%swap3A_424], %and3A_423 {strides = array<i32>} : memref<640xi32, #tpu.memory_space<vmem>>, vector<16xi32>,
    }
    %scan3A_16 = arith.constant 10 : i32
    %dma_start3A_17 = arith.constant 0 : i32
    %dma_start3A_18 = arith.constant 0 : i32
    %dma_start3A_19 = tpu.memref_slice %arg3[%dma_start3A_17, %dma_start3A_18] : memref<250112x8xf32, #tpu.memory_space<hbm>> -> memref<250112x8xf32, #tpu.memory_space<hbm>>
    tpu.enqueue_indirect_dma source(%dma_start3A_19 : memref<250112x8xf32, #tpu.memory_space<hbm>>) target(%arg20 : memref<640x8xf32, #tpu.memory_space<vmem>>) offsets(%arg8 : memref<640xi32, #tpu.memory_space<vmem>>) semaphore(%arg28 : memref<!tpu.dma_semaphore, #tpu.memory_space<semaphore_mem>>)
    %dma_start3A_20 = arith.constant 0 : i32
    %dma_start3A_21 = arith.constant 0 : i32
    %dma_start3A_22 = tpu.memref_slice %arg3[%dma_start3A_20, %dma_start3A_21] : memref<250112x8xf32, #tpu.memory_space<hbm>> -> memref<250112x8xf32, #tpu.memory_space<hbm>>
    tpu.enqueue_indirect_dma source(%dma_start3A_22 : memref<250112x8xf32, #tpu.memory_space<hbm>>) target(%arg24 : memref<640x8xf32, #tpu.memory_space<vmem>>) offsets(%arg12 : memref<640xi32, #tpu.memory_space<vmem>>) semaphore(%arg32 : memref<!tpu.dma_semaphore, #tpu.memory_space<semaphore_mem>>)
    %scan3A_23 = arith.constant 0 : i32
    %scan3A_24 = arith.constant 0 : i32
    %scan3A_25 = arith.constant 10 : i32
    %scan3A_26 = arith.addi %scan3A_24, %scan3A_25 : i32
    %scan3A_27 = arith.constant 1 : i32
    scf.for %scan3A_41 = %scan3A_24 to %scan3A_26 step %scan3A_27  : i32 {
      %mul3A_42 = arith.constant 64 : i32
      %mul3A_43 = arith.muli %scan3A_41, %mul3A_42 : i32
      %add3A_44 = arith.constant 0 : i32
      %add3A_45 = arith.addi %mul3A_43, %add3A_44 : i32
      %add3A_46 = arith.constant 1280 : i32
      %add3A_47 = arith.addi %add3A_46, %add3A_45 : i32
      %jit3A = arith.constant 128 : i32
      %div3A = arith.divsi %add3A_47, %jit3A : i32
      %sign3A = arith.constant 0 : i32
      %sign3A_48 = arith.cmpi sgt, %add3A_47, %sign3A : i32
      %sign3A_49 = arith.extui %sign3A_48 : i1 to i32
      %sign3A_50 = arith.constant 0 : i32
      %sign3A_51 = arith.cmpi slt, %add3A_47, %sign3A_50 : i32
      %sign3A_52 = arith.extui %sign3A_51 : i1 to i32
      %sign3A_53 = arith.subi %sign3A_49, %sign3A_52 : i32
      %sign3A_54 = arith.constant 0 : i32
      %sign3A_55 = arith.cmpi sgt, %jit3A, %sign3A_54 : i32
      %sign3A_56 = arith.extui %sign3A_55 : i1 to i32
      %sign3A_57 = arith.constant 0 : i32
      %sign3A_58 = arith.cmpi slt, %jit3A, %sign3A_57 : i32
      %sign3A_59 = arith.extui %sign3A_58 : i1 to i32
      %sign3A_60 = arith.subi %sign3A_56, %sign3A_59 : i32
      %ne3A = arith.cmpi ne, %sign3A_53, %sign3A_60 : i32
      %rem3A = arith.remsi %add3A_47, %jit3A : i32
      %ne3A_61 = arith.constant 0 : i32
      %ne3A_62 = arith.cmpi ne, %rem3A, %ne3A_61 : i32
      %and3A = arith.andi %ne3A, %ne3A_62 : i1
      %sub3A = arith.constant 1 : i32
      %sub3A_63 = arith.subi %div3A, %sub3A : i32
      %select_n3A = arith.select %and3A, %sub3A_63, %div3A : i32
      %mul3A_64 = arith.constant 128 : i32
      %mul3A_65 = arith.muli %select_n3A, %mul3A_64 : i32
      %sub3A_66 = arith.subi %add3A_47, %mul3A_65 : i32
      %jit3A_67 = arith.constant 8 : i32
      %div3A_68 = arith.divsi %select_n3A, %jit3A_67 : i32
      %sign3A_69 = arith.constant 0 : i32
      %sign3A_70 = arith.cmpi sgt, %select_n3A, %sign3A_69 : i32
      %sign3A_71 = arith.extui %sign3A_70 : i1 to i32
      %sign3A_72 = arith.constant 0 : i32
      %sign3A_73 = arith.cmpi slt, %select_n3A, %sign3A_72 : i32
      %sign3A_74 = arith.extui %sign3A_73 : i1 to i32
      %sign3A_75 = arith.subi %sign3A_71, %sign3A_74 : i32
      %sign3A_76 = arith.constant 0 : i32
      %sign3A_77 = arith.cmpi sgt, %jit3A_67, %sign3A_76 : i32
      %sign3A_78 = arith.extui %sign3A_77 : i1 to i32
      %sign3A_79 = arith.constant 0 : i32
      %sign3A_80 = arith.cmpi slt, %jit3A_67, %sign3A_79 : i32
      %sign3A_81 = arith.extui %sign3A_80 : i1 to i32
      %sign3A_82 = arith.subi %sign3A_78, %sign3A_81 : i32
      %ne3A_83 = arith.cmpi ne, %sign3A_75, %sign3A_82 : i32
      %rem3A_84 = arith.remsi %select_n3A, %jit3A_67 : i32
      %ne3A_85 = arith.constant 0 : i32
      %ne3A_86 = arith.cmpi ne, %rem3A_84, %ne3A_85 : i32
      %and3A_87 = arith.andi %ne3A_83, %ne3A_86 : i1
      %sub3A_88 = arith.constant 1 : i32
      %sub3A_89 = arith.subi %div3A_68, %sub3A_88 : i32
      %select_n3A_90 = arith.select %and3A_87, %sub3A_89, %div3A_68 : i32
      %jit3A_91 = arith.constant 8 : i32
      %eq3A = arith.constant 0 : i32
      %eq3A_92 = arith.cmpi eq, %jit3A_91, %eq3A : i32
      %jit3A_93 = arith.constant 1 : i32
      %select_n3A_94 = arith.select %eq3A_92, %jit3A_93, %jit3A_91 : i32
      %rem3A_95 = arith.remsi %select_n3A, %select_n3A_94 : i32
      %ne3A_96 = arith.constant 0 : i32
      %ne3A_97 = arith.cmpi ne, %rem3A_95, %ne3A_96 : i32
      %lt3A = arith.constant 0 : i32
      %lt3A_98 = arith.cmpi slt, %rem3A_95, %lt3A : i32
      %lt3A_99 = arith.constant 0 : i32
      %lt3A_100 = arith.cmpi slt, %select_n3A_94, %lt3A_99 : i32
      %ne3A_101 = arith.xori %lt3A_98, %lt3A_100 : i1
      %and3A_102 = arith.andi %ne3A_101, %ne3A_97 : i1
      %add3A_103 = arith.addi %rem3A_95, %select_n3A_94 : i32
      %select_n3A_104 = arith.select %and3A_102, %add3A_103, %rem3A_95 : i32
      %mul3A_105 = arith.constant 128 : i32
      %mul3A_106 = arith.muli %select_n3A_104, %mul3A_105 : i32
      %add3A_107 = arith.addi %mul3A_106, %sub3A_66 : i32
      %get3A = arith.index_cast %select_n3A_90 : i32 to index
      %get3A_108 = arith.index_cast %add3A_107 : i32 to index
      %get3A_109 = tpu.vector_load %arg5[%get3A, %get3A_108] {strides = array<i32>} : memref<25x1024xi32, #tpu.memory_space<vmem>>, vector<16xi32>,
      %shift_right_logical3A = arith.constant 3 : i32
      %shift_right_logical3A_110 = vector.broadcast %shift_right_logical3A : i32 to vector<16xi32>
      %shift_right_logical3A_111 = arith.shrui %get3A_109, %shift_right_logical3A_110 : vector<16xi32>
      %shift_right_logical3A_112 = arith.constant 7 : i32
      %shift_right_logical3A_113 = vector.broadcast %shift_right_logical3A_112 : i32 to vector<16xi32>
      %shift_right_logical3A_114 = arith.shrui %get3A_109, %shift_right_logical3A_113 : vector<16xi32>
      %shift_left3A = arith.constant 4 : i32
      %shift_left3A_115 = vector.broadcast %shift_left3A : i32 to vector<16xi32>
      %shift_left3A_116 = arith.shli %shift_right_logical3A_114, %shift_left3A_115 : vector<16xi32>
      %add3A_117 = arith.addi %shift_right_logical3A_111, %shift_left3A_116 : vector<16xi32>
      %swap3A = arith.index_cast %add3A_45 : i32 to index
      %swap3A_118 = tpu.vector_load %arg9[%swap3A] {strides = array<i32>} : memref<640xi32, #tpu.memory_space<vmem>>, vector<16xi32>,
      tpu.vector_store %arg9[%swap3A], %add3A_117 {strides = array<i32>} : memref<640xi32, #tpu.memory_space<vmem>>, vector<16xi32>,
      %add3A_119 = arith.constant 16 : i32
      %add3A_120 = vector.broadcast %add3A_119 : i32 to vector<16xi32>
      %add3A_121 = arith.addi %add3A_117, %add3A_120 : vector<16xi32>
      %swap3A_122 = arith.index_cast %add3A_45 : i32 to index
      %swap3A_123 = tpu.vector_load %arg13[%swap3A_122] {strides = array<i32>} : memref<640xi32, #tpu.memory_space<vmem>>, vector<16xi32>,
      tpu.vector_store %arg13[%swap3A_122], %add3A_121 {strides = array<i32>} : memref<640xi32, #tpu.memory_space<vmem>>, vector<16xi32>,
      %and3A_124 = arith.constant 7 : i32
      %and3A_125 = vector.broadcast %and3A_124 : i32 to vector<16xi32>
      %and3A_126 = arith.andi %get3A_109, %and3A_125 : vector<16xi32>
      %swap3A_127 = arith.index_cast %add3A_45 : i32 to index
      %swap3A_128 = tpu.vector_load %arg17[%swap3A_127] {strides = array<i32>} : memref<640xi32, #tpu.memory_space<vmem>>, vector<16xi32>,
      tpu.vector_store %arg17[%swap3A_127], %and3A_126 {strides = array<i32>} : memref<640xi32, #tpu.memory_space<vmem>>, vector<16xi32>,
      %add3A_129 = arith.constant 16 : i32
      %add3A_130 = arith.addi %mul3A_43, %add3A_129 : i32
      %add3A_131 = arith.constant 1280 : i32
      %add3A_132 = arith.addi %add3A_131, %add3A_130 : i32
      %jit3A_133 = arith.constant 128 : i32
      %div3A_134 = arith.divsi %add3A_132, %jit3A_133 : i32
      %sign3A_135 = arith.constant 0 : i32
      %sign3A_136 = arith.cmpi sgt, %add3A_132, %sign3A_135 : i32
      %sign3A_137 = arith.extui %sign3A_136 : i1 to i32
      %sign3A_138 = arith.constant 0 : i32
      %sign3A_139 = arith.cmpi slt, %add3A_132, %sign3A_138 : i32
      %sign3A_140 = arith.extui %sign3A_139 : i1 to i32
      %sign3A_141 = arith.subi %sign3A_137, %sign3A_140 : i32
      %sign3A_142 = arith.constant 0 : i32
      %sign3A_143 = arith.cmpi sgt, %jit3A_133, %sign3A_142 : i32
      %sign3A_144 = arith.extui %sign3A_143 : i1 to i32
      %sign3A_145 = arith.constant 0 : i32
      %sign3A_146 = arith.cmpi slt, %jit3A_133, %sign3A_145 : i32
      %sign3A_147 = arith.extui %sign3A_146 : i1 to i32
      %sign3A_148 = arith.subi %sign3A_144, %sign3A_147 : i32
      %ne3A_149 = arith.cmpi ne, %sign3A_141, %sign3A_148 : i32
      %rem3A_150 = arith.remsi %add3A_132, %jit3A_133 : i32
      %ne3A_151 = arith.constant 0 : i32
      %ne3A_152 = arith.cmpi ne, %rem3A_150, %ne3A_151 : i32
      %and3A_153 = arith.andi %ne3A_149, %ne3A_152 : i1
      %sub3A_154 = arith.constant 1 : i32
      %sub3A_155 = arith.subi %div3A_134, %sub3A_154 : i32
      %select_n3A_156 = arith.select %and3A_153, %sub3A_155, %div3A_134 : i32
      %mul3A_157 = arith.constant 128 : i32
      %mul3A_158 = arith.muli %select_n3A_156, %mul3A_157 : i32
      %sub3A_159 = arith.subi %add3A_132, %mul3A_158 : i32
      %jit3A_160 = arith.constant 8 : i32
      %div3A_161 = arith.divsi %select_n3A_156, %jit3A_160 : i32
      %sign3A_162 = arith.constant 0 : i32
      %sign3A_163 = arith.cmpi sgt, %select_n3A_156, %sign3A_162 : i32
      %sign3A_164 = arith.extui %sign3A_163 : i1 to i32
      %sign3A_165 = arith.constant 0 : i32
      %sign3A_166 = arith.cmpi slt, %select_n3A_156, %sign3A_165 : i32
      %sign3A_167 = arith.extui %sign3A_166 : i1 to i32
      %sign3A_168 = arith.subi %sign3A_164, %sign3A_167 : i32
      %sign3A_169 = arith.constant 0 : i32
      %sign3A_170 = arith.cmpi sgt, %jit3A_160, %sign3A_169 : i32
      %sign3A_171 = arith.extui %sign3A_170 : i1 to i32
      %sign3A_172 = arith.constant 0 : i32
      %sign3A_173 = arith.cmpi slt, %jit3A_160, %sign3A_172 : i32
      %sign3A_174 = arith.extui %sign3A_173 : i1 to i32
      %sign3A_175 = arith.subi %sign3A_171, %sign3A_174 : i32
      %ne3A_176 = arith.cmpi ne, %sign3A_168, %sign3A_175 : i32
      %rem3A_177 = arith.remsi %select_n3A_156, %jit3A_160 : i32
      %ne3A_178 = arith.constant 0 : i32
      %ne3A_179 = arith.cmpi ne, %rem3A_177, %ne3A_178 : i32
      %and3A_180 = arith.andi %ne3A_176, %ne3A_179 : i1
      %sub3A_181 = arith.constant 1 : i32
      %sub3A_182 = arith.subi %div3A_161, %sub3A_181 : i32
      %select_n3A_183 = arith.select %and3A_180, %sub3A_182, %div3A_161 : i32
      %jit3A_184 = arith.constant 8 : i32
      %eq3A_185 = arith.constant 0 : i32
      %eq3A_186 = arith.cmpi eq, %jit3A_184, %eq3A_185 : i32
      %jit3A_187 = arith.constant 1 : i32
      %select_n3A_188 = arith.select %eq3A_186, %jit3A_187, %jit3A_184 : i32
      %rem3A_189 = arith.remsi %select_n3A_156, %select_n3A_188 : i32
      %ne3A_190 = arith.constant 0 : i32
      %ne3A_191 = arith.cmpi ne, %rem3A_189, %ne3A_190 : i32
      %lt3A_192 = arith.constant 0 : i32
      %lt3A_193 = arith.cmpi slt, %rem3A_189, %lt3A_192 : i32
      %lt3A_194 = arith.constant 0 : i32
      %lt3A_195 = arith.cmpi slt, %select_n3A_188, %lt3A_194 : i32
      %ne3A_196 = arith.xori %lt3A_193, %lt3A_195 : i1
      %and3A_197 = arith.andi %ne3A_196, %ne3A_191 : i1
      %add3A_198 = arith.addi %rem3A_189, %select_n3A_188 : i32
      %select_n3A_199 = arith.select %and3A_197, %add3A_198, %rem3A_189 : i32
      %mul3A_200 = arith.constant 128 : i32
      %mul3A_201 = arith.muli %select_n3A_199, %mul3A_200 : i32
      %add3A_202 = arith.addi %mul3A_201, %sub3A_159 : i32
      %get3A_203 = arith.index_cast %select_n3A_183 : i32 to index
      %get3A_204 = arith.index_cast %add3A_202 : i32 to index
      %get3A_205 = tpu.vector_load %arg5[%get3A_203, %get3A_204] {strides = array<i32>} : memref<25x1024xi32, #tpu.memory_space<vmem>>, vector<16xi32>,
      %shift_right_logical3A_206 = arith.constant 3 : i32
      %shift_right_logical3A_207 = vector.broadcast %shift_right_logical3A_206 : i32 to vector<16xi32>
      %shift_right_logical3A_208 = arith.shrui %get3A_205, %shift_right_logical3A_207 : vector<16xi32>
      %shift_right_logical3A_209 = arith.constant 7 : i32
      %shift_right_logical3A_210 = vector.broadcast %shift_right_logical3A_209 : i32 to vector<16xi32>
      %shift_right_logical3A_211 = arith.shrui %get3A_205, %shift_right_logical3A_210 : vector<16xi32>
      %shift_left3A_212 = arith.constant 4 : i32
      %shift_left3A_213 = vector.broadcast %shift_left3A_212 : i32 to vector<16xi32>
      %shift_left3A_214 = arith.shli %shift_right_logical3A_211, %shift_left3A_213 : vector<16xi32>
      %add3A_215 = arith.addi %shift_right_logical3A_208, %shift_left3A_214 : vector<16xi32>
      %swap3A_216 = arith.index_cast %add3A_130 : i32 to index
      %swap3A_217 = tpu.vector_load %arg9[%swap3A_216] {strides = array<i32>} : memref<640xi32, #tpu.memory_space<vmem>>, vector<16xi32>,
      tpu.vector_store %arg9[%swap3A_216], %add3A_215 {strides = array<i32>} : memref<640xi32, #tpu.memory_space<vmem>>, vector<16xi32>,
      %add3A_218 = arith.constant 16 : i32
      %add3A_219 = vector.broadcast %add3A_218 : i32 to vector<16xi32>
      %add3A_220 = arith.addi %add3A_215, %add3A_219 : vector<16xi32>
      %swap3A_221 = arith.index_cast %add3A_130 : i32 to index
      %swap3A_222 = tpu.vector_load %arg13[%swap3A_221] {strides = array<i32>} : memref<640xi32, #tpu.memory_space<vmem>>, vector<16xi32>,
      tpu.vector_store %arg13[%swap3A_221], %add3A_220 {strides = array<i32>} : memref<640xi32, #tpu.memory_space<vmem>>, vector<16xi32>,
      %and3A_223 = arith.constant 7 : i32
      %and3A_224 = vector.broadcast %and3A_223 : i32 to vector<16xi32>
      %and3A_225 = arith.andi %get3A_205, %and3A_224 : vector<16xi32>
      %swap3A_226 = arith.index_cast %add3A_130 : i32 to index
      %swap3A_227 = tpu.vector_load %arg17[%swap3A_226] {strides = array<i32>} : memref<640xi32, #tpu.memory_space<vmem>>, vector<16xi32>,
      tpu.vector_store %arg17[%swap3A_226], %and3A_225 {strides = array<i32>} : memref<640xi32, #tpu.memory_space<vmem>>, vector<16xi32>,
      %add3A_228 = arith.constant 32 : i32
      %add3A_229 = arith.addi %mul3A_43, %add3A_228 : i32
      %add3A_230 = arith.constant 1280 : i32
      %add3A_231 = arith.addi %add3A_230, %add3A_229 : i32
      %jit3A_232 = arith.constant 128 : i32
      %div3A_233 = arith.divsi %add3A_231, %jit3A_232 : i32
      %sign3A_234 = arith.constant 0 : i32
      %sign3A_235 = arith.cmpi sgt, %add3A_231, %sign3A_234 : i32
      %sign3A_236 = arith.extui %sign3A_235 : i1 to i32
      %sign3A_237 = arith.constant 0 : i32
      %sign3A_238 = arith.cmpi slt, %add3A_231, %sign3A_237 : i32
      %sign3A_239 = arith.extui %sign3A_238 : i1 to i32
      %sign3A_240 = arith.subi %sign3A_236, %sign3A_239 : i32
      %sign3A_241 = arith.constant 0 : i32
      %sign3A_242 = arith.cmpi sgt, %jit3A_232, %sign3A_241 : i32
      %sign3A_243 = arith.extui %sign3A_242 : i1 to i32
      %sign3A_244 = arith.constant 0 : i32
      %sign3A_245 = arith.cmpi slt, %jit3A_232, %sign3A_244 : i32
      %sign3A_246 = arith.extui %sign3A_245 : i1 to i32
      %sign3A_247 = arith.subi %sign3A_243, %sign3A_246 : i32
      %ne3A_248 = arith.cmpi ne, %sign3A_240, %sign3A_247 : i32
      %rem3A_249 = arith.remsi %add3A_231, %jit3A_232 : i32
      %ne3A_250 = arith.constant 0 : i32
      %ne3A_251 = arith.cmpi ne, %rem3A_249, %ne3A_250 : i32
      %and3A_252 = arith.andi %ne3A_248, %ne3A_251 : i1
      %sub3A_253 = arith.constant 1 : i32
      %sub3A_254 = arith.subi %div3A_233, %sub3A_253 : i32
      %select_n3A_255 = arith.select %and3A_252, %sub3A_254, %div3A_233 : i32
      %mul3A_256 = arith.constant 128 : i32
      %mul3A_257 = arith.muli %select_n3A_255, %mul3A_256 : i32
      %sub3A_258 = arith.subi %add3A_231, %mul3A_257 : i32
      %jit3A_259 = arith.constant 8 : i32
      %div3A_260 = arith.divsi %select_n3A_255, %jit3A_259 : i32
      %sign3A_261 = arith.constant 0 : i32
      %sign3A_262 = arith.cmpi sgt, %select_n3A_255, %sign3A_261 : i32
      %sign3A_263 = arith.extui %sign3A_262 : i1 to i32
      %sign3A_264 = arith.constant 0 : i32
      %sign3A_265 = arith.cmpi slt, %select_n3A_255, %sign3A_264 : i32
      %sign3A_266 = arith.extui %sign3A_265 : i1 to i32
      %sign3A_267 = arith.subi %sign3A_263, %sign3A_266 : i32
      %sign3A_268 = arith.constant 0 : i32
      %sign3A_269 = arith.cmpi sgt, %jit3A_259, %sign3A_268 : i32
      %sign3A_270 = arith.extui %sign3A_269 : i1 to i32
      %sign3A_271 = arith.constant 0 : i32
      %sign3A_272 = arith.cmpi slt, %jit3A_259, %sign3A_271 : i32
      %sign3A_273 = arith.extui %sign3A_272 : i1 to i32
      %sign3A_274 = arith.subi %sign3A_270, %sign3A_273 : i32
      %ne3A_275 = arith.cmpi ne, %sign3A_267, %sign3A_274 : i32
      %rem3A_276 = arith.remsi %select_n3A_255, %jit3A_259 : i32
      %ne3A_277 = arith.constant 0 : i32
      %ne3A_278 = arith.cmpi ne, %rem3A_276, %ne3A_277 : i32
      %and3A_279 = arith.andi %ne3A_275, %ne3A_278 : i1
      %sub3A_280 = arith.constant 1 : i32
      %sub3A_281 = arith.subi %div3A_260, %sub3A_280 : i32
      %select_n3A_282 = arith.select %and3A_279, %sub3A_281, %div3A_260 : i32
      %jit3A_283 = arith.constant 8 : i32
      %eq3A_284 = arith.constant 0 : i32
      %eq3A_285 = arith.cmpi eq, %jit3A_283, %eq3A_284 : i32
      %jit3A_286 = arith.constant 1 : i32
      %select_n3A_287 = arith.select %eq3A_285, %jit3A_286, %jit3A_283 : i32
      %rem3A_288 = arith.remsi %select_n3A_255, %select_n3A_287 : i32
      %ne3A_289 = arith.constant 0 : i32
      %ne3A_290 = arith.cmpi ne, %rem3A_288, %ne3A_289 : i32
      %lt3A_291 = arith.constant 0 : i32
      %lt3A_292 = arith.cmpi slt, %rem3A_288, %lt3A_291 : i32
      %lt3A_293 = arith.constant 0 : i32
      %lt3A_294 = arith.cmpi slt, %select_n3A_287, %lt3A_293 : i32
      %ne3A_295 = arith.xori %lt3A_292, %lt3A_294 : i1
      %and3A_296 = arith.andi %ne3A_295, %ne3A_290 : i1
      %add3A_297 = arith.addi %rem3A_288, %select_n3A_287 : i32
      %select_n3A_298 = arith.select %and3A_296, %add3A_297, %rem3A_288 : i32
      %mul3A_299 = arith.constant 128 : i32
      %mul3A_300 = arith.muli %select_n3A_298, %mul3A_299 : i32
      %add3A_301 = arith.addi %mul3A_300, %sub3A_258 : i32
      %get3A_302 = arith.index_cast %select_n3A_282 : i32 to index
      %get3A_303 = arith.index_cast %add3A_301 : i32 to index
      %get3A_304 = tpu.vector_load %arg5[%get3A_302, %get3A_303] {strides = array<i32>} : memref<25x1024xi32, #tpu.memory_space<vmem>>, vector<16xi32>,
      %shift_right_logical3A_305 = arith.constant 3 : i32
      %shift_right_logical3A_306 = vector.broadcast %shift_right_logical3A_305 : i32 to vector<16xi32>
      %shift_right_logical3A_307 = arith.shrui %get3A_304, %shift_right_logical3A_306 : vector<16xi32>
      %shift_right_logical3A_308 = arith.constant 7 : i32
      %shift_right_logical3A_309 = vector.broadcast %shift_right_logical3A_308 : i32 to vector<16xi32>
      %shift_right_logical3A_310 = arith.shrui %get3A_304, %shift_right_logical3A_309 : vector<16xi32>
      %shift_left3A_311 = arith.constant 4 : i32
      %shift_left3A_312 = vector.broadcast %shift_left3A_311 : i32 to vector<16xi32>
      %shift_left3A_313 = arith.shli %shift_right_logical3A_310, %shift_left3A_312 : vector<16xi32>
      %add3A_314 = arith.addi %shift_right_logical3A_307, %shift_left3A_313 : vector<16xi32>
      %swap3A_315 = arith.index_cast %add3A_229 : i32 to index
      %swap3A_316 = tpu.vector_load %arg9[%swap3A_315] {strides = array<i32>} : memref<640xi32, #tpu.memory_space<vmem>>, vector<16xi32>,
      tpu.vector_store %arg9[%swap3A_315], %add3A_314 {strides = array<i32>} : memref<640xi32, #tpu.memory_space<vmem>>, vector<16xi32>,
      %add3A_317 = arith.constant 16 : i32
      %add3A_318 = vector.broadcast %add3A_317 : i32 to vector<16xi32>
      %add3A_319 = arith.addi %add3A_314, %add3A_318 : vector<16xi32>
      %swap3A_320 = arith.index_cast %add3A_229 : i32 to index
      %swap3A_321 = tpu.vector_load %arg13[%swap3A_320] {strides = array<i32>} : memref<640xi32, #tpu.memory_space<vmem>>, vector<16xi32>,
      tpu.vector_store %arg13[%swap3A_320], %add3A_319 {strides = array<i32>} : memref<640xi32, #tpu.memory_space<vmem>>, vector<16xi32>,
      %and3A_322 = arith.constant 7 : i32
      %and3A_323 = vector.broadcast %and3A_322 : i32 to vector<16xi32>
      %and3A_324 = arith.andi %get3A_304, %and3A_323 : vector<16xi32>
      %swap3A_325 = arith.index_cast %add3A_229 : i32 to index
      %swap3A_326 = tpu.vector_load %arg17[%swap3A_325] {strides = array<i32>} : memref<640xi32, #tpu.memory_space<vmem>>, vector<16xi32>,
      tpu.vector_store %arg17[%swap3A_325], %and3A_324 {strides = array<i32>} : memref<640xi32, #tpu.memory_space<vmem>>, vector<16xi32>,
      %add3A_327 = arith.constant 48 : i32
      %add3A_328 = arith.addi %mul3A_43, %add3A_327 : i32
      %add3A_329 = arith.constant 1280 : i32
      %add3A_330 = arith.addi %add3A_329, %add3A_328 : i32
      %jit3A_331 = arith.constant 128 : i32
      %div3A_332 = arith.divsi %add3A_330, %jit3A_331 : i32
      %sign3A_333 = arith.constant 0 : i32
      %sign3A_334 = arith.cmpi sgt, %add3A_330, %sign3A_333 : i32
      %sign3A_335 = arith.extui %sign3A_334 : i1 to i32
      %sign3A_336 = arith.constant 0 : i32
      %sign3A_337 = arith.cmpi slt, %add3A_330, %sign3A_336 : i32
      %sign3A_338 = arith.extui %sign3A_337 : i1 to i32
      %sign3A_339 = arith.subi %sign3A_335, %sign3A_338 : i32
      %sign3A_340 = arith.constant 0 : i32
      %sign3A_341 = arith.cmpi sgt, %jit3A_331, %sign3A_340 : i32
      %sign3A_342 = arith.extui %sign3A_341 : i1 to i32
      %sign3A_343 = arith.constant 0 : i32
      %sign3A_344 = arith.cmpi slt, %jit3A_331, %sign3A_343 : i32
      %sign3A_345 = arith.extui %sign3A_344 : i1 to i32
      %sign3A_346 = arith.subi %sign3A_342, %sign3A_345 : i32
      %ne3A_347 = arith.cmpi ne, %sign3A_339, %sign3A_346 : i32
      %rem3A_348 = arith.remsi %add3A_330, %jit3A_331 : i32
      %ne3A_349 = arith.constant 0 : i32
      %ne3A_350 = arith.cmpi ne, %rem3A_348, %ne3A_349 : i32
      %and3A_351 = arith.andi %ne3A_347, %ne3A_350 : i1
      %sub3A_352 = arith.constant 1 : i32
      %sub3A_353 = arith.subi %div3A_332, %sub3A_352 : i32
      %select_n3A_354 = arith.select %and3A_351, %sub3A_353, %div3A_332 : i32
      %mul3A_355 = arith.constant 128 : i32
      %mul3A_356 = arith.muli %select_n3A_354, %mul3A_355 : i32
      %sub3A_357 = arith.subi %add3A_330, %mul3A_356 : i32
      %jit3A_358 = arith.constant 8 : i32
      %div3A_359 = arith.divsi %select_n3A_354, %jit3A_358 : i32
      %sign3A_360 = arith.constant 0 : i32
      %sign3A_361 = arith.cmpi sgt, %select_n3A_354, %sign3A_360 : i32
      %sign3A_362 = arith.extui %sign3A_361 : i1 to i32
      %sign3A_363 = arith.constant 0 : i32
      %sign3A_364 = arith.cmpi slt, %select_n3A_354, %sign3A_363 : i32
      %sign3A_365 = arith.extui %sign3A_364 : i1 to i32
      %sign3A_366 = arith.subi %sign3A_362, %sign3A_365 : i32
      %sign3A_367 = arith.constant 0 : i32
      %sign3A_368 = arith.cmpi sgt, %jit3A_358, %sign3A_367 : i32
      %sign3A_369 = arith.extui %sign3A_368 : i1 to i32
      %sign3A_370 = arith.constant 0 : i32
      %sign3A_371 = arith.cmpi slt, %jit3A_358, %sign3A_370 : i32
      %sign3A_372 = arith.extui %sign3A_371 : i1 to i32
      %sign3A_373 = arith.subi %sign3A_369, %sign3A_372 : i32
      %ne3A_374 = arith.cmpi ne, %sign3A_366, %sign3A_373 : i32
      %rem3A_375 = arith.remsi %select_n3A_354, %jit3A_358 : i32
      %ne3A_376 = arith.constant 0 : i32
      %ne3A_377 = arith.cmpi ne, %rem3A_375, %ne3A_376 : i32
      %and3A_378 = arith.andi %ne3A_374, %ne3A_377 : i1
      %sub3A_379 = arith.constant 1 : i32
      %sub3A_380 = arith.subi %div3A_359, %sub3A_379 : i32
      %select_n3A_381 = arith.select %and3A_378, %sub3A_380, %div3A_359 : i32
      %jit3A_382 = arith.constant 8 : i32
      %eq3A_383 = arith.constant 0 : i32
      %eq3A_384 = arith.cmpi eq, %jit3A_382, %eq3A_383 : i32
      %jit3A_385 = arith.constant 1 : i32
      %select_n3A_386 = arith.select %eq3A_384, %jit3A_385, %jit3A_382 : i32
      %rem3A_387 = arith.remsi %select_n3A_354, %select_n3A_386 : i32
      %ne3A_388 = arith.constant 0 : i32
      %ne3A_389 = arith.cmpi ne, %rem3A_387, %ne3A_388 : i32
      %lt3A_390 = arith.constant 0 : i32
      %lt3A_391 = arith.cmpi slt, %rem3A_387, %lt3A_390 : i32
      %lt3A_392 = arith.constant 0 : i32
      %lt3A_393 = arith.cmpi slt, %select_n3A_386, %lt3A_392 : i32
      %ne3A_394 = arith.xori %lt3A_391, %lt3A_393 : i1
      %and3A_395 = arith.andi %ne3A_394, %ne3A_389 : i1
      %add3A_396 = arith.addi %rem3A_387, %select_n3A_386 : i32
      %select_n3A_397 = arith.select %and3A_395, %add3A_396, %rem3A_387 : i32
      %mul3A_398 = arith.constant 128 : i32
      %mul3A_399 = arith.muli %select_n3A_397, %mul3A_398 : i32
      %add3A_400 = arith.addi %mul3A_399, %sub3A_357 : i32
      %get3A_401 = arith.index_cast %select_n3A_381 : i32 to index
      %get3A_402 = arith.index_cast %add3A_400 : i32 to index
      %get3A_403 = tpu.vector_load %arg5[%get3A_401, %get3A_402] {strides = array<i32>} : memref<25x1024xi32, #tpu.memory_space<vmem>>, vector<16xi32>,
      %shift_right_logical3A_404 = arith.constant 3 : i32
      %shift_right_logical3A_405 = vector.broadcast %shift_right_logical3A_404 : i32 to vector<16xi32>
      %shift_right_logical3A_406 = arith.shrui %get3A_403, %shift_right_logical3A_405 : vector<16xi32>
      %shift_right_logical3A_407 = arith.constant 7 : i32
      %shift_right_logical3A_408 = vector.broadcast %shift_right_logical3A_407 : i32 to vector<16xi32>
      %shift_right_logical3A_409 = arith.shrui %get3A_403, %shift_right_logical3A_408 : vector<16xi32>
      %shift_left3A_410 = arith.constant 4 : i32
      %shift_left3A_411 = vector.broadcast %shift_left3A_410 : i32 to vector<16xi32>
      %shift_left3A_412 = arith.shli %shift_right_logical3A_409, %shift_left3A_411 : vector<16xi32>
      %add3A_413 = arith.addi %shift_right_logical3A_406, %shift_left3A_412 : vector<16xi32>
      %swap3A_414 = arith.index_cast %add3A_328 : i32 to index
      %swap3A_415 = tpu.vector_load %arg9[%swap3A_414] {strides = array<i32>} : memref<640xi32, #tpu.memory_space<vmem>>, vector<16xi32>,
      tpu.vector_store %arg9[%swap3A_414], %add3A_413 {strides = array<i32>} : memref<640xi32, #tpu.memory_space<vmem>>, vector<16xi32>,
      %add3A_416 = arith.constant 16 : i32
      %add3A_417 = vector.broadcast %add3A_416 : i32 to vector<16xi32>
      %add3A_418 = arith.addi %add3A_413, %add3A_417 : vector<16xi32>
      %swap3A_419 = arith.index_cast %add3A_328 : i32 to index
      %swap3A_420 = tpu.vector_load %arg13[%swap3A_419] {strides = array<i32>} : memref<640xi32, #tpu.memory_space<vmem>>, vector<16xi32>,
      tpu.vector_store %arg13[%swap3A_419], %add3A_418 {strides = array<i32>} : memref<640xi32, #tpu.memory_space<vmem>>, vector<16xi32>,
      %and3A_421 = arith.constant 7 : i32
      %and3A_422 = vector.broadcast %and3A_421 : i32 to vector<16xi32>
      %and3A_423 = arith.andi %get3A_403, %and3A_422 : vector<16xi32>
      %swap3A_424 = arith.index_cast %add3A_328 : i32 to index
      %swap3A_425 = tpu.vector_load %arg17[%swap3A_424] {strides = array<i32>} : memref<640xi32, #tpu.memory_space<vmem>>, vector<16xi32>,
      tpu.vector_store %arg17[%swap3A_424], %and3A_423 {strides = array<i32>} : memref<640xi32, #tpu.memory_space<vmem>>, vector<16xi32>,
    }
    %scan3A_28 = arith.constant 10 : i32
    %dma_start3A_29 = arith.constant 0 : i32
    %dma_start3A_30 = arith.constant 0 : i32
    %dma_start3A_31 = tpu.memref_slice %arg3[%dma_start3A_29, %dma_start3A_30] : memref<250112x8xf32, #tpu.memory_space<hbm>> -> memref<250112x8xf32, #tpu.memory_space<hbm>>
    tpu.enqueue_indirect_dma source(%dma_start3A_31 : memref<250112x8xf32, #tpu.memory_space<hbm>>) target(%arg21 : memref<640x8xf32, #tpu.memory_space<vmem>>) offsets(%arg9 : memref<640xi32, #tpu.memory_space<vmem>>) semaphore(%arg29 : memref<!tpu.dma_semaphore, #tpu.memory_space<semaphore_mem>>)
    %dma_start3A_32 = arith.constant 0 : i32
    %dma_start3A_33 = arith.constant 0 : i32
    %dma_start3A_34 = tpu.memref_slice %arg3[%dma_start3A_32, %dma_start3A_33] : memref<250112x8xf32, #tpu.memory_space<hbm>> -> memref<250112x8xf32, #tpu.memory_space<hbm>>
    tpu.enqueue_indirect_dma source(%dma_start3A_34 : memref<250112x8xf32, #tpu.memory_space<hbm>>) target(%arg25 : memref<640x8xf32, #tpu.memory_space<vmem>>) offsets(%arg13 : memref<640xi32, #tpu.memory_space<vmem>>) semaphore(%arg33 : memref<!tpu.dma_semaphore, #tpu.memory_space<semaphore_mem>>)
    %scan3A_35 = arith.constant 0 : i32
    %scan3A_36 = arith.constant 0 : i32
    %scan3A_37 = arith.constant 10 : i32
    %scan3A_38 = arith.addi %scan3A_36, %scan3A_37 : i32
    %scan3A_39 = arith.constant 1 : i32
    scf.for %scan3A_41 = %scan3A_36 to %scan3A_38 step %scan3A_39  : i32 {
      %mul3A_42 = arith.constant 4 : i32
      %mul3A_43 = arith.muli %scan3A_41, %mul3A_42 : i32
      %add3A_44 = arith.constant 0 : i32
      %add3A_45 = arith.addi %mul3A_43, %add3A_44 : i32
      %add3A_46 = arith.constant 4 : i32
      %add3A_47 = arith.addi %add3A_45, %add3A_46 : i32
      %sub3A = arith.constant 1 : i32
      %sub3A_48 = arith.subi %add3A_47, %sub3A : i32
      %lt3A = arith.constant 40 : i32
      %lt3A_49 = arith.cmpi slt, %sub3A_48, %lt3A : i32
      %convert_element_type3A = arith.extui %lt3A_49 : i1 to i32
      %cond3A = arith.constant 0 : i32
      %cond3A_50 = arith.cmpi ne, %convert_element_type3A, %cond3A : i32
      scf.if %cond3A_50 {
        %scan3A_131 = arith.constant 0 : i32
        %scan3A_132 = arith.constant 0 : i32
        %scan3A_133 = arith.constant 10 : i32
        %scan3A_134 = arith.addi %scan3A_132, %scan3A_133 : i32
        %scan3A_135 = arith.constant 1 : i32
        scf.for %scan3A_143 = %scan3A_132 to %scan3A_134 step %scan3A_135  : i32 {
          %mul3A_144 = arith.constant 64 : i32
          %mul3A_145 = arith.muli %scan3A_143, %mul3A_144 : i32
          %add3A_146 = arith.constant 0 : i32
          %add3A_147 = arith.addi %mul3A_145, %add3A_146 : i32
          %mul3A_148 = arith.constant 640 : i32
          %mul3A_149 = arith.muli %sub3A_48, %mul3A_148 : i32
          %add3A_150 = arith.addi %mul3A_149, %add3A_147 : i32
          %jit3A = arith.constant 128 : i32
          %div3A = arith.divsi %add3A_150, %jit3A : i32
          %sign3A = arith.constant 0 : i32
          %sign3A_151 = arith.cmpi sgt, %add3A_150, %sign3A : i32
          %sign3A_152 = arith.extui %sign3A_151 : i1 to i32
          %sign3A_153 = arith.constant 0 : i32
          %sign3A_154 = arith.cmpi slt, %add3A_150, %sign3A_153 : i32
          %sign3A_155 = arith.extui %sign3A_154 : i1 to i32
          %sign3A_156 = arith.subi %sign3A_152, %sign3A_155 : i32
          %sign3A_157 = arith.constant 0 : i32
          %sign3A_158 = arith.cmpi sgt, %jit3A, %sign3A_157 : i32
          %sign3A_159 = arith.extui %sign3A_158 : i1 to i32
          %sign3A_160 = arith.constant 0 : i32
          %sign3A_161 = arith.cmpi slt, %jit3A, %sign3A_160 : i32
          %sign3A_162 = arith.extui %sign3A_161 : i1 to i32
          %sign3A_163 = arith.subi %sign3A_159, %sign3A_162 : i32
          %ne3A = arith.cmpi ne, %sign3A_156, %sign3A_163 : i32
          %rem3A = arith.remsi %add3A_150, %jit3A : i32
          %ne3A_164 = arith.constant 0 : i32
          %ne3A_165 = arith.cmpi ne, %rem3A, %ne3A_164 : i32
          %and3A = arith.andi %ne3A, %ne3A_165 : i1
          %sub3A_166 = arith.constant 1 : i32
          %sub3A_167 = arith.subi %div3A, %sub3A_166 : i32
          %select_n3A = arith.select %and3A, %sub3A_167, %div3A : i32
          %mul3A_168 = arith.constant 128 : i32
          %mul3A_169 = arith.muli %select_n3A, %mul3A_168 : i32
          %sub3A_170 = arith.subi %add3A_150, %mul3A_169 : i32
          %jit3A_171 = arith.constant 8 : i32
          %div3A_172 = arith.divsi %select_n3A, %jit3A_171 : i32
          %sign3A_173 = arith.constant 0 : i32
          %sign3A_174 = arith.cmpi sgt, %select_n3A, %sign3A_173 : i32
          %sign3A_175 = arith.extui %sign3A_174 : i1 to i32
          %sign3A_176 = arith.constant 0 : i32
          %sign3A_177 = arith.cmpi slt, %select_n3A, %sign3A_176 : i32
          %sign3A_178 = arith.extui %sign3A_177 : i1 to i32
          %sign3A_179 = arith.subi %sign3A_175, %sign3A_178 : i32
          %sign3A_180 = arith.constant 0 : i32
          %sign3A_181 = arith.cmpi sgt, %jit3A_171, %sign3A_180 : i32
          %sign3A_182 = arith.extui %sign3A_181 : i1 to i32
          %sign3A_183 = arith.constant 0 : i32
          %sign3A_184 = arith.cmpi slt, %jit3A_171, %sign3A_183 : i32
          %sign3A_185 = arith.extui %sign3A_184 : i1 to i32
          %sign3A_186 = arith.subi %sign3A_182, %sign3A_185 : i32
          %ne3A_187 = arith.cmpi ne, %sign3A_179, %sign3A_186 : i32
          %rem3A_188 = arith.remsi %select_n3A, %jit3A_171 : i32
          %ne3A_189 = arith.constant 0 : i32
          %ne3A_190 = arith.cmpi ne, %rem3A_188, %ne3A_189 : i32
          %and3A_191 = arith.andi %ne3A_187, %ne3A_190 : i1
          %sub3A_192 = arith.constant 1 : i32
          %sub3A_193 = arith.subi %div3A_172, %sub3A_192 : i32
          %select_n3A_194 = arith.select %and3A_191, %sub3A_193, %div3A_172 : i32
          %jit3A_195 = arith.constant 8 : i32
          %eq3A = arith.constant 0 : i32
          %eq3A_196 = arith.cmpi eq, %jit3A_195, %eq3A : i32
          %jit3A_197 = arith.constant 1 : i32
          %select_n3A_198 = arith.select %eq3A_196, %jit3A_197, %jit3A_195 : i32
          %rem3A_199 = arith.remsi %select_n3A, %select_n3A_198 : i32
          %ne3A_200 = arith.constant 0 : i32
          %ne3A_201 = arith.cmpi ne, %rem3A_199, %ne3A_200 : i32
          %lt3A_202 = arith.constant 0 : i32
          %lt3A_203 = arith.cmpi slt, %rem3A_199, %lt3A_202 : i32
          %lt3A_204 = arith.constant 0 : i32
          %lt3A_205 = arith.cmpi slt, %select_n3A_198, %lt3A_204 : i32
          %ne3A_206 = arith.xori %lt3A_203, %lt3A_205 : i1
          %and3A_207 = arith.andi %ne3A_206, %ne3A_201 : i1
          %add3A_208 = arith.addi %rem3A_199, %select_n3A_198 : i32
          %select_n3A_209 = arith.select %and3A_207, %add3A_208, %rem3A_199 : i32
          %mul3A_210 = arith.constant 128 : i32
          %mul3A_211 = arith.muli %select_n3A_209, %mul3A_210 : i32
          %add3A_212 = arith.addi %mul3A_211, %sub3A_170 : i32
          %get3A = arith.index_cast %select_n3A_194 : i32 to index
          %get3A_213 = arith.index_cast %add3A_212 : i32 to index
          %get3A_214 = tpu.vector_load %arg5[%get3A, %get3A_213] {strides = array<i32>} : memref<25x1024xi32, #tpu.memory_space<vmem>>, vector<16xi32>,
          %shift_right_logical3A = arith.constant 3 : i32
          %shift_right_logical3A_215 = vector.broadcast %shift_right_logical3A : i32 to vector<16xi32>
          %shift_right_logical3A_216 = arith.shrui %get3A_214, %shift_right_logical3A_215 : vector<16xi32>
          %shift_right_logical3A_217 = arith.constant 7 : i32
          %shift_right_logical3A_218 = vector.broadcast %shift_right_logical3A_217 : i32 to vector<16xi32>
          %shift_right_logical3A_219 = arith.shrui %get3A_214, %shift_right_logical3A_218 : vector<16xi32>
          %shift_left3A = arith.constant 4 : i32
          %shift_left3A_220 = vector.broadcast %shift_left3A : i32 to vector<16xi32>
          %shift_left3A_221 = arith.shli %shift_right_logical3A_219, %shift_left3A_220 : vector<16xi32>
          %add3A_222 = arith.addi %shift_right_logical3A_216, %shift_left3A_221 : vector<16xi32>
          %swap3A = arith.index_cast %add3A_147 : i32 to index
          %swap3A_223 = tpu.vector_load %arg10[%swap3A] {strides = array<i32>} : memref<640xi32, #tpu.memory_space<vmem>>, vector<16xi32>,
          tpu.vector_store %arg10[%swap3A], %add3A_222 {strides = array<i32>} : memref<640xi32, #tpu.memory_space<vmem>>, vector<16xi32>,
          %add3A_224 = arith.constant 16 : i32
          %add3A_225 = vector.broadcast %add3A_224 : i32 to vector<16xi32>
          %add3A_226 = arith.addi %add3A_222, %add3A_225 : vector<16xi32>
          %swap3A_227 = arith.index_cast %add3A_147 : i32 to index
          %swap3A_228 = tpu.vector_load %arg14[%swap3A_227] {strides = array<i32>} : memref<640xi32, #tpu.memory_space<vmem>>, vector<16xi32>,
          tpu.vector_store %arg14[%swap3A_227], %add3A_226 {strides = array<i32>} : memref<640xi32, #tpu.memory_space<vmem>>, vector<16xi32>,
          %and3A_229 = arith.constant 7 : i32
          %and3A_230 = vector.broadcast %and3A_229 : i32 to vector<16xi32>
          %and3A_231 = arith.andi %get3A_214, %and3A_230 : vector<16xi32>
          %swap3A_232 = arith.index_cast %add3A_147 : i32 to index
          %swap3A_233 = tpu.vector_load %arg18[%swap3A_232] {strides = array<i32>} : memref<640xi32, #tpu.memory_space<vmem>>, vector<16xi32>,
          tpu.vector_store %arg18[%swap3A_232], %and3A_231 {strides = array<i32>} : memref<640xi32, #tpu.memory_space<vmem>>, vector<16xi32>,
          %add3A_234 = arith.constant 16 : i32
          %add3A_235 = arith.addi %mul3A_145, %add3A_234 : i32
          %mul3A_236 = arith.constant 640 : i32
          %mul3A_237 = arith.muli %sub3A_48, %mul3A_236 : i32
          %add3A_238 = arith.addi %mul3A_237, %add3A_235 : i32
          %jit3A_239 = arith.constant 128 : i32
          %div3A_240 = arith.divsi %add3A_238, %jit3A_239 : i32
          %sign3A_241 = arith.constant 0 : i32
          %sign3A_242 = arith.cmpi sgt, %add3A_238, %sign3A_241 : i32
          %sign3A_243 = arith.extui %sign3A_242 : i1 to i32
          %sign3A_244 = arith.constant 0 : i32
          %sign3A_245 = arith.cmpi slt, %add3A_238, %sign3A_244 : i32
          %sign3A_246 = arith.extui %sign3A_245 : i1 to i32
          %sign3A_247 = arith.subi %sign3A_243, %sign3A_246 : i32
          %sign3A_248 = arith.constant 0 : i32
          %sign3A_249 = arith.cmpi sgt, %jit3A_239, %sign3A_248 : i32
          %sign3A_250 = arith.extui %sign3A_249 : i1 to i32
          %sign3A_251 = arith.constant 0 : i32
          %sign3A_252 = arith.cmpi slt, %jit3A_239, %sign3A_251 : i32
          %sign3A_253 = arith.extui %sign3A_252 : i1 to i32
          %sign3A_254 = arith.subi %sign3A_250, %sign3A_253 : i32
          %ne3A_255 = arith.cmpi ne, %sign3A_247, %sign3A_254 : i32
          %rem3A_256 = arith.remsi %add3A_238, %jit3A_239 : i32
          %ne3A_257 = arith.constant 0 : i32
          %ne3A_258 = arith.cmpi ne, %rem3A_256, %ne3A_257 : i32
          %and3A_259 = arith.andi %ne3A_255, %ne3A_258 : i1
          %sub3A_260 = arith.constant 1 : i32
          %sub3A_261 = arith.subi %div3A_240, %sub3A_260 : i32
          %select_n3A_262 = arith.select %and3A_259, %sub3A_261, %div3A_240 : i32
          %mul3A_263 = arith.constant 128 : i32
          %mul3A_264 = arith.muli %select_n3A_262, %mul3A_263 : i32
          %sub3A_265 = arith.subi %add3A_238, %mul3A_264 : i32
          %jit3A_266 = arith.constant 8 : i32
          %div3A_267 = arith.divsi %select_n3A_262, %jit3A_266 : i32
          %sign3A_268 = arith.constant 0 : i32
          %sign3A_269 = arith.cmpi sgt, %select_n3A_262, %sign3A_268 : i32
          %sign3A_270 = arith.extui %sign3A_269 : i1 to i32
          %sign3A_271 = arith.constant 0 : i32
          %sign3A_272 = arith.cmpi slt, %select_n3A_262, %sign3A_271 : i32
          %sign3A_273 = arith.extui %sign3A_272 : i1 to i32
          %sign3A_274 = arith.subi %sign3A_270, %sign3A_273 : i32
          %sign3A_275 = arith.constant 0 : i32
          %sign3A_276 = arith.cmpi sgt, %jit3A_266, %sign3A_275 : i32
          %sign3A_277 = arith.extui %sign3A_276 : i1 to i32
          %sign3A_278 = arith.constant 0 : i32
          %sign3A_279 = arith.cmpi slt, %jit3A_266, %sign3A_278 : i32
          %sign3A_280 = arith.extui %sign3A_279 : i1 to i32
          %sign3A_281 = arith.subi %sign3A_277, %sign3A_280 : i32
          %ne3A_282 = arith.cmpi ne, %sign3A_274, %sign3A_281 : i32
          %rem3A_283 = arith.remsi %select_n3A_262, %jit3A_266 : i32
          %ne3A_284 = arith.constant 0 : i32
          %ne3A_285 = arith.cmpi ne, %rem3A_283, %ne3A_284 : i32
          %and3A_286 = arith.andi %ne3A_282, %ne3A_285 : i1
          %sub3A_287 = arith.constant 1 : i32
          %sub3A_288 = arith.subi %div3A_267, %sub3A_287 : i32
          %select_n3A_289 = arith.select %and3A_286, %sub3A_288, %div3A_267 : i32
          %jit3A_290 = arith.constant 8 : i32
          %eq3A_291 = arith.constant 0 : i32
          %eq3A_292 = arith.cmpi eq, %jit3A_290, %eq3A_291 : i32
          %jit3A_293 = arith.constant 1 : i32
          %select_n3A_294 = arith.select %eq3A_292, %jit3A_293, %jit3A_290 : i32
          %rem3A_295 = arith.remsi %select_n3A_262, %select_n3A_294 : i32
          %ne3A_296 = arith.constant 0 : i32
          %ne3A_297 = arith.cmpi ne, %rem3A_295, %ne3A_296 : i32
          %lt3A_298 = arith.constant 0 : i32
          %lt3A_299 = arith.cmpi slt, %rem3A_295, %lt3A_298 : i32
          %lt3A_300 = arith.constant 0 : i32
          %lt3A_301 = arith.cmpi slt, %select_n3A_294, %lt3A_300 : i32
          %ne3A_302 = arith.xori %lt3A_299, %lt3A_301 : i1
          %and3A_303 = arith.andi %ne3A_302, %ne3A_297 : i1
          %add3A_304 = arith.addi %rem3A_295, %select_n3A_294 : i32
          %select_n3A_305 = arith.select %and3A_303, %add3A_304, %rem3A_295 : i32
          %mul3A_306 = arith.constant 128 : i32
          %mul3A_307 = arith.muli %select_n3A_305, %mul3A_306 : i32
          %add3A_308 = arith.addi %mul3A_307, %sub3A_265 : i32
          %get3A_309 = arith.index_cast %select_n3A_289 : i32 to index
          %get3A_310 = arith.index_cast %add3A_308 : i32 to index
          %get3A_311 = tpu.vector_load %arg5[%get3A_309, %get3A_310] {strides = array<i32>} : memref<25x1024xi32, #tpu.memory_space<vmem>>, vector<16xi32>,
          %shift_right_logical3A_312 = arith.constant 3 : i32
          %shift_right_logical3A_313 = vector.broadcast %shift_right_logical3A_312 : i32 to vector<16xi32>
          %shift_right_logical3A_314 = arith.shrui %get3A_311, %shift_right_logical3A_313 : vector<16xi32>
          %shift_right_logical3A_315 = arith.constant 7 : i32
          %shift_right_logical3A_316 = vector.broadcast %shift_right_logical3A_315 : i32 to vector<16xi32>
          %shift_right_logical3A_317 = arith.shrui %get3A_311, %shift_right_logical3A_316 : vector<16xi32>
          %shift_left3A_318 = arith.constant 4 : i32
          %shift_left3A_319 = vector.broadcast %shift_left3A_318 : i32 to vector<16xi32>
          %shift_left3A_320 = arith.shli %shift_right_logical3A_317, %shift_left3A_319 : vector<16xi32>
          %add3A_321 = arith.addi %shift_right_logical3A_314, %shift_left3A_320 : vector<16xi32>
          %swap3A_322 = arith.index_cast %add3A_235 : i32 to index
          %swap3A_323 = tpu.vector_load %arg10[%swap3A_322] {strides = array<i32>} : memref<640xi32, #tpu.memory_space<vmem>>, vector<16xi32>,
          tpu.vector_store %arg10[%swap3A_322], %add3A_321 {strides = array<i32>} : memref<640xi32, #tpu.memory_space<vmem>>, vector<16xi32>,
          %add3A_324 = arith.constant 16 : i32
          %add3A_325 = vector.broadcast %add3A_324 : i32 to vector<16xi32>
          %add3A_326 = arith.addi %add3A_321, %add3A_325 : vector<16xi32>
          %swap3A_327 = arith.index_cast %add3A_235 : i32 to index
          %swap3A_328 = tpu.vector_load %arg14[%swap3A_327] {strides = array<i32>} : memref<640xi32, #tpu.memory_space<vmem>>, vector<16xi32>,
          tpu.vector_store %arg14[%swap3A_327], %add3A_326 {strides = array<i32>} : memref<640xi32, #tpu.memory_space<vmem>>, vector<16xi32>,
          %and3A_329 = arith.constant 7 : i32
          %and3A_330 = vector.broadcast %and3A_329 : i32 to vector<16xi32>
          %and3A_331 = arith.andi %get3A_311, %and3A_330 : vector<16xi32>
          %swap3A_332 = arith.index_cast %add3A_235 : i32 to index
          %swap3A_333 = tpu.vector_load %arg18[%swap3A_332] {strides = array<i32>} : memref<640xi32, #tpu.memory_space<vmem>>, vector<16xi32>,
          tpu.vector_store %arg18[%swap3A_332], %and3A_331 {strides = array<i32>} : memref<640xi32, #tpu.memory_space<vmem>>, vector<16xi32>,
          %add3A_334 = arith.constant 32 : i32
          %add3A_335 = arith.addi %mul3A_145, %add3A_334 : i32
          %mul3A_336 = arith.constant 640 : i32
          %mul3A_337 = arith.muli %sub3A_48, %mul3A_336 : i32
          %add3A_338 = arith.addi %mul3A_337, %add3A_335 : i32
          %jit3A_339 = arith.constant 128 : i32
          %div3A_340 = arith.divsi %add3A_338, %jit3A_339 : i32
          %sign3A_341 = arith.constant 0 : i32
          %sign3A_342 = arith.cmpi sgt, %add3A_338, %sign3A_341 : i32
          %sign3A_343 = arith.extui %sign3A_342 : i1 to i32
          %sign3A_344 = arith.constant 0 : i32
          %sign3A_345 = arith.cmpi slt, %add3A_338, %sign3A_344 : i32
          %sign3A_346 = arith.extui %sign3A_345 : i1 to i32
          %sign3A_347 = arith.subi %sign3A_343, %sign3A_346 : i32
          %sign3A_348 = arith.constant 0 : i32
          %sign3A_349 = arith.cmpi sgt, %jit3A_339, %sign3A_348 : i32
          %sign3A_350 = arith.extui %sign3A_349 : i1 to i32
          %sign3A_351 = arith.constant 0 : i32
          %sign3A_352 = arith.cmpi slt, %jit3A_339, %sign3A_351 : i32
          %sign3A_353 = arith.extui %sign3A_352 : i1 to i32
          %sign3A_354 = arith.subi %sign3A_350, %sign3A_353 : i32
          %ne3A_355 = arith.cmpi ne, %sign3A_347, %sign3A_354 : i32
          %rem3A_356 = arith.remsi %add3A_338, %jit3A_339 : i32
          %ne3A_357 = arith.constant 0 : i32
          %ne3A_358 = arith.cmpi ne, %rem3A_356, %ne3A_357 : i32
          %and3A_359 = arith.andi %ne3A_355, %ne3A_358 : i1
          %sub3A_360 = arith.constant 1 : i32
          %sub3A_361 = arith.subi %div3A_340, %sub3A_360 : i32
          %select_n3A_362 = arith.select %and3A_359, %sub3A_361, %div3A_340 : i32
          %mul3A_363 = arith.constant 128 : i32
          %mul3A_364 = arith.muli %select_n3A_362, %mul3A_363 : i32
          %sub3A_365 = arith.subi %add3A_338, %mul3A_364 : i32
          %jit3A_366 = arith.constant 8 : i32
          %div3A_367 = arith.divsi %select_n3A_362, %jit3A_366 : i32
          %sign3A_368 = arith.constant 0 : i32
          %sign3A_369 = arith.cmpi sgt, %select_n3A_362, %sign3A_368 : i32
          %sign3A_370 = arith.extui %sign3A_369 : i1 to i32
          %sign3A_371 = arith.constant 0 : i32
          %sign3A_372 = arith.cmpi slt, %select_n3A_362, %sign3A_371 : i32
          %sign3A_373 = arith.extui %sign3A_372 : i1 to i32
          %sign3A_374 = arith.subi %sign3A_370, %sign3A_373 : i32
          %sign3A_375 = arith.constant 0 : i32
          %sign3A_376 = arith.cmpi sgt, %jit3A_366, %sign3A_375 : i32
          %sign3A_377 = arith.extui %sign3A_376 : i1 to i32
          %sign3A_378 = arith.constant 0 : i32
          %sign3A_379 = arith.cmpi slt, %jit3A_366, %sign3A_378 : i32
          %sign3A_380 = arith.extui %sign3A_379 : i1 to i32
          %sign3A_381 = arith.subi %sign3A_377, %sign3A_380 : i32
          %ne3A_382 = arith.cmpi ne, %sign3A_374, %sign3A_381 : i32
          %rem3A_383 = arith.remsi %select_n3A_362, %jit3A_366 : i32
          %ne3A_384 = arith.constant 0 : i32
          %ne3A_385 = arith.cmpi ne, %rem3A_383, %ne3A_384 : i32
          %and3A_386 = arith.andi %ne3A_382, %ne3A_385 : i1
          %sub3A_387 = arith.constant 1 : i32
          %sub3A_388 = arith.subi %div3A_367, %sub3A_387 : i32
          %select_n3A_389 = arith.select %and3A_386, %sub3A_388, %div3A_367 : i32
          %jit3A_390 = arith.constant 8 : i32
          %eq3A_391 = arith.constant 0 : i32
          %eq3A_392 = arith.cmpi eq, %jit3A_390, %eq3A_391 : i32
          %jit3A_393 = arith.constant 1 : i32
          %select_n3A_394 = arith.select %eq3A_392, %jit3A_393, %jit3A_390 : i32
          %rem3A_395 = arith.remsi %select_n3A_362, %select_n3A_394 : i32
          %ne3A_396 = arith.constant 0 : i32
          %ne3A_397 = arith.cmpi ne, %rem3A_395, %ne3A_396 : i32
          %lt3A_398 = arith.constant 0 : i32
          %lt3A_399 = arith.cmpi slt, %rem3A_395, %lt3A_398 : i32
          %lt3A_400 = arith.constant 0 : i32
          %lt3A_401 = arith.cmpi slt, %select_n3A_394, %lt3A_400 : i32
          %ne3A_402 = arith.xori %lt3A_399, %lt3A_401 : i1
          %and3A_403 = arith.andi %ne3A_402, %ne3A_397 : i1
          %add3A_404 = arith.addi %rem3A_395, %select_n3A_394 : i32
          %select_n3A_405 = arith.select %and3A_403, %add3A_404, %rem3A_395 : i32
          %mul3A_406 = arith.constant 128 : i32
          %mul3A_407 = arith.muli %select_n3A_405, %mul3A_406 : i32
          %add3A_408 = arith.addi %mul3A_407, %sub3A_365 : i32
          %get3A_409 = arith.index_cast %select_n3A_389 : i32 to index
          %get3A_410 = arith.index_cast %add3A_408 : i32 to index
          %get3A_411 = tpu.vector_load %arg5[%get3A_409, %get3A_410] {strides = array<i32>} : memref<25x1024xi32, #tpu.memory_space<vmem>>, vector<16xi32>,
          %shift_right_logical3A_412 = arith.constant 3 : i32
          %shift_right_logical3A_413 = vector.broadcast %shift_right_logical3A_412 : i32 to vector<16xi32>
          %shift_right_logical3A_414 = arith.shrui %get3A_411, %shift_right_logical3A_413 : vector<16xi32>
          %shift_right_logical3A_415 = arith.constant 7 : i32
          %shift_right_logical3A_416 = vector.broadcast %shift_right_logical3A_415 : i32 to vector<16xi32>
          %shift_right_logical3A_417 = arith.shrui %get3A_411, %shift_right_logical3A_416 : vector<16xi32>
          %shift_left3A_418 = arith.constant 4 : i32
          %shift_left3A_419 = vector.broadcast %shift_left3A_418 : i32 to vector<16xi32>
          %shift_left3A_420 = arith.shli %shift_right_logical3A_417, %shift_left3A_419 : vector<16xi32>
          %add3A_421 = arith.addi %shift_right_logical3A_414, %shift_left3A_420 : vector<16xi32>
          %swap3A_422 = arith.index_cast %add3A_335 : i32 to index
          %swap3A_423 = tpu.vector_load %arg10[%swap3A_422] {strides = array<i32>} : memref<640xi32, #tpu.memory_space<vmem>>, vector<16xi32>,
          tpu.vector_store %arg10[%swap3A_422], %add3A_421 {strides = array<i32>} : memref<640xi32, #tpu.memory_space<vmem>>, vector<16xi32>,
          %add3A_424 = arith.constant 16 : i32
          %add3A_425 = vector.broadcast %add3A_424 : i32 to vector<16xi32>
          %add3A_426 = arith.addi %add3A_421, %add3A_425 : vector<16xi32>
          %swap3A_427 = arith.index_cast %add3A_335 : i32 to index
          %swap3A_428 = tpu.vector_load %arg14[%swap3A_427] {strides = array<i32>} : memref<640xi32, #tpu.memory_space<vmem>>, vector<16xi32>,
          tpu.vector_store %arg14[%swap3A_427], %add3A_426 {strides = array<i32>} : memref<640xi32, #tpu.memory_space<vmem>>, vector<16xi32>,
          %and3A_429 = arith.constant 7 : i32
          %and3A_430 = vector.broadcast %and3A_429 : i32 to vector<16xi32>
          %and3A_431 = arith.andi %get3A_411, %and3A_430 : vector<16xi32>
          %swap3A_432 = arith.index_cast %add3A_335 : i32 to index
          %swap3A_433 = tpu.vector_load %arg18[%swap3A_432] {strides = array<i32>} : memref<640xi32, #tpu.memory_space<vmem>>, vector<16xi32>,
          tpu.vector_store %arg18[%swap3A_432], %and3A_431 {strides = array<i32>} : memref<640xi32, #tpu.memory_space<vmem>>, vector<16xi32>,
          %add3A_434 = arith.constant 48 : i32
          %add3A_435 = arith.addi %mul3A_145, %add3A_434 : i32
          %mul3A_436 = arith.constant 640 : i32
          %mul3A_437 = arith.muli %sub3A_48, %mul3A_436 : i32
          %add3A_438 = arith.addi %mul3A_437, %add3A_435 : i32
          %jit3A_439 = arith.constant 128 : i32
          %div3A_440 = arith.divsi %add3A_438, %jit3A_439 : i32
          %sign3A_441 = arith.constant 0 : i32
          %sign3A_442 = arith.cmpi sgt, %add3A_438, %sign3A_441 : i32
          %sign3A_443 = arith.extui %sign3A_442 : i1 to i32
          %sign3A_444 = arith.constant 0 : i32
          %sign3A_445 = arith.cmpi slt, %add3A_438, %sign3A_444 : i32
          %sign3A_446 = arith.extui %sign3A_445 : i1 to i32
          %sign3A_447 = arith.subi %sign3A_443, %sign3A_446 : i32
          %sign3A_448 = arith.constant 0 : i32
          %sign3A_449 = arith.cmpi sgt, %jit3A_439, %sign3A_448 : i32
          %sign3A_450 = arith.extui %sign3A_449 : i1 to i32
          %sign3A_451 = arith.constant 0 : i32
          %sign3A_452 = arith.cmpi slt, %jit3A_439, %sign3A_451 : i32
          %sign3A_453 = arith.extui %sign3A_452 : i1 to i32
          %sign3A_454 = arith.subi %sign3A_450, %sign3A_453 : i32
          %ne3A_455 = arith.cmpi ne, %sign3A_447, %sign3A_454 : i32
          %rem3A_456 = arith.remsi %add3A_438, %jit3A_439 : i32
          %ne3A_457 = arith.constant 0 : i32
          %ne3A_458 = arith.cmpi ne, %rem3A_456, %ne3A_457 : i32
          %and3A_459 = arith.andi %ne3A_455, %ne3A_458 : i1
          %sub3A_460 = arith.constant 1 : i32
          %sub3A_461 = arith.subi %div3A_440, %sub3A_460 : i32
          %select_n3A_462 = arith.select %and3A_459, %sub3A_461, %div3A_440 : i32
          %mul3A_463 = arith.constant 128 : i32
          %mul3A_464 = arith.muli %select_n3A_462, %mul3A_463 : i32
          %sub3A_465 = arith.subi %add3A_438, %mul3A_464 : i32
          %jit3A_466 = arith.constant 8 : i32
          %div3A_467 = arith.divsi %select_n3A_462, %jit3A_466 : i32
          %sign3A_468 = arith.constant 0 : i32
          %sign3A_469 = arith.cmpi sgt, %select_n3A_462, %sign3A_468 : i32
          %sign3A_470 = arith.extui %sign3A_469 : i1 to i32
          %sign3A_471 = arith.constant 0 : i32
          %sign3A_472 = arith.cmpi slt, %select_n3A_462, %sign3A_471 : i32
          %sign3A_473 = arith.extui %sign3A_472 : i1 to i32
          %sign3A_474 = arith.subi %sign3A_470, %sign3A_473 : i32
          %sign3A_475 = arith.constant 0 : i32
          %sign3A_476 = arith.cmpi sgt, %jit3A_466, %sign3A_475 : i32
          %sign3A_477 = arith.extui %sign3A_476 : i1 to i32
          %sign3A_478 = arith.constant 0 : i32
          %sign3A_479 = arith.cmpi slt, %jit3A_466, %sign3A_478 : i32
          %sign3A_480 = arith.extui %sign3A_479 : i1 to i32
          %sign3A_481 = arith.subi %sign3A_477, %sign3A_480 : i32
          %ne3A_482 = arith.cmpi ne, %sign3A_474, %sign3A_481 : i32
          %rem3A_483 = arith.remsi %select_n3A_462, %jit3A_466 : i32
          %ne3A_484 = arith.constant 0 : i32
          %ne3A_485 = arith.cmpi ne, %rem3A_483, %ne3A_484 : i32
          %and3A_486 = arith.andi %ne3A_482, %ne3A_485 : i1
          %sub3A_487 = arith.constant 1 : i32
          %sub3A_488 = arith.subi %div3A_467, %sub3A_487 : i32
          %select_n3A_489 = arith.select %and3A_486, %sub3A_488, %div3A_467 : i32
          %jit3A_490 = arith.constant 8 : i32
          %eq3A_491 = arith.constant 0 : i32
          %eq3A_492 = arith.cmpi eq, %jit3A_490, %eq3A_491 : i32
          %jit3A_493 = arith.constant 1 : i32
          %select_n3A_494 = arith.select %eq3A_492, %jit3A_493, %jit3A_490 : i32
          %rem3A_495 = arith.remsi %select_n3A_462, %select_n3A_494 : i32
          %ne3A_496 = arith.constant 0 : i32
          %ne3A_497 = arith.cmpi ne, %rem3A_495, %ne3A_496 : i32
          %lt3A_498 = arith.constant 0 : i32
          %lt3A_499 = arith.cmpi slt, %rem3A_495, %lt3A_498 : i32
          %lt3A_500 = arith.constant 0 : i32
          %lt3A_501 = arith.cmpi slt, %select_n3A_494, %lt3A_500 : i32
          %ne3A_502 = arith.xori %lt3A_499, %lt3A_501 : i1
          %and3A_503 = arith.andi %ne3A_502, %ne3A_497 : i1
          %add3A_504 = arith.addi %rem3A_495, %select_n3A_494 : i32
          %select_n3A_505 = arith.select %and3A_503, %add3A_504, %rem3A_495 : i32
          %mul3A_506 = arith.constant 128 : i32
          %mul3A_507 = arith.muli %select_n3A_505, %mul3A_506 : i32
          %add3A_508 = arith.addi %mul3A_507, %sub3A_465 : i32
          %get3A_509 = arith.index_cast %select_n3A_489 : i32 to index
          %get3A_510 = arith.index_cast %add3A_508 : i32 to index
          %get3A_511 = tpu.vector_load %arg5[%get3A_509, %get3A_510] {strides = array<i32>} : memref<25x1024xi32, #tpu.memory_space<vmem>>, vector<16xi32>,
          %shift_right_logical3A_512 = arith.constant 3 : i32
          %shift_right_logical3A_513 = vector.broadcast %shift_right_logical3A_512 : i32 to vector<16xi32>
          %shift_right_logical3A_514 = arith.shrui %get3A_511, %shift_right_logical3A_513 : vector<16xi32>
          %shift_right_logical3A_515 = arith.constant 7 : i32
          %shift_right_logical3A_516 = vector.broadcast %shift_right_logical3A_515 : i32 to vector<16xi32>
          %shift_right_logical3A_517 = arith.shrui %get3A_511, %shift_right_logical3A_516 : vector<16xi32>
          %shift_left3A_518 = arith.constant 4 : i32
          %shift_left3A_519 = vector.broadcast %shift_left3A_518 : i32 to vector<16xi32>
          %shift_left3A_520 = arith.shli %shift_right_logical3A_517, %shift_left3A_519 : vector<16xi32>
          %add3A_521 = arith.addi %shift_right_logical3A_514, %shift_left3A_520 : vector<16xi32>
          %swap3A_522 = arith.index_cast %add3A_435 : i32 to index
          %swap3A_523 = tpu.vector_load %arg10[%swap3A_522] {strides = array<i32>} : memref<640xi32, #tpu.memory_space<vmem>>, vector<16xi32>,
          tpu.vector_store %arg10[%swap3A_522], %add3A_521 {strides = array<i32>} : memref<640xi32, #tpu.memory_space<vmem>>, vector<16xi32>,
          %add3A_524 = arith.constant 16 : i32
          %add3A_525 = vector.broadcast %add3A_524 : i32 to vector<16xi32>
          %add3A_526 = arith.addi %add3A_521, %add3A_525 : vector<16xi32>
          %swap3A_527 = arith.index_cast %add3A_435 : i32 to index
          %swap3A_528 = tpu.vector_load %arg14[%swap3A_527] {strides = array<i32>} : memref<640xi32, #tpu.memory_space<vmem>>, vector<16xi32>,
          tpu.vector_store %arg14[%swap3A_527], %add3A_526 {strides = array<i32>} : memref<640xi32, #tpu.memory_space<vmem>>, vector<16xi32>,
          %and3A_529 = arith.constant 7 : i32
          %and3A_530 = vector.broadcast %and3A_529 : i32 to vector<16xi32>
          %and3A_531 = arith.andi %get3A_511, %and3A_530 : vector<16xi32>
          %swap3A_532 = arith.index_cast %add3A_435 : i32 to index
          %swap3A_533 = tpu.vector_load %arg18[%swap3A_532] {strides = array<i32>} : memref<640xi32, #tpu.memory_space<vmem>>, vector<16xi32>,
          tpu.vector_store %arg18[%swap3A_532], %and3A_531 {strides = array<i32>} : memref<640xi32, #tpu.memory_space<vmem>>, vector<16xi32>,
        }
        %scan3A_136 = arith.constant 10 : i32
        %dma_start3A_137 = arith.constant 0 : i32
        %dma_start3A_138 = arith.constant 0 : i32
        %dma_start3A_139 = tpu.memref_slice %arg3[%dma_start3A_137, %dma_start3A_138] : memref<250112x8xf32, #tpu.memory_space<hbm>> -> memref<250112x8xf32, #tpu.memory_space<hbm>>
        tpu.enqueue_indirect_dma source(%dma_start3A_139 : memref<250112x8xf32, #tpu.memory_space<hbm>>) target(%arg22 : memref<640x8xf32, #tpu.memory_space<vmem>>) offsets(%arg10 : memref<640xi32, #tpu.memory_space<vmem>>) semaphore(%arg30 : memref<!tpu.dma_semaphore, #tpu.memory_space<semaphore_mem>>)
        %dma_start3A_140 = arith.constant 0 : i32
        %dma_start3A_141 = arith.constant 0 : i32
        %dma_start3A_142 = tpu.memref_slice %arg3[%dma_start3A_140, %dma_start3A_141] : memref<250112x8xf32, #tpu.memory_space<hbm>> -> memref<250112x8xf32, #tpu.memory_space<hbm>>
        tpu.enqueue_indirect_dma source(%dma_start3A_142 : memref<250112x8xf32, #tpu.memory_space<hbm>>) target(%arg26 : memref<640x8xf32, #tpu.memory_space<vmem>>) offsets(%arg14 : memref<640xi32, #tpu.memory_space<vmem>>) semaphore(%arg34 : memref<!tpu.dma_semaphore, #tpu.memory_space<semaphore_mem>>)
      } else {
      }
      %dma_wait3A = arith.constant 0 : i32
      %dma_wait3A_51 = arith.constant 0 : i32
      %dma_wait3A_52 = tpu.memref_slice %arg3[%dma_wait3A, %dma_wait3A_51] : memref<250112x8xf32, #tpu.memory_space<hbm>> -> memref<250112x8xf32, #tpu.memory_space<hbm>>
      tpu.wait_indirect_dma semaphore(%arg27 : memref<!tpu.dma_semaphore, #tpu.memory_space<semaphore_mem>>) src(%dma_wait3A_52 : memref<250112x8xf32, #tpu.memory_space<hbm>>) dst(%arg19 : memref<640x8xf32, #tpu.memory_space<vmem>>)
      %dma_wait3A_53 = arith.constant 0 : i32
      %dma_wait3A_54 = arith.constant 0 : i32
      %dma_wait3A_55 = tpu.memref_slice %arg3[%dma_wait3A_53, %dma_wait3A_54] : memref<250112x8xf32, #tpu.memory_space<hbm>> -> memref<250112x8xf32, #tpu.memory_space<hbm>>
      tpu.wait_indirect_dma semaphore(%arg31 : memref<!tpu.dma_semaphore, #tpu.memory_space<semaphore_mem>>) src(%dma_wait3A_55 : memref<250112x8xf32, #tpu.memory_space<hbm>>) dst(%arg23 : memref<640x8xf32, #tpu.memory_space<vmem>>)
      %scan3A_56 = arith.constant 0 : i32
      %scan3A_57 = arith.constant 0 : i32
      %scan3A_58 = arith.constant 10 : i32
      %scan3A_59 = arith.addi %scan3A_57, %scan3A_58 : i32
      %scan3A_60 = arith.constant 1 : i32
      scf.for %scan3A_131 = %scan3A_57 to %scan3A_59 step %scan3A_60  : i32 {
        %mul3A_132 = arith.constant 64 : i32
        %mul3A_133 = arith.muli %scan3A_131, %mul3A_132 : i32
        %add3A_134 = arith.constant 0 : i32
        %add3A_135 = arith.addi %mul3A_133, %add3A_134 : i32
        %mul3A_136 = arith.constant 640 : i32
        %mul3A_137 = arith.muli %add3A_45, %mul3A_136 : i32
        %add3A_138 = arith.addi %mul3A_137, %add3A_135 : i32
        %add3A_139 = vector.broadcast %add3A_135 : i32 to vector<16xi32>
        %add3A_140 = arith.addi %iota3A, %add3A_139 : vector<16xi32>
        %get3A = arith.index_cast %add3A_135 : i32 to index
        %get3A_141 = tpu.vector_load %arg15[%get3A] {strides = array<i32>} : memref<640xi32, #tpu.memory_space<vmem>>, vector<16xi32>,
        %gather3A = tpu.vector_load_idx %arg19[%add3A_140, %get3A_141] : memref<640x8xf32, #tpu.memory_space<vmem>>[vector<16xi32>, vector<16xi32>], vector<16xf32>,
        %gather3A_142 = tpu.vector_load_idx %arg23[%add3A_140, %get3A_141] : memref<640x8xf32, #tpu.memory_space<vmem>>[vector<16xi32>, vector<16xi32>], vector<16xf32>,
        %jit3A = arith.constant 128 : i32
        %div3A = arith.divsi %add3A_138, %jit3A : i32
        %sign3A = arith.constant 0 : i32
        %sign3A_143 = arith.cmpi sgt, %add3A_138, %sign3A : i32
        %sign3A_144 = arith.extui %sign3A_143 : i1 to i32
        %sign3A_145 = arith.constant 0 : i32
        %sign3A_146 = arith.cmpi slt, %add3A_138, %sign3A_145 : i32
        %sign3A_147 = arith.extui %sign3A_146 : i1 to i32
        %sign3A_148 = arith.subi %sign3A_144, %sign3A_147 : i32
        %sign3A_149 = arith.constant 0 : i32
        %sign3A_150 = arith.cmpi sgt, %jit3A, %sign3A_149 : i32
        %sign3A_151 = arith.extui %sign3A_150 : i1 to i32
        %sign3A_152 = arith.constant 0 : i32
        %sign3A_153 = arith.cmpi slt, %jit3A, %sign3A_152 : i32
        %sign3A_154 = arith.extui %sign3A_153 : i1 to i32
        %sign3A_155 = arith.subi %sign3A_151, %sign3A_154 : i32
        %ne3A = arith.cmpi ne, %sign3A_148, %sign3A_155 : i32
        %rem3A = arith.remsi %add3A_138, %jit3A : i32
        %ne3A_156 = arith.constant 0 : i32
        %ne3A_157 = arith.cmpi ne, %rem3A, %ne3A_156 : i32
        %and3A = arith.andi %ne3A, %ne3A_157 : i1
        %sub3A_158 = arith.constant 1 : i32
        %sub3A_159 = arith.subi %div3A, %sub3A_158 : i32
        %select_n3A = arith.select %and3A, %sub3A_159, %div3A : i32
        %mul3A_160 = arith.constant 128 : i32
        %mul3A_161 = arith.muli %select_n3A, %mul3A_160 : i32
        %sub3A_162 = arith.subi %add3A_138, %mul3A_161 : i32
        %swap3A = arith.index_cast %select_n3A : i32 to index
        %swap3A_163 = arith.index_cast %sub3A_162 : i32 to index
        %swap3A_164 = tpu.vector_load %arg6[%swap3A, %swap3A_163] {strides = array<i32>} : memref<200x256xf32, #tpu.memory_space<vmem>>, vector<16xf32>,
        tpu.vector_store %arg6[%swap3A, %swap3A_163], %gather3A {strides = array<i32>} : memref<200x256xf32, #tpu.memory_space<vmem>>, vector<16xf32>,
        %add3A_165 = arith.constant 128 : i32
        %add3A_166 = arith.addi %sub3A_162, %add3A_165 : i32
        %swap3A_167 = arith.index_cast %select_n3A : i32 to index
        %swap3A_168 = arith.index_cast %add3A_166 : i32 to index
        %swap3A_169 = tpu.vector_load %arg6[%swap3A_167, %swap3A_168] {strides = array<i32>} : memref<200x256xf32, #tpu.memory_space<vmem>>, vector<16xf32>,
        tpu.vector_store %arg6[%swap3A_167, %swap3A_168], %gather3A_142 {strides = array<i32>} : memref<200x256xf32, #tpu.memory_space<vmem>>, vector<16xf32>,
        %add3A_170 = arith.constant 16 : i32
        %add3A_171 = arith.addi %mul3A_133, %add3A_170 : i32
        %mul3A_172 = arith.constant 640 : i32
        %mul3A_173 = arith.muli %add3A_45, %mul3A_172 : i32
        %add3A_174 = arith.addi %mul3A_173, %add3A_171 : i32
        %add3A_175 = vector.broadcast %add3A_171 : i32 to vector<16xi32>
        %add3A_176 = arith.addi %iota3A, %add3A_175 : vector<16xi32>
        %get3A_177 = arith.index_cast %add3A_171 : i32 to index
        %get3A_178 = tpu.vector_load %arg15[%get3A_177] {strides = array<i32>} : memref<640xi32, #tpu.memory_space<vmem>>, vector<16xi32>,
        %gather3A_179 = tpu.vector_load_idx %arg19[%add3A_176, %get3A_178] : memref<640x8xf32, #tpu.memory_space<vmem>>[vector<16xi32>, vector<16xi32>], vector<16xf32>,
        %gather3A_180 = tpu.vector_load_idx %arg23[%add3A_176, %get3A_178] : memref<640x8xf32, #tpu.memory_space<vmem>>[vector<16xi32>, vector<16xi32>], vector<16xf32>,
        %jit3A_181 = arith.constant 128 : i32
        %div3A_182 = arith.divsi %add3A_174, %jit3A_181 : i32
        %sign3A_183 = arith.constant 0 : i32
        %sign3A_184 = arith.cmpi sgt, %add3A_174, %sign3A_183 : i32
        %sign3A_185 = arith.extui %sign3A_184 : i1 to i32
        %sign3A_186 = arith.constant 0 : i32
        %sign3A_187 = arith.cmpi slt, %add3A_174, %sign3A_186 : i32
        %sign3A_188 = arith.extui %sign3A_187 : i1 to i32
        %sign3A_189 = arith.subi %sign3A_185, %sign3A_188 : i32
        %sign3A_190 = arith.constant 0 : i32
        %sign3A_191 = arith.cmpi sgt, %jit3A_181, %sign3A_190 : i32
        %sign3A_192 = arith.extui %sign3A_191 : i1 to i32
        %sign3A_193 = arith.constant 0 : i32
        %sign3A_194 = arith.cmpi slt, %jit3A_181, %sign3A_193 : i32
        %sign3A_195 = arith.extui %sign3A_194 : i1 to i32
        %sign3A_196 = arith.subi %sign3A_192, %sign3A_195 : i32
        %ne3A_197 = arith.cmpi ne, %sign3A_189, %sign3A_196 : i32
        %rem3A_198 = arith.remsi %add3A_174, %jit3A_181 : i32
        %ne3A_199 = arith.constant 0 : i32
        %ne3A_200 = arith.cmpi ne, %rem3A_198, %ne3A_199 : i32
        %and3A_201 = arith.andi %ne3A_197, %ne3A_200 : i1
        %sub3A_202 = arith.constant 1 : i32
        %sub3A_203 = arith.subi %div3A_182, %sub3A_202 : i32
        %select_n3A_204 = arith.select %and3A_201, %sub3A_203, %div3A_182 : i32
        %mul3A_205 = arith.constant 128 : i32
        %mul3A_206 = arith.muli %select_n3A_204, %mul3A_205 : i32
        %sub3A_207 = arith.subi %add3A_174, %mul3A_206 : i32
        %swap3A_208 = arith.index_cast %select_n3A_204 : i32 to index
        %swap3A_209 = arith.index_cast %sub3A_207 : i32 to index
        %swap3A_210 = tpu.vector_load %arg6[%swap3A_208, %swap3A_209] {strides = array<i32>} : memref<200x256xf32, #tpu.memory_space<vmem>>, vector<16xf32>,
        tpu.vector_store %arg6[%swap3A_208, %swap3A_209], %gather3A_179 {strides = array<i32>} : memref<200x256xf32, #tpu.memory_space<vmem>>, vector<16xf32>,
        %add3A_211 = arith.constant 128 : i32
        %add3A_212 = arith.addi %sub3A_207, %add3A_211 : i32
        %swap3A_213 = arith.index_cast %select_n3A_204 : i32 to index
        %swap3A_214 = arith.index_cast %add3A_212 : i32 to index
        %swap3A_215 = tpu.vector_load %arg6[%swap3A_213, %swap3A_214] {strides = array<i32>} : memref<200x256xf32, #tpu.memory_space<vmem>>, vector<16xf32>,
        tpu.vector_store %arg6[%swap3A_213, %swap3A_214], %gather3A_180 {strides = array<i32>} : memref<200x256xf32, #tpu.memory_space<vmem>>, vector<16xf32>,
        %add3A_216 = arith.constant 32 : i32
        %add3A_217 = arith.addi %mul3A_133, %add3A_216 : i32
        %mul3A_218 = arith.constant 640 : i32
        %mul3A_219 = arith.muli %add3A_45, %mul3A_218 : i32
        %add3A_220 = arith.addi %mul3A_219, %add3A_217 : i32
        %add3A_221 = vector.broadcast %add3A_217 : i32 to vector<16xi32>
        %add3A_222 = arith.addi %iota3A, %add3A_221 : vector<16xi32>
        %get3A_223 = arith.index_cast %add3A_217 : i32 to index
        %get3A_224 = tpu.vector_load %arg15[%get3A_223] {strides = array<i32>} : memref<640xi32, #tpu.memory_space<vmem>>, vector<16xi32>,
        %gather3A_225 = tpu.vector_load_idx %arg19[%add3A_222, %get3A_224] : memref<640x8xf32, #tpu.memory_space<vmem>>[vector<16xi32>, vector<16xi32>], vector<16xf32>,
        %gather3A_226 = tpu.vector_load_idx %arg23[%add3A_222, %get3A_224] : memref<640x8xf32, #tpu.memory_space<vmem>>[vector<16xi32>, vector<16xi32>], vector<16xf32>,
        %jit3A_227 = arith.constant 128 : i32
        %div3A_228 = arith.divsi %add3A_220, %jit3A_227 : i32
        %sign3A_229 = arith.constant 0 : i32
        %sign3A_230 = arith.cmpi sgt, %add3A_220, %sign3A_229 : i32
        %sign3A_231 = arith.extui %sign3A_230 : i1 to i32
        %sign3A_232 = arith.constant 0 : i32
        %sign3A_233 = arith.cmpi slt, %add3A_220, %sign3A_232 : i32
        %sign3A_234 = arith.extui %sign3A_233 : i1 to i32
        %sign3A_235 = arith.subi %sign3A_231, %sign3A_234 : i32
        %sign3A_236 = arith.constant 0 : i32
        %sign3A_237 = arith.cmpi sgt, %jit3A_227, %sign3A_236 : i32
        %sign3A_238 = arith.extui %sign3A_237 : i1 to i32
        %sign3A_239 = arith.constant 0 : i32
        %sign3A_240 = arith.cmpi slt, %jit3A_227, %sign3A_239 : i32
        %sign3A_241 = arith.extui %sign3A_240 : i1 to i32
        %sign3A_242 = arith.subi %sign3A_238, %sign3A_241 : i32
        %ne3A_243 = arith.cmpi ne, %sign3A_235, %sign3A_242 : i32
        %rem3A_244 = arith.remsi %add3A_220, %jit3A_227 : i32
        %ne3A_245 = arith.constant 0 : i32
        %ne3A_246 = arith.cmpi ne, %rem3A_244, %ne3A_245 : i32
        %and3A_247 = arith.andi %ne3A_243, %ne3A_246 : i1
        %sub3A_248 = arith.constant 1 : i32
        %sub3A_249 = arith.subi %div3A_228, %sub3A_248 : i32
        %select_n3A_250 = arith.select %and3A_247, %sub3A_249, %div3A_228 : i32
        %mul3A_251 = arith.constant 128 : i32
        %mul3A_252 = arith.muli %select_n3A_250, %mul3A_251 : i32
        %sub3A_253 = arith.subi %add3A_220, %mul3A_252 : i32
        %swap3A_254 = arith.index_cast %select_n3A_250 : i32 to index
        %swap3A_255 = arith.index_cast %sub3A_253 : i32 to index
        %swap3A_256 = tpu.vector_load %arg6[%swap3A_254, %swap3A_255] {strides = array<i32>} : memref<200x256xf32, #tpu.memory_space<vmem>>, vector<16xf32>,
        tpu.vector_store %arg6[%swap3A_254, %swap3A_255], %gather3A_225 {strides = array<i32>} : memref<200x256xf32, #tpu.memory_space<vmem>>, vector<16xf32>,
        %add3A_257 = arith.constant 128 : i32
        %add3A_258 = arith.addi %sub3A_253, %add3A_257 : i32
        %swap3A_259 = arith.index_cast %select_n3A_250 : i32 to index
        %swap3A_260 = arith.index_cast %add3A_258 : i32 to index
        %swap3A_261 = tpu.vector_load %arg6[%swap3A_259, %swap3A_260] {strides = array<i32>} : memref<200x256xf32, #tpu.memory_space<vmem>>, vector<16xf32>,
        tpu.vector_store %arg6[%swap3A_259, %swap3A_260], %gather3A_226 {strides = array<i32>} : memref<200x256xf32, #tpu.memory_space<vmem>>, vector<16xf32>,
        %add3A_262 = arith.constant 48 : i32
        %add3A_263 = arith.addi %mul3A_133, %add3A_262 : i32
        %mul3A_264 = arith.constant 640 : i32
        %mul3A_265 = arith.muli %add3A_45, %mul3A_264 : i32
        %add3A_266 = arith.addi %mul3A_265, %add3A_263 : i32
        %add3A_267 = vector.broadcast %add3A_263 : i32 to vector<16xi32>
        %add3A_268 = arith.addi %iota3A, %add3A_267 : vector<16xi32>
        %get3A_269 = arith.index_cast %add3A_263 : i32 to index
        %get3A_270 = tpu.vector_load %arg15[%get3A_269] {strides = array<i32>} : memref<640xi32, #tpu.memory_space<vmem>>, vector<16xi32>,
        %gather3A_271 = tpu.vector_load_idx %arg19[%add3A_268, %get3A_270] : memref<640x8xf32, #tpu.memory_space<vmem>>[vector<16xi32>, vector<16xi32>], vector<16xf32>,
        %gather3A_272 = tpu.vector_load_idx %arg23[%add3A_268, %get3A_270] : memref<640x8xf32, #tpu.memory_space<vmem>>[vector<16xi32>, vector<16xi32>], vector<16xf32>,
        %jit3A_273 = arith.constant 128 : i32
        %div3A_274 = arith.divsi %add3A_266, %jit3A_273 : i32
        %sign3A_275 = arith.constant 0 : i32
        %sign3A_276 = arith.cmpi sgt, %add3A_266, %sign3A_275 : i32
        %sign3A_277 = arith.extui %sign3A_276 : i1 to i32
        %sign3A_278 = arith.constant 0 : i32
        %sign3A_279 = arith.cmpi slt, %add3A_266, %sign3A_278 : i32
        %sign3A_280 = arith.extui %sign3A_279 : i1 to i32
        %sign3A_281 = arith.subi %sign3A_277, %sign3A_280 : i32
        %sign3A_282 = arith.constant 0 : i32
        %sign3A_283 = arith.cmpi sgt, %jit3A_273, %sign3A_282 : i32
        %sign3A_284 = arith.extui %sign3A_283 : i1 to i32
        %sign3A_285 = arith.constant 0 : i32
        %sign3A_286 = arith.cmpi slt, %jit3A_273, %sign3A_285 : i32
        %sign3A_287 = arith.extui %sign3A_286 : i1 to i32
        %sign3A_288 = arith.subi %sign3A_284, %sign3A_287 : i32
        %ne3A_289 = arith.cmpi ne, %sign3A_281, %sign3A_288 : i32
        %rem3A_290 = arith.remsi %add3A_266, %jit3A_273 : i32
        %ne3A_291 = arith.constant 0 : i32
        %ne3A_292 = arith.cmpi ne, %rem3A_290, %ne3A_291 : i32
        %and3A_293 = arith.andi %ne3A_289, %ne3A_292 : i1
        %sub3A_294 = arith.constant 1 : i32
        %sub3A_295 = arith.subi %div3A_274, %sub3A_294 : i32
        %select_n3A_296 = arith.select %and3A_293, %sub3A_295, %div3A_274 : i32
        %mul3A_297 = arith.constant 128 : i32
        %mul3A_298 = arith.muli %select_n3A_296, %mul3A_297 : i32
        %sub3A_299 = arith.subi %add3A_266, %mul3A_298 : i32
        %swap3A_300 = arith.index_cast %select_n3A_296 : i32 to index
        %swap3A_301 = arith.index_cast %sub3A_299 : i32 to index
        %swap3A_302 = tpu.vector_load %arg6[%swap3A_300, %swap3A_301] {strides = array<i32>} : memref<200x256xf32, #tpu.memory_space<vmem>>, vector<16xf32>,
        tpu.vector_store %arg6[%swap3A_300, %swap3A_301], %gather3A_271 {strides = array<i32>} : memref<200x256xf32, #tpu.memory_space<vmem>>, vector<16xf32>,
        %add3A_303 = arith.constant 128 : i32
        %add3A_304 = arith.addi %sub3A_299, %add3A_303 : i32
        %swap3A_305 = arith.index_cast %select_n3A_296 : i32 to index
        %swap3A_306 = arith.index_cast %add3A_304 : i32 to index
        %swap3A_307 = tpu.vector_load %arg6[%swap3A_305, %swap3A_306] {strides = array<i32>} : memref<200x256xf32, #tpu.memory_space<vmem>>, vector<16xf32>,
        tpu.vector_store %arg6[%swap3A_305, %swap3A_306], %gather3A_272 {strides = array<i32>} : memref<200x256xf32, #tpu.memory_space<vmem>>, vector<16xf32>,
      }
      %scan3A_61 = arith.constant 10 : i32
      %add3A_62 = arith.constant 1 : i32
      %add3A_63 = arith.addi %mul3A_43, %add3A_62 : i32
      %add3A_64 = arith.constant 4 : i32
      %add3A_65 = arith.addi %add3A_63, %add3A_64 : i32
      %sub3A_66 = arith.constant 1 : i32
      %sub3A_67 = arith.subi %add3A_65, %sub3A_66 : i32
      %lt3A_68 = arith.constant 40 : i32
      %lt3A_69 = arith.cmpi slt, %sub3A_67, %lt3A_68 : i32
      %convert_element_type3A_70 = arith.extui %lt3A_69 : i1 to i32
      %cond3A_71 = arith.constant 0 : i32
      %cond3A_72 = arith.cmpi ne, %convert_element_type3A_70, %cond3A_71 : i32
      scf.if %cond3A_72 {
        %scan3A_131 = arith.constant 0 : i32
        %scan3A_132 = arith.constant 0 : i32
        %scan3A_133 = arith.constant 10 : i32
        %scan3A_134 = arith.addi %scan3A_132, %scan3A_133 : i32
        %scan3A_135 = arith.constant 1 : i32
        scf.for %scan3A_143 = %scan3A_132 to %scan3A_134 step %scan3A_135  : i32 {
          %mul3A_144 = arith.constant 64 : i32
          %mul3A_145 = arith.muli %scan3A_143, %mul3A_144 : i32
          %add3A_146 = arith.constant 0 : i32
          %add3A_147 = arith.addi %mul3A_145, %add3A_146 : i32
          %mul3A_148 = arith.constant 640 : i32
          %mul3A_149 = arith.muli %sub3A_67, %mul3A_148 : i32
          %add3A_150 = arith.addi %mul3A_149, %add3A_147 : i32
          %jit3A = arith.constant 128 : i32
          %div3A = arith.divsi %add3A_150, %jit3A : i32
          %sign3A = arith.constant 0 : i32
          %sign3A_151 = arith.cmpi sgt, %add3A_150, %sign3A : i32
          %sign3A_152 = arith.extui %sign3A_151 : i1 to i32
          %sign3A_153 = arith.constant 0 : i32
          %sign3A_154 = arith.cmpi slt, %add3A_150, %sign3A_153 : i32
          %sign3A_155 = arith.extui %sign3A_154 : i1 to i32
          %sign3A_156 = arith.subi %sign3A_152, %sign3A_155 : i32
          %sign3A_157 = arith.constant 0 : i32
          %sign3A_158 = arith.cmpi sgt, %jit3A, %sign3A_157 : i32
          %sign3A_159 = arith.extui %sign3A_158 : i1 to i32
          %sign3A_160 = arith.constant 0 : i32
          %sign3A_161 = arith.cmpi slt, %jit3A, %sign3A_160 : i32
          %sign3A_162 = arith.extui %sign3A_161 : i1 to i32
          %sign3A_163 = arith.subi %sign3A_159, %sign3A_162 : i32
          %ne3A = arith.cmpi ne, %sign3A_156, %sign3A_163 : i32
          %rem3A = arith.remsi %add3A_150, %jit3A : i32
          %ne3A_164 = arith.constant 0 : i32
          %ne3A_165 = arith.cmpi ne, %rem3A, %ne3A_164 : i32
          %and3A = arith.andi %ne3A, %ne3A_165 : i1
          %sub3A_166 = arith.constant 1 : i32
          %sub3A_167 = arith.subi %div3A, %sub3A_166 : i32
          %select_n3A = arith.select %and3A, %sub3A_167, %div3A : i32
          %mul3A_168 = arith.constant 128 : i32
          %mul3A_169 = arith.muli %select_n3A, %mul3A_168 : i32
          %sub3A_170 = arith.subi %add3A_150, %mul3A_169 : i32
          %jit3A_171 = arith.constant 8 : i32
          %div3A_172 = arith.divsi %select_n3A, %jit3A_171 : i32
          %sign3A_173 = arith.constant 0 : i32
          %sign3A_174 = arith.cmpi sgt, %select_n3A, %sign3A_173 : i32
          %sign3A_175 = arith.extui %sign3A_174 : i1 to i32
          %sign3A_176 = arith.constant 0 : i32
          %sign3A_177 = arith.cmpi slt, %select_n3A, %sign3A_176 : i32
          %sign3A_178 = arith.extui %sign3A_177 : i1 to i32
          %sign3A_179 = arith.subi %sign3A_175, %sign3A_178 : i32
          %sign3A_180 = arith.constant 0 : i32
          %sign3A_181 = arith.cmpi sgt, %jit3A_171, %sign3A_180 : i32
          %sign3A_182 = arith.extui %sign3A_181 : i1 to i32
          %sign3A_183 = arith.constant 0 : i32
          %sign3A_184 = arith.cmpi slt, %jit3A_171, %sign3A_183 : i32
          %sign3A_185 = arith.extui %sign3A_184 : i1 to i32
          %sign3A_186 = arith.subi %sign3A_182, %sign3A_185 : i32
          %ne3A_187 = arith.cmpi ne, %sign3A_179, %sign3A_186 : i32
          %rem3A_188 = arith.remsi %select_n3A, %jit3A_171 : i32
          %ne3A_189 = arith.constant 0 : i32
          %ne3A_190 = arith.cmpi ne, %rem3A_188, %ne3A_189 : i32
          %and3A_191 = arith.andi %ne3A_187, %ne3A_190 : i1
          %sub3A_192 = arith.constant 1 : i32
          %sub3A_193 = arith.subi %div3A_172, %sub3A_192 : i32
          %select_n3A_194 = arith.select %and3A_191, %sub3A_193, %div3A_172 : i32
          %jit3A_195 = arith.constant 8 : i32
          %eq3A = arith.constant 0 : i32
          %eq3A_196 = arith.cmpi eq, %jit3A_195, %eq3A : i32
          %jit3A_197 = arith.constant 1 : i32
          %select_n3A_198 = arith.select %eq3A_196, %jit3A_197, %jit3A_195 : i32
          %rem3A_199 = arith.remsi %select_n3A, %select_n3A_198 : i32
          %ne3A_200 = arith.constant 0 : i32
          %ne3A_201 = arith.cmpi ne, %rem3A_199, %ne3A_200 : i32
          %lt3A_202 = arith.constant 0 : i32
          %lt3A_203 = arith.cmpi slt, %rem3A_199, %lt3A_202 : i32
          %lt3A_204 = arith.constant 0 : i32
          %lt3A_205 = arith.cmpi slt, %select_n3A_198, %lt3A_204 : i32
          %ne3A_206 = arith.xori %lt3A_203, %lt3A_205 : i1
          %and3A_207 = arith.andi %ne3A_206, %ne3A_201 : i1
          %add3A_208 = arith.addi %rem3A_199, %select_n3A_198 : i32
          %select_n3A_209 = arith.select %and3A_207, %add3A_208, %rem3A_199 : i32
          %mul3A_210 = arith.constant 128 : i32
          %mul3A_211 = arith.muli %select_n3A_209, %mul3A_210 : i32
          %add3A_212 = arith.addi %mul3A_211, %sub3A_170 : i32
          %get3A = arith.index_cast %select_n3A_194 : i32 to index
          %get3A_213 = arith.index_cast %add3A_212 : i32 to index
          %get3A_214 = tpu.vector_load %arg5[%get3A, %get3A_213] {strides = array<i32>} : memref<25x1024xi32, #tpu.memory_space<vmem>>, vector<16xi32>,
          %shift_right_logical3A = arith.constant 3 : i32
          %shift_right_logical3A_215 = vector.broadcast %shift_right_logical3A : i32 to vector<16xi32>
          %shift_right_logical3A_216 = arith.shrui %get3A_214, %shift_right_logical3A_215 : vector<16xi32>
          %shift_right_logical3A_217 = arith.constant 7 : i32
          %shift_right_logical3A_218 = vector.broadcast %shift_right_logical3A_217 : i32 to vector<16xi32>
          %shift_right_logical3A_219 = arith.shrui %get3A_214, %shift_right_logical3A_218 : vector<16xi32>
          %shift_left3A = arith.constant 4 : i32
          %shift_left3A_220 = vector.broadcast %shift_left3A : i32 to vector<16xi32>
          %shift_left3A_221 = arith.shli %shift_right_logical3A_219, %shift_left3A_220 : vector<16xi32>
          %add3A_222 = arith.addi %shift_right_logical3A_216, %shift_left3A_221 : vector<16xi32>
          %swap3A = arith.index_cast %add3A_147 : i32 to index
          %swap3A_223 = tpu.vector_load %arg7[%swap3A] {strides = array<i32>} : memref<640xi32, #tpu.memory_space<vmem>>, vector<16xi32>,
          tpu.vector_store %arg7[%swap3A], %add3A_222 {strides = array<i32>} : memref<640xi32, #tpu.memory_space<vmem>>, vector<16xi32>,
          %add3A_224 = arith.constant 16 : i32
          %add3A_225 = vector.broadcast %add3A_224 : i32 to vector<16xi32>
          %add3A_226 = arith.addi %add3A_222, %add3A_225 : vector<16xi32>
          %swap3A_227 = arith.index_cast %add3A_147 : i32 to index
          %swap3A_228 = tpu.vector_load %arg11[%swap3A_227] {strides = array<i32>} : memref<640xi32, #tpu.memory_space<vmem>>, vector<16xi32>,
          tpu.vector_store %arg11[%swap3A_227], %add3A_226 {strides = array<i32>} : memref<640xi32, #tpu.memory_space<vmem>>, vector<16xi32>,
          %and3A_229 = arith.constant 7 : i32
          %and3A_230 = vector.broadcast %and3A_229 : i32 to vector<16xi32>
          %and3A_231 = arith.andi %get3A_214, %and3A_230 : vector<16xi32>
          %swap3A_232 = arith.index_cast %add3A_147 : i32 to index
          %swap3A_233 = tpu.vector_load %arg15[%swap3A_232] {strides = array<i32>} : memref<640xi32, #tpu.memory_space<vmem>>, vector<16xi32>,
          tpu.vector_store %arg15[%swap3A_232], %and3A_231 {strides = array<i32>} : memref<640xi32, #tpu.memory_space<vmem>>, vector<16xi32>,
          %add3A_234 = arith.constant 16 : i32
          %add3A_235 = arith.addi %mul3A_145, %add3A_234 : i32
          %mul3A_236 = arith.constant 640 : i32
          %mul3A_237 = arith.muli %sub3A_67, %mul3A_236 : i32
          %add3A_238 = arith.addi %mul3A_237, %add3A_235 : i32
          %jit3A_239 = arith.constant 128 : i32
          %div3A_240 = arith.divsi %add3A_238, %jit3A_239 : i32
          %sign3A_241 = arith.constant 0 : i32
          %sign3A_242 = arith.cmpi sgt, %add3A_238, %sign3A_241 : i32
          %sign3A_243 = arith.extui %sign3A_242 : i1 to i32
          %sign3A_244 = arith.constant 0 : i32
          %sign3A_245 = arith.cmpi slt, %add3A_238, %sign3A_244 : i32
          %sign3A_246 = arith.extui %sign3A_245 : i1 to i32
          %sign3A_247 = arith.subi %sign3A_243, %sign3A_246 : i32
          %sign3A_248 = arith.constant 0 : i32
          %sign3A_249 = arith.cmpi sgt, %jit3A_239, %sign3A_248 : i32
          %sign3A_250 = arith.extui %sign3A_249 : i1 to i32
          %sign3A_251 = arith.constant 0 : i32
          %sign3A_252 = arith.cmpi slt, %jit3A_239, %sign3A_251 : i32
          %sign3A_253 = arith.extui %sign3A_252 : i1 to i32
          %sign3A_254 = arith.subi %sign3A_250, %sign3A_253 : i32
          %ne3A_255 = arith.cmpi ne, %sign3A_247, %sign3A_254 : i32
          %rem3A_256 = arith.remsi %add3A_238, %jit3A_239 : i32
          %ne3A_257 = arith.constant 0 : i32
          %ne3A_258 = arith.cmpi ne, %rem3A_256, %ne3A_257 : i32
          %and3A_259 = arith.andi %ne3A_255, %ne3A_258 : i1
          %sub3A_260 = arith.constant 1 : i32
          %sub3A_261 = arith.subi %div3A_240, %sub3A_260 : i32
          %select_n3A_262 = arith.select %and3A_259, %sub3A_261, %div3A_240 : i32
          %mul3A_263 = arith.constant 128 : i32
          %mul3A_264 = arith.muli %select_n3A_262, %mul3A_263 : i32
          %sub3A_265 = arith.subi %add3A_238, %mul3A_264 : i32
          %jit3A_266 = arith.constant 8 : i32
          %div3A_267 = arith.divsi %select_n3A_262, %jit3A_266 : i32
          %sign3A_268 = arith.constant 0 : i32
          %sign3A_269 = arith.cmpi sgt, %select_n3A_262, %sign3A_268 : i32
          %sign3A_270 = arith.extui %sign3A_269 : i1 to i32
          %sign3A_271 = arith.constant 0 : i32
          %sign3A_272 = arith.cmpi slt, %select_n3A_262, %sign3A_271 : i32
          %sign3A_273 = arith.extui %sign3A_272 : i1 to i32
          %sign3A_274 = arith.subi %sign3A_270, %sign3A_273 : i32
          %sign3A_275 = arith.constant 0 : i32
          %sign3A_276 = arith.cmpi sgt, %jit3A_266, %sign3A_275 : i32
          %sign3A_277 = arith.extui %sign3A_276 : i1 to i32
          %sign3A_278 = arith.constant 0 : i32
          %sign3A_279 = arith.cmpi slt, %jit3A_266, %sign3A_278 : i32
          %sign3A_280 = arith.extui %sign3A_279 : i1 to i32
          %sign3A_281 = arith.subi %sign3A_277, %sign3A_280 : i32
          %ne3A_282 = arith.cmpi ne, %sign3A_274, %sign3A_281 : i32
          %rem3A_283 = arith.remsi %select_n3A_262, %jit3A_266 : i32
          %ne3A_284 = arith.constant 0 : i32
          %ne3A_285 = arith.cmpi ne, %rem3A_283, %ne3A_284 : i32
          %and3A_286 = arith.andi %ne3A_282, %ne3A_285 : i1
          %sub3A_287 = arith.constant 1 : i32
          %sub3A_288 = arith.subi %div3A_267, %sub3A_287 : i32
          %select_n3A_289 = arith.select %and3A_286, %sub3A_288, %div3A_267 : i32
          %jit3A_290 = arith.constant 8 : i32
          %eq3A_291 = arith.constant 0 : i32
          %eq3A_292 = arith.cmpi eq, %jit3A_290, %eq3A_291 : i32
          %jit3A_293 = arith.constant 1 : i32
          %select_n3A_294 = arith.select %eq3A_292, %jit3A_293, %jit3A_290 : i32
          %rem3A_295 = arith.remsi %select_n3A_262, %select_n3A_294 : i32
          %ne3A_296 = arith.constant 0 : i32
          %ne3A_297 = arith.cmpi ne, %rem3A_295, %ne3A_296 : i32
          %lt3A_298 = arith.constant 0 : i32
          %lt3A_299 = arith.cmpi slt, %rem3A_295, %lt3A_298 : i32
          %lt3A_300 = arith.constant 0 : i32
          %lt3A_301 = arith.cmpi slt, %select_n3A_294, %lt3A_300 : i32
          %ne3A_302 = arith.xori %lt3A_299, %lt3A_301 : i1
          %and3A_303 = arith.andi %ne3A_302, %ne3A_297 : i1
          %add3A_304 = arith.addi %rem3A_295, %select_n3A_294 : i32
          %select_n3A_305 = arith.select %and3A_303, %add3A_304, %rem3A_295 : i32
          %mul3A_306 = arith.constant 128 : i32
          %mul3A_307 = arith.muli %select_n3A_305, %mul3A_306 : i32
          %add3A_308 = arith.addi %mul3A_307, %sub3A_265 : i32
          %get3A_309 = arith.index_cast %select_n3A_289 : i32 to index
          %get3A_310 = arith.index_cast %add3A_308 : i32 to index
          %get3A_311 = tpu.vector_load %arg5[%get3A_309, %get3A_310] {strides = array<i32>} : memref<25x1024xi32, #tpu.memory_space<vmem>>, vector<16xi32>,
          %shift_right_logical3A_312 = arith.constant 3 : i32
          %shift_right_logical3A_313 = vector.broadcast %shift_right_logical3A_312 : i32 to vector<16xi32>
          %shift_right_logical3A_314 = arith.shrui %get3A_311, %shift_right_logical3A_313 : vector<16xi32>
          %shift_right_logical3A_315 = arith.constant 7 : i32
          %shift_right_logical3A_316 = vector.broadcast %shift_right_logical3A_315 : i32 to vector<16xi32>
          %shift_right_logical3A_317 = arith.shrui %get3A_311, %shift_right_logical3A_316 : vector<16xi32>
          %shift_left3A_318 = arith.constant 4 : i32
          %shift_left3A_319 = vector.broadcast %shift_left3A_318 : i32 to vector<16xi32>
          %shift_left3A_320 = arith.shli %shift_right_logical3A_317, %shift_left3A_319 : vector<16xi32>
          %add3A_321 = arith.addi %shift_right_logical3A_314, %shift_left3A_320 : vector<16xi32>
          %swap3A_322 = arith.index_cast %add3A_235 : i32 to index
          %swap3A_323 = tpu.vector_load %arg7[%swap3A_322] {strides = array<i32>} : memref<640xi32, #tpu.memory_space<vmem>>, vector<16xi32>,
          tpu.vector_store %arg7[%swap3A_322], %add3A_321 {strides = array<i32>} : memref<640xi32, #tpu.memory_space<vmem>>, vector<16xi32>,
          %add3A_324 = arith.constant 16 : i32
          %add3A_325 = vector.broadcast %add3A_324 : i32 to vector<16xi32>
          %add3A_326 = arith.addi %add3A_321, %add3A_325 : vector<16xi32>
          %swap3A_327 = arith.index_cast %add3A_235 : i32 to index
          %swap3A_328 = tpu.vector_load %arg11[%swap3A_327] {strides = array<i32>} : memref<640xi32, #tpu.memory_space<vmem>>, vector<16xi32>,
          tpu.vector_store %arg11[%swap3A_327], %add3A_326 {strides = array<i32>} : memref<640xi32, #tpu.memory_space<vmem>>, vector<16xi32>,
          %and3A_329 = arith.constant 7 : i32
          %and3A_330 = vector.broadcast %and3A_329 : i32 to vector<16xi32>
          %and3A_331 = arith.andi %get3A_311, %and3A_330 : vector<16xi32>
          %swap3A_332 = arith.index_cast %add3A_235 : i32 to index
          %swap3A_333 = tpu.vector_load %arg15[%swap3A_332] {strides = array<i32>} : memref<640xi32, #tpu.memory_space<vmem>>, vector<16xi32>,
          tpu.vector_store %arg15[%swap3A_332], %and3A_331 {strides = array<i32>} : memref<640xi32, #tpu.memory_space<vmem>>, vector<16xi32>,
          %add3A_334 = arith.constant 32 : i32
          %add3A_335 = arith.addi %mul3A_145, %add3A_334 : i32
          %mul3A_336 = arith.constant 640 : i32
          %mul3A_337 = arith.muli %sub3A_67, %mul3A_336 : i32
          %add3A_338 = arith.addi %mul3A_337, %add3A_335 : i32
          %jit3A_339 = arith.constant 128 : i32
          %div3A_340 = arith.divsi %add3A_338, %jit3A_339 : i32
          %sign3A_341 = arith.constant 0 : i32
          %sign3A_342 = arith.cmpi sgt, %add3A_338, %sign3A_341 : i32
          %sign3A_343 = arith.extui %sign3A_342 : i1 to i32
          %sign3A_344 = arith.constant 0 : i32
          %sign3A_345 = arith.cmpi slt, %add3A_338, %sign3A_344 : i32
          %sign3A_346 = arith.extui %sign3A_345 : i1 to i32
          %sign3A_347 = arith.subi %sign3A_343, %sign3A_346 : i32
          %sign3A_348 = arith.constant 0 : i32
          %sign3A_349 = arith.cmpi sgt, %jit3A_339, %sign3A_348 : i32
          %sign3A_350 = arith.extui %sign3A_349 : i1 to i32
          %sign3A_351 = arith.constant 0 : i32
          %sign3A_352 = arith.cmpi slt, %jit3A_339, %sign3A_351 : i32
          %sign3A_353 = arith.extui %sign3A_352 : i1 to i32
          %sign3A_354 = arith.subi %sign3A_350, %sign3A_353 : i32
          %ne3A_355 = arith.cmpi ne, %sign3A_347, %sign3A_354 : i32
          %rem3A_356 = arith.remsi %add3A_338, %jit3A_339 : i32
          %ne3A_357 = arith.constant 0 : i32
          %ne3A_358 = arith.cmpi ne, %rem3A_356, %ne3A_357 : i32
          %and3A_359 = arith.andi %ne3A_355, %ne3A_358 : i1
          %sub3A_360 = arith.constant 1 : i32
          %sub3A_361 = arith.subi %div3A_340, %sub3A_360 : i32
          %select_n3A_362 = arith.select %and3A_359, %sub3A_361, %div3A_340 : i32
          %mul3A_363 = arith.constant 128 : i32
          %mul3A_364 = arith.muli %select_n3A_362, %mul3A_363 : i32
          %sub3A_365 = arith.subi %add3A_338, %mul3A_364 : i32
          %jit3A_366 = arith.constant 8 : i32
          %div3A_367 = arith.divsi %select_n3A_362, %jit3A_366 : i32
          %sign3A_368 = arith.constant 0 : i32
          %sign3A_369 = arith.cmpi sgt, %select_n3A_362, %sign3A_368 : i32
          %sign3A_370 = arith.extui %sign3A_369 : i1 to i32
          %sign3A_371 = arith.constant 0 : i32
          %sign3A_372 = arith.cmpi slt, %select_n3A_362, %sign3A_371 : i32
          %sign3A_373 = arith.extui %sign3A_372 : i1 to i32
          %sign3A_374 = arith.subi %sign3A_370, %sign3A_373 : i32
          %sign3A_375 = arith.constant 0 : i32
          %sign3A_376 = arith.cmpi sgt, %jit3A_366, %sign3A_375 : i32
          %sign3A_377 = arith.extui %sign3A_376 : i1 to i32
          %sign3A_378 = arith.constant 0 : i32
          %sign3A_379 = arith.cmpi slt, %jit3A_366, %sign3A_378 : i32
          %sign3A_380 = arith.extui %sign3A_379 : i1 to i32
          %sign3A_381 = arith.subi %sign3A_377, %sign3A_380 : i32
          %ne3A_382 = arith.cmpi ne, %sign3A_374, %sign3A_381 : i32
          %rem3A_383 = arith.remsi %select_n3A_362, %jit3A_366 : i32
          %ne3A_384 = arith.constant 0 : i32
          %ne3A_385 = arith.cmpi ne, %rem3A_383, %ne3A_384 : i32
          %and3A_386 = arith.andi %ne3A_382, %ne3A_385 : i1
          %sub3A_387 = arith.constant 1 : i32
          %sub3A_388 = arith.subi %div3A_367, %sub3A_387 : i32
          %select_n3A_389 = arith.select %and3A_386, %sub3A_388, %div3A_367 : i32
          %jit3A_390 = arith.constant 8 : i32
          %eq3A_391 = arith.constant 0 : i32
          %eq3A_392 = arith.cmpi eq, %jit3A_390, %eq3A_391 : i32
          %jit3A_393 = arith.constant 1 : i32
          %select_n3A_394 = arith.select %eq3A_392, %jit3A_393, %jit3A_390 : i32
          %rem3A_395 = arith.remsi %select_n3A_362, %select_n3A_394 : i32
          %ne3A_396 = arith.constant 0 : i32
          %ne3A_397 = arith.cmpi ne, %rem3A_395, %ne3A_396 : i32
          %lt3A_398 = arith.constant 0 : i32
          %lt3A_399 = arith.cmpi slt, %rem3A_395, %lt3A_398 : i32
          %lt3A_400 = arith.constant 0 : i32
          %lt3A_401 = arith.cmpi slt, %select_n3A_394, %lt3A_400 : i32
          %ne3A_402 = arith.xori %lt3A_399, %lt3A_401 : i1
          %and3A_403 = arith.andi %ne3A_402, %ne3A_397 : i1
          %add3A_404 = arith.addi %rem3A_395, %select_n3A_394 : i32
          %select_n3A_405 = arith.select %and3A_403, %add3A_404, %rem3A_395 : i32
          %mul3A_406 = arith.constant 128 : i32
          %mul3A_407 = arith.muli %select_n3A_405, %mul3A_406 : i32
          %add3A_408 = arith.addi %mul3A_407, %sub3A_365 : i32
          %get3A_409 = arith.index_cast %select_n3A_389 : i32 to index
          %get3A_410 = arith.index_cast %add3A_408 : i32 to index
          %get3A_411 = tpu.vector_load %arg5[%get3A_409, %get3A_410] {strides = array<i32>} : memref<25x1024xi32, #tpu.memory_space<vmem>>, vector<16xi32>,
          %shift_right_logical3A_412 = arith.constant 3 : i32
          %shift_right_logical3A_413 = vector.broadcast %shift_right_logical3A_412 : i32 to vector<16xi32>
          %shift_right_logical3A_414 = arith.shrui %get3A_411, %shift_right_logical3A_413 : vector<16xi32>
          %shift_right_logical3A_415 = arith.constant 7 : i32
          %shift_right_logical3A_416 = vector.broadcast %shift_right_logical3A_415 : i32 to vector<16xi32>
          %shift_right_logical3A_417 = arith.shrui %get3A_411, %shift_right_logical3A_416 : vector<16xi32>
          %shift_left3A_418 = arith.constant 4 : i32
          %shift_left3A_419 = vector.broadcast %shift_left3A_418 : i32 to vector<16xi32>
          %shift_left3A_420 = arith.shli %shift_right_logical3A_417, %shift_left3A_419 : vector<16xi32>
          %add3A_421 = arith.addi %shift_right_logical3A_414, %shift_left3A_420 : vector<16xi32>
          %swap3A_422 = arith.index_cast %add3A_335 : i32 to index
          %swap3A_423 = tpu.vector_load %arg7[%swap3A_422] {strides = array<i32>} : memref<640xi32, #tpu.memory_space<vmem>>, vector<16xi32>,
          tpu.vector_store %arg7[%swap3A_422], %add3A_421 {strides = array<i32>} : memref<640xi32, #tpu.memory_space<vmem>>, vector<16xi32>,
          %add3A_424 = arith.constant 16 : i32
          %add3A_425 = vector.broadcast %add3A_424 : i32 to vector<16xi32>
          %add3A_426 = arith.addi %add3A_421, %add3A_425 : vector<16xi32>
          %swap3A_427 = arith.index_cast %add3A_335 : i32 to index
          %swap3A_428 = tpu.vector_load %arg11[%swap3A_427] {strides = array<i32>} : memref<640xi32, #tpu.memory_space<vmem>>, vector<16xi32>,
          tpu.vector_store %arg11[%swap3A_427], %add3A_426 {strides = array<i32>} : memref<640xi32, #tpu.memory_space<vmem>>, vector<16xi32>,
          %and3A_429 = arith.constant 7 : i32
          %and3A_430 = vector.broadcast %and3A_429 : i32 to vector<16xi32>
          %and3A_431 = arith.andi %get3A_411, %and3A_430 : vector<16xi32>
          %swap3A_432 = arith.index_cast %add3A_335 : i32 to index
          %swap3A_433 = tpu.vector_load %arg15[%swap3A_432] {strides = array<i32>} : memref<640xi32, #tpu.memory_space<vmem>>, vector<16xi32>,
          tpu.vector_store %arg15[%swap3A_432], %and3A_431 {strides = array<i32>} : memref<640xi32, #tpu.memory_space<vmem>>, vector<16xi32>,
          %add3A_434 = arith.constant 48 : i32
          %add3A_435 = arith.addi %mul3A_145, %add3A_434 : i32
          %mul3A_436 = arith.constant 640 : i32
          %mul3A_437 = arith.muli %sub3A_67, %mul3A_436 : i32
          %add3A_438 = arith.addi %mul3A_437, %add3A_435 : i32
          %jit3A_439 = arith.constant 128 : i32
          %div3A_440 = arith.divsi %add3A_438, %jit3A_439 : i32
          %sign3A_441 = arith.constant 0 : i32
          %sign3A_442 = arith.cmpi sgt, %add3A_438, %sign3A_441 : i32
          %sign3A_443 = arith.extui %sign3A_442 : i1 to i32
          %sign3A_444 = arith.constant 0 : i32
          %sign3A_445 = arith.cmpi slt, %add3A_438, %sign3A_444 : i32
          %sign3A_446 = arith.extui %sign3A_445 : i1 to i32
          %sign3A_447 = arith.subi %sign3A_443, %sign3A_446 : i32
          %sign3A_448 = arith.constant 0 : i32
          %sign3A_449 = arith.cmpi sgt, %jit3A_439, %sign3A_448 : i32
          %sign3A_450 = arith.extui %sign3A_449 : i1 to i32
          %sign3A_451 = arith.constant 0 : i32
          %sign3A_452 = arith.cmpi slt, %jit3A_439, %sign3A_451 : i32
          %sign3A_453 = arith.extui %sign3A_452 : i1 to i32
          %sign3A_454 = arith.subi %sign3A_450, %sign3A_453 : i32
          %ne3A_455 = arith.cmpi ne, %sign3A_447, %sign3A_454 : i32
          %rem3A_456 = arith.remsi %add3A_438, %jit3A_439 : i32
          %ne3A_457 = arith.constant 0 : i32
          %ne3A_458 = arith.cmpi ne, %rem3A_456, %ne3A_457 : i32
          %and3A_459 = arith.andi %ne3A_455, %ne3A_458 : i1
          %sub3A_460 = arith.constant 1 : i32
          %sub3A_461 = arith.subi %div3A_440, %sub3A_460 : i32
          %select_n3A_462 = arith.select %and3A_459, %sub3A_461, %div3A_440 : i32
          %mul3A_463 = arith.constant 128 : i32
          %mul3A_464 = arith.muli %select_n3A_462, %mul3A_463 : i32
          %sub3A_465 = arith.subi %add3A_438, %mul3A_464 : i32
          %jit3A_466 = arith.constant 8 : i32
          %div3A_467 = arith.divsi %select_n3A_462, %jit3A_466 : i32
          %sign3A_468 = arith.constant 0 : i32
          %sign3A_469 = arith.cmpi sgt, %select_n3A_462, %sign3A_468 : i32
          %sign3A_470 = arith.extui %sign3A_469 : i1 to i32
          %sign3A_471 = arith.constant 0 : i32
          %sign3A_472 = arith.cmpi slt, %select_n3A_462, %sign3A_471 : i32
          %sign3A_473 = arith.extui %sign3A_472 : i1 to i32
          %sign3A_474 = arith.subi %sign3A_470, %sign3A_473 : i32
          %sign3A_475 = arith.constant 0 : i32
          %sign3A_476 = arith.cmpi sgt, %jit3A_466, %sign3A_475 : i32
          %sign3A_477 = arith.extui %sign3A_476 : i1 to i32
          %sign3A_478 = arith.constant 0 : i32
          %sign3A_479 = arith.cmpi slt, %jit3A_466, %sign3A_478 : i32
          %sign3A_480 = arith.extui %sign3A_479 : i1 to i32
          %sign3A_481 = arith.subi %sign3A_477, %sign3A_480 : i32
          %ne3A_482 = arith.cmpi ne, %sign3A_474, %sign3A_481 : i32
          %rem3A_483 = arith.remsi %select_n3A_462, %jit3A_466 : i32
          %ne3A_484 = arith.constant 0 : i32
          %ne3A_485 = arith.cmpi ne, %rem3A_483, %ne3A_484 : i32
          %and3A_486 = arith.andi %ne3A_482, %ne3A_485 : i1
          %sub3A_487 = arith.constant 1 : i32
          %sub3A_488 = arith.subi %div3A_467, %sub3A_487 : i32
          %select_n3A_489 = arith.select %and3A_486, %sub3A_488, %div3A_467 : i32
          %jit3A_490 = arith.constant 8 : i32
          %eq3A_491 = arith.constant 0 : i32
          %eq3A_492 = arith.cmpi eq, %jit3A_490, %eq3A_491 : i32
          %jit3A_493 = arith.constant 1 : i32
          %select_n3A_494 = arith.select %eq3A_492, %jit3A_493, %jit3A_490 : i32
          %rem3A_495 = arith.remsi %select_n3A_462, %select_n3A_494 : i32
          %ne3A_496 = arith.constant 0 : i32
          %ne3A_497 = arith.cmpi ne, %rem3A_495, %ne3A_496 : i32
          %lt3A_498 = arith.constant 0 : i32
          %lt3A_499 = arith.cmpi slt, %rem3A_495, %lt3A_498 : i32
          %lt3A_500 = arith.constant 0 : i32
          %lt3A_501 = arith.cmpi slt, %select_n3A_494, %lt3A_500 : i32
          %ne3A_502 = arith.xori %lt3A_499, %lt3A_501 : i1
          %and3A_503 = arith.andi %ne3A_502, %ne3A_497 : i1
          %add3A_504 = arith.addi %rem3A_495, %select_n3A_494 : i32
          %select_n3A_505 = arith.select %and3A_503, %add3A_504, %rem3A_495 : i32
          %mul3A_506 = arith.constant 128 : i32
          %mul3A_507 = arith.muli %select_n3A_505, %mul3A_506 : i32
          %add3A_508 = arith.addi %mul3A_507, %sub3A_465 : i32
          %get3A_509 = arith.index_cast %select_n3A_489 : i32 to index
          %get3A_510 = arith.index_cast %add3A_508 : i32 to index
          %get3A_511 = tpu.vector_load %arg5[%get3A_509, %get3A_510] {strides = array<i32>} : memref<25x1024xi32, #tpu.memory_space<vmem>>, vector<16xi32>,
          %shift_right_logical3A_512 = arith.constant 3 : i32
          %shift_right_logical3A_513 = vector.broadcast %shift_right_logical3A_512 : i32 to vector<16xi32>
          %shift_right_logical3A_514 = arith.shrui %get3A_511, %shift_right_logical3A_513 : vector<16xi32>
          %shift_right_logical3A_515 = arith.constant 7 : i32
          %shift_right_logical3A_516 = vector.broadcast %shift_right_logical3A_515 : i32 to vector<16xi32>
          %shift_right_logical3A_517 = arith.shrui %get3A_511, %shift_right_logical3A_516 : vector<16xi32>
          %shift_left3A_518 = arith.constant 4 : i32
          %shift_left3A_519 = vector.broadcast %shift_left3A_518 : i32 to vector<16xi32>
          %shift_left3A_520 = arith.shli %shift_right_logical3A_517, %shift_left3A_519 : vector<16xi32>
          %add3A_521 = arith.addi %shift_right_logical3A_514, %shift_left3A_520 : vector<16xi32>
          %swap3A_522 = arith.index_cast %add3A_435 : i32 to index
          %swap3A_523 = tpu.vector_load %arg7[%swap3A_522] {strides = array<i32>} : memref<640xi32, #tpu.memory_space<vmem>>, vector<16xi32>,
          tpu.vector_store %arg7[%swap3A_522], %add3A_521 {strides = array<i32>} : memref<640xi32, #tpu.memory_space<vmem>>, vector<16xi32>,
          %add3A_524 = arith.constant 16 : i32
          %add3A_525 = vector.broadcast %add3A_524 : i32 to vector<16xi32>
          %add3A_526 = arith.addi %add3A_521, %add3A_525 : vector<16xi32>
          %swap3A_527 = arith.index_cast %add3A_435 : i32 to index
          %swap3A_528 = tpu.vector_load %arg11[%swap3A_527] {strides = array<i32>} : memref<640xi32, #tpu.memory_space<vmem>>, vector<16xi32>,
          tpu.vector_store %arg11[%swap3A_527], %add3A_526 {strides = array<i32>} : memref<640xi32, #tpu.memory_space<vmem>>, vector<16xi32>,
          %and3A_529 = arith.constant 7 : i32
          %and3A_530 = vector.broadcast %and3A_529 : i32 to vector<16xi32>
          %and3A_531 = arith.andi %get3A_511, %and3A_530 : vector<16xi32>
          %swap3A_532 = arith.index_cast %add3A_435 : i32 to index
          %swap3A_533 = tpu.vector_load %arg15[%swap3A_532] {strides = array<i32>} : memref<640xi32, #tpu.memory_space<vmem>>, vector<16xi32>,
          tpu.vector_store %arg15[%swap3A_532], %and3A_531 {strides = array<i32>} : memref<640xi32, #tpu.memory_space<vmem>>, vector<16xi32>,
        }
        %scan3A_136 = arith.constant 10 : i32
        %dma_start3A_137 = arith.constant 0 : i32
        %dma_start3A_138 = arith.constant 0 : i32
        %dma_start3A_139 = tpu.memref_slice %arg3[%dma_start3A_137, %dma_start3A_138] : memref<250112x8xf32, #tpu.memory_space<hbm>> -> memref<250112x8xf32, #tpu.memory_space<hbm>>
        tpu.enqueue_indirect_dma source(%dma_start3A_139 : memref<250112x8xf32, #tpu.memory_space<hbm>>) target(%arg19 : memref<640x8xf32, #tpu.memory_space<vmem>>) offsets(%arg7 : memref<640xi32, #tpu.memory_space<vmem>>) semaphore(%arg27 : memref<!tpu.dma_semaphore, #tpu.memory_space<semaphore_mem>>)
        %dma_start3A_140 = arith.constant 0 : i32
        %dma_start3A_141 = arith.constant 0 : i32
        %dma_start3A_142 = tpu.memref_slice %arg3[%dma_start3A_140, %dma_start3A_141] : memref<250112x8xf32, #tpu.memory_space<hbm>> -> memref<250112x8xf32, #tpu.memory_space<hbm>>
        tpu.enqueue_indirect_dma source(%dma_start3A_142 : memref<250112x8xf32, #tpu.memory_space<hbm>>) target(%arg23 : memref<640x8xf32, #tpu.memory_space<vmem>>) offsets(%arg11 : memref<640xi32, #tpu.memory_space<vmem>>) semaphore(%arg31 : memref<!tpu.dma_semaphore, #tpu.memory_space<semaphore_mem>>)
      } else {
      }
      %dma_wait3A_73 = arith.constant 0 : i32
      %dma_wait3A_74 = arith.constant 0 : i32
      %dma_wait3A_75 = tpu.memref_slice %arg3[%dma_wait3A_73, %dma_wait3A_74] : memref<250112x8xf32, #tpu.memory_space<hbm>> -> memref<250112x8xf32, #tpu.memory_space<hbm>>
      tpu.wait_indirect_dma semaphore(%arg28 : memref<!tpu.dma_semaphore, #tpu.memory_space<semaphore_mem>>) src(%dma_wait3A_75 : memref<250112x8xf32, #tpu.memory_space<hbm>>) dst(%arg20 : memref<640x8xf32, #tpu.memory_space<vmem>>)
      %dma_wait3A_76 = arith.constant 0 : i32
      %dma_wait3A_77 = arith.constant 0 : i32
      %dma_wait3A_78 = tpu.memref_slice %arg3[%dma_wait3A_76, %dma_wait3A_77] : memref<250112x8xf32, #tpu.memory_space<hbm>> -> memref<250112x8xf32, #tpu.memory_space<hbm>>
      tpu.wait_indirect_dma semaphore(%arg32 : memref<!tpu.dma_semaphore, #tpu.memory_space<semaphore_mem>>) src(%dma_wait3A_78 : memref<250112x8xf32, #tpu.memory_space<hbm>>) dst(%arg24 : memref<640x8xf32, #tpu.memory_space<vmem>>)
      %scan3A_79 = arith.constant 0 : i32
      %scan3A_80 = arith.constant 0 : i32
      %scan3A_81 = arith.constant 10 : i32
      %scan3A_82 = arith.addi %scan3A_80, %scan3A_81 : i32
      %scan3A_83 = arith.constant 1 : i32
      scf.for %scan3A_131 = %scan3A_80 to %scan3A_82 step %scan3A_83  : i32 {
        %mul3A_132 = arith.constant 64 : i32
        %mul3A_133 = arith.muli %scan3A_131, %mul3A_132 : i32
        %add3A_134 = arith.constant 0 : i32
        %add3A_135 = arith.addi %mul3A_133, %add3A_134 : i32
        %mul3A_136 = arith.constant 640 : i32
        %mul3A_137 = arith.muli %add3A_63, %mul3A_136 : i32
        %add3A_138 = arith.addi %mul3A_137, %add3A_135 : i32
        %add3A_139 = vector.broadcast %add3A_135 : i32 to vector<16xi32>
        %add3A_140 = arith.addi %iota3A, %add3A_139 : vector<16xi32>
        %get3A = arith.index_cast %add3A_135 : i32 to index
        %get3A_141 = tpu.vector_load %arg16[%get3A] {strides = array<i32>} : memref<640xi32, #tpu.memory_space<vmem>>, vector<16xi32>,
        %gather3A = tpu.vector_load_idx %arg20[%add3A_140, %get3A_141] : memref<640x8xf32, #tpu.memory_space<vmem>>[vector<16xi32>, vector<16xi32>], vector<16xf32>,
        %gather3A_142 = tpu.vector_load_idx %arg24[%add3A_140, %get3A_141] : memref<640x8xf32, #tpu.memory_space<vmem>>[vector<16xi32>, vector<16xi32>], vector<16xf32>,
        %jit3A = arith.constant 128 : i32
        %div3A = arith.divsi %add3A_138, %jit3A : i32
        %sign3A = arith.constant 0 : i32
        %sign3A_143 = arith.cmpi sgt, %add3A_138, %sign3A : i32
        %sign3A_144 = arith.extui %sign3A_143 : i1 to i32
        %sign3A_145 = arith.constant 0 : i32
        %sign3A_146 = arith.cmpi slt, %add3A_138, %sign3A_145 : i32
        %sign3A_147 = arith.extui %sign3A_146 : i1 to i32
        %sign3A_148 = arith.subi %sign3A_144, %sign3A_147 : i32
        %sign3A_149 = arith.constant 0 : i32
        %sign3A_150 = arith.cmpi sgt, %jit3A, %sign3A_149 : i32
        %sign3A_151 = arith.extui %sign3A_150 : i1 to i32
        %sign3A_152 = arith.constant 0 : i32
        %sign3A_153 = arith.cmpi slt, %jit3A, %sign3A_152 : i32
        %sign3A_154 = arith.extui %sign3A_153 : i1 to i32
        %sign3A_155 = arith.subi %sign3A_151, %sign3A_154 : i32
        %ne3A = arith.cmpi ne, %sign3A_148, %sign3A_155 : i32
        %rem3A = arith.remsi %add3A_138, %jit3A : i32
        %ne3A_156 = arith.constant 0 : i32
        %ne3A_157 = arith.cmpi ne, %rem3A, %ne3A_156 : i32
        %and3A = arith.andi %ne3A, %ne3A_157 : i1
        %sub3A_158 = arith.constant 1 : i32
        %sub3A_159 = arith.subi %div3A, %sub3A_158 : i32
        %select_n3A = arith.select %and3A, %sub3A_159, %div3A : i32
        %mul3A_160 = arith.constant 128 : i32
        %mul3A_161 = arith.muli %select_n3A, %mul3A_160 : i32
        %sub3A_162 = arith.subi %add3A_138, %mul3A_161 : i32
        %swap3A = arith.index_cast %select_n3A : i32 to index
        %swap3A_163 = arith.index_cast %sub3A_162 : i32 to index
        %swap3A_164 = tpu.vector_load %arg6[%swap3A, %swap3A_163] {strides = array<i32>} : memref<200x256xf32, #tpu.memory_space<vmem>>, vector<16xf32>,
        tpu.vector_store %arg6[%swap3A, %swap3A_163], %gather3A {strides = array<i32>} : memref<200x256xf32, #tpu.memory_space<vmem>>, vector<16xf32>,
        %add3A_165 = arith.constant 128 : i32
        %add3A_166 = arith.addi %sub3A_162, %add3A_165 : i32
        %swap3A_167 = arith.index_cast %select_n3A : i32 to index
        %swap3A_168 = arith.index_cast %add3A_166 : i32 to index
        %swap3A_169 = tpu.vector_load %arg6[%swap3A_167, %swap3A_168] {strides = array<i32>} : memref<200x256xf32, #tpu.memory_space<vmem>>, vector<16xf32>,
        tpu.vector_store %arg6[%swap3A_167, %swap3A_168], %gather3A_142 {strides = array<i32>} : memref<200x256xf32, #tpu.memory_space<vmem>>, vector<16xf32>,
        %add3A_170 = arith.constant 16 : i32
        %add3A_171 = arith.addi %mul3A_133, %add3A_170 : i32
        %mul3A_172 = arith.constant 640 : i32
        %mul3A_173 = arith.muli %add3A_63, %mul3A_172 : i32
        %add3A_174 = arith.addi %mul3A_173, %add3A_171 : i32
        %add3A_175 = vector.broadcast %add3A_171 : i32 to vector<16xi32>
        %add3A_176 = arith.addi %iota3A, %add3A_175 : vector<16xi32>
        %get3A_177 = arith.index_cast %add3A_171 : i32 to index
        %get3A_178 = tpu.vector_load %arg16[%get3A_177] {strides = array<i32>} : memref<640xi32, #tpu.memory_space<vmem>>, vector<16xi32>,
        %gather3A_179 = tpu.vector_load_idx %arg20[%add3A_176, %get3A_178] : memref<640x8xf32, #tpu.memory_space<vmem>>[vector<16xi32>, vector<16xi32>], vector<16xf32>,
        %gather3A_180 = tpu.vector_load_idx %arg24[%add3A_176, %get3A_178] : memref<640x8xf32, #tpu.memory_space<vmem>>[vector<16xi32>, vector<16xi32>], vector<16xf32>,
        %jit3A_181 = arith.constant 128 : i32
        %div3A_182 = arith.divsi %add3A_174, %jit3A_181 : i32
        %sign3A_183 = arith.constant 0 : i32
        %sign3A_184 = arith.cmpi sgt, %add3A_174, %sign3A_183 : i32
        %sign3A_185 = arith.extui %sign3A_184 : i1 to i32
        %sign3A_186 = arith.constant 0 : i32
        %sign3A_187 = arith.cmpi slt, %add3A_174, %sign3A_186 : i32
        %sign3A_188 = arith.extui %sign3A_187 : i1 to i32
        %sign3A_189 = arith.subi %sign3A_185, %sign3A_188 : i32
        %sign3A_190 = arith.constant 0 : i32
        %sign3A_191 = arith.cmpi sgt, %jit3A_181, %sign3A_190 : i32
        %sign3A_192 = arith.extui %sign3A_191 : i1 to i32
        %sign3A_193 = arith.constant 0 : i32
        %sign3A_194 = arith.cmpi slt, %jit3A_181, %sign3A_193 : i32
        %sign3A_195 = arith.extui %sign3A_194 : i1 to i32
        %sign3A_196 = arith.subi %sign3A_192, %sign3A_195 : i32
        %ne3A_197 = arith.cmpi ne, %sign3A_189, %sign3A_196 : i32
        %rem3A_198 = arith.remsi %add3A_174, %jit3A_181 : i32
        %ne3A_199 = arith.constant 0 : i32
        %ne3A_200 = arith.cmpi ne, %rem3A_198, %ne3A_199 : i32
        %and3A_201 = arith.andi %ne3A_197, %ne3A_200 : i1
        %sub3A_202 = arith.constant 1 : i32
        %sub3A_203 = arith.subi %div3A_182, %sub3A_202 : i32
        %select_n3A_204 = arith.select %and3A_201, %sub3A_203, %div3A_182 : i32
        %mul3A_205 = arith.constant 128 : i32
        %mul3A_206 = arith.muli %select_n3A_204, %mul3A_205 : i32
        %sub3A_207 = arith.subi %add3A_174, %mul3A_206 : i32
        %swap3A_208 = arith.index_cast %select_n3A_204 : i32 to index
        %swap3A_209 = arith.index_cast %sub3A_207 : i32 to index
        %swap3A_210 = tpu.vector_load %arg6[%swap3A_208, %swap3A_209] {strides = array<i32>} : memref<200x256xf32, #tpu.memory_space<vmem>>, vector<16xf32>,
        tpu.vector_store %arg6[%swap3A_208, %swap3A_209], %gather3A_179 {strides = array<i32>} : memref<200x256xf32, #tpu.memory_space<vmem>>, vector<16xf32>,
        %add3A_211 = arith.constant 128 : i32
        %add3A_212 = arith.addi %sub3A_207, %add3A_211 : i32
        %swap3A_213 = arith.index_cast %select_n3A_204 : i32 to index
        %swap3A_214 = arith.index_cast %add3A_212 : i32 to index
        %swap3A_215 = tpu.vector_load %arg6[%swap3A_213, %swap3A_214] {strides = array<i32>} : memref<200x256xf32, #tpu.memory_space<vmem>>, vector<16xf32>,
        tpu.vector_store %arg6[%swap3A_213, %swap3A_214], %gather3A_180 {strides = array<i32>} : memref<200x256xf32, #tpu.memory_space<vmem>>, vector<16xf32>,
        %add3A_216 = arith.constant 32 : i32
        %add3A_217 = arith.addi %mul3A_133, %add3A_216 : i32
        %mul3A_218 = arith.constant 640 : i32
        %mul3A_219 = arith.muli %add3A_63, %mul3A_218 : i32
        %add3A_220 = arith.addi %mul3A_219, %add3A_217 : i32
        %add3A_221 = vector.broadcast %add3A_217 : i32 to vector<16xi32>
        %add3A_222 = arith.addi %iota3A, %add3A_221 : vector<16xi32>
        %get3A_223 = arith.index_cast %add3A_217 : i32 to index
        %get3A_224 = tpu.vector_load %arg16[%get3A_223] {strides = array<i32>} : memref<640xi32, #tpu.memory_space<vmem>>, vector<16xi32>,
        %gather3A_225 = tpu.vector_load_idx %arg20[%add3A_222, %get3A_224] : memref<640x8xf32, #tpu.memory_space<vmem>>[vector<16xi32>, vector<16xi32>], vector<16xf32>,
        %gather3A_226 = tpu.vector_load_idx %arg24[%add3A_222, %get3A_224] : memref<640x8xf32, #tpu.memory_space<vmem>>[vector<16xi32>, vector<16xi32>], vector<16xf32>,
        %jit3A_227 = arith.constant 128 : i32
        %div3A_228 = arith.divsi %add3A_220, %jit3A_227 : i32
        %sign3A_229 = arith.constant 0 : i32
        %sign3A_230 = arith.cmpi sgt, %add3A_220, %sign3A_229 : i32
        %sign3A_231 = arith.extui %sign3A_230 : i1 to i32
        %sign3A_232 = arith.constant 0 : i32
        %sign3A_233 = arith.cmpi slt, %add3A_220, %sign3A_232 : i32
        %sign3A_234 = arith.extui %sign3A_233 : i1 to i32
        %sign3A_235 = arith.subi %sign3A_231, %sign3A_234 : i32
        %sign3A_236 = arith.constant 0 : i32
        %sign3A_237 = arith.cmpi sgt, %jit3A_227, %sign3A_236 : i32
        %sign3A_238 = arith.extui %sign3A_237 : i1 to i32
        %sign3A_239 = arith.constant 0 : i32
        %sign3A_240 = arith.cmpi slt, %jit3A_227, %sign3A_239 : i32
        %sign3A_241 = arith.extui %sign3A_240 : i1 to i32
        %sign3A_242 = arith.subi %sign3A_238, %sign3A_241 : i32
        %ne3A_243 = arith.cmpi ne, %sign3A_235, %sign3A_242 : i32
        %rem3A_244 = arith.remsi %add3A_220, %jit3A_227 : i32
        %ne3A_245 = arith.constant 0 : i32
        %ne3A_246 = arith.cmpi ne, %rem3A_244, %ne3A_245 : i32
        %and3A_247 = arith.andi %ne3A_243, %ne3A_246 : i1
        %sub3A_248 = arith.constant 1 : i32
        %sub3A_249 = arith.subi %div3A_228, %sub3A_248 : i32
        %select_n3A_250 = arith.select %and3A_247, %sub3A_249, %div3A_228 : i32
        %mul3A_251 = arith.constant 128 : i32
        %mul3A_252 = arith.muli %select_n3A_250, %mul3A_251 : i32
        %sub3A_253 = arith.subi %add3A_220, %mul3A_252 : i32
        %swap3A_254 = arith.index_cast %select_n3A_250 : i32 to index
        %swap3A_255 = arith.index_cast %sub3A_253 : i32 to index
        %swap3A_256 = tpu.vector_load %arg6[%swap3A_254, %swap3A_255] {strides = array<i32>} : memref<200x256xf32, #tpu.memory_space<vmem>>, vector<16xf32>,
        tpu.vector_store %arg6[%swap3A_254, %swap3A_255], %gather3A_225 {strides = array<i32>} : memref<200x256xf32, #tpu.memory_space<vmem>>, vector<16xf32>,
        %add3A_257 = arith.constant 128 : i32
        %add3A_258 = arith.addi %sub3A_253, %add3A_257 : i32
        %swap3A_259 = arith.index_cast %select_n3A_250 : i32 to index
        %swap3A_260 = arith.index_cast %add3A_258 : i32 to index
        %swap3A_261 = tpu.vector_load %arg6[%swap3A_259, %swap3A_260] {strides = array<i32>} : memref<200x256xf32, #tpu.memory_space<vmem>>, vector<16xf32>,
        tpu.vector_store %arg6[%swap3A_259, %swap3A_260], %gather3A_226 {strides = array<i32>} : memref<200x256xf32, #tpu.memory_space<vmem>>, vector<16xf32>,
        %add3A_262 = arith.constant 48 : i32
        %add3A_263 = arith.addi %mul3A_133, %add3A_262 : i32
        %mul3A_264 = arith.constant 640 : i32
        %mul3A_265 = arith.muli %add3A_63, %mul3A_264 : i32
        %add3A_266 = arith.addi %mul3A_265, %add3A_263 : i32
        %add3A_267 = vector.broadcast %add3A_263 : i32 to vector<16xi32>
        %add3A_268 = arith.addi %iota3A, %add3A_267 : vector<16xi32>
        %get3A_269 = arith.index_cast %add3A_263 : i32 to index
        %get3A_270 = tpu.vector_load %arg16[%get3A_269] {strides = array<i32>} : memref<640xi32, #tpu.memory_space<vmem>>, vector<16xi32>,
        %gather3A_271 = tpu.vector_load_idx %arg20[%add3A_268, %get3A_270] : memref<640x8xf32, #tpu.memory_space<vmem>>[vector<16xi32>, vector<16xi32>], vector<16xf32>,
        %gather3A_272 = tpu.vector_load_idx %arg24[%add3A_268, %get3A_270] : memref<640x8xf32, #tpu.memory_space<vmem>>[vector<16xi32>, vector<16xi32>], vector<16xf32>,
        %jit3A_273 = arith.constant 128 : i32
        %div3A_274 = arith.divsi %add3A_266, %jit3A_273 : i32
        %sign3A_275 = arith.constant 0 : i32
        %sign3A_276 = arith.cmpi sgt, %add3A_266, %sign3A_275 : i32
        %sign3A_277 = arith.extui %sign3A_276 : i1 to i32
        %sign3A_278 = arith.constant 0 : i32
        %sign3A_279 = arith.cmpi slt, %add3A_266, %sign3A_278 : i32
        %sign3A_280 = arith.extui %sign3A_279 : i1 to i32
        %sign3A_281 = arith.subi %sign3A_277, %sign3A_280 : i32
        %sign3A_282 = arith.constant 0 : i32
        %sign3A_283 = arith.cmpi sgt, %jit3A_273, %sign3A_282 : i32
        %sign3A_284 = arith.extui %sign3A_283 : i1 to i32
        %sign3A_285 = arith.constant 0 : i32
        %sign3A_286 = arith.cmpi slt, %jit3A_273, %sign3A_285 : i32
        %sign3A_287 = arith.extui %sign3A_286 : i1 to i32
        %sign3A_288 = arith.subi %sign3A_284, %sign3A_287 : i32
        %ne3A_289 = arith.cmpi ne, %sign3A_281, %sign3A_288 : i32
        %rem3A_290 = arith.remsi %add3A_266, %jit3A_273 : i32
        %ne3A_291 = arith.constant 0 : i32
        %ne3A_292 = arith.cmpi ne, %rem3A_290, %ne3A_291 : i32
        %and3A_293 = arith.andi %ne3A_289, %ne3A_292 : i1
        %sub3A_294 = arith.constant 1 : i32
        %sub3A_295 = arith.subi %div3A_274, %sub3A_294 : i32
        %select_n3A_296 = arith.select %and3A_293, %sub3A_295, %div3A_274 : i32
        %mul3A_297 = arith.constant 128 : i32
        %mul3A_298 = arith.muli %select_n3A_296, %mul3A_297 : i32
        %sub3A_299 = arith.subi %add3A_266, %mul3A_298 : i32
        %swap3A_300 = arith.index_cast %select_n3A_296 : i32 to index
        %swap3A_301 = arith.index_cast %sub3A_299 : i32 to index
        %swap3A_302 = tpu.vector_load %arg6[%swap3A_300, %swap3A_301] {strides = array<i32>} : memref<200x256xf32, #tpu.memory_space<vmem>>, vector<16xf32>,
        tpu.vector_store %arg6[%swap3A_300, %swap3A_301], %gather3A_271 {strides = array<i32>} : memref<200x256xf32, #tpu.memory_space<vmem>>, vector<16xf32>,
        %add3A_303 = arith.constant 128 : i32
        %add3A_304 = arith.addi %sub3A_299, %add3A_303 : i32
        %swap3A_305 = arith.index_cast %select_n3A_296 : i32 to index
        %swap3A_306 = arith.index_cast %add3A_304 : i32 to index
        %swap3A_307 = tpu.vector_load %arg6[%swap3A_305, %swap3A_306] {strides = array<i32>} : memref<200x256xf32, #tpu.memory_space<vmem>>, vector<16xf32>,
        tpu.vector_store %arg6[%swap3A_305, %swap3A_306], %gather3A_272 {strides = array<i32>} : memref<200x256xf32, #tpu.memory_space<vmem>>, vector<16xf32>,
      }
      %scan3A_84 = arith.constant 10 : i32
      %add3A_85 = arith.constant 2 : i32
      %add3A_86 = arith.addi %mul3A_43, %add3A_85 : i32
      %add3A_87 = arith.constant 4 : i32
      %add3A_88 = arith.addi %add3A_86, %add3A_87 : i32
      %sub3A_89 = arith.constant 1 : i32
      %sub3A_90 = arith.subi %add3A_88, %sub3A_89 : i32
      %lt3A_91 = arith.constant 40 : i32
      %lt3A_92 = arith.cmpi slt, %sub3A_90, %lt3A_91 : i32
      %convert_element_type3A_93 = arith.extui %lt3A_92 : i1 to i32
      %cond3A_94 = arith.constant 0 : i32
      %cond3A_95 = arith.cmpi ne, %convert_element_type3A_93, %cond3A_94 : i32
      scf.if %cond3A_95 {
        %scan3A_131 = arith.constant 0 : i32
        %scan3A_132 = arith.constant 0 : i32
        %scan3A_133 = arith.constant 10 : i32
        %scan3A_134 = arith.addi %scan3A_132, %scan3A_133 : i32
        %scan3A_135 = arith.constant 1 : i32
        scf.for %scan3A_143 = %scan3A_132 to %scan3A_134 step %scan3A_135  : i32 {
          %mul3A_144 = arith.constant 64 : i32
          %mul3A_145 = arith.muli %scan3A_143, %mul3A_144 : i32
          %add3A_146 = arith.constant 0 : i32
          %add3A_147 = arith.addi %mul3A_145, %add3A_146 : i32
          %mul3A_148 = arith.constant 640 : i32
          %mul3A_149 = arith.muli %sub3A_90, %mul3A_148 : i32
          %add3A_150 = arith.addi %mul3A_149, %add3A_147 : i32
          %jit3A = arith.constant 128 : i32
          %div3A = arith.divsi %add3A_150, %jit3A : i32
          %sign3A = arith.constant 0 : i32
          %sign3A_151 = arith.cmpi sgt, %add3A_150, %sign3A : i32
          %sign3A_152 = arith.extui %sign3A_151 : i1 to i32
          %sign3A_153 = arith.constant 0 : i32
          %sign3A_154 = arith.cmpi slt, %add3A_150, %sign3A_153 : i32
          %sign3A_155 = arith.extui %sign3A_154 : i1 to i32
          %sign3A_156 = arith.subi %sign3A_152, %sign3A_155 : i32
          %sign3A_157 = arith.constant 0 : i32
          %sign3A_158 = arith.cmpi sgt, %jit3A, %sign3A_157 : i32
          %sign3A_159 = arith.extui %sign3A_158 : i1 to i32
          %sign3A_160 = arith.constant 0 : i32
          %sign3A_161 = arith.cmpi slt, %jit3A, %sign3A_160 : i32
          %sign3A_162 = arith.extui %sign3A_161 : i1 to i32
          %sign3A_163 = arith.subi %sign3A_159, %sign3A_162 : i32
          %ne3A = arith.cmpi ne, %sign3A_156, %sign3A_163 : i32
          %rem3A = arith.remsi %add3A_150, %jit3A : i32
          %ne3A_164 = arith.constant 0 : i32
          %ne3A_165 = arith.cmpi ne, %rem3A, %ne3A_164 : i32
          %and3A = arith.andi %ne3A, %ne3A_165 : i1
          %sub3A_166 = arith.constant 1 : i32
          %sub3A_167 = arith.subi %div3A, %sub3A_166 : i32
          %select_n3A = arith.select %and3A, %sub3A_167, %div3A : i32
          %mul3A_168 = arith.constant 128 : i32
          %mul3A_169 = arith.muli %select_n3A, %mul3A_168 : i32
          %sub3A_170 = arith.subi %add3A_150, %mul3A_169 : i32
          %jit3A_171 = arith.constant 8 : i32
          %div3A_172 = arith.divsi %select_n3A, %jit3A_171 : i32
          %sign3A_173 = arith.constant 0 : i32
          %sign3A_174 = arith.cmpi sgt, %select_n3A, %sign3A_173 : i32
          %sign3A_175 = arith.extui %sign3A_174 : i1 to i32
          %sign3A_176 = arith.constant 0 : i32
          %sign3A_177 = arith.cmpi slt, %select_n3A, %sign3A_176 : i32
          %sign3A_178 = arith.extui %sign3A_177 : i1 to i32
          %sign3A_179 = arith.subi %sign3A_175, %sign3A_178 : i32
          %sign3A_180 = arith.constant 0 : i32
          %sign3A_181 = arith.cmpi sgt, %jit3A_171, %sign3A_180 : i32
          %sign3A_182 = arith.extui %sign3A_181 : i1 to i32
          %sign3A_183 = arith.constant 0 : i32
          %sign3A_184 = arith.cmpi slt, %jit3A_171, %sign3A_183 : i32
          %sign3A_185 = arith.extui %sign3A_184 : i1 to i32
          %sign3A_186 = arith.subi %sign3A_182, %sign3A_185 : i32
          %ne3A_187 = arith.cmpi ne, %sign3A_179, %sign3A_186 : i32
          %rem3A_188 = arith.remsi %select_n3A, %jit3A_171 : i32
          %ne3A_189 = arith.constant 0 : i32
          %ne3A_190 = arith.cmpi ne, %rem3A_188, %ne3A_189 : i32
          %and3A_191 = arith.andi %ne3A_187, %ne3A_190 : i1
          %sub3A_192 = arith.constant 1 : i32
          %sub3A_193 = arith.subi %div3A_172, %sub3A_192 : i32
          %select_n3A_194 = arith.select %and3A_191, %sub3A_193, %div3A_172 : i32
          %jit3A_195 = arith.constant 8 : i32
          %eq3A = arith.constant 0 : i32
          %eq3A_196 = arith.cmpi eq, %jit3A_195, %eq3A : i32
          %jit3A_197 = arith.constant 1 : i32
          %select_n3A_198 = arith.select %eq3A_196, %jit3A_197, %jit3A_195 : i32
          %rem3A_199 = arith.remsi %select_n3A, %select_n3A_198 : i32
          %ne3A_200 = arith.constant 0 : i32
          %ne3A_201 = arith.cmpi ne, %rem3A_199, %ne3A_200 : i32
          %lt3A_202 = arith.constant 0 : i32
          %lt3A_203 = arith.cmpi slt, %rem3A_199, %lt3A_202 : i32
          %lt3A_204 = arith.constant 0 : i32
          %lt3A_205 = arith.cmpi slt, %select_n3A_198, %lt3A_204 : i32
          %ne3A_206 = arith.xori %lt3A_203, %lt3A_205 : i1
          %and3A_207 = arith.andi %ne3A_206, %ne3A_201 : i1
          %add3A_208 = arith.addi %rem3A_199, %select_n3A_198 : i32
          %select_n3A_209 = arith.select %and3A_207, %add3A_208, %rem3A_199 : i32
          %mul3A_210 = arith.constant 128 : i32
          %mul3A_211 = arith.muli %select_n3A_209, %mul3A_210 : i32
          %add3A_212 = arith.addi %mul3A_211, %sub3A_170 : i32
          %get3A = arith.index_cast %select_n3A_194 : i32 to index
          %get3A_213 = arith.index_cast %add3A_212 : i32 to index
          %get3A_214 = tpu.vector_load %arg5[%get3A, %get3A_213] {strides = array<i32>} : memref<25x1024xi32, #tpu.memory_space<vmem>>, vector<16xi32>,
          %shift_right_logical3A = arith.constant 3 : i32
          %shift_right_logical3A_215 = vector.broadcast %shift_right_logical3A : i32 to vector<16xi32>
          %shift_right_logical3A_216 = arith.shrui %get3A_214, %shift_right_logical3A_215 : vector<16xi32>
          %shift_right_logical3A_217 = arith.constant 7 : i32
          %shift_right_logical3A_218 = vector.broadcast %shift_right_logical3A_217 : i32 to vector<16xi32>
          %shift_right_logical3A_219 = arith.shrui %get3A_214, %shift_right_logical3A_218 : vector<16xi32>
          %shift_left3A = arith.constant 4 : i32
          %shift_left3A_220 = vector.broadcast %shift_left3A : i32 to vector<16xi32>
          %shift_left3A_221 = arith.shli %shift_right_logical3A_219, %shift_left3A_220 : vector<16xi32>
          %add3A_222 = arith.addi %shift_right_logical3A_216, %shift_left3A_221 : vector<16xi32>
          %swap3A = arith.index_cast %add3A_147 : i32 to index
          %swap3A_223 = tpu.vector_load %arg8[%swap3A] {strides = array<i32>} : memref<640xi32, #tpu.memory_space<vmem>>, vector<16xi32>,
          tpu.vector_store %arg8[%swap3A], %add3A_222 {strides = array<i32>} : memref<640xi32, #tpu.memory_space<vmem>>, vector<16xi32>,
          %add3A_224 = arith.constant 16 : i32
          %add3A_225 = vector.broadcast %add3A_224 : i32 to vector<16xi32>
          %add3A_226 = arith.addi %add3A_222, %add3A_225 : vector<16xi32>
          %swap3A_227 = arith.index_cast %add3A_147 : i32 to index
          %swap3A_228 = tpu.vector_load %arg12[%swap3A_227] {strides = array<i32>} : memref<640xi32, #tpu.memory_space<vmem>>, vector<16xi32>,
          tpu.vector_store %arg12[%swap3A_227], %add3A_226 {strides = array<i32>} : memref<640xi32, #tpu.memory_space<vmem>>, vector<16xi32>,
          %and3A_229 = arith.constant 7 : i32
          %and3A_230 = vector.broadcast %and3A_229 : i32 to vector<16xi32>
          %and3A_231 = arith.andi %get3A_214, %and3A_230 : vector<16xi32>
          %swap3A_232 = arith.index_cast %add3A_147 : i32 to index
          %swap3A_233 = tpu.vector_load %arg16[%swap3A_232] {strides = array<i32>} : memref<640xi32, #tpu.memory_space<vmem>>, vector<16xi32>,
          tpu.vector_store %arg16[%swap3A_232], %and3A_231 {strides = array<i32>} : memref<640xi32, #tpu.memory_space<vmem>>, vector<16xi32>,
          %add3A_234 = arith.constant 16 : i32
          %add3A_235 = arith.addi %mul3A_145, %add3A_234 : i32
          %mul3A_236 = arith.constant 640 : i32
          %mul3A_237 = arith.muli %sub3A_90, %mul3A_236 : i32
          %add3A_238 = arith.addi %mul3A_237, %add3A_235 : i32
          %jit3A_239 = arith.constant 128 : i32
          %div3A_240 = arith.divsi %add3A_238, %jit3A_239 : i32
          %sign3A_241 = arith.constant 0 : i32
          %sign3A_242 = arith.cmpi sgt, %add3A_238, %sign3A_241 : i32
          %sign3A_243 = arith.extui %sign3A_242 : i1 to i32
          %sign3A_244 = arith.constant 0 : i32
          %sign3A_245 = arith.cmpi slt, %add3A_238, %sign3A_244 : i32
          %sign3A_246 = arith.extui %sign3A_245 : i1 to i32
          %sign3A_247 = arith.subi %sign3A_243, %sign3A_246 : i32
          %sign3A_248 = arith.constant 0 : i32
          %sign3A_249 = arith.cmpi sgt, %jit3A_239, %sign3A_248 : i32
          %sign3A_250 = arith.extui %sign3A_249 : i1 to i32
          %sign3A_251 = arith.constant 0 : i32
          %sign3A_252 = arith.cmpi slt, %jit3A_239, %sign3A_251 : i32
          %sign3A_253 = arith.extui %sign3A_252 : i1 to i32
          %sign3A_254 = arith.subi %sign3A_250, %sign3A_253 : i32
          %ne3A_255 = arith.cmpi ne, %sign3A_247, %sign3A_254 : i32
          %rem3A_256 = arith.remsi %add3A_238, %jit3A_239 : i32
          %ne3A_257 = arith.constant 0 : i32
          %ne3A_258 = arith.cmpi ne, %rem3A_256, %ne3A_257 : i32
          %and3A_259 = arith.andi %ne3A_255, %ne3A_258 : i1
          %sub3A_260 = arith.constant 1 : i32
          %sub3A_261 = arith.subi %div3A_240, %sub3A_260 : i32
          %select_n3A_262 = arith.select %and3A_259, %sub3A_261, %div3A_240 : i32
          %mul3A_263 = arith.constant 128 : i32
          %mul3A_264 = arith.muli %select_n3A_262, %mul3A_263 : i32
          %sub3A_265 = arith.subi %add3A_238, %mul3A_264 : i32
          %jit3A_266 = arith.constant 8 : i32
          %div3A_267 = arith.divsi %select_n3A_262, %jit3A_266 : i32
          %sign3A_268 = arith.constant 0 : i32
          %sign3A_269 = arith.cmpi sgt, %select_n3A_262, %sign3A_268 : i32
          %sign3A_270 = arith.extui %sign3A_269 : i1 to i32
          %sign3A_271 = arith.constant 0 : i32
          %sign3A_272 = arith.cmpi slt, %select_n3A_262, %sign3A_271 : i32
          %sign3A_273 = arith.extui %sign3A_272 : i1 to i32
          %sign3A_274 = arith.subi %sign3A_270, %sign3A_273 : i32
          %sign3A_275 = arith.constant 0 : i32
          %sign3A_276 = arith.cmpi sgt, %jit3A_266, %sign3A_275 : i32
          %sign3A_277 = arith.extui %sign3A_276 : i1 to i32
          %sign3A_278 = arith.constant 0 : i32
          %sign3A_279 = arith.cmpi slt, %jit3A_266, %sign3A_278 : i32
          %sign3A_280 = arith.extui %sign3A_279 : i1 to i32
          %sign3A_281 = arith.subi %sign3A_277, %sign3A_280 : i32
          %ne3A_282 = arith.cmpi ne, %sign3A_274, %sign3A_281 : i32
          %rem3A_283 = arith.remsi %select_n3A_262, %jit3A_266 : i32
          %ne3A_284 = arith.constant 0 : i32
          %ne3A_285 = arith.cmpi ne, %rem3A_283, %ne3A_284 : i32
          %and3A_286 = arith.andi %ne3A_282, %ne3A_285 : i1
          %sub3A_287 = arith.constant 1 : i32
          %sub3A_288 = arith.subi %div3A_267, %sub3A_287 : i32
          %select_n3A_289 = arith.select %and3A_286, %sub3A_288, %div3A_267 : i32
          %jit3A_290 = arith.constant 8 : i32
          %eq3A_291 = arith.constant 0 : i32
          %eq3A_292 = arith.cmpi eq, %jit3A_290, %eq3A_291 : i32
          %jit3A_293 = arith.constant 1 : i32
          %select_n3A_294 = arith.select %eq3A_292, %jit3A_293, %jit3A_290 : i32
          %rem3A_295 = arith.remsi %select_n3A_262, %select_n3A_294 : i32
          %ne3A_296 = arith.constant 0 : i32
          %ne3A_297 = arith.cmpi ne, %rem3A_295, %ne3A_296 : i32
          %lt3A_298 = arith.constant 0 : i32
          %lt3A_299 = arith.cmpi slt, %rem3A_295, %lt3A_298 : i32
          %lt3A_300 = arith.constant 0 : i32
          %lt3A_301 = arith.cmpi slt, %select_n3A_294, %lt3A_300 : i32
          %ne3A_302 = arith.xori %lt3A_299, %lt3A_301 : i1
          %and3A_303 = arith.andi %ne3A_302, %ne3A_297 : i1
          %add3A_304 = arith.addi %rem3A_295, %select_n3A_294 : i32
          %select_n3A_305 = arith.select %and3A_303, %add3A_304, %rem3A_295 : i32
          %mul3A_306 = arith.constant 128 : i32
          %mul3A_307 = arith.muli %select_n3A_305, %mul3A_306 : i32
          %add3A_308 = arith.addi %mul3A_307, %sub3A_265 : i32
          %get3A_309 = arith.index_cast %select_n3A_289 : i32 to index
          %get3A_310 = arith.index_cast %add3A_308 : i32 to index
          %get3A_311 = tpu.vector_load %arg5[%get3A_309, %get3A_310] {strides = array<i32>} : memref<25x1024xi32, #tpu.memory_space<vmem>>, vector<16xi32>,
          %shift_right_logical3A_312 = arith.constant 3 : i32
          %shift_right_logical3A_313 = vector.broadcast %shift_right_logical3A_312 : i32 to vector<16xi32>
          %shift_right_logical3A_314 = arith.shrui %get3A_311, %shift_right_logical3A_313 : vector<16xi32>
          %shift_right_logical3A_315 = arith.constant 7 : i32
          %shift_right_logical3A_316 = vector.broadcast %shift_right_logical3A_315 : i32 to vector<16xi32>
          %shift_right_logical3A_317 = arith.shrui %get3A_311, %shift_right_logical3A_316 : vector<16xi32>
          %shift_left3A_318 = arith.constant 4 : i32
          %shift_left3A_319 = vector.broadcast %shift_left3A_318 : i32 to vector<16xi32>
          %shift_left3A_320 = arith.shli %shift_right_logical3A_317, %shift_left3A_319 : vector<16xi32>
          %add3A_321 = arith.addi %shift_right_logical3A_314, %shift_left3A_320 : vector<16xi32>
          %swap3A_322 = arith.index_cast %add3A_235 : i32 to index
          %swap3A_323 = tpu.vector_load %arg8[%swap3A_322] {strides = array<i32>} : memref<640xi32, #tpu.memory_space<vmem>>, vector<16xi32>,
          tpu.vector_store %arg8[%swap3A_322], %add3A_321 {strides = array<i32>} : memref<640xi32, #tpu.memory_space<vmem>>, vector<16xi32>,
          %add3A_324 = arith.constant 16 : i32
          %add3A_325 = vector.broadcast %add3A_324 : i32 to vector<16xi32>
          %add3A_326 = arith.addi %add3A_321, %add3A_325 : vector<16xi32>
          %swap3A_327 = arith.index_cast %add3A_235 : i32 to index
          %swap3A_328 = tpu.vector_load %arg12[%swap3A_327] {strides = array<i32>} : memref<640xi32, #tpu.memory_space<vmem>>, vector<16xi32>,
          tpu.vector_store %arg12[%swap3A_327], %add3A_326 {strides = array<i32>} : memref<640xi32, #tpu.memory_space<vmem>>, vector<16xi32>,
          %and3A_329 = arith.constant 7 : i32
          %and3A_330 = vector.broadcast %and3A_329 : i32 to vector<16xi32>
          %and3A_331 = arith.andi %get3A_311, %and3A_330 : vector<16xi32>
          %swap3A_332 = arith.index_cast %add3A_235 : i32 to index
          %swap3A_333 = tpu.vector_load %arg16[%swap3A_332] {strides = array<i32>} : memref<640xi32, #tpu.memory_space<vmem>>, vector<16xi32>,
          tpu.vector_store %arg16[%swap3A_332], %and3A_331 {strides = array<i32>} : memref<640xi32, #tpu.memory_space<vmem>>, vector<16xi32>,
          %add3A_334 = arith.constant 32 : i32
          %add3A_335 = arith.addi %mul3A_145, %add3A_334 : i32
          %mul3A_336 = arith.constant 640 : i32
          %mul3A_337 = arith.muli %sub3A_90, %mul3A_336 : i32
          %add3A_338 = arith.addi %mul3A_337, %add3A_335 : i32
          %jit3A_339 = arith.constant 128 : i32
          %div3A_340 = arith.divsi %add3A_338, %jit3A_339 : i32
          %sign3A_341 = arith.constant 0 : i32
          %sign3A_342 = arith.cmpi sgt, %add3A_338, %sign3A_341 : i32
          %sign3A_343 = arith.extui %sign3A_342 : i1 to i32
          %sign3A_344 = arith.constant 0 : i32
          %sign3A_345 = arith.cmpi slt, %add3A_338, %sign3A_344 : i32
          %sign3A_346 = arith.extui %sign3A_345 : i1 to i32
          %sign3A_347 = arith.subi %sign3A_343, %sign3A_346 : i32
          %sign3A_348 = arith.constant 0 : i32
          %sign3A_349 = arith.cmpi sgt, %jit3A_339, %sign3A_348 : i32
          %sign3A_350 = arith.extui %sign3A_349 : i1 to i32
          %sign3A_351 = arith.constant 0 : i32
          %sign3A_352 = arith.cmpi slt, %jit3A_339, %sign3A_351 : i32
          %sign3A_353 = arith.extui %sign3A_352 : i1 to i32
          %sign3A_354 = arith.subi %sign3A_350, %sign3A_353 : i32
          %ne3A_355 = arith.cmpi ne, %sign3A_347, %sign3A_354 : i32
          %rem3A_356 = arith.remsi %add3A_338, %jit3A_339 : i32
          %ne3A_357 = arith.constant 0 : i32
          %ne3A_358 = arith.cmpi ne, %rem3A_356, %ne3A_357 : i32
          %and3A_359 = arith.andi %ne3A_355, %ne3A_358 : i1
          %sub3A_360 = arith.constant 1 : i32
          %sub3A_361 = arith.subi %div3A_340, %sub3A_360 : i32
          %select_n3A_362 = arith.select %and3A_359, %sub3A_361, %div3A_340 : i32
          %mul3A_363 = arith.constant 128 : i32
          %mul3A_364 = arith.muli %select_n3A_362, %mul3A_363 : i32
          %sub3A_365 = arith.subi %add3A_338, %mul3A_364 : i32
          %jit3A_366 = arith.constant 8 : i32
          %div3A_367 = arith.divsi %select_n3A_362, %jit3A_366 : i32
          %sign3A_368 = arith.constant 0 : i32
          %sign3A_369 = arith.cmpi sgt, %select_n3A_362, %sign3A_368 : i32
          %sign3A_370 = arith.extui %sign3A_369 : i1 to i32
          %sign3A_371 = arith.constant 0 : i32
          %sign3A_372 = arith.cmpi slt, %select_n3A_362, %sign3A_371 : i32
          %sign3A_373 = arith.extui %sign3A_372 : i1 to i32
          %sign3A_374 = arith.subi %sign3A_370, %sign3A_373 : i32
          %sign3A_375 = arith.constant 0 : i32
          %sign3A_376 = arith.cmpi sgt, %jit3A_366, %sign3A_375 : i32
          %sign3A_377 = arith.extui %sign3A_376 : i1 to i32
          %sign3A_378 = arith.constant 0 : i32
          %sign3A_379 = arith.cmpi slt, %jit3A_366, %sign3A_378 : i32
          %sign3A_380 = arith.extui %sign3A_379 : i1 to i32
          %sign3A_381 = arith.subi %sign3A_377, %sign3A_380 : i32
          %ne3A_382 = arith.cmpi ne, %sign3A_374, %sign3A_381 : i32
          %rem3A_383 = arith.remsi %select_n3A_362, %jit3A_366 : i32
          %ne3A_384 = arith.constant 0 : i32
          %ne3A_385 = arith.cmpi ne, %rem3A_383, %ne3A_384 : i32
          %and3A_386 = arith.andi %ne3A_382, %ne3A_385 : i1
          %sub3A_387 = arith.constant 1 : i32
          %sub3A_388 = arith.subi %div3A_367, %sub3A_387 : i32
          %select_n3A_389 = arith.select %and3A_386, %sub3A_388, %div3A_367 : i32
          %jit3A_390 = arith.constant 8 : i32
          %eq3A_391 = arith.constant 0 : i32
          %eq3A_392 = arith.cmpi eq, %jit3A_390, %eq3A_391 : i32
          %jit3A_393 = arith.constant 1 : i32
          %select_n3A_394 = arith.select %eq3A_392, %jit3A_393, %jit3A_390 : i32
          %rem3A_395 = arith.remsi %select_n3A_362, %select_n3A_394 : i32
          %ne3A_396 = arith.constant 0 : i32
          %ne3A_397 = arith.cmpi ne, %rem3A_395, %ne3A_396 : i32
          %lt3A_398 = arith.constant 0 : i32
          %lt3A_399 = arith.cmpi slt, %rem3A_395, %lt3A_398 : i32
          %lt3A_400 = arith.constant 0 : i32
          %lt3A_401 = arith.cmpi slt, %select_n3A_394, %lt3A_400 : i32
          %ne3A_402 = arith.xori %lt3A_399, %lt3A_401 : i1
          %and3A_403 = arith.andi %ne3A_402, %ne3A_397 : i1
          %add3A_404 = arith.addi %rem3A_395, %select_n3A_394 : i32
          %select_n3A_405 = arith.select %and3A_403, %add3A_404, %rem3A_395 : i32
          %mul3A_406 = arith.constant 128 : i32
          %mul3A_407 = arith.muli %select_n3A_405, %mul3A_406 : i32
          %add3A_408 = arith.addi %mul3A_407, %sub3A_365 : i32
          %get3A_409 = arith.index_cast %select_n3A_389 : i32 to index
          %get3A_410 = arith.index_cast %add3A_408 : i32 to index
          %get3A_411 = tpu.vector_load %arg5[%get3A_409, %get3A_410] {strides = array<i32>} : memref<25x1024xi32, #tpu.memory_space<vmem>>, vector<16xi32>,
          %shift_right_logical3A_412 = arith.constant 3 : i32
          %shift_right_logical3A_413 = vector.broadcast %shift_right_logical3A_412 : i32 to vector<16xi32>
          %shift_right_logical3A_414 = arith.shrui %get3A_411, %shift_right_logical3A_413 : vector<16xi32>
          %shift_right_logical3A_415 = arith.constant 7 : i32
          %shift_right_logical3A_416 = vector.broadcast %shift_right_logical3A_415 : i32 to vector<16xi32>
          %shift_right_logical3A_417 = arith.shrui %get3A_411, %shift_right_logical3A_416 : vector<16xi32>
          %shift_left3A_418 = arith.constant 4 : i32
          %shift_left3A_419 = vector.broadcast %shift_left3A_418 : i32 to vector<16xi32>
          %shift_left3A_420 = arith.shli %shift_right_logical3A_417, %shift_left3A_419 : vector<16xi32>
          %add3A_421 = arith.addi %shift_right_logical3A_414, %shift_left3A_420 : vector<16xi32>
          %swap3A_422 = arith.index_cast %add3A_335 : i32 to index
          %swap3A_423 = tpu.vector_load %arg8[%swap3A_422] {strides = array<i32>} : memref<640xi32, #tpu.memory_space<vmem>>, vector<16xi32>,
          tpu.vector_store %arg8[%swap3A_422], %add3A_421 {strides = array<i32>} : memref<640xi32, #tpu.memory_space<vmem>>, vector<16xi32>,
          %add3A_424 = arith.constant 16 : i32
          %add3A_425 = vector.broadcast %add3A_424 : i32 to vector<16xi32>
          %add3A_426 = arith.addi %add3A_421, %add3A_425 : vector<16xi32>
          %swap3A_427 = arith.index_cast %add3A_335 : i32 to index
          %swap3A_428 = tpu.vector_load %arg12[%swap3A_427] {strides = array<i32>} : memref<640xi32, #tpu.memory_space<vmem>>, vector<16xi32>,
          tpu.vector_store %arg12[%swap3A_427], %add3A_426 {strides = array<i32>} : memref<640xi32, #tpu.memory_space<vmem>>, vector<16xi32>,
          %and3A_429 = arith.constant 7 : i32
          %and3A_430 = vector.broadcast %and3A_429 : i32 to vector<16xi32>
          %and3A_431 = arith.andi %get3A_411, %and3A_430 : vector<16xi32>
          %swap3A_432 = arith.index_cast %add3A_335 : i32 to index
          %swap3A_433 = tpu.vector_load %arg16[%swap3A_432] {strides = array<i32>} : memref<640xi32, #tpu.memory_space<vmem>>, vector<16xi32>,
          tpu.vector_store %arg16[%swap3A_432], %and3A_431 {strides = array<i32>} : memref<640xi32, #tpu.memory_space<vmem>>, vector<16xi32>,
          %add3A_434 = arith.constant 48 : i32
          %add3A_435 = arith.addi %mul3A_145, %add3A_434 : i32
          %mul3A_436 = arith.constant 640 : i32
          %mul3A_437 = arith.muli %sub3A_90, %mul3A_436 : i32
          %add3A_438 = arith.addi %mul3A_437, %add3A_435 : i32
          %jit3A_439 = arith.constant 128 : i32
          %div3A_440 = arith.divsi %add3A_438, %jit3A_439 : i32
          %sign3A_441 = arith.constant 0 : i32
          %sign3A_442 = arith.cmpi sgt, %add3A_438, %sign3A_441 : i32
          %sign3A_443 = arith.extui %sign3A_442 : i1 to i32
          %sign3A_444 = arith.constant 0 : i32
          %sign3A_445 = arith.cmpi slt, %add3A_438, %sign3A_444 : i32
          %sign3A_446 = arith.extui %sign3A_445 : i1 to i32
          %sign3A_447 = arith.subi %sign3A_443, %sign3A_446 : i32
          %sign3A_448 = arith.constant 0 : i32
          %sign3A_449 = arith.cmpi sgt, %jit3A_439, %sign3A_448 : i32
          %sign3A_450 = arith.extui %sign3A_449 : i1 to i32
          %sign3A_451 = arith.constant 0 : i32
          %sign3A_452 = arith.cmpi slt, %jit3A_439, %sign3A_451 : i32
          %sign3A_453 = arith.extui %sign3A_452 : i1 to i32
          %sign3A_454 = arith.subi %sign3A_450, %sign3A_453 : i32
          %ne3A_455 = arith.cmpi ne, %sign3A_447, %sign3A_454 : i32
          %rem3A_456 = arith.remsi %add3A_438, %jit3A_439 : i32
          %ne3A_457 = arith.constant 0 : i32
          %ne3A_458 = arith.cmpi ne, %rem3A_456, %ne3A_457 : i32
          %and3A_459 = arith.andi %ne3A_455, %ne3A_458 : i1
          %sub3A_460 = arith.constant 1 : i32
          %sub3A_461 = arith.subi %div3A_440, %sub3A_460 : i32
          %select_n3A_462 = arith.select %and3A_459, %sub3A_461, %div3A_440 : i32
          %mul3A_463 = arith.constant 128 : i32
          %mul3A_464 = arith.muli %select_n3A_462, %mul3A_463 : i32
          %sub3A_465 = arith.subi %add3A_438, %mul3A_464 : i32
          %jit3A_466 = arith.constant 8 : i32
          %div3A_467 = arith.divsi %select_n3A_462, %jit3A_466 : i32
          %sign3A_468 = arith.constant 0 : i32
          %sign3A_469 = arith.cmpi sgt, %select_n3A_462, %sign3A_468 : i32
          %sign3A_470 = arith.extui %sign3A_469 : i1 to i32
          %sign3A_471 = arith.constant 0 : i32
          %sign3A_472 = arith.cmpi slt, %select_n3A_462, %sign3A_471 : i32
          %sign3A_473 = arith.extui %sign3A_472 : i1 to i32
          %sign3A_474 = arith.subi %sign3A_470, %sign3A_473 : i32
          %sign3A_475 = arith.constant 0 : i32
          %sign3A_476 = arith.cmpi sgt, %jit3A_466, %sign3A_475 : i32
          %sign3A_477 = arith.extui %sign3A_476 : i1 to i32
          %sign3A_478 = arith.constant 0 : i32
          %sign3A_479 = arith.cmpi slt, %jit3A_466, %sign3A_478 : i32
          %sign3A_480 = arith.extui %sign3A_479 : i1 to i32
          %sign3A_481 = arith.subi %sign3A_477, %sign3A_480 : i32
          %ne3A_482 = arith.cmpi ne, %sign3A_474, %sign3A_481 : i32
          %rem3A_483 = arith.remsi %select_n3A_462, %jit3A_466 : i32
          %ne3A_484 = arith.constant 0 : i32
          %ne3A_485 = arith.cmpi ne, %rem3A_483, %ne3A_484 : i32
          %and3A_486 = arith.andi %ne3A_482, %ne3A_485 : i1
          %sub3A_487 = arith.constant 1 : i32
          %sub3A_488 = arith.subi %div3A_467, %sub3A_487 : i32
          %select_n3A_489 = arith.select %and3A_486, %sub3A_488, %div3A_467 : i32
          %jit3A_490 = arith.constant 8 : i32
          %eq3A_491 = arith.constant 0 : i32
          %eq3A_492 = arith.cmpi eq, %jit3A_490, %eq3A_491 : i32
          %jit3A_493 = arith.constant 1 : i32
          %select_n3A_494 = arith.select %eq3A_492, %jit3A_493, %jit3A_490 : i32
          %rem3A_495 = arith.remsi %select_n3A_462, %select_n3A_494 : i32
          %ne3A_496 = arith.constant 0 : i32
          %ne3A_497 = arith.cmpi ne, %rem3A_495, %ne3A_496 : i32
          %lt3A_498 = arith.constant 0 : i32
          %lt3A_499 = arith.cmpi slt, %rem3A_495, %lt3A_498 : i32
          %lt3A_500 = arith.constant 0 : i32
          %lt3A_501 = arith.cmpi slt, %select_n3A_494, %lt3A_500 : i32
          %ne3A_502 = arith.xori %lt3A_499, %lt3A_501 : i1
          %and3A_503 = arith.andi %ne3A_502, %ne3A_497 : i1
          %add3A_504 = arith.addi %rem3A_495, %select_n3A_494 : i32
          %select_n3A_505 = arith.select %and3A_503, %add3A_504, %rem3A_495 : i32
          %mul3A_506 = arith.constant 128 : i32
          %mul3A_507 = arith.muli %select_n3A_505, %mul3A_506 : i32
          %add3A_508 = arith.addi %mul3A_507, %sub3A_465 : i32
          %get3A_509 = arith.index_cast %select_n3A_489 : i32 to index
          %get3A_510 = arith.index_cast %add3A_508 : i32 to index
          %get3A_511 = tpu.vector_load %arg5[%get3A_509, %get3A_510] {strides = array<i32>} : memref<25x1024xi32, #tpu.memory_space<vmem>>, vector<16xi32>,
          %shift_right_logical3A_512 = arith.constant 3 : i32
          %shift_right_logical3A_513 = vector.broadcast %shift_right_logical3A_512 : i32 to vector<16xi32>
          %shift_right_logical3A_514 = arith.shrui %get3A_511, %shift_right_logical3A_513 : vector<16xi32>
          %shift_right_logical3A_515 = arith.constant 7 : i32
          %shift_right_logical3A_516 = vector.broadcast %shift_right_logical3A_515 : i32 to vector<16xi32>
          %shift_right_logical3A_517 = arith.shrui %get3A_511, %shift_right_logical3A_516 : vector<16xi32>
          %shift_left3A_518 = arith.constant 4 : i32
          %shift_left3A_519 = vector.broadcast %shift_left3A_518 : i32 to vector<16xi32>
          %shift_left3A_520 = arith.shli %shift_right_logical3A_517, %shift_left3A_519 : vector<16xi32>
          %add3A_521 = arith.addi %shift_right_logical3A_514, %shift_left3A_520 : vector<16xi32>
          %swap3A_522 = arith.index_cast %add3A_435 : i32 to index
          %swap3A_523 = tpu.vector_load %arg8[%swap3A_522] {strides = array<i32>} : memref<640xi32, #tpu.memory_space<vmem>>, vector<16xi32>,
          tpu.vector_store %arg8[%swap3A_522], %add3A_521 {strides = array<i32>} : memref<640xi32, #tpu.memory_space<vmem>>, vector<16xi32>,
          %add3A_524 = arith.constant 16 : i32
          %add3A_525 = vector.broadcast %add3A_524 : i32 to vector<16xi32>
          %add3A_526 = arith.addi %add3A_521, %add3A_525 : vector<16xi32>
          %swap3A_527 = arith.index_cast %add3A_435 : i32 to index
          %swap3A_528 = tpu.vector_load %arg12[%swap3A_527] {strides = array<i32>} : memref<640xi32, #tpu.memory_space<vmem>>, vector<16xi32>,
          tpu.vector_store %arg12[%swap3A_527], %add3A_526 {strides = array<i32>} : memref<640xi32, #tpu.memory_space<vmem>>, vector<16xi32>,
          %and3A_529 = arith.constant 7 : i32
          %and3A_530 = vector.broadcast %and3A_529 : i32 to vector<16xi32>
          %and3A_531 = arith.andi %get3A_511, %and3A_530 : vector<16xi32>
          %swap3A_532 = arith.index_cast %add3A_435 : i32 to index
          %swap3A_533 = tpu.vector_load %arg16[%swap3A_532] {strides = array<i32>} : memref<640xi32, #tpu.memory_space<vmem>>, vector<16xi32>,
          tpu.vector_store %arg16[%swap3A_532], %and3A_531 {strides = array<i32>} : memref<640xi32, #tpu.memory_space<vmem>>, vector<16xi32>,
        }
        %scan3A_136 = arith.constant 10 : i32
        %dma_start3A_137 = arith.constant 0 : i32
        %dma_start3A_138 = arith.constant 0 : i32
        %dma_start3A_139 = tpu.memref_slice %arg3[%dma_start3A_137, %dma_start3A_138] : memref<250112x8xf32, #tpu.memory_space<hbm>> -> memref<250112x8xf32, #tpu.memory_space<hbm>>
        tpu.enqueue_indirect_dma source(%dma_start3A_139 : memref<250112x8xf32, #tpu.memory_space<hbm>>) target(%arg20 : memref<640x8xf32, #tpu.memory_space<vmem>>) offsets(%arg8 : memref<640xi32, #tpu.memory_space<vmem>>) semaphore(%arg28 : memref<!tpu.dma_semaphore, #tpu.memory_space<semaphore_mem>>)
        %dma_start3A_140 = arith.constant 0 : i32
        %dma_start3A_141 = arith.constant 0 : i32
        %dma_start3A_142 = tpu.memref_slice %arg3[%dma_start3A_140, %dma_start3A_141] : memref<250112x8xf32, #tpu.memory_space<hbm>> -> memref<250112x8xf32, #tpu.memory_space<hbm>>
        tpu.enqueue_indirect_dma source(%dma_start3A_142 : memref<250112x8xf32, #tpu.memory_space<hbm>>) target(%arg24 : memref<640x8xf32, #tpu.memory_space<vmem>>) offsets(%arg12 : memref<640xi32, #tpu.memory_space<vmem>>) semaphore(%arg32 : memref<!tpu.dma_semaphore, #tpu.memory_space<semaphore_mem>>)
      } else {
      }
      %dma_wait3A_96 = arith.constant 0 : i32
      %dma_wait3A_97 = arith.constant 0 : i32
      %dma_wait3A_98 = tpu.memref_slice %arg3[%dma_wait3A_96, %dma_wait3A_97] : memref<250112x8xf32, #tpu.memory_space<hbm>> -> memref<250112x8xf32, #tpu.memory_space<hbm>>
      tpu.wait_indirect_dma semaphore(%arg29 : memref<!tpu.dma_semaphore, #tpu.memory_space<semaphore_mem>>) src(%dma_wait3A_98 : memref<250112x8xf32, #tpu.memory_space<hbm>>) dst(%arg21 : memref<640x8xf32, #tpu.memory_space<vmem>>)
      %dma_wait3A_99 = arith.constant 0 : i32
      %dma_wait3A_100 = arith.constant 0 : i32
      %dma_wait3A_101 = tpu.memref_slice %arg3[%dma_wait3A_99, %dma_wait3A_100] : memref<250112x8xf32, #tpu.memory_space<hbm>> -> memref<250112x8xf32, #tpu.memory_space<hbm>>
      tpu.wait_indirect_dma semaphore(%arg33 : memref<!tpu.dma_semaphore, #tpu.memory_space<semaphore_mem>>) src(%dma_wait3A_101 : memref<250112x8xf32, #tpu.memory_space<hbm>>) dst(%arg25 : memref<640x8xf32, #tpu.memory_space<vmem>>)
      %scan3A_102 = arith.constant 0 : i32
      %scan3A_103 = arith.constant 0 : i32
      %scan3A_104 = arith.constant 10 : i32
      %scan3A_105 = arith.addi %scan3A_103, %scan3A_104 : i32
      %scan3A_106 = arith.constant 1 : i32
      scf.for %scan3A_131 = %scan3A_103 to %scan3A_105 step %scan3A_106  : i32 {
        %mul3A_132 = arith.constant 64 : i32
        %mul3A_133 = arith.muli %scan3A_131, %mul3A_132 : i32
        %add3A_134 = arith.constant 0 : i32
        %add3A_135 = arith.addi %mul3A_133, %add3A_134 : i32
        %mul3A_136 = arith.constant 640 : i32
        %mul3A_137 = arith.muli %add3A_86, %mul3A_136 : i32
        %add3A_138 = arith.addi %mul3A_137, %add3A_135 : i32
        %add3A_139 = vector.broadcast %add3A_135 : i32 to vector<16xi32>
        %add3A_140 = arith.addi %iota3A, %add3A_139 : vector<16xi32>
        %get3A = arith.index_cast %add3A_135 : i32 to index
        %get3A_141 = tpu.vector_load %arg17[%get3A] {strides = array<i32>} : memref<640xi32, #tpu.memory_space<vmem>>, vector<16xi32>,
        %gather3A = tpu.vector_load_idx %arg21[%add3A_140, %get3A_141] : memref<640x8xf32, #tpu.memory_space<vmem>>[vector<16xi32>, vector<16xi32>], vector<16xf32>,
        %gather3A_142 = tpu.vector_load_idx %arg25[%add3A_140, %get3A_141] : memref<640x8xf32, #tpu.memory_space<vmem>>[vector<16xi32>, vector<16xi32>], vector<16xf32>,
        %jit3A = arith.constant 128 : i32
        %div3A = arith.divsi %add3A_138, %jit3A : i32
        %sign3A = arith.constant 0 : i32
        %sign3A_143 = arith.cmpi sgt, %add3A_138, %sign3A : i32
        %sign3A_144 = arith.extui %sign3A_143 : i1 to i32
        %sign3A_145 = arith.constant 0 : i32
        %sign3A_146 = arith.cmpi slt, %add3A_138, %sign3A_145 : i32
        %sign3A_147 = arith.extui %sign3A_146 : i1 to i32
        %sign3A_148 = arith.subi %sign3A_144, %sign3A_147 : i32
        %sign3A_149 = arith.constant 0 : i32
        %sign3A_150 = arith.cmpi sgt, %jit3A, %sign3A_149 : i32
        %sign3A_151 = arith.extui %sign3A_150 : i1 to i32
        %sign3A_152 = arith.constant 0 : i32
        %sign3A_153 = arith.cmpi slt, %jit3A, %sign3A_152 : i32
        %sign3A_154 = arith.extui %sign3A_153 : i1 to i32
        %sign3A_155 = arith.subi %sign3A_151, %sign3A_154 : i32
        %ne3A = arith.cmpi ne, %sign3A_148, %sign3A_155 : i32
        %rem3A = arith.remsi %add3A_138, %jit3A : i32
        %ne3A_156 = arith.constant 0 : i32
        %ne3A_157 = arith.cmpi ne, %rem3A, %ne3A_156 : i32
        %and3A = arith.andi %ne3A, %ne3A_157 : i1
        %sub3A_158 = arith.constant 1 : i32
        %sub3A_159 = arith.subi %div3A, %sub3A_158 : i32
        %select_n3A = arith.select %and3A, %sub3A_159, %div3A : i32
        %mul3A_160 = arith.constant 128 : i32
        %mul3A_161 = arith.muli %select_n3A, %mul3A_160 : i32
        %sub3A_162 = arith.subi %add3A_138, %mul3A_161 : i32
        %swap3A = arith.index_cast %select_n3A : i32 to index
        %swap3A_163 = arith.index_cast %sub3A_162 : i32 to index
        %swap3A_164 = tpu.vector_load %arg6[%swap3A, %swap3A_163] {strides = array<i32>} : memref<200x256xf32, #tpu.memory_space<vmem>>, vector<16xf32>,
        tpu.vector_store %arg6[%swap3A, %swap3A_163], %gather3A {strides = array<i32>} : memref<200x256xf32, #tpu.memory_space<vmem>>, vector<16xf32>,
        %add3A_165 = arith.constant 128 : i32
        %add3A_166 = arith.addi %sub3A_162, %add3A_165 : i32
        %swap3A_167 = arith.index_cast %select_n3A : i32 to index
        %swap3A_168 = arith.index_cast %add3A_166 : i32 to index
        %swap3A_169 = tpu.vector_load %arg6[%swap3A_167, %swap3A_168] {strides = array<i32>} : memref<200x256xf32, #tpu.memory_space<vmem>>, vector<16xf32>,
        tpu.vector_store %arg6[%swap3A_167, %swap3A_168], %gather3A_142 {strides = array<i32>} : memref<200x256xf32, #tpu.memory_space<vmem>>, vector<16xf32>,
        %add3A_170 = arith.constant 16 : i32
        %add3A_171 = arith.addi %mul3A_133, %add3A_170 : i32
        %mul3A_172 = arith.constant 640 : i32
        %mul3A_173 = arith.muli %add3A_86, %mul3A_172 : i32
        %add3A_174 = arith.addi %mul3A_173, %add3A_171 : i32
        %add3A_175 = vector.broadcast %add3A_171 : i32 to vector<16xi32>
        %add3A_176 = arith.addi %iota3A, %add3A_175 : vector<16xi32>
        %get3A_177 = arith.index_cast %add3A_171 : i32 to index
        %get3A_178 = tpu.vector_load %arg17[%get3A_177] {strides = array<i32>} : memref<640xi32, #tpu.memory_space<vmem>>, vector<16xi32>,
        %gather3A_179 = tpu.vector_load_idx %arg21[%add3A_176, %get3A_178] : memref<640x8xf32, #tpu.memory_space<vmem>>[vector<16xi32>, vector<16xi32>], vector<16xf32>,
        %gather3A_180 = tpu.vector_load_idx %arg25[%add3A_176, %get3A_178] : memref<640x8xf32, #tpu.memory_space<vmem>>[vector<16xi32>, vector<16xi32>], vector<16xf32>,
        %jit3A_181 = arith.constant 128 : i32
        %div3A_182 = arith.divsi %add3A_174, %jit3A_181 : i32
        %sign3A_183 = arith.constant 0 : i32
        %sign3A_184 = arith.cmpi sgt, %add3A_174, %sign3A_183 : i32
        %sign3A_185 = arith.extui %sign3A_184 : i1 to i32
        %sign3A_186 = arith.constant 0 : i32
        %sign3A_187 = arith.cmpi slt, %add3A_174, %sign3A_186 : i32
        %sign3A_188 = arith.extui %sign3A_187 : i1 to i32
        %sign3A_189 = arith.subi %sign3A_185, %sign3A_188 : i32
        %sign3A_190 = arith.constant 0 : i32
        %sign3A_191 = arith.cmpi sgt, %jit3A_181, %sign3A_190 : i32
        %sign3A_192 = arith.extui %sign3A_191 : i1 to i32
        %sign3A_193 = arith.constant 0 : i32
        %sign3A_194 = arith.cmpi slt, %jit3A_181, %sign3A_193 : i32
        %sign3A_195 = arith.extui %sign3A_194 : i1 to i32
        %sign3A_196 = arith.subi %sign3A_192, %sign3A_195 : i32
        %ne3A_197 = arith.cmpi ne, %sign3A_189, %sign3A_196 : i32
        %rem3A_198 = arith.remsi %add3A_174, %jit3A_181 : i32
        %ne3A_199 = arith.constant 0 : i32
        %ne3A_200 = arith.cmpi ne, %rem3A_198, %ne3A_199 : i32
        %and3A_201 = arith.andi %ne3A_197, %ne3A_200 : i1
        %sub3A_202 = arith.constant 1 : i32
        %sub3A_203 = arith.subi %div3A_182, %sub3A_202 : i32
        %select_n3A_204 = arith.select %and3A_201, %sub3A_203, %div3A_182 : i32
        %mul3A_205 = arith.constant 128 : i32
        %mul3A_206 = arith.muli %select_n3A_204, %mul3A_205 : i32
        %sub3A_207 = arith.subi %add3A_174, %mul3A_206 : i32
        %swap3A_208 = arith.index_cast %select_n3A_204 : i32 to index
        %swap3A_209 = arith.index_cast %sub3A_207 : i32 to index
        %swap3A_210 = tpu.vector_load %arg6[%swap3A_208, %swap3A_209] {strides = array<i32>} : memref<200x256xf32, #tpu.memory_space<vmem>>, vector<16xf32>,
        tpu.vector_store %arg6[%swap3A_208, %swap3A_209], %gather3A_179 {strides = array<i32>} : memref<200x256xf32, #tpu.memory_space<vmem>>, vector<16xf32>,
        %add3A_211 = arith.constant 128 : i32
        %add3A_212 = arith.addi %sub3A_207, %add3A_211 : i32
        %swap3A_213 = arith.index_cast %select_n3A_204 : i32 to index
        %swap3A_214 = arith.index_cast %add3A_212 : i32 to index
        %swap3A_215 = tpu.vector_load %arg6[%swap3A_213, %swap3A_214] {strides = array<i32>} : memref<200x256xf32, #tpu.memory_space<vmem>>, vector<16xf32>,
        tpu.vector_store %arg6[%swap3A_213, %swap3A_214], %gather3A_180 {strides = array<i32>} : memref<200x256xf32, #tpu.memory_space<vmem>>, vector<16xf32>,
        %add3A_216 = arith.constant 32 : i32
        %add3A_217 = arith.addi %mul3A_133, %add3A_216 : i32
        %mul3A_218 = arith.constant 640 : i32
        %mul3A_219 = arith.muli %add3A_86, %mul3A_218 : i32
        %add3A_220 = arith.addi %mul3A_219, %add3A_217 : i32
        %add3A_221 = vector.broadcast %add3A_217 : i32 to vector<16xi32>
        %add3A_222 = arith.addi %iota3A, %add3A_221 : vector<16xi32>
        %get3A_223 = arith.index_cast %add3A_217 : i32 to index
        %get3A_224 = tpu.vector_load %arg17[%get3A_223] {strides = array<i32>} : memref<640xi32, #tpu.memory_space<vmem>>, vector<16xi32>,
        %gather3A_225 = tpu.vector_load_idx %arg21[%add3A_222, %get3A_224] : memref<640x8xf32, #tpu.memory_space<vmem>>[vector<16xi32>, vector<16xi32>], vector<16xf32>,
        %gather3A_226 = tpu.vector_load_idx %arg25[%add3A_222, %get3A_224] : memref<640x8xf32, #tpu.memory_space<vmem>>[vector<16xi32>, vector<16xi32>], vector<16xf32>,
        %jit3A_227 = arith.constant 128 : i32
        %div3A_228 = arith.divsi %add3A_220, %jit3A_227 : i32
        %sign3A_229 = arith.constant 0 : i32
        %sign3A_230 = arith.cmpi sgt, %add3A_220, %sign3A_229 : i32
        %sign3A_231 = arith.extui %sign3A_230 : i1 to i32
        %sign3A_232 = arith.constant 0 : i32
        %sign3A_233 = arith.cmpi slt, %add3A_220, %sign3A_232 : i32
        %sign3A_234 = arith.extui %sign3A_233 : i1 to i32
        %sign3A_235 = arith.subi %sign3A_231, %sign3A_234 : i32
        %sign3A_236 = arith.constant 0 : i32
        %sign3A_237 = arith.cmpi sgt, %jit3A_227, %sign3A_236 : i32
        %sign3A_238 = arith.extui %sign3A_237 : i1 to i32
        %sign3A_239 = arith.constant 0 : i32
        %sign3A_240 = arith.cmpi slt, %jit3A_227, %sign3A_239 : i32
        %sign3A_241 = arith.extui %sign3A_240 : i1 to i32
        %sign3A_242 = arith.subi %sign3A_238, %sign3A_241 : i32
        %ne3A_243 = arith.cmpi ne, %sign3A_235, %sign3A_242 : i32
        %rem3A_244 = arith.remsi %add3A_220, %jit3A_227 : i32
        %ne3A_245 = arith.constant 0 : i32
        %ne3A_246 = arith.cmpi ne, %rem3A_244, %ne3A_245 : i32
        %and3A_247 = arith.andi %ne3A_243, %ne3A_246 : i1
        %sub3A_248 = arith.constant 1 : i32
        %sub3A_249 = arith.subi %div3A_228, %sub3A_248 : i32
        %select_n3A_250 = arith.select %and3A_247, %sub3A_249, %div3A_228 : i32
        %mul3A_251 = arith.constant 128 : i32
        %mul3A_252 = arith.muli %select_n3A_250, %mul3A_251 : i32
        %sub3A_253 = arith.subi %add3A_220, %mul3A_252 : i32
        %swap3A_254 = arith.index_cast %select_n3A_250 : i32 to index
        %swap3A_255 = arith.index_cast %sub3A_253 : i32 to index
        %swap3A_256 = tpu.vector_load %arg6[%swap3A_254, %swap3A_255] {strides = array<i32>} : memref<200x256xf32, #tpu.memory_space<vmem>>, vector<16xf32>,
        tpu.vector_store %arg6[%swap3A_254, %swap3A_255], %gather3A_225 {strides = array<i32>} : memref<200x256xf32, #tpu.memory_space<vmem>>, vector<16xf32>,
        %add3A_257 = arith.constant 128 : i32
        %add3A_258 = arith.addi %sub3A_253, %add3A_257 : i32
        %swap3A_259 = arith.index_cast %select_n3A_250 : i32 to index
        %swap3A_260 = arith.index_cast %add3A_258 : i32 to index
        %swap3A_261 = tpu.vector_load %arg6[%swap3A_259, %swap3A_260] {strides = array<i32>} : memref<200x256xf32, #tpu.memory_space<vmem>>, vector<16xf32>,
        tpu.vector_store %arg6[%swap3A_259, %swap3A_260], %gather3A_226 {strides = array<i32>} : memref<200x256xf32, #tpu.memory_space<vmem>>, vector<16xf32>,
        %add3A_262 = arith.constant 48 : i32
        %add3A_263 = arith.addi %mul3A_133, %add3A_262 : i32
        %mul3A_264 = arith.constant 640 : i32
        %mul3A_265 = arith.muli %add3A_86, %mul3A_264 : i32
        %add3A_266 = arith.addi %mul3A_265, %add3A_263 : i32
        %add3A_267 = vector.broadcast %add3A_263 : i32 to vector<16xi32>
        %add3A_268 = arith.addi %iota3A, %add3A_267 : vector<16xi32>
        %get3A_269 = arith.index_cast %add3A_263 : i32 to index
        %get3A_270 = tpu.vector_load %arg17[%get3A_269] {strides = array<i32>} : memref<640xi32, #tpu.memory_space<vmem>>, vector<16xi32>,
        %gather3A_271 = tpu.vector_load_idx %arg21[%add3A_268, %get3A_270] : memref<640x8xf32, #tpu.memory_space<vmem>>[vector<16xi32>, vector<16xi32>], vector<16xf32>,
        %gather3A_272 = tpu.vector_load_idx %arg25[%add3A_268, %get3A_270] : memref<640x8xf32, #tpu.memory_space<vmem>>[vector<16xi32>, vector<16xi32>], vector<16xf32>,
        %jit3A_273 = arith.constant 128 : i32
        %div3A_274 = arith.divsi %add3A_266, %jit3A_273 : i32
        %sign3A_275 = arith.constant 0 : i32
        %sign3A_276 = arith.cmpi sgt, %add3A_266, %sign3A_275 : i32
        %sign3A_277 = arith.extui %sign3A_276 : i1 to i32
        %sign3A_278 = arith.constant 0 : i32
        %sign3A_279 = arith.cmpi slt, %add3A_266, %sign3A_278 : i32
        %sign3A_280 = arith.extui %sign3A_279 : i1 to i32
        %sign3A_281 = arith.subi %sign3A_277, %sign3A_280 : i32
        %sign3A_282 = arith.constant 0 : i32
        %sign3A_283 = arith.cmpi sgt, %jit3A_273, %sign3A_282 : i32
        %sign3A_284 = arith.extui %sign3A_283 : i1 to i32
        %sign3A_285 = arith.constant 0 : i32
        %sign3A_286 = arith.cmpi slt, %jit3A_273, %sign3A_285 : i32
        %sign3A_287 = arith.extui %sign3A_286 : i1 to i32
        %sign3A_288 = arith.subi %sign3A_284, %sign3A_287 : i32
        %ne3A_289 = arith.cmpi ne, %sign3A_281, %sign3A_288 : i32
        %rem3A_290 = arith.remsi %add3A_266, %jit3A_273 : i32
        %ne3A_291 = arith.constant 0 : i32
        %ne3A_292 = arith.cmpi ne, %rem3A_290, %ne3A_291 : i32
        %and3A_293 = arith.andi %ne3A_289, %ne3A_292 : i1
        %sub3A_294 = arith.constant 1 : i32
        %sub3A_295 = arith.subi %div3A_274, %sub3A_294 : i32
        %select_n3A_296 = arith.select %and3A_293, %sub3A_295, %div3A_274 : i32
        %mul3A_297 = arith.constant 128 : i32
        %mul3A_298 = arith.muli %select_n3A_296, %mul3A_297 : i32
        %sub3A_299 = arith.subi %add3A_266, %mul3A_298 : i32
        %swap3A_300 = arith.index_cast %select_n3A_296 : i32 to index
        %swap3A_301 = arith.index_cast %sub3A_299 : i32 to index
        %swap3A_302 = tpu.vector_load %arg6[%swap3A_300, %swap3A_301] {strides = array<i32>} : memref<200x256xf32, #tpu.memory_space<vmem>>, vector<16xf32>,
        tpu.vector_store %arg6[%swap3A_300, %swap3A_301], %gather3A_271 {strides = array<i32>} : memref<200x256xf32, #tpu.memory_space<vmem>>, vector<16xf32>,
        %add3A_303 = arith.constant 128 : i32
        %add3A_304 = arith.addi %sub3A_299, %add3A_303 : i32
        %swap3A_305 = arith.index_cast %select_n3A_296 : i32 to index
        %swap3A_306 = arith.index_cast %add3A_304 : i32 to index
        %swap3A_307 = tpu.vector_load %arg6[%swap3A_305, %swap3A_306] {strides = array<i32>} : memref<200x256xf32, #tpu.memory_space<vmem>>, vector<16xf32>,
        tpu.vector_store %arg6[%swap3A_305, %swap3A_306], %gather3A_272 {strides = array<i32>} : memref<200x256xf32, #tpu.memory_space<vmem>>, vector<16xf32>,
      }
      %scan3A_107 = arith.constant 10 : i32
      %add3A_108 = arith.constant 3 : i32
      %add3A_109 = arith.addi %mul3A_43, %add3A_108 : i32
      %add3A_110 = arith.constant 4 : i32
      %add3A_111 = arith.addi %add3A_109, %add3A_110 : i32
      %sub3A_112 = arith.constant 1 : i32
      %sub3A_113 = arith.subi %add3A_111, %sub3A_112 : i32
      %lt3A_114 = arith.constant 40 : i32
      %lt3A_115 = arith.cmpi slt, %sub3A_113, %lt3A_114 : i32
      %convert_element_type3A_116 = arith.extui %lt3A_115 : i1 to i32
      %cond3A_117 = arith.constant 0 : i32
      %cond3A_118 = arith.cmpi ne, %convert_element_type3A_116, %cond3A_117 : i32
      scf.if %cond3A_118 {
        %scan3A_131 = arith.constant 0 : i32
        %scan3A_132 = arith.constant 0 : i32
        %scan3A_133 = arith.constant 10 : i32
        %scan3A_134 = arith.addi %scan3A_132, %scan3A_133 : i32
        %scan3A_135 = arith.constant 1 : i32
        scf.for %scan3A_143 = %scan3A_132 to %scan3A_134 step %scan3A_135  : i32 {
          %mul3A_144 = arith.constant 64 : i32
          %mul3A_145 = arith.muli %scan3A_143, %mul3A_144 : i32
          %add3A_146 = arith.constant 0 : i32
          %add3A_147 = arith.addi %mul3A_145, %add3A_146 : i32
          %mul3A_148 = arith.constant 640 : i32
          %mul3A_149 = arith.muli %sub3A_113, %mul3A_148 : i32
          %add3A_150 = arith.addi %mul3A_149, %add3A_147 : i32
          %jit3A = arith.constant 128 : i32
          %div3A = arith.divsi %add3A_150, %jit3A : i32
          %sign3A = arith.constant 0 : i32
          %sign3A_151 = arith.cmpi sgt, %add3A_150, %sign3A : i32
          %sign3A_152 = arith.extui %sign3A_151 : i1 to i32
          %sign3A_153 = arith.constant 0 : i32
          %sign3A_154 = arith.cmpi slt, %add3A_150, %sign3A_153 : i32
          %sign3A_155 = arith.extui %sign3A_154 : i1 to i32
          %sign3A_156 = arith.subi %sign3A_152, %sign3A_155 : i32
          %sign3A_157 = arith.constant 0 : i32
          %sign3A_158 = arith.cmpi sgt, %jit3A, %sign3A_157 : i32
          %sign3A_159 = arith.extui %sign3A_158 : i1 to i32
          %sign3A_160 = arith.constant 0 : i32
          %sign3A_161 = arith.cmpi slt, %jit3A, %sign3A_160 : i32
          %sign3A_162 = arith.extui %sign3A_161 : i1 to i32
          %sign3A_163 = arith.subi %sign3A_159, %sign3A_162 : i32
          %ne3A = arith.cmpi ne, %sign3A_156, %sign3A_163 : i32
          %rem3A = arith.remsi %add3A_150, %jit3A : i32
          %ne3A_164 = arith.constant 0 : i32
          %ne3A_165 = arith.cmpi ne, %rem3A, %ne3A_164 : i32
          %and3A = arith.andi %ne3A, %ne3A_165 : i1
          %sub3A_166 = arith.constant 1 : i32
          %sub3A_167 = arith.subi %div3A, %sub3A_166 : i32
          %select_n3A = arith.select %and3A, %sub3A_167, %div3A : i32
          %mul3A_168 = arith.constant 128 : i32
          %mul3A_169 = arith.muli %select_n3A, %mul3A_168 : i32
          %sub3A_170 = arith.subi %add3A_150, %mul3A_169 : i32
          %jit3A_171 = arith.constant 8 : i32
          %div3A_172 = arith.divsi %select_n3A, %jit3A_171 : i32
          %sign3A_173 = arith.constant 0 : i32
          %sign3A_174 = arith.cmpi sgt, %select_n3A, %sign3A_173 : i32
          %sign3A_175 = arith.extui %sign3A_174 : i1 to i32
          %sign3A_176 = arith.constant 0 : i32
          %sign3A_177 = arith.cmpi slt, %select_n3A, %sign3A_176 : i32
          %sign3A_178 = arith.extui %sign3A_177 : i1 to i32
          %sign3A_179 = arith.subi %sign3A_175, %sign3A_178 : i32
          %sign3A_180 = arith.constant 0 : i32
          %sign3A_181 = arith.cmpi sgt, %jit3A_171, %sign3A_180 : i32
          %sign3A_182 = arith.extui %sign3A_181 : i1 to i32
          %sign3A_183 = arith.constant 0 : i32
          %sign3A_184 = arith.cmpi slt, %jit3A_171, %sign3A_183 : i32
          %sign3A_185 = arith.extui %sign3A_184 : i1 to i32
          %sign3A_186 = arith.subi %sign3A_182, %sign3A_185 : i32
          %ne3A_187 = arith.cmpi ne, %sign3A_179, %sign3A_186 : i32
          %rem3A_188 = arith.remsi %select_n3A, %jit3A_171 : i32
          %ne3A_189 = arith.constant 0 : i32
          %ne3A_190 = arith.cmpi ne, %rem3A_188, %ne3A_189 : i32
          %and3A_191 = arith.andi %ne3A_187, %ne3A_190 : i1
          %sub3A_192 = arith.constant 1 : i32
          %sub3A_193 = arith.subi %div3A_172, %sub3A_192 : i32
          %select_n3A_194 = arith.select %and3A_191, %sub3A_193, %div3A_172 : i32
          %jit3A_195 = arith.constant 8 : i32
          %eq3A = arith.constant 0 : i32
          %eq3A_196 = arith.cmpi eq, %jit3A_195, %eq3A : i32
          %jit3A_197 = arith.constant 1 : i32
          %select_n3A_198 = arith.select %eq3A_196, %jit3A_197, %jit3A_195 : i32
          %rem3A_199 = arith.remsi %select_n3A, %select_n3A_198 : i32
          %ne3A_200 = arith.constant 0 : i32
          %ne3A_201 = arith.cmpi ne, %rem3A_199, %ne3A_200 : i32
          %lt3A_202 = arith.constant 0 : i32
          %lt3A_203 = arith.cmpi slt, %rem3A_199, %lt3A_202 : i32
          %lt3A_204 = arith.constant 0 : i32
          %lt3A_205 = arith.cmpi slt, %select_n3A_198, %lt3A_204 : i32
          %ne3A_206 = arith.xori %lt3A_203, %lt3A_205 : i1
          %and3A_207 = arith.andi %ne3A_206, %ne3A_201 : i1
          %add3A_208 = arith.addi %rem3A_199, %select_n3A_198 : i32
          %select_n3A_209 = arith.select %and3A_207, %add3A_208, %rem3A_199 : i32
          %mul3A_210 = arith.constant 128 : i32
          %mul3A_211 = arith.muli %select_n3A_209, %mul3A_210 : i32
          %add3A_212 = arith.addi %mul3A_211, %sub3A_170 : i32
          %get3A = arith.index_cast %select_n3A_194 : i32 to index
          %get3A_213 = arith.index_cast %add3A_212 : i32 to index
          %get3A_214 = tpu.vector_load %arg5[%get3A, %get3A_213] {strides = array<i32>} : memref<25x1024xi32, #tpu.memory_space<vmem>>, vector<16xi32>,
          %shift_right_logical3A = arith.constant 3 : i32
          %shift_right_logical3A_215 = vector.broadcast %shift_right_logical3A : i32 to vector<16xi32>
          %shift_right_logical3A_216 = arith.shrui %get3A_214, %shift_right_logical3A_215 : vector<16xi32>
          %shift_right_logical3A_217 = arith.constant 7 : i32
          %shift_right_logical3A_218 = vector.broadcast %shift_right_logical3A_217 : i32 to vector<16xi32>
          %shift_right_logical3A_219 = arith.shrui %get3A_214, %shift_right_logical3A_218 : vector<16xi32>
          %shift_left3A = arith.constant 4 : i32
          %shift_left3A_220 = vector.broadcast %shift_left3A : i32 to vector<16xi32>
          %shift_left3A_221 = arith.shli %shift_right_logical3A_219, %shift_left3A_220 : vector<16xi32>
          %add3A_222 = arith.addi %shift_right_logical3A_216, %shift_left3A_221 : vector<16xi32>
          %swap3A = arith.index_cast %add3A_147 : i32 to index
          %swap3A_223 = tpu.vector_load %arg9[%swap3A] {strides = array<i32>} : memref<640xi32, #tpu.memory_space<vmem>>, vector<16xi32>,
          tpu.vector_store %arg9[%swap3A], %add3A_222 {strides = array<i32>} : memref<640xi32, #tpu.memory_space<vmem>>, vector<16xi32>,
          %add3A_224 = arith.constant 16 : i32
          %add3A_225 = vector.broadcast %add3A_224 : i32 to vector<16xi32>
          %add3A_226 = arith.addi %add3A_222, %add3A_225 : vector<16xi32>
          %swap3A_227 = arith.index_cast %add3A_147 : i32 to index
          %swap3A_228 = tpu.vector_load %arg13[%swap3A_227] {strides = array<i32>} : memref<640xi32, #tpu.memory_space<vmem>>, vector<16xi32>,
          tpu.vector_store %arg13[%swap3A_227], %add3A_226 {strides = array<i32>} : memref<640xi32, #tpu.memory_space<vmem>>, vector<16xi32>,
          %and3A_229 = arith.constant 7 : i32
          %and3A_230 = vector.broadcast %and3A_229 : i32 to vector<16xi32>
          %and3A_231 = arith.andi %get3A_214, %and3A_230 : vector<16xi32>
          %swap3A_232 = arith.index_cast %add3A_147 : i32 to index
          %swap3A_233 = tpu.vector_load %arg17[%swap3A_232] {strides = array<i32>} : memref<640xi32, #tpu.memory_space<vmem>>, vector<16xi32>,
          tpu.vector_store %arg17[%swap3A_232], %and3A_231 {strides = array<i32>} : memref<640xi32, #tpu.memory_space<vmem>>, vector<16xi32>,
          %add3A_234 = arith.constant 16 : i32
          %add3A_235 = arith.addi %mul3A_145, %add3A_234 : i32
          %mul3A_236 = arith.constant 640 : i32
          %mul3A_237 = arith.muli %sub3A_113, %mul3A_236 : i32
          %add3A_238 = arith.addi %mul3A_237, %add3A_235 : i32
          %jit3A_239 = arith.constant 128 : i32
          %div3A_240 = arith.divsi %add3A_238, %jit3A_239 : i32
          %sign3A_241 = arith.constant 0 : i32
          %sign3A_242 = arith.cmpi sgt, %add3A_238, %sign3A_241 : i32
          %sign3A_243 = arith.extui %sign3A_242 : i1 to i32
          %sign3A_244 = arith.constant 0 : i32
          %sign3A_245 = arith.cmpi slt, %add3A_238, %sign3A_244 : i32
          %sign3A_246 = arith.extui %sign3A_245 : i1 to i32
          %sign3A_247 = arith.subi %sign3A_243, %sign3A_246 : i32
          %sign3A_248 = arith.constant 0 : i32
          %sign3A_249 = arith.cmpi sgt, %jit3A_239, %sign3A_248 : i32
          %sign3A_250 = arith.extui %sign3A_249 : i1 to i32
          %sign3A_251 = arith.constant 0 : i32
          %sign3A_252 = arith.cmpi slt, %jit3A_239, %sign3A_251 : i32
          %sign3A_253 = arith.extui %sign3A_252 : i1 to i32
          %sign3A_254 = arith.subi %sign3A_250, %sign3A_253 : i32
          %ne3A_255 = arith.cmpi ne, %sign3A_247, %sign3A_254 : i32
          %rem3A_256 = arith.remsi %add3A_238, %jit3A_239 : i32
          %ne3A_257 = arith.constant 0 : i32
          %ne3A_258 = arith.cmpi ne, %rem3A_256, %ne3A_257 : i32
          %and3A_259 = arith.andi %ne3A_255, %ne3A_258 : i1
          %sub3A_260 = arith.constant 1 : i32
          %sub3A_261 = arith.subi %div3A_240, %sub3A_260 : i32
          %select_n3A_262 = arith.select %and3A_259, %sub3A_261, %div3A_240 : i32
          %mul3A_263 = arith.constant 128 : i32
          %mul3A_264 = arith.muli %select_n3A_262, %mul3A_263 : i32
          %sub3A_265 = arith.subi %add3A_238, %mul3A_264 : i32
          %jit3A_266 = arith.constant 8 : i32
          %div3A_267 = arith.divsi %select_n3A_262, %jit3A_266 : i32
          %sign3A_268 = arith.constant 0 : i32
          %sign3A_269 = arith.cmpi sgt, %select_n3A_262, %sign3A_268 : i32
          %sign3A_270 = arith.extui %sign3A_269 : i1 to i32
          %sign3A_271 = arith.constant 0 : i32
          %sign3A_272 = arith.cmpi slt, %select_n3A_262, %sign3A_271 : i32
          %sign3A_273 = arith.extui %sign3A_272 : i1 to i32
          %sign3A_274 = arith.subi %sign3A_270, %sign3A_273 : i32
          %sign3A_275 = arith.constant 0 : i32
          %sign3A_276 = arith.cmpi sgt, %jit3A_266, %sign3A_275 : i32
          %sign3A_277 = arith.extui %sign3A_276 : i1 to i32
          %sign3A_278 = arith.constant 0 : i32
          %sign3A_279 = arith.cmpi slt, %jit3A_266, %sign3A_278 : i32
          %sign3A_280 = arith.extui %sign3A_279 : i1 to i32
          %sign3A_281 = arith.subi %sign3A_277, %sign3A_280 : i32
          %ne3A_282 = arith.cmpi ne, %sign3A_274, %sign3A_281 : i32
          %rem3A_283 = arith.remsi %select_n3A_262, %jit3A_266 : i32
          %ne3A_284 = arith.constant 0 : i32
          %ne3A_285 = arith.cmpi ne, %rem3A_283, %ne3A_284 : i32
          %and3A_286 = arith.andi %ne3A_282, %ne3A_285 : i1
          %sub3A_287 = arith.constant 1 : i32
          %sub3A_288 = arith.subi %div3A_267, %sub3A_287 : i32
          %select_n3A_289 = arith.select %and3A_286, %sub3A_288, %div3A_267 : i32
          %jit3A_290 = arith.constant 8 : i32
          %eq3A_291 = arith.constant 0 : i32
          %eq3A_292 = arith.cmpi eq, %jit3A_290, %eq3A_291 : i32
          %jit3A_293 = arith.constant 1 : i32
          %select_n3A_294 = arith.select %eq3A_292, %jit3A_293, %jit3A_290 : i32
          %rem3A_295 = arith.remsi %select_n3A_262, %select_n3A_294 : i32
          %ne3A_296 = arith.constant 0 : i32
          %ne3A_297 = arith.cmpi ne, %rem3A_295, %ne3A_296 : i32
          %lt3A_298 = arith.constant 0 : i32
          %lt3A_299 = arith.cmpi slt, %rem3A_295, %lt3A_298 : i32
          %lt3A_300 = arith.constant 0 : i32
          %lt3A_301 = arith.cmpi slt, %select_n3A_294, %lt3A_300 : i32
          %ne3A_302 = arith.xori %lt3A_299, %lt3A_301 : i1
          %and3A_303 = arith.andi %ne3A_302, %ne3A_297 : i1
          %add3A_304 = arith.addi %rem3A_295, %select_n3A_294 : i32
          %select_n3A_305 = arith.select %and3A_303, %add3A_304, %rem3A_295 : i32
          %mul3A_306 = arith.constant 128 : i32
          %mul3A_307 = arith.muli %select_n3A_305, %mul3A_306 : i32
          %add3A_308 = arith.addi %mul3A_307, %sub3A_265 : i32
          %get3A_309 = arith.index_cast %select_n3A_289 : i32 to index
          %get3A_310 = arith.index_cast %add3A_308 : i32 to index
          %get3A_311 = tpu.vector_load %arg5[%get3A_309, %get3A_310] {strides = array<i32>} : memref<25x1024xi32, #tpu.memory_space<vmem>>, vector<16xi32>,
          %shift_right_logical3A_312 = arith.constant 3 : i32
          %shift_right_logical3A_313 = vector.broadcast %shift_right_logical3A_312 : i32 to vector<16xi32>
          %shift_right_logical3A_314 = arith.shrui %get3A_311, %shift_right_logical3A_313 : vector<16xi32>
          %shift_right_logical3A_315 = arith.constant 7 : i32
          %shift_right_logical3A_316 = vector.broadcast %shift_right_logical3A_315 : i32 to vector<16xi32>
          %shift_right_logical3A_317 = arith.shrui %get3A_311, %shift_right_logical3A_316 : vector<16xi32>
          %shift_left3A_318 = arith.constant 4 : i32
          %shift_left3A_319 = vector.broadcast %shift_left3A_318 : i32 to vector<16xi32>
          %shift_left3A_320 = arith.shli %shift_right_logical3A_317, %shift_left3A_319 : vector<16xi32>
          %add3A_321 = arith.addi %shift_right_logical3A_314, %shift_left3A_320 : vector<16xi32>
          %swap3A_322 = arith.index_cast %add3A_235 : i32 to index
          %swap3A_323 = tpu.vector_load %arg9[%swap3A_322] {strides = array<i32>} : memref<640xi32, #tpu.memory_space<vmem>>, vector<16xi32>,
          tpu.vector_store %arg9[%swap3A_322], %add3A_321 {strides = array<i32>} : memref<640xi32, #tpu.memory_space<vmem>>, vector<16xi32>,
          %add3A_324 = arith.constant 16 : i32
          %add3A_325 = vector.broadcast %add3A_324 : i32 to vector<16xi32>
          %add3A_326 = arith.addi %add3A_321, %add3A_325 : vector<16xi32>
          %swap3A_327 = arith.index_cast %add3A_235 : i32 to index
          %swap3A_328 = tpu.vector_load %arg13[%swap3A_327] {strides = array<i32>} : memref<640xi32, #tpu.memory_space<vmem>>, vector<16xi32>,
          tpu.vector_store %arg13[%swap3A_327], %add3A_326 {strides = array<i32>} : memref<640xi32, #tpu.memory_space<vmem>>, vector<16xi32>,
          %and3A_329 = arith.constant 7 : i32
          %and3A_330 = vector.broadcast %and3A_329 : i32 to vector<16xi32>
          %and3A_331 = arith.andi %get3A_311, %and3A_330 : vector<16xi32>
          %swap3A_332 = arith.index_cast %add3A_235 : i32 to index
          %swap3A_333 = tpu.vector_load %arg17[%swap3A_332] {strides = array<i32>} : memref<640xi32, #tpu.memory_space<vmem>>, vector<16xi32>,
          tpu.vector_store %arg17[%swap3A_332], %and3A_331 {strides = array<i32>} : memref<640xi32, #tpu.memory_space<vmem>>, vector<16xi32>,
          %add3A_334 = arith.constant 32 : i32
          %add3A_335 = arith.addi %mul3A_145, %add3A_334 : i32
          %mul3A_336 = arith.constant 640 : i32
          %mul3A_337 = arith.muli %sub3A_113, %mul3A_336 : i32
          %add3A_338 = arith.addi %mul3A_337, %add3A_335 : i32
          %jit3A_339 = arith.constant 128 : i32
          %div3A_340 = arith.divsi %add3A_338, %jit3A_339 : i32
          %sign3A_341 = arith.constant 0 : i32
          %sign3A_342 = arith.cmpi sgt, %add3A_338, %sign3A_341 : i32
          %sign3A_343 = arith.extui %sign3A_342 : i1 to i32
          %sign3A_344 = arith.constant 0 : i32
          %sign3A_345 = arith.cmpi slt, %add3A_338, %sign3A_344 : i32
          %sign3A_346 = arith.extui %sign3A_345 : i1 to i32
          %sign3A_347 = arith.subi %sign3A_343, %sign3A_346 : i32
          %sign3A_348 = arith.constant 0 : i32
          %sign3A_349 = arith.cmpi sgt, %jit3A_339, %sign3A_348 : i32
          %sign3A_350 = arith.extui %sign3A_349 : i1 to i32
          %sign3A_351 = arith.constant 0 : i32
          %sign3A_352 = arith.cmpi slt, %jit3A_339, %sign3A_351 : i32
          %sign3A_353 = arith.extui %sign3A_352 : i1 to i32
          %sign3A_354 = arith.subi %sign3A_350, %sign3A_353 : i32
          %ne3A_355 = arith.cmpi ne, %sign3A_347, %sign3A_354 : i32
          %rem3A_356 = arith.remsi %add3A_338, %jit3A_339 : i32
          %ne3A_357 = arith.constant 0 : i32
          %ne3A_358 = arith.cmpi ne, %rem3A_356, %ne3A_357 : i32
          %and3A_359 = arith.andi %ne3A_355, %ne3A_358 : i1
          %sub3A_360 = arith.constant 1 : i32
          %sub3A_361 = arith.subi %div3A_340, %sub3A_360 : i32
          %select_n3A_362 = arith.select %and3A_359, %sub3A_361, %div3A_340 : i32
          %mul3A_363 = arith.constant 128 : i32
          %mul3A_364 = arith.muli %select_n3A_362, %mul3A_363 : i32
          %sub3A_365 = arith.subi %add3A_338, %mul3A_364 : i32
          %jit3A_366 = arith.constant 8 : i32
          %div3A_367 = arith.divsi %select_n3A_362, %jit3A_366 : i32
          %sign3A_368 = arith.constant 0 : i32
          %sign3A_369 = arith.cmpi sgt, %select_n3A_362, %sign3A_368 : i32
          %sign3A_370 = arith.extui %sign3A_369 : i1 to i32
          %sign3A_371 = arith.constant 0 : i32
          %sign3A_372 = arith.cmpi slt, %select_n3A_362, %sign3A_371 : i32
          %sign3A_373 = arith.extui %sign3A_372 : i1 to i32
          %sign3A_374 = arith.subi %sign3A_370, %sign3A_373 : i32
          %sign3A_375 = arith.constant 0 : i32
          %sign3A_376 = arith.cmpi sgt, %jit3A_366, %sign3A_375 : i32
          %sign3A_377 = arith.extui %sign3A_376 : i1 to i32
          %sign3A_378 = arith.constant 0 : i32
          %sign3A_379 = arith.cmpi slt, %jit3A_366, %sign3A_378 : i32
          %sign3A_380 = arith.extui %sign3A_379 : i1 to i32
          %sign3A_381 = arith.subi %sign3A_377, %sign3A_380 : i32
          %ne3A_382 = arith.cmpi ne, %sign3A_374, %sign3A_381 : i32
          %rem3A_383 = arith.remsi %select_n3A_362, %jit3A_366 : i32
          %ne3A_384 = arith.constant 0 : i32
          %ne3A_385 = arith.cmpi ne, %rem3A_383, %ne3A_384 : i32
          %and3A_386 = arith.andi %ne3A_382, %ne3A_385 : i1
          %sub3A_387 = arith.constant 1 : i32
          %sub3A_388 = arith.subi %div3A_367, %sub3A_387 : i32
          %select_n3A_389 = arith.select %and3A_386, %sub3A_388, %div3A_367 : i32
          %jit3A_390 = arith.constant 8 : i32
          %eq3A_391 = arith.constant 0 : i32
          %eq3A_392 = arith.cmpi eq, %jit3A_390, %eq3A_391 : i32
          %jit3A_393 = arith.constant 1 : i32
          %select_n3A_394 = arith.select %eq3A_392, %jit3A_393, %jit3A_390 : i32
          %rem3A_395 = arith.remsi %select_n3A_362, %select_n3A_394 : i32
          %ne3A_396 = arith.constant 0 : i32
          %ne3A_397 = arith.cmpi ne, %rem3A_395, %ne3A_396 : i32
          %lt3A_398 = arith.constant 0 : i32
          %lt3A_399 = arith.cmpi slt, %rem3A_395, %lt3A_398 : i32
          %lt3A_400 = arith.constant 0 : i32
          %lt3A_401 = arith.cmpi slt, %select_n3A_394, %lt3A_400 : i32
          %ne3A_402 = arith.xori %lt3A_399, %lt3A_401 : i1
          %and3A_403 = arith.andi %ne3A_402, %ne3A_397 : i1
          %add3A_404 = arith.addi %rem3A_395, %select_n3A_394 : i32
          %select_n3A_405 = arith.select %and3A_403, %add3A_404, %rem3A_395 : i32
          %mul3A_406 = arith.constant 128 : i32
          %mul3A_407 = arith.muli %select_n3A_405, %mul3A_406 : i32
          %add3A_408 = arith.addi %mul3A_407, %sub3A_365 : i32
          %get3A_409 = arith.index_cast %select_n3A_389 : i32 to index
          %get3A_410 = arith.index_cast %add3A_408 : i32 to index
          %get3A_411 = tpu.vector_load %arg5[%get3A_409, %get3A_410] {strides = array<i32>} : memref<25x1024xi32, #tpu.memory_space<vmem>>, vector<16xi32>,
          %shift_right_logical3A_412 = arith.constant 3 : i32
          %shift_right_logical3A_413 = vector.broadcast %shift_right_logical3A_412 : i32 to vector<16xi32>
          %shift_right_logical3A_414 = arith.shrui %get3A_411, %shift_right_logical3A_413 : vector<16xi32>
          %shift_right_logical3A_415 = arith.constant 7 : i32
          %shift_right_logical3A_416 = vector.broadcast %shift_right_logical3A_415 : i32 to vector<16xi32>
          %shift_right_logical3A_417 = arith.shrui %get3A_411, %shift_right_logical3A_416 : vector<16xi32>
          %shift_left3A_418 = arith.constant 4 : i32
          %shift_left3A_419 = vector.broadcast %shift_left3A_418 : i32 to vector<16xi32>
          %shift_left3A_420 = arith.shli %shift_right_logical3A_417, %shift_left3A_419 : vector<16xi32>
          %add3A_421 = arith.addi %shift_right_logical3A_414, %shift_left3A_420 : vector<16xi32>
          %swap3A_422 = arith.index_cast %add3A_335 : i32 to index
          %swap3A_423 = tpu.vector_load %arg9[%swap3A_422] {strides = array<i32>} : memref<640xi32, #tpu.memory_space<vmem>>, vector<16xi32>,
          tpu.vector_store %arg9[%swap3A_422], %add3A_421 {strides = array<i32>} : memref<640xi32, #tpu.memory_space<vmem>>, vector<16xi32>,
          %add3A_424 = arith.constant 16 : i32
          %add3A_425 = vector.broadcast %add3A_424 : i32 to vector<16xi32>
          %add3A_426 = arith.addi %add3A_421, %add3A_425 : vector<16xi32>
          %swap3A_427 = arith.index_cast %add3A_335 : i32 to index
          %swap3A_428 = tpu.vector_load %arg13[%swap3A_427] {strides = array<i32>} : memref<640xi32, #tpu.memory_space<vmem>>, vector<16xi32>,
          tpu.vector_store %arg13[%swap3A_427], %add3A_426 {strides = array<i32>} : memref<640xi32, #tpu.memory_space<vmem>>, vector<16xi32>,
          %and3A_429 = arith.constant 7 : i32
          %and3A_430 = vector.broadcast %and3A_429 : i32 to vector<16xi32>
          %and3A_431 = arith.andi %get3A_411, %and3A_430 : vector<16xi32>
          %swap3A_432 = arith.index_cast %add3A_335 : i32 to index
          %swap3A_433 = tpu.vector_load %arg17[%swap3A_432] {strides = array<i32>} : memref<640xi32, #tpu.memory_space<vmem>>, vector<16xi32>,
          tpu.vector_store %arg17[%swap3A_432], %and3A_431 {strides = array<i32>} : memref<640xi32, #tpu.memory_space<vmem>>, vector<16xi32>,
          %add3A_434 = arith.constant 48 : i32
          %add3A_435 = arith.addi %mul3A_145, %add3A_434 : i32
          %mul3A_436 = arith.constant 640 : i32
          %mul3A_437 = arith.muli %sub3A_113, %mul3A_436 : i32
          %add3A_438 = arith.addi %mul3A_437, %add3A_435 : i32
          %jit3A_439 = arith.constant 128 : i32
          %div3A_440 = arith.divsi %add3A_438, %jit3A_439 : i32
          %sign3A_441 = arith.constant 0 : i32
          %sign3A_442 = arith.cmpi sgt, %add3A_438, %sign3A_441 : i32
          %sign3A_443 = arith.extui %sign3A_442 : i1 to i32
          %sign3A_444 = arith.constant 0 : i32
          %sign3A_445 = arith.cmpi slt, %add3A_438, %sign3A_444 : i32
          %sign3A_446 = arith.extui %sign3A_445 : i1 to i32
          %sign3A_447 = arith.subi %sign3A_443, %sign3A_446 : i32
          %sign3A_448 = arith.constant 0 : i32
          %sign3A_449 = arith.cmpi sgt, %jit3A_439, %sign3A_448 : i32
          %sign3A_450 = arith.extui %sign3A_449 : i1 to i32
          %sign3A_451 = arith.constant 0 : i32
          %sign3A_452 = arith.cmpi slt, %jit3A_439, %sign3A_451 : i32
          %sign3A_453 = arith.extui %sign3A_452 : i1 to i32
          %sign3A_454 = arith.subi %sign3A_450, %sign3A_453 : i32
          %ne3A_455 = arith.cmpi ne, %sign3A_447, %sign3A_454 : i32
          %rem3A_456 = arith.remsi %add3A_438, %jit3A_439 : i32
          %ne3A_457 = arith.constant 0 : i32
          %ne3A_458 = arith.cmpi ne, %rem3A_456, %ne3A_457 : i32
          %and3A_459 = arith.andi %ne3A_455, %ne3A_458 : i1
          %sub3A_460 = arith.constant 1 : i32
          %sub3A_461 = arith.subi %div3A_440, %sub3A_460 : i32
          %select_n3A_462 = arith.select %and3A_459, %sub3A_461, %div3A_440 : i32
          %mul3A_463 = arith.constant 128 : i32
          %mul3A_464 = arith.muli %select_n3A_462, %mul3A_463 : i32
          %sub3A_465 = arith.subi %add3A_438, %mul3A_464 : i32
          %jit3A_466 = arith.constant 8 : i32
          %div3A_467 = arith.divsi %select_n3A_462, %jit3A_466 : i32
          %sign3A_468 = arith.constant 0 : i32
          %sign3A_469 = arith.cmpi sgt, %select_n3A_462, %sign3A_468 : i32
          %sign3A_470 = arith.extui %sign3A_469 : i1 to i32
          %sign3A_471 = arith.constant 0 : i32
          %sign3A_472 = arith.cmpi slt, %select_n3A_462, %sign3A_471 : i32
          %sign3A_473 = arith.extui %sign3A_472 : i1 to i32
          %sign3A_474 = arith.subi %sign3A_470, %sign3A_473 : i32
          %sign3A_475 = arith.constant 0 : i32
          %sign3A_476 = arith.cmpi sgt, %jit3A_466, %sign3A_475 : i32
          %sign3A_477 = arith.extui %sign3A_476 : i1 to i32
          %sign3A_478 = arith.constant 0 : i32
          %sign3A_479 = arith.cmpi slt, %jit3A_466, %sign3A_478 : i32
          %sign3A_480 = arith.extui %sign3A_479 : i1 to i32
          %sign3A_481 = arith.subi %sign3A_477, %sign3A_480 : i32
          %ne3A_482 = arith.cmpi ne, %sign3A_474, %sign3A_481 : i32
          %rem3A_483 = arith.remsi %select_n3A_462, %jit3A_466 : i32
          %ne3A_484 = arith.constant 0 : i32
          %ne3A_485 = arith.cmpi ne, %rem3A_483, %ne3A_484 : i32
          %and3A_486 = arith.andi %ne3A_482, %ne3A_485 : i1
          %sub3A_487 = arith.constant 1 : i32
          %sub3A_488 = arith.subi %div3A_467, %sub3A_487 : i32
          %select_n3A_489 = arith.select %and3A_486, %sub3A_488, %div3A_467 : i32
          %jit3A_490 = arith.constant 8 : i32
          %eq3A_491 = arith.constant 0 : i32
          %eq3A_492 = arith.cmpi eq, %jit3A_490, %eq3A_491 : i32
          %jit3A_493 = arith.constant 1 : i32
          %select_n3A_494 = arith.select %eq3A_492, %jit3A_493, %jit3A_490 : i32
          %rem3A_495 = arith.remsi %select_n3A_462, %select_n3A_494 : i32
          %ne3A_496 = arith.constant 0 : i32
          %ne3A_497 = arith.cmpi ne, %rem3A_495, %ne3A_496 : i32
          %lt3A_498 = arith.constant 0 : i32
          %lt3A_499 = arith.cmpi slt, %rem3A_495, %lt3A_498 : i32
          %lt3A_500 = arith.constant 0 : i32
          %lt3A_501 = arith.cmpi slt, %select_n3A_494, %lt3A_500 : i32
          %ne3A_502 = arith.xori %lt3A_499, %lt3A_501 : i1
          %and3A_503 = arith.andi %ne3A_502, %ne3A_497 : i1
          %add3A_504 = arith.addi %rem3A_495, %select_n3A_494 : i32
          %select_n3A_505 = arith.select %and3A_503, %add3A_504, %rem3A_495 : i32
          %mul3A_506 = arith.constant 128 : i32
          %mul3A_507 = arith.muli %select_n3A_505, %mul3A_506 : i32
          %add3A_508 = arith.addi %mul3A_507, %sub3A_465 : i32
          %get3A_509 = arith.index_cast %select_n3A_489 : i32 to index
          %get3A_510 = arith.index_cast %add3A_508 : i32 to index
          %get3A_511 = tpu.vector_load %arg5[%get3A_509, %get3A_510] {strides = array<i32>} : memref<25x1024xi32, #tpu.memory_space<vmem>>, vector<16xi32>,
          %shift_right_logical3A_512 = arith.constant 3 : i32
          %shift_right_logical3A_513 = vector.broadcast %shift_right_logical3A_512 : i32 to vector<16xi32>
          %shift_right_logical3A_514 = arith.shrui %get3A_511, %shift_right_logical3A_513 : vector<16xi32>
          %shift_right_logical3A_515 = arith.constant 7 : i32
          %shift_right_logical3A_516 = vector.broadcast %shift_right_logical3A_515 : i32 to vector<16xi32>
          %shift_right_logical3A_517 = arith.shrui %get3A_511, %shift_right_logical3A_516 : vector<16xi32>
          %shift_left3A_518 = arith.constant 4 : i32
          %shift_left3A_519 = vector.broadcast %shift_left3A_518 : i32 to vector<16xi32>
          %shift_left3A_520 = arith.shli %shift_right_logical3A_517, %shift_left3A_519 : vector<16xi32>
          %add3A_521 = arith.addi %shift_right_logical3A_514, %shift_left3A_520 : vector<16xi32>
          %swap3A_522 = arith.index_cast %add3A_435 : i32 to index
          %swap3A_523 = tpu.vector_load %arg9[%swap3A_522] {strides = array<i32>} : memref<640xi32, #tpu.memory_space<vmem>>, vector<16xi32>,
          tpu.vector_store %arg9[%swap3A_522], %add3A_521 {strides = array<i32>} : memref<640xi32, #tpu.memory_space<vmem>>, vector<16xi32>,
          %add3A_524 = arith.constant 16 : i32
          %add3A_525 = vector.broadcast %add3A_524 : i32 to vector<16xi32>
          %add3A_526 = arith.addi %add3A_521, %add3A_525 : vector<16xi32>
          %swap3A_527 = arith.index_cast %add3A_435 : i32 to index
          %swap3A_528 = tpu.vector_load %arg13[%swap3A_527] {strides = array<i32>} : memref<640xi32, #tpu.memory_space<vmem>>, vector<16xi32>,
          tpu.vector_store %arg13[%swap3A_527], %add3A_526 {strides = array<i32>} : memref<640xi32, #tpu.memory_space<vmem>>, vector<16xi32>,
          %and3A_529 = arith.constant 7 : i32
          %and3A_530 = vector.broadcast %and3A_529 : i32 to vector<16xi32>
          %and3A_531 = arith.andi %get3A_511, %and3A_530 : vector<16xi32>
          %swap3A_532 = arith.index_cast %add3A_435 : i32 to index
          %swap3A_533 = tpu.vector_load %arg17[%swap3A_532] {strides = array<i32>} : memref<640xi32, #tpu.memory_space<vmem>>, vector<16xi32>,
          tpu.vector_store %arg17[%swap3A_532], %and3A_531 {strides = array<i32>} : memref<640xi32, #tpu.memory_space<vmem>>, vector<16xi32>,
        }
        %scan3A_136 = arith.constant 10 : i32
        %dma_start3A_137 = arith.constant 0 : i32
        %dma_start3A_138 = arith.constant 0 : i32
        %dma_start3A_139 = tpu.memref_slice %arg3[%dma_start3A_137, %dma_start3A_138] : memref<250112x8xf32, #tpu.memory_space<hbm>> -> memref<250112x8xf32, #tpu.memory_space<hbm>>
        tpu.enqueue_indirect_dma source(%dma_start3A_139 : memref<250112x8xf32, #tpu.memory_space<hbm>>) target(%arg21 : memref<640x8xf32, #tpu.memory_space<vmem>>) offsets(%arg9 : memref<640xi32, #tpu.memory_space<vmem>>) semaphore(%arg29 : memref<!tpu.dma_semaphore, #tpu.memory_space<semaphore_mem>>)
        %dma_start3A_140 = arith.constant 0 : i32
        %dma_start3A_141 = arith.constant 0 : i32
        %dma_start3A_142 = tpu.memref_slice %arg3[%dma_start3A_140, %dma_start3A_141] : memref<250112x8xf32, #tpu.memory_space<hbm>> -> memref<250112x8xf32, #tpu.memory_space<hbm>>
        tpu.enqueue_indirect_dma source(%dma_start3A_142 : memref<250112x8xf32, #tpu.memory_space<hbm>>) target(%arg25 : memref<640x8xf32, #tpu.memory_space<vmem>>) offsets(%arg13 : memref<640xi32, #tpu.memory_space<vmem>>) semaphore(%arg33 : memref<!tpu.dma_semaphore, #tpu.memory_space<semaphore_mem>>)
      } else {
      }
      %dma_wait3A_119 = arith.constant 0 : i32
      %dma_wait3A_120 = arith.constant 0 : i32
      %dma_wait3A_121 = tpu.memref_slice %arg3[%dma_wait3A_119, %dma_wait3A_120] : memref<250112x8xf32, #tpu.memory_space<hbm>> -> memref<250112x8xf32, #tpu.memory_space<hbm>>
      tpu.wait_indirect_dma semaphore(%arg30 : memref<!tpu.dma_semaphore, #tpu.memory_space<semaphore_mem>>) src(%dma_wait3A_121 : memref<250112x8xf32, #tpu.memory_space<hbm>>) dst(%arg22 : memref<640x8xf32, #tpu.memory_space<vmem>>)
      %dma_wait3A_122 = arith.constant 0 : i32
      %dma_wait3A_123 = arith.constant 0 : i32
      %dma_wait3A_124 = tpu.memref_slice %arg3[%dma_wait3A_122, %dma_wait3A_123] : memref<250112x8xf32, #tpu.memory_space<hbm>> -> memref<250112x8xf32, #tpu.memory_space<hbm>>
      tpu.wait_indirect_dma semaphore(%arg34 : memref<!tpu.dma_semaphore, #tpu.memory_space<semaphore_mem>>) src(%dma_wait3A_124 : memref<250112x8xf32, #tpu.memory_space<hbm>>) dst(%arg26 : memref<640x8xf32, #tpu.memory_space<vmem>>)
      %scan3A_125 = arith.constant 0 : i32
      %scan3A_126 = arith.constant 0 : i32
      %scan3A_127 = arith.constant 10 : i32
      %scan3A_128 = arith.addi %scan3A_126, %scan3A_127 : i32
      %scan3A_129 = arith.constant 1 : i32
      scf.for %scan3A_131 = %scan3A_126 to %scan3A_128 step %scan3A_129  : i32 {
        %mul3A_132 = arith.constant 64 : i32
        %mul3A_133 = arith.muli %scan3A_131, %mul3A_132 : i32
        %add3A_134 = arith.constant 0 : i32
        %add3A_135 = arith.addi %mul3A_133, %add3A_134 : i32
        %mul3A_136 = arith.constant 640 : i32
        %mul3A_137 = arith.muli %add3A_109, %mul3A_136 : i32
        %add3A_138 = arith.addi %mul3A_137, %add3A_135 : i32
        %add3A_139 = vector.broadcast %add3A_135 : i32 to vector<16xi32>
        %add3A_140 = arith.addi %iota3A, %add3A_139 : vector<16xi32>
        %get3A = arith.index_cast %add3A_135 : i32 to index
        %get3A_141 = tpu.vector_load %arg18[%get3A] {strides = array<i32>} : memref<640xi32, #tpu.memory_space<vmem>>, vector<16xi32>,
        %gather3A = tpu.vector_load_idx %arg22[%add3A_140, %get3A_141] : memref<640x8xf32, #tpu.memory_space<vmem>>[vector<16xi32>, vector<16xi32>], vector<16xf32>,
        %gather3A_142 = tpu.vector_load_idx %arg26[%add3A_140, %get3A_141] : memref<640x8xf32, #tpu.memory_space<vmem>>[vector<16xi32>, vector<16xi32>], vector<16xf32>,
        %jit3A = arith.constant 128 : i32
        %div3A = arith.divsi %add3A_138, %jit3A : i32
        %sign3A = arith.constant 0 : i32
        %sign3A_143 = arith.cmpi sgt, %add3A_138, %sign3A : i32
        %sign3A_144 = arith.extui %sign3A_143 : i1 to i32
        %sign3A_145 = arith.constant 0 : i32
        %sign3A_146 = arith.cmpi slt, %add3A_138, %sign3A_145 : i32
        %sign3A_147 = arith.extui %sign3A_146 : i1 to i32
        %sign3A_148 = arith.subi %sign3A_144, %sign3A_147 : i32
        %sign3A_149 = arith.constant 0 : i32
        %sign3A_150 = arith.cmpi sgt, %jit3A, %sign3A_149 : i32
        %sign3A_151 = arith.extui %sign3A_150 : i1 to i32
        %sign3A_152 = arith.constant 0 : i32
        %sign3A_153 = arith.cmpi slt, %jit3A, %sign3A_152 : i32
        %sign3A_154 = arith.extui %sign3A_153 : i1 to i32
        %sign3A_155 = arith.subi %sign3A_151, %sign3A_154 : i32
        %ne3A = arith.cmpi ne, %sign3A_148, %sign3A_155 : i32
        %rem3A = arith.remsi %add3A_138, %jit3A : i32
        %ne3A_156 = arith.constant 0 : i32
        %ne3A_157 = arith.cmpi ne, %rem3A, %ne3A_156 : i32
        %and3A = arith.andi %ne3A, %ne3A_157 : i1
        %sub3A_158 = arith.constant 1 : i32
        %sub3A_159 = arith.subi %div3A, %sub3A_158 : i32
        %select_n3A = arith.select %and3A, %sub3A_159, %div3A : i32
        %mul3A_160 = arith.constant 128 : i32
        %mul3A_161 = arith.muli %select_n3A, %mul3A_160 : i32
        %sub3A_162 = arith.subi %add3A_138, %mul3A_161 : i32
        %swap3A = arith.index_cast %select_n3A : i32 to index
        %swap3A_163 = arith.index_cast %sub3A_162 : i32 to index
        %swap3A_164 = tpu.vector_load %arg6[%swap3A, %swap3A_163] {strides = array<i32>} : memref<200x256xf32, #tpu.memory_space<vmem>>, vector<16xf32>,
        tpu.vector_store %arg6[%swap3A, %swap3A_163], %gather3A {strides = array<i32>} : memref<200x256xf32, #tpu.memory_space<vmem>>, vector<16xf32>,
        %add3A_165 = arith.constant 128 : i32
        %add3A_166 = arith.addi %sub3A_162, %add3A_165 : i32
        %swap3A_167 = arith.index_cast %select_n3A : i32 to index
        %swap3A_168 = arith.index_cast %add3A_166 : i32 to index
        %swap3A_169 = tpu.vector_load %arg6[%swap3A_167, %swap3A_168] {strides = array<i32>} : memref<200x256xf32, #tpu.memory_space<vmem>>, vector<16xf32>,
        tpu.vector_store %arg6[%swap3A_167, %swap3A_168], %gather3A_142 {strides = array<i32>} : memref<200x256xf32, #tpu.memory_space<vmem>>, vector<16xf32>,
        %add3A_170 = arith.constant 16 : i32
        %add3A_171 = arith.addi %mul3A_133, %add3A_170 : i32
        %mul3A_172 = arith.constant 640 : i32
        %mul3A_173 = arith.muli %add3A_109, %mul3A_172 : i32
        %add3A_174 = arith.addi %mul3A_173, %add3A_171 : i32
        %add3A_175 = vector.broadcast %add3A_171 : i32 to vector<16xi32>
        %add3A_176 = arith.addi %iota3A, %add3A_175 : vector<16xi32>
        %get3A_177 = arith.index_cast %add3A_171 : i32 to index
        %get3A_178 = tpu.vector_load %arg18[%get3A_177] {strides = array<i32>} : memref<640xi32, #tpu.memory_space<vmem>>, vector<16xi32>,
        %gather3A_179 = tpu.vector_load_idx %arg22[%add3A_176, %get3A_178] : memref<640x8xf32, #tpu.memory_space<vmem>>[vector<16xi32>, vector<16xi32>], vector<16xf32>,
        %gather3A_180 = tpu.vector_load_idx %arg26[%add3A_176, %get3A_178] : memref<640x8xf32, #tpu.memory_space<vmem>>[vector<16xi32>, vector<16xi32>], vector<16xf32>,
        %jit3A_181 = arith.constant 128 : i32
        %div3A_182 = arith.divsi %add3A_174, %jit3A_181 : i32
        %sign3A_183 = arith.constant 0 : i32
        %sign3A_184 = arith.cmpi sgt, %add3A_174, %sign3A_183 : i32
        %sign3A_185 = arith.extui %sign3A_184 : i1 to i32
        %sign3A_186 = arith.constant 0 : i32
        %sign3A_187 = arith.cmpi slt, %add3A_174, %sign3A_186 : i32
        %sign3A_188 = arith.extui %sign3A_187 : i1 to i32
        %sign3A_189 = arith.subi %sign3A_185, %sign3A_188 : i32
        %sign3A_190 = arith.constant 0 : i32
        %sign3A_191 = arith.cmpi sgt, %jit3A_181, %sign3A_190 : i32
        %sign3A_192 = arith.extui %sign3A_191 : i1 to i32
        %sign3A_193 = arith.constant 0 : i32
        %sign3A_194 = arith.cmpi slt, %jit3A_181, %sign3A_193 : i32
        %sign3A_195 = arith.extui %sign3A_194 : i1 to i32
        %sign3A_196 = arith.subi %sign3A_192, %sign3A_195 : i32
        %ne3A_197 = arith.cmpi ne, %sign3A_189, %sign3A_196 : i32
        %rem3A_198 = arith.remsi %add3A_174, %jit3A_181 : i32
        %ne3A_199 = arith.constant 0 : i32
        %ne3A_200 = arith.cmpi ne, %rem3A_198, %ne3A_199 : i32
        %and3A_201 = arith.andi %ne3A_197, %ne3A_200 : i1
        %sub3A_202 = arith.constant 1 : i32
        %sub3A_203 = arith.subi %div3A_182, %sub3A_202 : i32
        %select_n3A_204 = arith.select %and3A_201, %sub3A_203, %div3A_182 : i32
        %mul3A_205 = arith.constant 128 : i32
        %mul3A_206 = arith.muli %select_n3A_204, %mul3A_205 : i32
        %sub3A_207 = arith.subi %add3A_174, %mul3A_206 : i32
        %swap3A_208 = arith.index_cast %select_n3A_204 : i32 to index
        %swap3A_209 = arith.index_cast %sub3A_207 : i32 to index
        %swap3A_210 = tpu.vector_load %arg6[%swap3A_208, %swap3A_209] {strides = array<i32>} : memref<200x256xf32, #tpu.memory_space<vmem>>, vector<16xf32>,
        tpu.vector_store %arg6[%swap3A_208, %swap3A_209], %gather3A_179 {strides = array<i32>} : memref<200x256xf32, #tpu.memory_space<vmem>>, vector<16xf32>,
        %add3A_211 = arith.constant 128 : i32
        %add3A_212 = arith.addi %sub3A_207, %add3A_211 : i32
        %swap3A_213 = arith.index_cast %select_n3A_204 : i32 to index
        %swap3A_214 = arith.index_cast %add3A_212 : i32 to index
        %swap3A_215 = tpu.vector_load %arg6[%swap3A_213, %swap3A_214] {strides = array<i32>} : memref<200x256xf32, #tpu.memory_space<vmem>>, vector<16xf32>,
        tpu.vector_store %arg6[%swap3A_213, %swap3A_214], %gather3A_180 {strides = array<i32>} : memref<200x256xf32, #tpu.memory_space<vmem>>, vector<16xf32>,
        %add3A_216 = arith.constant 32 : i32
        %add3A_217 = arith.addi %mul3A_133, %add3A_216 : i32
        %mul3A_218 = arith.constant 640 : i32
        %mul3A_219 = arith.muli %add3A_109, %mul3A_218 : i32
        %add3A_220 = arith.addi %mul3A_219, %add3A_217 : i32
        %add3A_221 = vector.broadcast %add3A_217 : i32 to vector<16xi32>
        %add3A_222 = arith.addi %iota3A, %add3A_221 : vector<16xi32>
        %get3A_223 = arith.index_cast %add3A_217 : i32 to index
        %get3A_224 = tpu.vector_load %arg18[%get3A_223] {strides = array<i32>} : memref<640xi32, #tpu.memory_space<vmem>>, vector<16xi32>,
        %gather3A_225 = tpu.vector_load_idx %arg22[%add3A_222, %get3A_224] : memref<640x8xf32, #tpu.memory_space<vmem>>[vector<16xi32>, vector<16xi32>], vector<16xf32>,
        %gather3A_226 = tpu.vector_load_idx %arg26[%add3A_222, %get3A_224] : memref<640x8xf32, #tpu.memory_space<vmem>>[vector<16xi32>, vector<16xi32>], vector<16xf32>,
        %jit3A_227 = arith.constant 128 : i32
        %div3A_228 = arith.divsi %add3A_220, %jit3A_227 : i32
        %sign3A_229 = arith.constant 0 : i32
        %sign3A_230 = arith.cmpi sgt, %add3A_220, %sign3A_229 : i32
        %sign3A_231 = arith.extui %sign3A_230 : i1 to i32
        %sign3A_232 = arith.constant 0 : i32
        %sign3A_233 = arith.cmpi slt, %add3A_220, %sign3A_232 : i32
        %sign3A_234 = arith.extui %sign3A_233 : i1 to i32
        %sign3A_235 = arith.subi %sign3A_231, %sign3A_234 : i32
        %sign3A_236 = arith.constant 0 : i32
        %sign3A_237 = arith.cmpi sgt, %jit3A_227, %sign3A_236 : i32
        %sign3A_238 = arith.extui %sign3A_237 : i1 to i32
        %sign3A_239 = arith.constant 0 : i32
        %sign3A_240 = arith.cmpi slt, %jit3A_227, %sign3A_239 : i32
        %sign3A_241 = arith.extui %sign3A_240 : i1 to i32
        %sign3A_242 = arith.subi %sign3A_238, %sign3A_241 : i32
        %ne3A_243 = arith.cmpi ne, %sign3A_235, %sign3A_242 : i32
        %rem3A_244 = arith.remsi %add3A_220, %jit3A_227 : i32
        %ne3A_245 = arith.constant 0 : i32
        %ne3A_246 = arith.cmpi ne, %rem3A_244, %ne3A_245 : i32
        %and3A_247 = arith.andi %ne3A_243, %ne3A_246 : i1
        %sub3A_248 = arith.constant 1 : i32
        %sub3A_249 = arith.subi %div3A_228, %sub3A_248 : i32
        %select_n3A_250 = arith.select %and3A_247, %sub3A_249, %div3A_228 : i32
        %mul3A_251 = arith.constant 128 : i32
        %mul3A_252 = arith.muli %select_n3A_250, %mul3A_251 : i32
        %sub3A_253 = arith.subi %add3A_220, %mul3A_252 : i32
        %swap3A_254 = arith.index_cast %select_n3A_250 : i32 to index
        %swap3A_255 = arith.index_cast %sub3A_253 : i32 to index
        %swap3A_256 = tpu.vector_load %arg6[%swap3A_254, %swap3A_255] {strides = array<i32>} : memref<200x256xf32, #tpu.memory_space<vmem>>, vector<16xf32>,
        tpu.vector_store %arg6[%swap3A_254, %swap3A_255], %gather3A_225 {strides = array<i32>} : memref<200x256xf32, #tpu.memory_space<vmem>>, vector<16xf32>,
        %add3A_257 = arith.constant 128 : i32
        %add3A_258 = arith.addi %sub3A_253, %add3A_257 : i32
        %swap3A_259 = arith.index_cast %select_n3A_250 : i32 to index
        %swap3A_260 = arith.index_cast %add3A_258 : i32 to index
        %swap3A_261 = tpu.vector_load %arg6[%swap3A_259, %swap3A_260] {strides = array<i32>} : memref<200x256xf32, #tpu.memory_space<vmem>>, vector<16xf32>,
        tpu.vector_store %arg6[%swap3A_259, %swap3A_260], %gather3A_226 {strides = array<i32>} : memref<200x256xf32, #tpu.memory_space<vmem>>, vector<16xf32>,
        %add3A_262 = arith.constant 48 : i32
        %add3A_263 = arith.addi %mul3A_133, %add3A_262 : i32
        %mul3A_264 = arith.constant 640 : i32
        %mul3A_265 = arith.muli %add3A_109, %mul3A_264 : i32
        %add3A_266 = arith.addi %mul3A_265, %add3A_263 : i32
        %add3A_267 = vector.broadcast %add3A_263 : i32 to vector<16xi32>
        %add3A_268 = arith.addi %iota3A, %add3A_267 : vector<16xi32>
        %get3A_269 = arith.index_cast %add3A_263 : i32 to index
        %get3A_270 = tpu.vector_load %arg18[%get3A_269] {strides = array<i32>} : memref<640xi32, #tpu.memory_space<vmem>>, vector<16xi32>,
        %gather3A_271 = tpu.vector_load_idx %arg22[%add3A_268, %get3A_270] : memref<640x8xf32, #tpu.memory_space<vmem>>[vector<16xi32>, vector<16xi32>], vector<16xf32>,
        %gather3A_272 = tpu.vector_load_idx %arg26[%add3A_268, %get3A_270] : memref<640x8xf32, #tpu.memory_space<vmem>>[vector<16xi32>, vector<16xi32>], vector<16xf32>,
        %jit3A_273 = arith.constant 128 : i32
        %div3A_274 = arith.divsi %add3A_266, %jit3A_273 : i32
        %sign3A_275 = arith.constant 0 : i32
        %sign3A_276 = arith.cmpi sgt, %add3A_266, %sign3A_275 : i32
        %sign3A_277 = arith.extui %sign3A_276 : i1 to i32
        %sign3A_278 = arith.constant 0 : i32
        %sign3A_279 = arith.cmpi slt, %add3A_266, %sign3A_278 : i32
        %sign3A_280 = arith.extui %sign3A_279 : i1 to i32
        %sign3A_281 = arith.subi %sign3A_277, %sign3A_280 : i32
        %sign3A_282 = arith.constant 0 : i32
        %sign3A_283 = arith.cmpi sgt, %jit3A_273, %sign3A_282 : i32
        %sign3A_284 = arith.extui %sign3A_283 : i1 to i32
        %sign3A_285 = arith.constant 0 : i32
        %sign3A_286 = arith.cmpi slt, %jit3A_273, %sign3A_285 : i32
        %sign3A_287 = arith.extui %sign3A_286 : i1 to i32
        %sign3A_288 = arith.subi %sign3A_284, %sign3A_287 : i32
        %ne3A_289 = arith.cmpi ne, %sign3A_281, %sign3A_288 : i32
        %rem3A_290 = arith.remsi %add3A_266, %jit3A_273 : i32
        %ne3A_291 = arith.constant 0 : i32
        %ne3A_292 = arith.cmpi ne, %rem3A_290, %ne3A_291 : i32
        %and3A_293 = arith.andi %ne3A_289, %ne3A_292 : i1
        %sub3A_294 = arith.constant 1 : i32
        %sub3A_295 = arith.subi %div3A_274, %sub3A_294 : i32
        %select_n3A_296 = arith.select %and3A_293, %sub3A_295, %div3A_274 : i32
        %mul3A_297 = arith.constant 128 : i32
        %mul3A_298 = arith.muli %select_n3A_296, %mul3A_297 : i32
        %sub3A_299 = arith.subi %add3A_266, %mul3A_298 : i32
        %swap3A_300 = arith.index_cast %select_n3A_296 : i32 to index
        %swap3A_301 = arith.index_cast %sub3A_299 : i32 to index
        %swap3A_302 = tpu.vector_load %arg6[%swap3A_300, %swap3A_301] {strides = array<i32>} : memref<200x256xf32, #tpu.memory_space<vmem>>, vector<16xf32>,
        tpu.vector_store %arg6[%swap3A_300, %swap3A_301], %gather3A_271 {strides = array<i32>} : memref<200x256xf32, #tpu.memory_space<vmem>>, vector<16xf32>,
        %add3A_303 = arith.constant 128 : i32
        %add3A_304 = arith.addi %sub3A_299, %add3A_303 : i32
        %swap3A_305 = arith.index_cast %select_n3A_296 : i32 to index
        %swap3A_306 = arith.index_cast %add3A_304 : i32 to index
        %swap3A_307 = tpu.vector_load %arg6[%swap3A_305, %swap3A_306] {strides = array<i32>} : memref<200x256xf32, #tpu.memory_space<vmem>>, vector<16xf32>,
        tpu.vector_store %arg6[%swap3A_305, %swap3A_306], %gather3A_272 {strides = array<i32>} : memref<200x256xf32, #tpu.memory_space<vmem>>, vector<16xf32>,
      }
      %scan3A_130 = arith.constant 10 : i32
    }
    %scan3A_40 = arith.constant 10 : i32
    "tpu.region"() ({
      %run_scoped3A = tpu.sem_alloc : memref<!tpu.dma_semaphore, #tpu.memory_space<semaphore_mem>>
      %dma_start3A_41 = arith.constant 0 : i32
      %dma_start3A_42 = arith.constant 0 : i32
      %dma_start3A_43 = tpu.memref_slice %arg4[%dma_start3A_41, %add3A, %dma_start3A_42] : memref<200x32x256xf32, #tpu.memory_space<hbm>> -> memref<200x1x256xf32, #tpu.memory_space<hbm>>
      %dma_start3A_44 = tpu.memref_squeeze %dma_start3A_43 : memref<200x1x256xf32, #tpu.memory_space<hbm>> -> memref<200x256xf32, #tpu.memory_space<hbm>>
      %dma_start3A_45 = arith.constant 0 : i32
      %dma_start3A_46 = arith.constant 0 : i32
      %dma_start3A_47 = tpu.memref_slice %arg4[%dma_start3A_45, %add3A, %dma_start3A_46] : memref<200x32x256xf32, #tpu.memory_space<hbm>> -> memref<200x1x256xf32, #tpu.memory_space<hbm>>
      %dma_start3A_48 = tpu.memref_squeeze %dma_start3A_47 : memref<200x1x256xf32, #tpu.memory_space<hbm>> -> memref<200x256xf32, #tpu.memory_space<hbm>>
      tpu.enqueue_dma source(%arg6 : memref<200x256xf32, #tpu.memory_space<vmem>>) target(%dma_start3A_48 : memref<200x256xf32, #tpu.memory_space<hbm>>) target_semaphore(%run_scoped3A : memref<!tpu.dma_semaphore, #tpu.memory_space<semaphore_mem>>)
      %dma_wait3A = arith.constant 0 : i32
      %dma_wait3A_49 = arith.constant 0 : i32
      %dma_wait3A_50 = tpu.memref_slice %arg4[%dma_wait3A, %add3A, %dma_wait3A_49] : memref<200x32x256xf32, #tpu.memory_space<hbm>> -> memref<200x1x256xf32, #tpu.memory_space<hbm>>
      %dma_wait3A_51 = tpu.memref_squeeze %dma_wait3A_50 : memref<200x1x256xf32, #tpu.memory_space<hbm>> -> memref<200x256xf32, #tpu.memory_space<hbm>>
      %dma_wait3A_52 = arith.constant 0 : i32
      %dma_wait3A_53 = arith.constant 0 : i32
      %dma_wait3A_54 = tpu.memref_slice %arg4[%dma_wait3A_52, %add3A, %dma_wait3A_53] : memref<200x32x256xf32, #tpu.memory_space<hbm>> -> memref<200x1x256xf32, #tpu.memory_space<hbm>>
      %dma_wait3A_55 = tpu.memref_squeeze %dma_wait3A_54 : memref<200x1x256xf32, #tpu.memory_space<hbm>> -> memref<200x256xf32, #tpu.memory_space<hbm>>
      tpu.wait_dma2 semaphore(%run_scoped3A : memref<!tpu.dma_semaphore, #tpu.memory_space<semaphore_mem>>) src(%arg6 : memref<200x256xf32, #tpu.memory_space<vmem>>) dst(%dma_wait3A_55 : memref<200x256xf32, #tpu.memory_space<hbm>>)
      tpu.yield
    }) : () -> ()
    return
  }
}

</mosaic_0001>

<sc_bundles>
// kernel: _gather.3.cloned.1.call-start
scs
__scs_entry_jumppad:
0x0: {  	(pc) =	sbr.rel $0x88, $3  }
0x1: {  	(tag) =	ssettag $0x0;
	lr =	simm.s32 $0x1  }
0x2: {  	[smem:$0x3F9F] =	sst lr;
	_ =	strace $0xD0000000  }
0x3: {  	_ = 	snop  }
0x4: {  	_ = 	snop  }
0x5: {  	_ = 	snop  }
0x6: {  	_ = 	snop  }
0x7: {  	_ = 	snop  }
__scs_overlays_trampoline_lowered:
0x8: {  	[smem:$0x3FAE] =	sst s0  }
0x9: {  	[smem:$0x3FAF] =	sst s1  }
0xa: {  	[smem:$0x3FB0] =	sst s2  }
0xb: {  	[smem:$0x3FB1] =	sst s3  }
0xc: {  	[smem:$0x3FB2] =	sst s4  }
0xd: {  	[smem:$0x3FB3] =	sst s5  }
0xe: {  	[smem:$0x3FB4] =	sst s6  }
0xf: {  	[smem:$0x3FB5] =	sst s7  }
0x10: {  	[smem:$0x3FB6] =	sst s8  }
0x11: {  	[smem:$0x3FB7] =	sst s9;
	s0 =	simm.s32 @!p0 $0x0  }
0x12: {  	s1 =	sld [smem:$0x3F9D];
	s0 =	simm.s32 @p0 $0x1  }
0x13: {  	[smem:$0x3FB8] =	sst s0;
	s0 =	simm.s32 @!p1 $0x0  }
0x14: {  	s2 =	sld [smem:$0x3F9C];
	s0 =	simm.s32 @p1 $0x1  }
0x15: {  	[smem:$0x3FB9] =	sst s0;
	s0 =	simm.s32 @!p2 $0x0  }
0x16: {  	s3 =	sld [smem:$0x3FDB];
	s0 =	simm.s32 @p2 $0x1  }
0x17: {  	s4 =	simm.s32 $0x1BF5;
	[smem:$0x3FBB] =	sst s0  }
0x18: {  	s0 =	sld [smem:$0x3F9E];
	_ =	swait.ge [sflag:s4], $0x0  }
0x19: {  	s7 =	sld [smem:$0x3F9F]  }
0x1a: {  	s8 =	sadd.s32 $0xFFFFE003, lr  }
0x1b: {  	s9 =	sadd.s32 $0xFFFFFEF7, lr;
	s5 =	simm.s32 $0xFFFFFFFF;
	p2 =	slt.u32 s8, $0xFFFFF086  }
0x1c: {  	p1 =	slt.u32 s9, $0xF7A;
	s5 =	simm.s32 @!p2 $0x0  }
0x1d: {  	s5 =	simm.s32 @p1 $0x1;
	p0 =	seq.s32 s7, s2  }
0x1e: {  	s7 =	smul.u32 @!p0 $0xF7A, s2;
	p2 =	seq.s32 @!p0 s5, $0x0  }
0x1f: {  	s9 =	smul.u32 $0xF7A, s1;
	s8 =	simm.s32 @!p0 $0x1BF5;
	p2 =	por !p2, p0  }
0x20: {  	[sflag:s8] =	ssyncset.s32 @!p0 $0xFFFFF086;
	s6 =	sadd.s32 @!p0 s3, s7;
	s7 =	simm.s32 @!p0 $0x108  }
0x21: {  	s3 =	sadd.s32 s3, s9;
	s6 =	sadd.s32 @!p0 $0x88, s6;
	s7 =	simm.s32 @p2 $0x1082  }
0x22: {  	[simem:s7], [sflag:s8] =	dma.local @!p0 [hbm:s6], $0xF7A  }
0x23: {  	s9 =	sor.u32 $0xD0000000, s2;
	s6 =	simm.s32 $0x108;
	_ =	swait.ge @!p0 [sflag:s8], $0x0  }
0x24: {  	s3 =	sadd.s32 $0x88, s3;
	s6 =	simm.s32 @!p1 $0x1082;
	[sflag:s4] =	ssyncset.s32 $0xFFFFF086  }
0x25: {  	[simem:s6], [sflag:s4] =	dma.local [hbm:s3], $0xF7A  }
0x26: {  	[smem:$0x3F9F] =	sst s1;
	(tag) =	ssettag s2;
	_ =	strace s9  }
0x27: {  	s1 =	sld [smem:$0x3FAF]  }
0x28: {  	s2 =	sld [smem:$0x3FB0]  }
0x29: {  	s4 =	sld [smem:$0x3FB2]  }
0x2a: {  	p0 =	seq.s32 s5, $0x0;
	s5 =	sld [smem:$0x3FB3]  }
0x2b: {  	s6 =	sld [smem:$0x3FB4]  }
0x2c: {  	s7 =	sld [smem:$0x3FB5]  }
0x2d: {  	s3 =	simm.s32 $0x108;
	s8 =	sld [smem:$0x3FB6]  }
0x2e: {  	s3 =	simm.s32 @!p0 $0x1082;
	s9 =	sld [smem:$0x3FB7]  }
0x2f: {  	lr =	sadd.s32 s0, s3;
	s0 =	sld [smem:$0x3FAE]  }
0x30: {  	s3 =	sld [smem:$0x3FB1]  }
0x31: {  	[smem:$0x3FBA] =	sst s10  }
0x32: {  	s10 =	sld [smem:$0x3FB8];
	_ =	sdelay $0x3  }
0x33: {  	p0 =	seq.s32 s10, $0x1;
	s10 =	sld [smem:$0x3FBA];
	_ =	sdelay $0x3  }
0x34: {  	[smem:$0x3FBA] =	sst s10  }
0x35: {  	s10 =	sld [smem:$0x3FB9];
	_ =	sdelay $0x3  }
0x36: {  	p1 =	seq.s32 s10, $0x1;
	s10 =	sld [smem:$0x3FBA];
	_ =	sdelay $0x3  }
0x37: {  	[smem:$0x3FBA] =	sst s10  }
0x38: {  	s10 =	sld [smem:$0x3FBB]  }
0x39: {  	_ = 	snop;
	(pc) =	sbr.ind lr, $3  }
0x3a: {  	_ = 	snop  }
0x3b: {  	_ = 	snop  }
0x3c: {  	p2 =	seq.s32 s10, $0x1;
	s10 =	sld [smem:$0x3FBA]  }
0x3d: {  	_ =	shalt  }
0x3e: {  	_ =	shalt  }
0x3f: {  	_ =	shalt  }
0x40: {  	_ =	shalt  }
0x41: {  	_ =	shalt  }
0x42: {  	_ =	shalt  }
0x43: {  	_ =	shalt  }
0x44: {  	_ =	shalt  }
0x45: {  	_ =	shalt  }
0x46: {  	_ =	shalt  }
0x47: {  	_ =	shalt  }
0x48: {  	_ =	shalt  }
0x49: {  	_ =	shalt  }
0x4a: {  	_ =	shalt  }
0x4b: {  	_ =	shalt  }
0x4c: {  	_ =	shalt  }
0x4d: {  	_ =	shalt  }
0x4e: {  	_ =	shalt  }
0x4f: {  	_ =	shalt  }
0x50: {  	_ =	shalt  }
0x51: {  	_ =	shalt  }
0x52: {  	_ =	shalt  }
0x53: {  	_ =	shalt  }
0x54: {  	_ =	shalt  }
0x55: {  	_ =	shalt  }
0x56: {  	_ =	shalt  }
0x57: {  	_ =	shalt  }
0x58: {  	_ =	shalt  }
0x59: {  	_ =	shalt  }
0x5a: {  	_ =	shalt  }
0x5b: {  	_ =	shalt  }
0x5c: {  	_ =	shalt  }
0x5d: {  	_ =	shalt  }
0x5e: {  	_ =	shalt  }
0x5f: {  	_ =	shalt  }
0x60: {  	_ =	shalt  }
0x61: {  	_ =	shalt  }
0x62: {  	_ =	shalt  }
0x63: {  	_ =	shalt  }
0x64: {  	_ =	shalt  }
0x65: {  	_ =	shalt  }
0x66: {  	_ =	shalt  }
0x67: {  	_ =	shalt  }
0x68: {  	_ =	shalt  }
0x69: {  	_ =	shalt  }
0x6a: {  	_ =	shalt  }
0x6b: {  	_ =	shalt  }
0x6c: {  	_ =	shalt  }
0x6d: {  	_ =	shalt  }
0x6e: {  	_ =	shalt  }
0x6f: {  	_ =	shalt  }
0x70: {  	_ =	shalt  }
0x71: {  	_ =	shalt  }
0x72: {  	_ =	shalt  }
0x73: {  	_ =	shalt  }
0x74: {  	_ =	shalt  }
0x75: {  	_ =	shalt  }
0x76: {  	_ =	shalt  }
0x77: {  	_ =	shalt  }
0x78: {  	_ =	shalt  }
0x79: {  	_ =	shalt  }
0x7a: {  	_ =	shalt  }
0x7b: {  	_ =	shalt  }
0x7c: {  	_ =	shalt  }
0x7d: {  	_ =	shalt  }
0x7e: {  	_ =	shalt  }
0x7f: {  	_ =	shalt  }
0x80: {  	_ =	shalt  }
0x81: {  	_ =	shalt  }
0x82: {  	_ =	shalt  }
0x83: {  	_ =	shalt  }
0x84: {  	_ =	shalt  }
0x85: {  	_ =	shalt  }
0x86: {  	_ =	shalt  }
0x87: {  	_ =	shalt  }
.Lfunc_end0:
.L_simem_size_0:
called_computation_lowered:
.L_overlay_start_0:
0x88: {  	s2 =	sld [smem:$0x3FD9]  }
0x89: {  	s3 =	sld [smem:$0x3FFE];
	_ =	sdelay $0x1  }
0x8a: {  	s1 =	srdreg.scid  }
0x8b: {  	s0 =	sand.u32 $0x1, s1  }
0x8c: {  	s17 =	sshll.u32 s0, $0xA;
	s2 =	sadd.s32 s3, s2  }
0x8d: {  	s2 =	sadd.s32 s2, s17  }
0x8e: {  	[smem:$0x3FC6] =	sst s2  }
0x8f: {  	_ = 	snop  }
0x90: {  	s2 =	sld [smem:$0x3FD0];
	(tm) =	ssettm $0x1  }
0x91: {  	s18 =	sld [smem:$0x3FFB];
	_ =	sdelay $0x3  }
0x92: {  	_ =	strace s18  }
0x93: {  	s3 =	sld [smem:$0x3FFC];
	_ =	sdelay $0x3  }
0x94: {  	_ =	strace s3  }
0x95: {  	s3 =	sld [smem:$0x3FFD];
	_ =	sdelay $0x3  }
0x96: {  	_ =	strace s3  }
0x97: {  	_ =	strace $0x8FFFFFFF  }
0x98: {  	s19 =	sld [smem:$0x3FDB];
	_ =	sdelay $0x1  }
0x99: {  	s4 =	simm.s32 $_scs_section_size  }
0x9a: {  	s5 =	simm.s32 $_size__tile_overlayer_lowered;
	s6 =	simm.s32 $_tile_overlayer_lowered  }
0x9b: {  	s22 =	simm.s32 $0x1BFF;
	s21 =	sshll.u32 s6, $0x1;
	s3 =	sadd.s32 s4, s19  }
0x9c: {  	s7 =	simm.s32 $0x0;
	s20 =	sshll.u32 s5, $0x1;
	s5 =	sadd.s32 s21, s3  }
0x9d: {  	[timem:s7], [sflag:s22] =	dma.local [hbm:s5], s20  }
0x9e: {  	_ =	swait.ge [sflag:s22], s20  }
0x9f: {  	s4 =	ssub.s32 $0x0, s20;
	[sflag:s22] =	ssyncset.done $0x0  }
0xa0: {  	[sflag:s22] =	ssyncadd.s32 s4;
	_ =	sdelay $0x1  }
0xa1: {  	s23 =	simm.s32 $0x1B8B  }
0xa2: {  	_ =	swait.ge [sflag:s23], $0x1  }
0xa3: {  	[sflag:s23] =	ssyncset.done $0x0  }
0xa4: {  	s25 =	simm.s32 $0x1B8E;
	s24 =	sld [smem:$0x3FFE];
	[sflag:s23] =	ssyncadd.s32 $0xFFFFFFFF  }
0xa5: {  	s26 =	simm.s32 $execute0_lowered;
	[smem:$0x3FD2] =	sst s25  }
0xa6: {  	s5 =	sshll.u32 s26, $0x1;
	_ =	strace $0x80000046;
	[dreg:$0x1] =	wrdreg $0xFFFFFFFF  }
0xa7: {  	s28 =	simm.s32 $_size_execute0_lowered;
	s3 =	sadd.s32 s3, s5;
	[dreg:$0x0] =	wrdreg $0x0  }
0xa8: {  	s5 =	sshll.u32 s28, $0x1;
	[dreg:$0x2] =	wrdreg s3  }
0xa9: {  	[dreg:$0x3] =	wrdreg s5  }
0xaa: {  	[dreg:$0x4] =	wrdreg $0xC0  }
0xab: {  	_ =	task [dreg:s7], $0x5FFFF  }
0xac: {  	[dreg:$0x1] =	wrdreg $0xFFFFFFFF  }
0xad: {  	[dreg:$0x0] =	wrdreg $0x60  }
0xae: {  	[dreg:$0x2] =	wrdreg s2  }
0xaf: {  	[dreg:$0x3] =	wrdreg s24  }
0xb0: {  	[dreg:$0x4] =	wrdreg $0x9  }
0xb1: {  	_ =	task.clear_ibuf [dreg:s7], $0x5FFFF;
	_ =	strace $0x90000046  }
0xb2: {  	s29 =	simm.s32 $0x9;
	_ =	strace $0x80000048  }
0xb3: {  	_ =	swait.ge [sflag:s29], $0x1  }
0xb4: {  	[sflag:s29] =	ssyncadd.s32 $0xFFFFFFFF  }
0xb5: {  	_ =	strace $0x90000048  }
0xb6: {  	_ =	sfence  }
0xb7: {  	s30 =	sld [smem:$0x0];
	_ =	sdelay $0x2  }
0xb8: {  	s31 =	sshll.u32 s1, $0xD;
	s1 =	sshrl.u32 s1, $0x2  }
0xb9: {  	s3 =	sand.u32 $0x4000, s31;
	s1 =	sadd.s32 s1, s30  }
0xba: {  	s0 =	sor.u32 s3, s0;
	s1 =	sshll.u32 s1, $0x11  }
0xbb: {  	s0 =	sor.u32 s1, s0  }
0xbc: {  	s0 =	sadd.s32 $0x8F2B, s0  }
0xbd: {  	[sflag:s0] =	ssyncadd.remote.s32 $0x1  }
0xbe: {  	_ =	sfence.sel $0xFFFF  }
0xbf: {  	[dreg:$0x0] =	wrdreg $0xFFFFFFFF;
	(pc) =	sbr.abs _section_cstart, $3  }
0xc0: {  	[dreg:$0x1] =	wrdreg $0xFFFFFFFF  }
0xc1: {  	_ =	task.clear_ibuf [dreg:s7], $0x2FFFF;
	_ =	strace $0x9FFFFFFF  }
0xc2: {  	(tm) =	ssettm $0x7FFFFFFF  }
0xc3: {  	_ =	shalt  }
tec
execute0_lowered:
.L_overlay_start_1:
0x0: {  	(tag) =	ssettag $0x1  }
0x1: {  	s0 =	rddreg [dreg:$0x0]  }
0x2: {  	s1 =	rddreg [dreg:$0x1]  }
0x3: {  	s4 =	simm.s32 $0x0;
	s2 =	srdreg.scid;
	s3 =	stileid.u32  }
0x4: {  	s9 =	simm.s32 $0x9;
	s10 =	simm.s32 $0x280;
	s12 =	simm.s32 $0x14A00  }
0x5: {  	s14 =	simm.s32 $0x19A00;
	s16 =	simm.s32 $0x15E00;
	s18 =	simm.s32 $0x1AE00  }
0x6: {  	s20 =	simm.s32 $0x17200;
	s22 =	simm.s32 $0x1C200;
	s24 =	simm.s32 $0x18600  }
0x7: {  	s26 =	simm.s32 $0x1D600;
	s7 =	simm.s32 $0x4;
	s8 =	simm.s32 $0x8  }
0x8: {  	[smem:$0x7FF] =	sst s4;
	s2 =	sand.u32 $0x1, s2;
	s3 =	sshll.u32 s3, $0x1  }
0x9: {  	_ =	strace $0x80000047;
	s28 =	sor.u32 s2, s3;
	s3 =	sadd.s32 $0x3D1600, s1  }
0xa: {  	s2 =	ssub.s32 $0x2, s2;
	s5 =	sshll.u32 s28, $0x5;
	s4 =	sshll.u32 s28, $0x7  }
0xb: {  	s29 =	sshrl.u32 s2, $0x1;
	s1 =	sadd.s32 s5, s1;
	s0 =	sadd.s32 s0, s4  }
0xc: {  	s2 =	ssub.s32 s2, s29;
	[dreg:$0x3] =	wrdreg s0;
	s30 =	sadd.s32 $0x600, s1  }
0xd: {  	v0 =	vlaneseq.u32;
	s4 =	simm.s32 $0x0;
	s31 =	smax.u32 s2, $0x1;
	[dreg:$0x4] =	wrdreg s30  }
0xe: {  	v0 =	vmul.u32 $0x8, v0;
	s0 =	simm.s32 $0x3;
	s1 =	simm.s32 $0x7;
	[dreg:$0x5] =	wrdreg s31  }
.LBB2_1:
0xf: {  	[dreg:$0x6] =	wrdreg s4;
	s2 =	simm.s32 $0x0  }
0x10: {  	s30 =	rddreg [dreg:$0x3];
	s5 =	simm.s32 $0x400;
	s6 =	simm.s32 $0x8000  }
0x11: {  	[tilespmem:s2], [sflag:$0x9] =	stream.strided.gather [hbm4b:s30+s5], $0x6400, s6, s5, $0x38;
	[tilespmem:$0x1EA00] =	vst v63  }
0x12: {  	_ =	swait.ge [sflag:s9], $0x6400  }
0x13: {  	[sflag:s9] =	ssyncset.done $0x0  }
0x14: {  	s2 =	simm.s32 $0x20;
	[sflag:s9] =	ssyncadd.s32 $0xFFFF9C00  }
0x15: {  	v1 =	vld [tilespmem:s2+$0xFFFFFFE0];
	_ =	sdelay $0x4  }
0x16: {  	v2 =	vshrl.u32 v1, $0x3  }
0x17: {  	v3 =	vand.u32 $0x1FFFFFF0, v2  }
0x18: {  	s31 =	simm.s32 $0x12C20;
	v2 =	vadd.s32 v2, v3  }
0x19: {  	s4 =	simm.s32 $0x13620;
	[tilespmem:s31+$0xFFFFFFE0] =	vst v2;
	v2 =	vadd.s32 $0x10, v2  }
0x1a: {  	s5 =	simm.s32 $0x14020;
	v1 =	vand.u32 $0x7, v1;
	[tilespmem:s4+$0xFFFFFFE0] =	vst v2  }
0x1b: {  	[tilespmem:s5+$0xFFFFFFE0] =	vst v1  }
0x1c: {  	v1 =	vld [tilespmem:s2+$0xFFFFFFF0];
	_ =	sdelay $0x4  }
0x1d: {  	v2 =	vshrl.u32 v1, $0x3  }
0x1e: {  	v3 =	vand.u32 $0x1FFFFFF0, v2  }
0x1f: {  	v2 =	vadd.s32 v2, v3  }
0x20: {  	[tilespmem:s31+$0xFFFFFFF0] =	vst v2;
	v2 =	vadd.s32 $0x10, v2  }
0x21: {  	v1 =	vand.u32 $0x7, v1;
	[tilespmem:s4+$0xFFFFFFF0] =	vst v2  }
0x22: {  	[tilespmem:s5+$0xFFFFFFF0] =	vst v1  }
0x23: {  	v1 =	vld [tilespmem:s2+$0x0];
	_ =	sdelay $0x4  }
0x24: {  	v2 =	vshrl.u32 v1, $0x3  }
0x25: {  	v3 =	vand.u32 $0x1FFFFFF0, v2  }
0x26: {  	v2 =	vadd.s32 v2, v3  }
0x27: {  	[tilespmem:s31+$0x0] =	vst v2;
	v2 =	vadd.s32 $0x10, v2  }
0x28: {  	v1 =	vand.u32 $0x7, v1;
	[tilespmem:s4+$0x0] =	vst v2  }
0x29: {  	[tilespmem:s5+$0x0] =	vst v1  }
0x2a: {  	v1 =	vld [tilespmem:s2+$0x10];
	_ =	sdelay $0x4  }
0x2b: {  	v2 =	vshrl.u32 v1, $0x3  }
0x2c: {  	v3 =	vand.u32 $0x1FFFFFF0, v2  }
0x2d: {  	v2 =	vadd.s32 v2, v3  }
0x2e: {  	[tilespmem:s31+$0x10] =	vst v2;
	v2 =	vadd.s32 $0x10, v2  }
0x2f: {  	s6 =	simm.s32 $0x1;
	s9 =	simm.s32 $0x12C60;
	v1 =	vand.u32 $0x7, v1;
	[tilespmem:s4+$0x10] =	vst v2  }
.LBB2_2:
0x30: {  	[tilespmem:s5+$0x10] =	vst v1;
	s4 =	sadd.s32 $0x40, s4;
	s5 =	sadd.s32 $0x40, s5;
	s2 =	sadd.s32 $0x40, s2  }
0x31: {  	p0 =	sne.s32 s6, $0x9;
	s6 =	sadd.s32 $0x1, s6;
	v1 =	vld [tilespmem:s2+$0xFFFFFFE0];
	_ =	sdelay $0x4  }
0x32: {  	v2 =	vshrl.u32 v1, $0x3  }
0x33: {  	v3 =	vand.u32 $0x1FFFFFF0, v2  }
0x34: {  	v2 =	vadd.s32 v2, v3  }
0x35: {  	[tilespmem:s9+$0xFFFFFFE0] =	vst v2;
	v2 =	vadd.s32 $0x10, v2  }
0x36: {  	v1 =	vand.u32 $0x7, v1;
	[tilespmem:s4+$0xFFFFFFE0] =	vst v2  }
0x37: {  	[tilespmem:s5+$0xFFFFFFE0] =	vst v1  }
0x38: {  	v1 =	vld [tilespmem:s2+$0xFFFFFFF0];
	_ =	sdelay $0x4  }
0x39: {  	v2 =	vshrl.u32 v1, $0x3  }
0x3a: {  	v3 =	vand.u32 $0x1FFFFFF0, v2  }
0x3b: {  	v2 =	vadd.s32 v2, v3  }
0x3c: {  	[tilespmem:s9+$0xFFFFFFF0] =	vst v2;
	v2 =	vadd.s32 $0x10, v2  }
0x3d: {  	v1 =	vand.u32 $0x7, v1;
	[tilespmem:s4+$0xFFFFFFF0] =	vst v2  }
0x3e: {  	[tilespmem:s5+$0xFFFFFFF0] =	vst v1  }
0x3f: {  	v1 =	vld [tilespmem:s2+$0x0];
	_ =	sdelay $0x4  }
0x40: {  	v2 =	vshrl.u32 v1, $0x3  }
0x41: {  	v3 =	vand.u32 $0x1FFFFFF0, v2  }
0x42: {  	v2 =	vadd.s32 v2, v3  }
0x43: {  	[tilespmem:s9+$0x0] =	vst v2;
	v2 =	vadd.s32 $0x10, v2  }
0x44: {  	v1 =	vand.u32 $0x7, v1;
	[tilespmem:s4+$0x0] =	vst v2  }
0x45: {  	[tilespmem:s5+$0x0] =	vst v1  }
0x46: {  	v1 =	vld [tilespmem:s2+$0x10];
	_ =	sdelay $0x4  }
.Ltmp0:
0x47: {  	v2 =	vshrl.u32 v1, $0x3;
	(pc) =	sbr.rel @p0 .LBB2_2-.Ltmp0, $4  }
0x48: {  	v3 =	vand.u32 $0x1FFFFFF0, v2  }
0x49: {  	v2 =	vadd.s32 v2, v3  }
0x4a: {  	[tilespmem:s9+$0x10] =	vst v2;
	v2 =	vadd.s32 $0x10, v2  }
0x4b: {  	v1 =	vand.u32 $0x7, v1;
	s9 =	sadd.s32 $0x40, s9;
	[tilespmem:s4+$0x10] =	vst v2  }
0x4c: {  	[tilespmem:s5+$0x10] =	vst v1;
	s2 =	simm.s32 $0x12C00;
	s15 =	simm.s32 $0xA00  }
0x4d: {  	[tilespmem:s12], [sflag:$0x1] =	stream.indirect.gather [hbm4b:s3+s10], $0x8, s2, s10, $0xb8;
	[tilespmem:$0x1EA00] =	vst v63  }
0x4e: {  	s13 =	simm.s32 $0x13600;
	s4 =	simm.s32 $0x280;
	s2 =	sand.u32 $0x1000, s15  }
0x4f: {  	s17 =	simm.s32 $0x0;
	s4 =	sand.u32 $0x380, s4;
	s2 =	sshrl.u32 s2, $0x2  }
0x50: {  	[tilespmem:s14], [sflag:$0x5] =	stream.indirect.gather [hbm4b:s3+s10], $0x8, s13, s10, $0xb8;
	[tilespmem:$0x1EA00] =	vst v63  }
0x51: {  	s5 =	sand.u32 $0x40, s17;
	s2 =	sor.u32 s4, s2  }
0x52: {  	s2 =	sor.u32 s5, s2  }
0x53: {  	v1 =	vld [tilespmem:s2+$0x0];
	_ =	sdelay $0x4  }
0x54: {  	s19 =	simm.s32 $0xA40;
	v2 =	vshrl.u32 v1, $0x3  }
0x55: {  	s21 =	simm.s32 $0x290;
	s4 =	simm.s32 $0x2B0;
	s2 =	sand.u32 $0x1000, s19;
	v1 =	vand.u32 $0x7, v1;
	v3 =	vand.u32 $0x1FFFFFF0, v2  }
0x56: {  	s6 =	sand.u32 $0x380, s21;
	s2 =	sshrl.u32 s2, $0x2;
	[tilespmem:s4+$0x13FD0] =	vst v1;
	v2 =	vadd.s32 v2, v3  }
0x57: {  	s5 =	sand.u32 $0x50, s21;
	s2 =	sor.u32 s6, s2;
	[tilespmem:s4+$0x12BD0] =	vst v2;
	v1 =	vadd.s32 $0x10, v2  }
0x58: {  	s2 =	sor.u32 s5, s2;
	[tilespmem:s4+$0x135D0] =	vst v1  }
0x59: {  	v1 =	vld [tilespmem:s2+$0x0];
	_ =	sdelay $0x4  }
0x5a: {  	s23 =	simm.s32 $0xA80;
	v2 =	vshrl.u32 v1, $0x3  }
0x5b: {  	s25 =	simm.s32 $0x2A0;
	s2 =	sand.u32 $0x1000, s23;
	v1 =	vand.u32 $0x7, v1;
	v3 =	vand.u32 $0x1FFFFFF0, v2  }
0x5c: {  	s28 =	sand.u32 $0x380, s25;
	s2 =	sshrl.u32 s2, $0x2;
	[tilespmem:s4+$0x13FE0] =	vst v1;
	v2 =	vadd.s32 v2, v3  }
0x5d: {  	s5 =	sand.u32 $0x60, s25;
	s2 =	sor.u32 s28, s2;
	[tilespmem:s4+$0x12BE0] =	vst v2;
	v1 =	vadd.s32 $0x10, v2  }
0x5e: {  	s2 =	sor.u32 s5, s2;
	[tilespmem:s4+$0x135E0] =	vst v1  }
0x5f: {  	v1 =	vld [tilespmem:s2+$0x0];
	_ =	sdelay $0x4  }
0x60: {  	s29 =	simm.s32 $0xAC0;
	v2 =	vshrl.u32 v1, $0x3  }
0x61: {  	s30 =	simm.s32 $0x2B0;
	s2 =	sand.u32 $0x1000, s29;
	v1 =	vand.u32 $0x7, v1;
	v3 =	vand.u32 $0x1FFFFFF0, v2  }
0x62: {  	s31 =	sand.u32 $0x380, s30;
	s2 =	sshrl.u32 s2, $0x2;
	[tilespmem:s4+$0x13FF0] =	vst v1;
	v1 =	vadd.s32 v2, v3  }
0x63: {  	s5 =	sand.u32 $0x70, s30;
	s2 =	sor.u32 s31, s2;
	[tilespmem:s4+$0x12BF0] =	vst v1;
	v1 =	vadd.s32 $0x10, v1  }
0x64: {  	s2 =	sor.u32 s5, s2;
	[tilespmem:s4+$0x135F0] =	vst v1  }
0x65: {  	v2 =	vld [tilespmem:s2+$0x0];
	_ =	sdelay $0x3  }
0x66: {  	s9 =	simm.s32 $0xB00  }
0x67: {  	s6 =	simm.s32 $0xCC0;
	s5 =	simm.s32 $0x40;
	s2 =	simm.s32 $0xBC0;
	v1 =	vshrl.u32 v2, $0x3;
	v2 =	vand.u32 $0x7, v2  }
.LBB2_4:
0x68: {  	p0 =	sne.s32 s6, $0x13C0  }
0x69: {  	s11 =	sadd.s32 $0x280, s5;
	s9 =	sand.u32 $0x1000, s9;
	v3 =	vand.u32 $0x1FFFFFF0, v1;
	[tilespmem:s4+$0x14000] =	vst v2  }
0x6a: {  	s11 =	sand.u32 $0x380, s11;
	s9 =	sshrl.u32 s9, $0x2;
	v1 =	vadd.s32 v1, v3  }
0x6b: {  	s13 =	sand.u32 $0x40, s5;
	s9 =	sor.u32 s11, s9;
	[tilespmem:s4+$0x12C00] =	vst v1;
	v1 =	vadd.s32 $0x10, v1  }
0x6c: {  	s9 =	sor.u32 s13, s9;
	[tilespmem:s4+$0x13600] =	vst v1  }
0x6d: {  	v1 =	vld [tilespmem:s9+$0x0];
	_ =	sdelay $0x4  }
0x6e: {  	s9 =	sadd.s32 $0xFFFFFF80, s2;
	v2 =	vshrl.u32 v1, $0x3  }
0x6f: {  	s11 =	sadd.s32 $0x290, s5;
	s4 =	sshra.s32 s2, $0x2;
	s9 =	sand.u32 $0x1000, s9;
	v1 =	vand.u32 $0x7, v1;
	v3 =	vand.u32 $0x1FFFFFF0, v2  }
0x70: {  	s13 =	sand.u32 $0x380, s11;
	s9 =	sshrl.u32 s9, $0x2;
	v2 =	vadd.s32 v2, v3;
	[tilespmem:s4+$0x13FD0] =	vst v1  }
0x71: {  	s11 =	sand.u32 $0x50, s11;
	s9 =	sor.u32 s13, s9;
	[tilespmem:s4+$0x12BD0] =	vst v2;
	v1 =	vadd.s32 $0x10, v2  }
0x72: {  	s9 =	sor.u32 s11, s9;
	[tilespmem:s4+$0x135D0] =	vst v1  }
0x73: {  	v1 =	vld [tilespmem:s9+$0x0];
	_ =	sdelay $0x4  }
0x74: {  	s9 =	sadd.s32 $0xFFFFFFC0, s2;
	v2 =	vshrl.u32 v1, $0x3  }
0x75: {  	s11 =	sadd.s32 $0x2A0, s5;
	s9 =	sand.u32 $0x1000, s9;
	v1 =	vand.u32 $0x7, v1;
	v3 =	vand.u32 $0x1FFFFFF0, v2  }
0x76: {  	s13 =	sand.u32 $0x380, s11;
	s9 =	sshrl.u32 s9, $0x2;
	v2 =	vadd.s32 v2, v3;
	[tilespmem:s4+$0x13FE0] =	vst v1  }
0x77: {  	s11 =	sand.u32 $0x60, s11;
	s9 =	sor.u32 s13, s9;
	[tilespmem:s4+$0x12BE0] =	vst v2;
	v1 =	vadd.s32 $0x10, v2  }
0x78: {  	s9 =	sor.u32 s11, s9;
	[tilespmem:s4+$0x135E0] =	vst v1  }
0x79: {  	v1 =	vld [tilespmem:s9+$0x0];
	_ =	sdelay $0x4  }
0x7a: {  	v2 =	vshrl.u32 v1, $0x3;
	v1 =	vand.u32 $0x7, v1  }
0x7b: {  	s11 =	sand.u32 $0x1000, s2;
	s2 =	smov.u32 s6;
	s9 =	sadd.s32 $0x2B0, s5;
	v3 =	vand.u32 $0x1FFFFFF0, v2;
	[tilespmem:s4+$0x13FF0] =	vst v1  }
0x7c: {  	s11 =	sshrl.u32 s11, $0x2;
	s13 =	sand.u32 $0x380, s9;
	v1 =	vadd.s32 v2, v3  }
0x7d: {  	s9 =	sand.u32 $0x70, s9;
	s11 =	sor.u32 s13, s11;
	[tilespmem:s4+$0x12BF0] =	vst v1;
	v1 =	vadd.s32 $0x10, v1  }
0x7e: {  	s9 =	sor.u32 s9, s11;
	[tilespmem:s4+$0x135F0] =	vst v1  }
0x7f: {  	v2 =	vld [tilespmem:s9+$0x0]  }
.Ltmp1:
0x80: {  	(pc) =	sbr.rel @p0 .LBB2_4-.Ltmp1, $2  }
0x81: {  	_ =	sdelay $0x2  }
0x82: {  	s6 =	sadd.s32 $0x100, s6;
	s5 =	sadd.s32 $0x40, s5;
	s9 =	sadd.s32 $0xFFFFFF40, s2;
	v1 =	vshrl.u32 v2, $0x3;
	v2 =	vand.u32 $0x7, v2  }
0x83: {  	s6 =	sadd.s32 $0x280, s5;
	s9 =	sand.u32 $0x1000, s9;
	v3 =	vand.u32 $0x1FFFFFF0, v1  }
0x84: {  	[tilespmem:s4+$0x14000] =	vst v2;
	s6 =	sand.u32 $0x380, s6;
	s9 =	sshrl.u32 s9, $0x2;
	v1 =	vadd.s32 v1, v3  }
0x85: {  	s11 =	sand.u32 $0x40, s5;
	s6 =	sor.u32 s6, s9;
	[tilespmem:s4+$0x12C00] =	vst v1;
	v1 =	vadd.s32 $0x10, v1  }
0x86: {  	s6 =	sor.u32 s11, s6;
	[tilespmem:s4+$0x13600] =	vst v1  }
0x87: {  	v1 =	vld [tilespmem:s6+$0x0];
	_ =	sdelay $0x4  }
0x88: {  	s17 =	sadd.s32 $0xFFFFFF80, s2;
	v2 =	vshrl.u32 v1, $0x3  }
0x89: {  	s19 =	sshra.s32 s2, $0x2;
	s21 =	sadd.s32 $0x290, s5;
	s4 =	sand.u32 $0x1000, s17;
	v1 =	vand.u32 $0x7, v1;
	v3 =	vand.u32 $0x1FFFFFF0, v2  }
0x8a: {  	s23 =	sand.u32 $0x380, s21;
	s4 =	sshrl.u32 s4, $0x2;
	[tilespmem:s19+$0x13FD0] =	vst v1;
	v2 =	vadd.s32 v2, v3  }
0x8b: {  	s9 =	sand.u32 $0x50, s21;
	s4 =	sor.u32 s23, s4;
	[tilespmem:s19+$0x12BD0] =	vst v2;
	v1 =	vadd.s32 $0x10, v2  }
0x8c: {  	s4 =	sor.u32 s9, s4;
	[tilespmem:s19+$0x135D0] =	vst v1  }
0x8d: {  	v1 =	vld [tilespmem:s4+$0x0];
	_ =	sdelay $0x4  }
0x8e: {  	s25 =	sadd.s32 $0xFFFFFFC0, s2;
	v2 =	vshrl.u32 v1, $0x3  }
0x8f: {  	s28 =	sadd.s32 $0x2A0, s5;
	s4 =	sand.u32 $0x1000, s25;
	v1 =	vand.u32 $0x7, v1;
	v3 =	vand.u32 $0x1FFFFFF0, v2  }
0x90: {  	s29 =	sand.u32 $0x380, s28;
	s4 =	sshrl.u32 s4, $0x2;
	[tilespmem:s19+$0x13FE0] =	vst v1;
	v2 =	vadd.s32 v2, v3  }
0x91: {  	s9 =	sand.u32 $0x60, s28;
	s4 =	sor.u32 s29, s4;
	[tilespmem:s19+$0x12BE0] =	vst v2;
	v1 =	vadd.s32 $0x10, v2  }
0x92: {  	s4 =	sor.u32 s9, s4;
	[tilespmem:s19+$0x135E0] =	vst v1  }
0x93: {  	v1 =	vld [tilespmem:s4+$0x0];
	_ =	sdelay $0x4  }
0x94: {  	v2 =	vshrl.u32 v1, $0x3  }
0x95: {  	s30 =	sadd.s32 $0x2B0, s5;
	s31 =	sand.u32 $0x1000, s2;
	v1 =	vand.u32 $0x7, v1;
	v3 =	vand.u32 $0x1FFFFFF0, v2  }
0x96: {  	s5 =	sand.u32 $0x380, s30;
	s2 =	sshrl.u32 s31, $0x2;
	[tilespmem:s19+$0x13FF0] =	vst v1;
	v1 =	vadd.s32 v2, v3  }
0x97: {  	s2 =	sor.u32 s5, s2;
	s4 =	sand.u32 $0x70, s30;
	[tilespmem:s19+$0x12BF0] =	vst v1;
	v1 =	vadd.s32 $0x10, v1  }
0x98: {  	s2 =	sor.u32 s4, s2;
	[tilespmem:s19+$0x135F0] =	vst v1  }
0x99: {  	v1 =	vld [tilespmem:s2+$0x0];
	_ =	sdelay $0x4  }
0x9a: {  	v2 =	vshrl.u32 v1, $0x3  }
0x9b: {  	s11 =	simm.s32 $0x1400;
	v1 =	vand.u32 $0x7, v1;
	v3 =	vand.u32 $0x1FFFFFF0, v2  }
0x9c: {  	s13 =	simm.s32 $0x500;
	s2 =	sand.u32 $0x3000, s11;
	[tilespmem:s19+$0x14000] =	vst v1;
	v1 =	vadd.s32 v2, v3  }
0x9d: {  	s15 =	simm.s32 $0x0;
	s4 =	sand.u32 $0x380, s13;
	s2 =	sshrl.u32 s2, $0x2;
	[tilespmem:s19+$0x12C00] =	vst v1;
	v1 =	vadd.s32 $0x10, v1  }
0x9e: {  	s5 =	sand.u32 $0x40, s15;
	s6 =	simm.s32 $0x12E80;
	s2 =	sor.u32 s4, s2;
	[tilespmem:s19+$0x13600] =	vst v1  }
0x9f: {  	[tilespmem:s16], [sflag:$0x2] =	stream.indirect.gather [hbm4b:s3+s10], $0x8, s6, s10, $0xb8;
	[tilespmem:$0x1EA00] =	vst v63  }
0xa0: {  	s9 =	simm.s32 $0x13880;
	s2 =	sor.u32 s5, s2  }
0xa1: {  	[tilespmem:s18], [sflag:$0x6] =	stream.indirect.gather [hbm4b:s3+s10], $0x8, s9, s10, $0xb8;
	[tilespmem:$0x1EA00] =	vst v63  }
0xa2: {  	v1 =	vld [tilespmem:s2+$0x0];
	_ =	sdelay $0x4  }
0xa3: {  	s17 =	simm.s32 $0x1440;
	v2 =	vshrl.u32 v1, $0x3  }
0xa4: {  	s5 =	simm.s32 $0x500;
	s19 =	simm.s32 $0x510;
	s2 =	sand.u32 $0x3000, s17;
	v1 =	vand.u32 $0x7, v1;
	v3 =	vand.u32 $0x1FFFFFF0, v2  }
0xa5: {  	s21 =	sand.u32 $0x380, s19;
	s2 =	sshrl.u32 s2, $0x2;
	[tilespmem:s5+$0x14000] =	vst v1;
	v2 =	vadd.s32 v2, v3  }
0xa6: {  	s4 =	sand.u32 $0x50, s19;
	s2 =	sor.u32 s21, s2;
	[tilespmem:s5+$0x12C00] =	vst v2;
	v1 =	vadd.s32 $0x10, v2  }
0xa7: {  	s2 =	sor.u32 s4, s2;
	[tilespmem:s5+$0x13600] =	vst v1  }
0xa8: {  	v1 =	vld [tilespmem:s2+$0x0];
	_ =	sdelay $0x4  }
0xa9: {  	s23 =	simm.s32 $0x1480;
	v2 =	vshrl.u32 v1, $0x3  }
0xaa: {  	s25 =	simm.s32 $0x520;
	s2 =	sand.u32 $0x3000, s23;
	v1 =	vand.u32 $0x7, v1;
	v3 =	vand.u32 $0x1FFFFFF0, v2  }
0xab: {  	s28 =	sand.u32 $0x380, s25;
	s2 =	sshrl.u32 s2, $0x2;
	[tilespmem:s5+$0x14010] =	vst v1;
	v2 =	vadd.s32 v2, v3  }
0xac: {  	s4 =	sand.u32 $0x60, s25;
	s2 =	sor.u32 s28, s2;
	[tilespmem:s5+$0x12C10] =	vst v2;
	v1 =	vadd.s32 $0x10, v2  }
0xad: {  	s2 =	sor.u32 s4, s2;
	[tilespmem:s5+$0x13610] =	vst v1  }
0xae: {  	v1 =	vld [tilespmem:s2+$0x0];
	_ =	sdelay $0x4  }
0xaf: {  	s29 =	simm.s32 $0x14C0;
	v2 =	vshrl.u32 v1, $0x3  }
0xb0: {  	s30 =	simm.s32 $0x530;
	s2 =	sand.u32 $0x3000, s29;
	v1 =	vand.u32 $0x7, v1;
	v3 =	vand.u32 $0x1FFFFFF0, v2  }
0xb1: {  	s31 =	sand.u32 $0x380, s30;
	s2 =	sshrl.u32 s2, $0x2;
	[tilespmem:s5+$0x14020] =	vst v1;
	v1 =	vadd.s32 v2, v3  }
0xb2: {  	s4 =	sand.u32 $0x70, s30;
	s2 =	sor.u32 s31, s2;
	[tilespmem:s5+$0x12C20] =	vst v1;
	v1 =	vadd.s32 $0x10, v1  }
0xb3: {  	s2 =	sor.u32 s4, s2;
	[tilespmem:s5+$0x13620] =	vst v1  }
0xb4: {  	v2 =	vld [tilespmem:s2+$0x0];
	_ =	sdelay $0x4  }
0xb5: {  	s6 =	simm.s32 $0x1600;
	s2 =	simm.s32 $0x1500;
	v1 =	vshrl.u32 v2, $0x3;
	v3 =	vand.u32 $0x7, v2  }
0xb6: {  	s9 =	simm.s32 $0x540;
	s4 =	simm.s32 $0x40;
	s11 =	sand.u32 $0x3000, s2;
	v2 =	vand.u32 $0x1FFFFFF0, v1;
	[tilespmem:s5+$0x14030] =	vst v3  }
.LBB2_6:
0xb7: {  	p0 =	sne.s32 s6, $0x1D00;
	s9 =	sand.u32 $0x380, s9;
	s11 =	sshrl.u32 s11, $0x2;
	v1 =	vadd.s32 v1, v2  }
0xb8: {  	s13 =	sand.u32 $0x40, s4;
	s9 =	sor.u32 s9, s11;
	[tilespmem:s5+$0x12C30] =	vst v1;
	v1 =	vadd.s32 $0x10, v1  }
0xb9: {  	s9 =	sor.u32 s13, s9;
	[tilespmem:s5+$0x13630] =	vst v1  }
0xba: {  	v1 =	vld [tilespmem:s9+$0x0];
	_ =	sdelay $0x4  }
0xbb: {  	s9 =	sadd.s32 $0x40, s2;
	v2 =	vshrl.u32 v1, $0x3  }
0xbc: {  	s11 =	sadd.s32 $0x510, s4;
	s5 =	sshra.s32 s2, $0x2;
	s9 =	sand.u32 $0x3000, s9;
	v1 =	vand.u32 $0x7, v1;
	v3 =	vand.u32 $0x1FFFFFF0, v2  }
0xbd: {  	s13 =	sand.u32 $0x380, s11;
	s9 =	sshrl.u32 s9, $0x2;
	v2 =	vadd.s32 v2, v3;
	[tilespmem:s5+$0x14000] =	vst v1  }
0xbe: {  	s11 =	sand.u32 $0x50, s11;
	s9 =	sor.u32 s13, s9;
	[tilespmem:s5+$0x12C00] =	vst v2;
	v1 =	vadd.s32 $0x10, v2  }
0xbf: {  	s9 =	sor.u32 s11, s9;
	[tilespmem:s5+$0x13600] =	vst v1  }
0xc0: {  	v1 =	vld [tilespmem:s9+$0x0];
	_ =	sdelay $0x4  }
0xc1: {  	s9 =	sadd.s32 $0x80, s2;
	v2 =	vshrl.u32 v1, $0x3  }
0xc2: {  	s11 =	sadd.s32 $0x520, s4;
	s9 =	sand.u32 $0x3000, s9;
	v1 =	vand.u32 $0x7, v1;
	v3 =	vand.u32 $0x1FFFFFF0, v2  }
0xc3: {  	s13 =	sand.u32 $0x380, s11;
	s9 =	sshrl.u32 s9, $0x2;
	v2 =	vadd.s32 v2, v3;
	[tilespmem:s5+$0x14010] =	vst v1  }
0xc4: {  	s11 =	sand.u32 $0x60, s11;
	s9 =	sor.u32 s13, s9;
	[tilespmem:s5+$0x12C10] =	vst v2;
	v1 =	vadd.s32 $0x10, v2  }
0xc5: {  	s9 =	sor.u32 s11, s9;
	[tilespmem:s5+$0x13610] =	vst v1  }
0xc6: {  	v1 =	vld [tilespmem:s9+$0x0];
	_ =	sdelay $0x4  }
0xc7: {  	s9 =	sadd.s32 $0xC0, s2;
	s2 =	smov.u32 s6;
	v2 =	vshrl.u32 v1, $0x3;
	v1 =	vand.u32 $0x7, v1  }
0xc8: {  	s11 =	sadd.s32 $0x530, s4;
	s9 =	sand.u32 $0x3000, s9;
	v3 =	vand.u32 $0x1FFFFFF0, v2;
	[tilespmem:s5+$0x14020] =	vst v1  }
0xc9: {  	s13 =	sand.u32 $0x380, s11;
	s9 =	sshrl.u32 s9, $0x2;
	v1 =	vadd.s32 v2, v3  }
0xca: {  	s11 =	sand.u32 $0x70, s11;
	s9 =	sor.u32 s13, s9;
	[tilespmem:s5+$0x12C20] =	vst v1;
	v1 =	vadd.s32 $0x10, v1  }
0xcb: {  	s9 =	sor.u32 s11, s9;
	[tilespmem:s5+$0x13620] =	vst v1  }
0xcc: {  	v2 =	vld [tilespmem:s9+$0x0];
	_ =	sdelay $0x1  }
.Ltmp2:
0xcd: {  	(pc) =	sbr.rel @p0 .LBB2_6-.Ltmp2, $3  }
0xce: {  	_ =	sdelay $0x1  }
0xcf: {  	s4 =	sadd.s32 $0x40, s4;
	v1 =	vshrl.u32 v2, $0x3;
	v3 =	vand.u32 $0x7, v2  }
0xd0: {  	s6 =	sadd.s32 $0x100, s6;
	s11 =	sand.u32 $0x3000, s2;
	s9 =	sadd.s32 $0x500, s4;
	v2 =	vand.u32 $0x1FFFFFF0, v1;
	[tilespmem:s5+$0x14030] =	vst v3  }
0xd1: {  	s6 =	sand.u32 $0x380, s9;
	s30 =	sshrl.u32 s11, $0x2;
	v1 =	vadd.s32 v1, v2  }
0xd2: {  	s31 =	sand.u32 $0x40, s4;
	s6 =	sor.u32 s6, s30;
	[tilespmem:s5+$0x12C30] =	vst v1;
	v1 =	vadd.s32 $0x10, v1  }
0xd3: {  	s6 =	sor.u32 s31, s6;
	[tilespmem:s5+$0x13630] =	vst v1  }
0xd4: {  	v1 =	vld [tilespmem:s6+$0x0];
	_ =	sdelay $0x4  }
0xd5: {  	s11 =	sadd.s32 $0x40, s2;
	v2 =	vshrl.u32 v1, $0x3  }
0xd6: {  	s13 =	sshra.s32 s2, $0x2;
	s15 =	sadd.s32 $0x510, s4;
	s5 =	sand.u32 $0x3000, s11;
	v1 =	vand.u32 $0x7, v1;
	v3 =	vand.u32 $0x1FFFFFF0, v2  }
0xd7: {  	s17 =	sand.u32 $0x380, s15;
	s5 =	sshrl.u32 s5, $0x2;
	[tilespmem:s13+$0x14000] =	vst v1;
	v2 =	vadd.s32 v2, v3  }
0xd8: {  	s9 =	sand.u32 $0x50, s15;
	s5 =	sor.u32 s17, s5;
	[tilespmem:s13+$0x12C00] =	vst v2;
	v1 =	vadd.s32 $0x10, v2  }
0xd9: {  	s5 =	sor.u32 s9, s5;
	[tilespmem:s13+$0x13600] =	vst v1  }
0xda: {  	v1 =	vld [tilespmem:s5+$0x0];
	_ =	sdelay $0x4  }
0xdb: {  	s19 =	sadd.s32 $0x80, s2;
	v2 =	vshrl.u32 v1, $0x3  }
0xdc: {  	s21 =	sadd.s32 $0x520, s4;
	s5 =	sand.u32 $0x3000, s19;
	v1 =	vand.u32 $0x7, v1;
	v3 =	vand.u32 $0x1FFFFFF0, v2  }
0xdd: {  	s23 =	sand.u32 $0x380, s21;
	s5 =	sshrl.u32 s5, $0x2;
	[tilespmem:s13+$0x14010] =	vst v1;
	v2 =	vadd.s32 v2, v3  }
0xde: {  	s9 =	sand.u32 $0x60, s21;
	s5 =	sor.u32 s23, s5;
	[tilespmem:s13+$0x12C10] =	vst v2;
	v1 =	vadd.s32 $0x10, v2  }
0xdf: {  	s5 =	sor.u32 s9, s5;
	[tilespmem:s13+$0x13610] =	vst v1  }
0xe0: {  	v1 =	vld [tilespmem:s5+$0x0];
	_ =	sdelay $0x4  }
0xe1: {  	s25 =	sadd.s32 $0xC0, s2;
	v2 =	vshrl.u32 v1, $0x3  }
0xe2: {  	s28 =	sadd.s32 $0x530, s4;
	s2 =	sand.u32 $0x3000, s25;
	v1 =	vand.u32 $0x7, v1;
	v3 =	vand.u32 $0x1FFFFFF0, v2  }
0xe3: {  	s29 =	sand.u32 $0x380, s28;
	s2 =	sshrl.u32 s2, $0x2;
	[tilespmem:s13+$0x14020] =	vst v1;
	v1 =	vadd.s32 v2, v3  }
0xe4: {  	s4 =	sand.u32 $0x70, s28;
	s2 =	sor.u32 s29, s2;
	[tilespmem:s13+$0x12C20] =	vst v1;
	v1 =	vadd.s32 $0x10, v1  }
0xe5: {  	s2 =	sor.u32 s4, s2;
	[tilespmem:s13+$0x13620] =	vst v1  }
0xe6: {  	v1 =	vld [tilespmem:s2+$0x0];
	_ =	sdelay $0x4  }
0xe7: {  	v2 =	vshrl.u32 v1, $0x3  }
0xe8: {  	v1 =	vand.u32 $0x7, v1;
	v3 =	vand.u32 $0x1FFFFFF0, v2  }
0xe9: {  	s30 =	simm.s32 $0x13100;
	[tilespmem:s13+$0x14030] =	vst v1;
	v1 =	vadd.s32 v2, v3  }
0xea: {  	s15 =	simm.s32 $0x0;
	s31 =	simm.s32 $0x13B00;
	s11 =	simm.s32 $0x0;
	[tilespmem:s13+$0x12C30] =	vst v1;
	v1 =	vadd.s32 $0x10, v1  }
0xeb: {  	s6 =	simm.s32 $0x500;
	s4 =	simm.s32 $0x6480;
	s17 =	simm.s32 $0x0;
	[tilespmem:s13+$0x13630] =	vst v1  }
0xec: {  	[tilespmem:s20], [sflag:$0x3] =	stream.indirect.gather [hbm4b:s3+s10], $0x8, s30, s10, $0xb8;
	[tilespmem:$0x1EA00] =	vst v63  }
0xed: {  	s9 =	simm.s32 $0xA00;
	s2 =	simm.s32 $0xF00;
	s13 =	simm.s32 $0x0  }
0xee: {  	[tilespmem:s22], [sflag:$0x7] =	stream.indirect.gather [hbm4b:s3+s10], $0x8, s31, s10, $0xb8;
	[tilespmem:$0x1EA00] =	vst v63  }
.LBB2_8:
0xef: {  	s5 =	sadd.s32 $0x0, s13  }
0xf0: {  	s19 =	sadd.s32 $0x0, s15;
	s21 =	sadd.s32 $0x1E00, s5  }
0xf1: {  	s23 =	sadd.s32 $0x780, s19;
	s21 =	sand.u32 $0x7FFFF000, s21  }
0xf2: {  	s25 =	simm.s32 $0x0;
	s23 =	sand.u32 $0x380, s23;
	s21 =	sshrl.u32 s21, $0x2  }
0xf3: {  	s25 =	sand.u32 $0x40, s25;
	s21 =	sor.u32 s23, s21  }
0xf4: {  	s21 =	sor.u32 s25, s21  }
0xf5: {  	v1 =	vld [tilespmem:s21+$0x0];
	_ =	sdelay $0x4  }
0xf6: {  	s30 =	sadd.s32 $0x1E40, s5;
	v2 =	vshrl.u32 v1, $0x3  }
0xf7: {  	s31 =	sadd.s32 $0x790, s19;
	s23 =	sand.u32 $0x7FFFF000, s30;
	s21 =	simm.s32 $0x0;
	v1 =	vand.u32 $0x7, v1;
	v3 =	vand.u32 $0x1FFFFFF0, v2  }
0xf8: {  	s28 =	simm.s32 $0x10;
	s25 =	sand.u32 $0x380, s31;
	s23 =	sshrl.u32 s23, $0x2;
	[tilespmem:s21+$0x14780] =	vst v1;
	v2 =	vadd.s32 v2, v3  }
0xf9: {  	s28 =	sand.u32 $0x50, s28;
	s23 =	sor.u32 s25, s23;
	[tilespmem:s21+$0x13380] =	vst v2;
	v1 =	vadd.s32 $0x10, v2  }
0xfa: {  	s23 =	sor.u32 s28, s23;
	[tilespmem:s21+$0x13D80] =	vst v1  }
0xfb: {  	v1 =	vld [tilespmem:s23+$0x0];
	_ =	sdelay $0x4  }
0xfc: {  	s28 =	sadd.s32 $0x1E80, s5;
	v2 =	vshrl.u32 v1, $0x3  }
0xfd: {  	s29 =	sadd.s32 $0x7A0, s19;
	s23 =	sand.u32 $0x7FFFF000, s28;
	v1 =	vand.u32 $0x7, v1;
	v3 =	vand.u32 $0x1FFFFFF0, v2  }
0xfe: {  	s30 =	simm.s32 $0x20;
	s25 =	sand.u32 $0x380, s29;
	s23 =	sshrl.u32 s23, $0x2;
	[tilespmem:s21+$0x14790] =	vst v1;
	v2 =	vadd.s32 v2, v3  }
0xff: {  	s28 =	sand.u32 $0x60, s30;
	s23 =	sor.u32 s25, s23;
	[tilespmem:s21+$0x13390] =	vst v2;
	v1 =	vadd.s32 $0x10, v2  }
0x100: {  	s23 =	sor.u32 s28, s23;
	[tilespmem:s21+$0x13D90] =	vst v1  }
0x101: {  	v1 =	vld [tilespmem:s23+$0x0];
	_ =	sdelay $0x4  }
0x102: {  	s5 =	sadd.s32 $0x1EC0, s5;
	v2 =	vshrl.u32 v1, $0x3  }
0x103: {  	s19 =	sadd.s32 $0x7B0, s19;
	s5 =	sand.u32 $0x7FFFF000, s5;
	v1 =	vand.u32 $0x7, v1;
	v3 =	vand.u32 $0x1FFFFFF0, v2  }
0x104: {  	s19 =	sand.u32 $0x380, s19;
	s31 =	simm.s32 $0x30;
	s5 =	sshrl.u32 s5, $0x2;
	[tilespmem:s21+$0x147A0] =	vst v1;
	v1 =	vadd.s32 v2, v3  }
0x105: {  	s5 =	sor.u32 s19, s5;
	s23 =	sand.u32 $0x70, s31;
	[tilespmem:s21+$0x133A0] =	vst v1;
	v1 =	vadd.s32 $0x10, v1  }
0x106: {  	s5 =	sor.u32 s23, s5;
	[tilespmem:s21+$0x13DA0] =	vst v1  }
0x107: {  	v1 =	vld [tilespmem:s5+$0x0];
	_ =	sdelay $0x2  }
0x108: {  	s19 =	simm.s32 $0x40  }
0x109: {  	s25 =	simm.s32 $0x100;
	s23 =	sadd.s32 $0x100, s13;
	s5 =	simm.s32 $0x80  }
.LBB2_9:
0x10a: {  	p0 =	sne.s32 s5, $0x240;
	s28 =	sadd.s32 s19, s15;
	s29 =	sadd.s32 $0x1E00, s23;
	v2 =	vshrl.u32 v1, $0x3;
	v1 =	vand.u32 $0x7, v1  }
0x10b: {  	s30 =	sadd.s32 $0x780, s28;
	s29 =	sand.u32 $0x7FFFF000, s29;
	v3 =	vand.u32 $0x1FFFFFF0, v2;
	[tilespmem:s21+$0x147B0] =	vst v1  }
0x10c: {  	s30 =	sand.u32 $0x380, s30;
	s29 =	sshrl.u32 s29, $0x2;
	v1 =	vadd.s32 v2, v3  }
0x10d: {  	s31 =	sand.u32 $0x40, s19;
	s29 =	sor.u32 s30, s29;
	[tilespmem:s21+$0x133B0] =	vst v1;
	v1 =	vadd.s32 $0x10, v1  }
0x10e: {  	s29 =	sor.u32 s31, s29;
	[tilespmem:s21+$0x13DB0] =	vst v1  }
0x10f: {  	v1 =	vld [tilespmem:s29+$0x0];
	_ =	sdelay $0x4  }
0x110: {  	s29 =	sadd.s32 $0x1E40, s23;
	v2 =	vshrl.u32 v1, $0x3  }
0x111: {  	s30 =	sadd.s32 $0x790, s28;
	s21 =	sshra.s32 s25, $0x2;
	s29 =	sand.u32 $0x7FFFF000, s29;
	v1 =	vand.u32 $0x7, v1;
	v3 =	vand.u32 $0x1FFFFFF0, v2  }
0x112: {  	s31 =	sadd.s32 $0x10, s19;
	s30 =	sand.u32 $0x380, s30;
	s29 =	sshrl.u32 s29, $0x2;
	v2 =	vadd.s32 v2, v3;
	[tilespmem:s21+$0x14780] =	vst v1  }
0x113: {  	s31 =	sand.u32 $0x50, s31;
	s29 =	sor.u32 s30, s29;
	[tilespmem:s21+$0x13380] =	vst v2;
	v1 =	vadd.s32 $0x10, v2  }
0x114: {  	s29 =	sor.u32 s31, s29;
	[tilespmem:s21+$0x13D80] =	vst v1  }
0x115: {  	v1 =	vld [tilespmem:s29+$0x0];
	_ =	sdelay $0x4  }
0x116: {  	s29 =	sadd.s32 $0x1E80, s23;
	v2 =	vshrl.u32 v1, $0x3  }
0x117: {  	s30 =	sadd.s32 $0x7A0, s28;
	s29 =	sand.u32 $0x7FFFF000, s29;
	v1 =	vand.u32 $0x7, v1;
	v3 =	vand.u32 $0x1FFFFFF0, v2  }
0x118: {  	s31 =	sadd.s32 $0x20, s19;
	s30 =	sand.u32 $0x380, s30;
	s29 =	sshrl.u32 s29, $0x2;
	v2 =	vadd.s32 v2, v3;
	[tilespmem:s21+$0x14790] =	vst v1  }
0x119: {  	s31 =	sand.u32 $0x60, s31;
	s29 =	sor.u32 s30, s29;
	[tilespmem:s21+$0x13390] =	vst v2;
	v1 =	vadd.s32 $0x10, v2  }
0x11a: {  	s29 =	sor.u32 s31, s29;
	[tilespmem:s21+$0x13D90] =	vst v1  }
0x11b: {  	v1 =	vld [tilespmem:s29+$0x0];
	_ =	sdelay $0x4  }
0x11c: {  	s23 =	sadd.s32 $0x1EC0, s23;
	v2 =	vshrl.u32 v1, $0x3;
	v1 =	vand.u32 $0x7, v1  }
0x11d: {  	s28 =	sadd.s32 $0x7B0, s28;
	s23 =	sand.u32 $0x7FFFF000, s23;
	v3 =	vand.u32 $0x1FFFFFF0, v2;
	[tilespmem:s21+$0x147A0] =	vst v1  }
0x11e: {  	s19 =	sadd.s32 $0x30, s19;
	s28 =	sand.u32 $0x380, s28;
	s23 =	sshrl.u32 s23, $0x2;
	v1 =	vadd.s32 v2, v3  }
0x11f: {  	s23 =	sor.u32 s28, s23;
	s29 =	sand.u32 $0x70, s19;
	s19 =	smov.u32 s5;
	[tilespmem:s21+$0x133A0] =	vst v1;
	v1 =	vadd.s32 $0x10, v1  }
0x120: {  	s23 =	sor.u32 s29, s23;
	[tilespmem:s21+$0x13DA0] =	vst v1  }
.Ltmp3:
0x121: {  	v1 =	vld [tilespmem:s23+$0x0];
	(pc) =	sbr.rel @p0 .LBB2_9-.Ltmp3, $3  }
0x122: {  	_ =	sdelay $0x1  }
0x123: {  	s25 =	sadd.s32 $0x100, s25  }
0x124: {  	s5 =	sadd.s32 $0x40, s5;
	s23 =	sadd.s32 s25, s13  }
0x125: {  	s5 =	sadd.s32 s19, s15;
	s28 =	sadd.s32 $0x1E00, s23;
	v2 =	vshrl.u32 v1, $0x3  }
0x126: {  	v1 =	vand.u32 $0x7, v1;
	s29 =	sadd.s32 $0x780, s5;
	s28 =	sand.u32 $0x7FFFF000, s28;
	v3 =	vand.u32 $0x1FFFFFF0, v2  }
0x127: {  	[tilespmem:s21+$0x147B0] =	vst v1;
	s29 =	sand.u32 $0x380, s29;
	s28 =	sshrl.u32 s28, $0x2;
	v1 =	vadd.s32 v2, v3  }
0x128: {  	s30 =	sand.u32 $0x40, s19;
	s28 =	sor.u32 s29, s28;
	[tilespmem:s21+$0x133B0] =	vst v1;
	v1 =	vadd.s32 $0x10, v1  }
0x129: {  	s28 =	sor.u32 s30, s28;
	[tilespmem:s21+$0x13DB0] =	vst v1  }
0x12a: {  	v1 =	vld [tilespmem:s28+$0x0];
	_ =	sdelay $0x4  }
0x12b: {  	s29 =	sadd.s32 $0x1E40, s23;
	v2 =	vshrl.u32 v1, $0x3  }
0x12c: {  	s25 =	sshra.s32 s25, $0x2;
	s30 =	sadd.s32 $0x790, s5;
	s21 =	sand.u32 $0x7FFFF000, s29;
	v1 =	vand.u32 $0x7, v1;
	v3 =	vand.u32 $0x1FFFFFF0, v2  }
0x12d: {  	s31 =	sadd.s32 $0x10, s19;
	s28 =	sand.u32 $0x380, s30;
	s21 =	sshrl.u32 s21, $0x2;
	[tilespmem:s25+$0x14780] =	vst v1;
	v2 =	vadd.s32 v2, v3  }
0x12e: {  	s29 =	sand.u32 $0x50, s31;
	s21 =	sor.u32 s28, s21;
	[tilespmem:s25+$0x13380] =	vst v2;
	v1 =	vadd.s32 $0x10, v2  }
0x12f: {  	s21 =	sor.u32 s29, s21;
	[tilespmem:s25+$0x13D80] =	vst v1  }
0x130: {  	v1 =	vld [tilespmem:s21+$0x0];
	_ =	sdelay $0x4  }
0x131: {  	s30 =	sadd.s32 $0x1E80, s23;
	v2 =	vshrl.u32 v1, $0x3  }
0x132: {  	s31 =	sadd.s32 $0x7A0, s5;
	s21 =	sand.u32 $0x7FFFF000, s30;
	v1 =	vand.u32 $0x7, v1;
	v3 =	vand.u32 $0x1FFFFFF0, v2  }
0x133: {  	s28 =	sand.u32 $0x380, s31;
	s30 =	sadd.s32 $0x20, s19;
	s21 =	sshrl.u32 s21, $0x2;
	[tilespmem:s25+$0x14790] =	vst v1;
	v2 =	vadd.s32 v2, v3  }
0x134: {  	s29 =	sand.u32 $0x60, s30;
	s21 =	sor.u32 s28, s21;
	[tilespmem:s25+$0x13390] =	vst v2;
	v1 =	vadd.s32 $0x10, v2  }
0x135: {  	s21 =	sor.u32 s29, s21;
	[tilespmem:s25+$0x13D90] =	vst v1  }
0x136: {  	v1 =	vld [tilespmem:s21+$0x0];
	_ =	sdelay $0x4  }
0x137: {  	s31 =	sadd.s32 $0x1EC0, s23;
	v2 =	vshrl.u32 v1, $0x3  }
0x138: {  	s5 =	sadd.s32 $0x7B0, s5;
	s21 =	sand.u32 $0x7FFFF000, s31;
	v1 =	vand.u32 $0x7, v1;
	v3 =	vand.u32 $0x1FFFFFF0, v2  }
0x139: {  	s5 =	sand.u32 $0x380, s5;
	s23 =	sadd.s32 $0x30, s19;
	s21 =	sshrl.u32 s21, $0x2;
	[tilespmem:s25+$0x147A0] =	vst v1;
	v1 =	vadd.s32 v2, v3  }
0x13a: {  	s19 =	sand.u32 $0x70, s23;
	s5 =	sor.u32 s5, s21;
	[tilespmem:s25+$0x133A0] =	vst v1;
	v1 =	vadd.s32 $0x10, v1  }
0x13b: {  	s5 =	sor.u32 s19, s5;
	[tilespmem:s25+$0x13DA0] =	vst v1  }
0x13c: {  	v1 =	vld [tilespmem:s5+$0x0];
	_ =	sdelay $0x4  }
0x13d: {  	v2 =	vshrl.u32 v1, $0x3  }
0x13e: {  	v1 =	vand.u32 $0x7, v1;
	v3 =	vand.u32 $0x1FFFFFF0, v2  }
0x13f: {  	[tilespmem:s25+$0x147B0] =	vst v1;
	v1 =	vadd.s32 v2, v3  }
0x140: {  	[tilespmem:s25+$0x133B0] =	vst v1;
	v1 =	vadd.s32 $0x10, v1  }
0x141: {  	s28 =	simm.s32 $0x13380;
	[tilespmem:s25+$0x13DB0] =	vst v1  }
0x142: {  	[tilespmem:s24], [sflag:$0x4] =	stream.indirect.gather [hbm4b:s3+s10], $0x8, s28, s10, $0xb8;
	[tilespmem:$0x1EA00] =	vst v63  }
0x143: {  	s30 =	simm.s32 $0x1;
	s29 =	simm.s32 $0x13D80  }
0x144: {  	[tilespmem:s26], [sflag:$0x8] =	stream.indirect.gather [hbm4b:s3+s10], $0x8, s29, s10, $0xb8;
	[tilespmem:$0x1EA00] =	vst v63  }
0x145: {  	_ =	swait.ge [sflag:s30], $0x1400  }
0x146: {  	[sflag:s30] =	ssyncset.done $0x0  }
0x147: {  	s31 =	simm.s32 $0x5;
	[sflag:s30] =	ssyncadd.s32 $0xFFFFEC00  }
0x148: {  	p0 =	por $0x0, $0x0;
	s23 =	smov.u32 s15;
	_ =	swait.ge [sflag:s31], $0x1400  }
0x149: {  	s21 =	smov.u32 s11;
	s19 =	simm.s32 $0x14020;
	[sflag:s31] =	ssyncset.done $0x0  }
0x14a: {  	s5 =	simm.s32 $0x30;
	s25 =	smov.u32 s4;
	[sflag:s31] =	ssyncadd.s32 $0xFFFFEC00  }
.LBB2_11:
0x14b: {  	v1 =	vld [tilespmem:s19+$0xFFFFFFE0];
	_ =	sdelay $0x1  }
0x14c: {  	s28 =	sadd.s32 $0xFFFFFFD0, s5  }
0x14d: {  	v2 =	vmov s28  }
0x14e: {  	v2 =	vshll.u32 v2, $0x3  }
0x14f: {  	v2 =	vor.u32 v0, v2;
	v3 =	vand.u32 $0xFFFFFFF8, v1  }
0x150: {  	v1 =	vand.u32 $0x7, v1;
	v2 =	vadd.s32 v2, v3  }
0x151: {  	v1 =	vor.u32 v1, v2  }
0x152: {  	s29 =	sadd.s32 s5, s15  }
0x153: {  	p1 =	seq.s32 s29, $0x30  }
0x154: {  	p1 =	por !p1, !p0  }
0x155: {  	s28 =	simm.s32 $0x1;
	p1 =	por !p1, !p1  }
0x156: {  	s29 =	sshrl.u32 s23, $0x7;
	s28 =	simm.s32 @!p1 $0x0;
	v2 =	vld.idx.msk [tilespmem:v1+s12+$0x0], $0xffff  }
0x157: {  	s28 =	ssub.s32 s29, s28;
	v1 =	vld.idx.msk [tilespmem:v1+s14+$0x0], $0xffff  }
0x158: {  	s28 =	sshll.u32 s28, $0x9  }
0x159: {  	s28 =	sshra.s32 s28, $0x2  }
0x15a: {  	s28 =	sadd.s32 s28, s25  }
0x15b: {  	[tilespmem:s28+$0xFFFFFF80] =	vst v2  }
0x15c: {  	[tilespmem:s28+$0x0] =	vst v1  }
0x15d: {  	v1 =	vld [tilespmem:s19+$0xFFFFFFF0];
	_ =	sdelay $0x1  }
0x15e: {  	s30 =	sadd.s32 $0xFFFFFFE0, s5  }
0x15f: {  	v2 =	vmov s30  }
0x160: {  	v2 =	vshll.u32 v2, $0x3  }
0x161: {  	v2 =	vor.u32 v0, v2;
	v3 =	vand.u32 $0xFFFFFFF8, v1  }
0x162: {  	v1 =	vand.u32 $0x7, v1;
	v2 =	vadd.s32 v2, v3  }
0x163: {  	v1 =	vor.u32 v1, v2;
	_ =	sdelay $0x4  }
0x164: {  	v2 =	vld.idx.msk [tilespmem:v1+s12+$0x0], $0xffff  }
0x165: {  	v1 =	vld.idx.msk [tilespmem:v1+s14+$0x0], $0xffff  }
0x166: {  	s31 =	sand.u32 $0x3FF00, s21  }
0x167: {  	s29 =	sadd.s32 $0x6400, s31;
	s28 =	sand.u32 $0x50, s30  }
0x168: {  	s28 =	sor.u32 s28, s29  }
0x169: {  	[tilespmem:s28+$0x0] =	vst v2  }
0x16a: {  	[tilespmem:s28+$0x80] =	vst v1  }
0x16b: {  	v1 =	vld [tilespmem:s19+$0x0];
	_ =	sdelay $0x1  }
0x16c: {  	s30 =	sadd.s32 $0xFFFFFFF0, s5  }
0x16d: {  	v2 =	vmov s30  }
0x16e: {  	v2 =	vshll.u32 v2, $0x3  }
0x16f: {  	v2 =	vor.u32 v0, v2;
	v3 =	vand.u32 $0xFFFFFFF8, v1  }
0x170: {  	v1 =	vand.u32 $0x7, v1;
	v2 =	vadd.s32 v2, v3  }
0x171: {  	v1 =	vor.u32 v1, v2;
	_ =	sdelay $0x4  }
0x172: {  	v2 =	vld.idx.msk [tilespmem:v1+s12+$0x0], $0xffff  }
0x173: {  	v1 =	vld.idx.msk [tilespmem:v1+s14+$0x0], $0xffff;
	_ =	sdelay $0x1  }
0x174: {  	s28 =	sand.u32 $0x60, s30  }
0x175: {  	s28 =	sor.u32 s28, s29  }
0x176: {  	[tilespmem:s28+$0x0] =	vst v2  }
0x177: {  	[tilespmem:s28+$0x80] =	vst v1  }
0x178: {  	v1 =	vld [tilespmem:s19+$0x10];
	_ =	sdelay $0x2  }
0x179: {  	v2 =	vmov s5  }
0x17a: {  	v2 =	vshll.u32 v2, $0x3  }
0x17b: {  	v2 =	vor.u32 v0, v2;
	v3 =	vand.u32 $0xFFFFFFF8, v1  }
0x17c: {  	v1 =	vand.u32 $0x7, v1;
	v2 =	vadd.s32 v2, v3  }
0x17d: {  	v1 =	vor.u32 v1, v2;
	_ =	sdelay $0x4  }
0x17e: {  	v2 =	vld.idx.msk [tilespmem:v1+s12+$0x0], $0xffff  }
0x17f: {  	p1 =	sne.s32 s5, $0x270;
	v1 =	vld.idx.msk [tilespmem:v1+s14+$0x0], $0xffff  }
.Ltmp4:
0x180: {  	_ = 	snop;
	(pc) =	sbr.rel @p1 .LBB2_11-.Ltmp4, $4  }
0x181: {  	s31 =	sand.u32 $0x70, s5  }
0x182: {  	s28 =	sor.u32 s31, s29  }
0x183: {  	s21 =	sadd.s32 $0x80, s21;
	s23 =	sadd.s32 $0x40, s23;
	p0 =	por !p0, !p0;
	[tilespmem:s28+$0x0] =	vst v2  }
0x184: {  	s25 =	sadd.s32 $0x40, s25;
	s5 =	sadd.s32 $0x40, s5;
	s19 =	sadd.s32 $0x40, s19;
	[tilespmem:s28+$0x80] =	vst v1  }
0x185: {  	p0 =	seq.s32 s17, $0x9  }
.Ltmp5:
0x186: {  	_ = 	snop;
	(pc) =	sbr.rel @p0 .LBB2_16-.Ltmp5, $2  }
0x187: {  	_ =	sdelay $0x2  }
0x188: {  	s5 =	simm.s32 $0x0  }
0x189: {  	s19 =	sadd.s32 $0x0, s13  }
0x18a: {  	s23 =	sadd.s32 $0x0, s15;
	s21 =	sadd.s32 $0x2800, s19  }
0x18b: {  	s25 =	sadd.s32 $0xA00, s23;
	s21 =	sand.u32 $0xFF000, s21  }
0x18c: {  	s25 =	sand.u32 $0x380, s25;
	s21 =	sshrl.u32 s21, $0x2  }
0x18d: {  	s5 =	sand.u32 $0x40, s5;
	s21 =	sor.u32 s25, s21  }
0x18e: {  	s5 =	sor.u32 s5, s21  }
0x18f: {  	v1 =	vld [tilespmem:s5+$0x0];
	_ =	sdelay $0x4  }
0x190: {  	s30 =	sadd.s32 $0x2840, s19;
	v2 =	vshrl.u32 v1, $0x3  }
0x191: {  	s31 =	sadd.s32 $0xA10, s23;
	s21 =	simm.s32 $0x0;
	s5 =	sand.u32 $0xFF000, s30;
	v1 =	vand.u32 $0x7, v1;
	v3 =	vand.u32 $0x1FFFFFF0, v2  }
0x192: {  	s28 =	simm.s32 $0x10;
	s25 =	sand.u32 $0x380, s31;
	s5 =	sshrl.u32 s5, $0x2;
	[tilespmem:s21+$0x14000] =	vst v1;
	v2 =	vadd.s32 v2, v3  }
0x193: {  	s28 =	sand.u32 $0x50, s28;
	s5 =	sor.u32 s25, s5;
	[tilespmem:s21+$0x12C00] =	vst v2;
	v1 =	vadd.s32 $0x10, v2  }
0x194: {  	s5 =	sor.u32 s28, s5;
	[tilespmem:s21+$0x13600] =	vst v1  }
0x195: {  	v1 =	vld [tilespmem:s5+$0x0];
	_ =	sdelay $0x4  }
0x196: {  	s29 =	sadd.s32 $0x2880, s19;
	v2 =	vshrl.u32 v1, $0x3  }
0x197: {  	s30 =	sadd.s32 $0xA20, s23;
	s5 =	sand.u32 $0xFF000, s29;
	v1 =	vand.u32 $0x7, v1;
	v3 =	vand.u32 $0x1FFFFFF0, v2  }
0x198: {  	s31 =	simm.s32 $0x20;
	s25 =	sand.u32 $0x380, s30;
	s5 =	sshrl.u32 s5, $0x2;
	[tilespmem:s21+$0x14010] =	vst v1;
	v2 =	vadd.s32 v2, v3  }
0x199: {  	s28 =	sand.u32 $0x60, s31;
	s5 =	sor.u32 s25, s5;
	[tilespmem:s21+$0x12C10] =	vst v2;
	v1 =	vadd.s32 $0x10, v2  }
0x19a: {  	s5 =	sor.u32 s28, s5;
	[tilespmem:s21+$0x13610] =	vst v1  }
0x19b: {  	v1 =	vld [tilespmem:s5+$0x0];
	_ =	sdelay $0x4  }
0x19c: {  	s29 =	sadd.s32 $0x28C0, s19;
	v2 =	vshrl.u32 v1, $0x3  }
0x19d: {  	s30 =	sadd.s32 $0xA30, s23;
	s5 =	sand.u32 $0xFF000, s29;
	v1 =	vand.u32 $0x7, v1;
	v3 =	vand.u32 $0x1FFFFFF0, v2  }
0x19e: {  	s31 =	simm.s32 $0x30;
	s19 =	sand.u32 $0x380, s30;
	s5 =	sshrl.u32 s5, $0x2;
	[tilespmem:s21+$0x14020] =	vst v1;
	v1 =	vadd.s32 v2, v3  }
0x19f: {  	s23 =	sand.u32 $0x70, s31;
	s5 =	sor.u32 s19, s5;
	[tilespmem:s21+$0x12C20] =	vst v1;
	v1 =	vadd.s32 $0x10, v1  }
0x1a0: {  	s5 =	sor.u32 s23, s5;
	[tilespmem:s21+$0x13620] =	vst v1  }
0x1a1: {  	v1 =	vld [tilespmem:s5+$0x0];
	_ =	sdelay $0x2  }
0x1a2: {  	s25 =	simm.s32 $0x100  }
0x1a3: {  	s19 =	simm.s32 $0x40;
	s23 =	sadd.s32 $0x100, s13;
	s5 =	simm.s32 $0x80  }
.LBB2_14:
0x1a4: {  	p1 =	sne.s32 s5, $0x240;
	s28 =	sadd.s32 s19, s15;
	s29 =	sadd.s32 $0x2800, s23;
	v2 =	vshrl.u32 v1, $0x3;
	v1 =	vand.u32 $0x7, v1  }
0x1a5: {  	s30 =	sadd.s32 $0xA00, s28;
	s29 =	sand.u32 $0xFF000, s29;
	v3 =	vand.u32 $0x1FFFFFF0, v2;
	[tilespmem:s21+$0x14030] =	vst v1  }
0x1a6: {  	s30 =	sand.u32 $0x380, s30;
	s29 =	sshrl.u32 s29, $0x2;
	v1 =	vadd.s32 v2, v3  }
0x1a7: {  	s31 =	sand.u32 $0x40, s19;
	s29 =	sor.u32 s30, s29;
	[tilespmem:s21+$0x12C30] =	vst v1;
	v1 =	vadd.s32 $0x10, v1  }
0x1a8: {  	s29 =	sor.u32 s31, s29;
	[tilespmem:s21+$0x13630] =	vst v1  }
0x1a9: {  	v1 =	vld [tilespmem:s29+$0x0];
	_ =	sdelay $0x4  }
0x1aa: {  	s29 =	sadd.s32 $0x2840, s23;
	v2 =	vshrl.u32 v1, $0x3  }
0x1ab: {  	s30 =	sadd.s32 $0xA10, s28;
	s21 =	sshra.s32 s25, $0x2;
	s29 =	sand.u32 $0xFF000, s29;
	v1 =	vand.u32 $0x7, v1;
	v3 =	vand.u32 $0x1FFFFFF0, v2  }
0x1ac: {  	s31 =	sadd.s32 $0x10, s19;
	s30 =	sand.u32 $0x380, s30;
	s29 =	sshrl.u32 s29, $0x2;
	v2 =	vadd.s32 v2, v3;
	[tilespmem:s21+$0x14000] =	vst v1  }
0x1ad: {  	s31 =	sand.u32 $0x50, s31;
	s29 =	sor.u32 s30, s29;
	[tilespmem:s21+$0x12C00] =	vst v2;
	v1 =	vadd.s32 $0x10, v2  }
0x1ae: {  	s29 =	sor.u32 s31, s29;
	[tilespmem:s21+$0x13600] =	vst v1  }
0x1af: {  	v1 =	vld [tilespmem:s29+$0x0];
	_ =	sdelay $0x4  }
0x1b0: {  	s29 =	sadd.s32 $0x2880, s23;
	v2 =	vshrl.u32 v1, $0x3  }
0x1b1: {  	s30 =	sadd.s32 $0xA20, s28;
	s29 =	sand.u32 $0xFF000, s29;
	v1 =	vand.u32 $0x7, v1;
	v3 =	vand.u32 $0x1FFFFFF0, v2  }
0x1b2: {  	s31 =	sadd.s32 $0x20, s19;
	s30 =	sand.u32 $0x380, s30;
	s29 =	sshrl.u32 s29, $0x2;
	v2 =	vadd.s32 v2, v3;
	[tilespmem:s21+$0x14010] =	vst v1  }
0x1b3: {  	s31 =	sand.u32 $0x60, s31;
	s29 =	sor.u32 s30, s29;
	[tilespmem:s21+$0x12C10] =	vst v2;
	v1 =	vadd.s32 $0x10, v2  }
0x1b4: {  	s29 =	sor.u32 s31, s29;
	[tilespmem:s21+$0x13610] =	vst v1  }
0x1b5: {  	v1 =	vld [tilespmem:s29+$0x0];
	_ =	sdelay $0x4  }
0x1b6: {  	s23 =	sadd.s32 $0x28C0, s23;
	v2 =	vshrl.u32 v1, $0x3;
	v1 =	vand.u32 $0x7, v1  }
0x1b7: {  	s28 =	sadd.s32 $0xA30, s28;
	s23 =	sand.u32 $0xFF000, s23;
	v3 =	vand.u32 $0x1FFFFFF0, v2;
	[tilespmem:s21+$0x14020] =	vst v1  }
0x1b8: {  	s19 =	sadd.s32 $0x30, s19;
	s28 =	sand.u32 $0x380, s28;
	s23 =	sshrl.u32 s23, $0x2;
	v1 =	vadd.s32 v2, v3  }
0x1b9: {  	s23 =	sor.u32 s28, s23;
	s29 =	sand.u32 $0x70, s19;
	s19 =	smov.u32 s5;
	[tilespmem:s21+$0x12C20] =	vst v1;
	v1 =	vadd.s32 $0x10, v1  }
0x1ba: {  	s23 =	sor.u32 s29, s23;
	[tilespmem:s21+$0x13620] =	vst v1  }
.Ltmp6:
0x1bb: {  	v1 =	vld [tilespmem:s23+$0x0];
	(pc) =	sbr.rel @p1 .LBB2_14-.Ltmp6, $3  }
0x1bc: {  	_ =	sdelay $0x1  }
0x1bd: {  	s25 =	sadd.s32 $0x100, s25  }
0x1be: {  	s5 =	sadd.s32 $0x40, s5;
	s23 =	sadd.s32 s25, s13  }
0x1bf: {  	s5 =	sadd.s32 s19, s15;
	s28 =	sadd.s32 $0x2800, s23;
	v2 =	vshrl.u32 v1, $0x3  }
0x1c0: {  	v1 =	vand.u32 $0x7, v1;
	s29 =	sadd.s32 $0xA00, s5;
	s28 =	sand.u32 $0xFF000, s28;
	v3 =	vand.u32 $0x1FFFFFF0, v2  }
0x1c1: {  	[tilespmem:s21+$0x14030] =	vst v1;
	s29 =	sand.u32 $0x380, s29;
	s28 =	sshrl.u32 s28, $0x2;
	v1 =	vadd.s32 v2, v3  }
0x1c2: {  	s30 =	sand.u32 $0x40, s19;
	s28 =	sor.u32 s29, s28;
	[tilespmem:s21+$0x12C30] =	vst v1;
	v1 =	vadd.s32 $0x10, v1  }
0x1c3: {  	s28 =	sor.u32 s30, s28;
	[tilespmem:s21+$0x13630] =	vst v1  }
0x1c4: {  	v1 =	vld [tilespmem:s28+$0x0];
	_ =	sdelay $0x4  }
0x1c5: {  	s29 =	sadd.s32 $0x2840, s23;
	v2 =	vshrl.u32 v1, $0x3  }
0x1c6: {  	s25 =	sshra.s32 s25, $0x2;
	s30 =	sadd.s32 $0xA10, s5;
	s21 =	sand.u32 $0xFF000, s29;
	v1 =	vand.u32 $0x7, v1;
	v3 =	vand.u32 $0x1FFFFFF0, v2  }
0x1c7: {  	s31 =	sadd.s32 $0x10, s19;
	s28 =	sand.u32 $0x380, s30;
	s21 =	sshrl.u32 s21, $0x2;
	[tilespmem:s25+$0x14000] =	vst v1;
	v2 =	vadd.s32 v2, v3  }
0x1c8: {  	s29 =	sand.u32 $0x50, s31;
	s21 =	sor.u32 s28, s21;
	[tilespmem:s25+$0x12C00] =	vst v2;
	v1 =	vadd.s32 $0x10, v2  }
0x1c9: {  	s21 =	sor.u32 s29, s21;
	[tilespmem:s25+$0x13600] =	vst v1  }
0x1ca: {  	v1 =	vld [tilespmem:s21+$0x0];
	_ =	sdelay $0x4  }
0x1cb: {  	s29 =	sadd.s32 $0x2880, s23;
	v2 =	vshrl.u32 v1, $0x3  }
0x1cc: {  	s30 =	sadd.s32 $0xA20, s5;
	s21 =	sand.u32 $0xFF000, s29;
	v1 =	vand.u32 $0x7, v1;
	v3 =	vand.u32 $0x1FFFFFF0, v2  }
0x1cd: {  	s31 =	sadd.s32 $0x20, s19;
	s28 =	sand.u32 $0x380, s30;
	s21 =	sshrl.u32 s21, $0x2;
	[tilespmem:s25+$0x14010] =	vst v1;
	v2 =	vadd.s32 v2, v3  }
0x1ce: {  	s29 =	sand.u32 $0x60, s31;
	s21 =	sor.u32 s28, s21;
	[tilespmem:s25+$0x12C10] =	vst v2;
	v1 =	vadd.s32 $0x10, v2  }
0x1cf: {  	s21 =	sor.u32 s29, s21;
	[tilespmem:s25+$0x13610] =	vst v1  }
0x1d0: {  	v1 =	vld [tilespmem:s21+$0x0];
	_ =	sdelay $0x4  }
0x1d1: {  	s28 =	sadd.s32 $0x28C0, s23;
	v2 =	vshrl.u32 v1, $0x3  }
0x1d2: {  	s5 =	sadd.s32 $0xA30, s5;
	s21 =	sand.u32 $0xFF000, s28;
	v1 =	vand.u32 $0x7, v1;
	v3 =	vand.u32 $0x1FFFFFF0, v2  }
0x1d3: {  	s5 =	sand.u32 $0x380, s5;
	s29 =	sadd.s32 $0x30, s19;
	s21 =	sshrl.u32 s21, $0x2;
	[tilespmem:s25+$0x14020] =	vst v1;
	v1 =	vadd.s32 v2, v3  }
0x1d4: {  	s19 =	sand.u32 $0x70, s29;
	s5 =	sor.u32 s5, s21;
	[tilespmem:s25+$0x12C20] =	vst v1;
	v1 =	vadd.s32 $0x10, v1  }
0x1d5: {  	s5 =	sor.u32 s19, s5;
	[tilespmem:s25+$0x13620] =	vst v1  }
0x1d6: {  	v1 =	vld [tilespmem:s5+$0x0];
	_ =	sdelay $0x4  }
0x1d7: {  	v2 =	vshrl.u32 v1, $0x3  }
0x1d8: {  	v1 =	vand.u32 $0x7, v1;
	v3 =	vand.u32 $0x1FFFFFF0, v2  }
0x1d9: {  	[tilespmem:s25+$0x14030] =	vst v1;
	v1 =	vadd.s32 v2, v3  }
0x1da: {  	[tilespmem:s25+$0x12C30] =	vst v1;
	v1 =	vadd.s32 $0x10, v1  }
0x1db: {  	s30 =	simm.s32 $0x12C00;
	[tilespmem:s25+$0x13630] =	vst v1  }
0x1dc: {  	[tilespmem:s12], [sflag:$0x1] =	stream.indirect.gather [hbm4b:s3+s10], $0x8, s30, s10, $0xb8;
	[tilespmem:$0x1EA00] =	vst v63  }
0x1dd: {  	s31 =	simm.s32 $0x13600  }
0x1de: {  	[tilespmem:s14], [sflag:$0x5] =	stream.indirect.gather [hbm4b:s3+s10], $0x8, s31, s10, $0xb8;
	[tilespmem:$0x1EA00] =	vst v63  }
.LBB2_16:
0x1df: {  	s5 =	simm.s32 $0x2  }
0x1e0: {  	_ =	swait.ge [sflag:s5], $0x1400  }
0x1e1: {  	[sflag:s5] =	ssyncset.done $0x0  }
0x1e2: {  	s31 =	simm.s32 $0x6;
	[sflag:s5] =	ssyncadd.s32 $0xFFFFEC00  }
0x1e3: {  	_ =	swait.ge [sflag:s31], $0x1400  }
0x1e4: {  	s19 =	simm.s32 $0x142A0;
	[sflag:s31] =	ssyncset.done $0x0  }
0x1e5: {  	s21 =	smov.u32 s6;
	s5 =	simm.s32 $0x30;
	[sflag:s31] =	ssyncadd.s32 $0xFFFFEC00  }
.LBB2_17:
0x1e6: {  	v1 =	vld [tilespmem:s19+$0xFFFFFFE0];
	_ =	sdelay $0x1  }
0x1e7: {  	s23 =	sadd.s32 $0xFFFFFFD0, s5  }
0x1e8: {  	v2 =	vmov s23  }
0x1e9: {  	v2 =	vshll.u32 v2, $0x3  }
0x1ea: {  	v2 =	vor.u32 v0, v2;
	v3 =	vand.u32 $0xFFFFFFF8, v1  }
0x1eb: {  	v1 =	vand.u32 $0x7, v1;
	v2 =	vadd.s32 v2, v3  }
0x1ec: {  	v1 =	vor.u32 v1, v2;
	_ =	sdelay $0x4  }
0x1ed: {  	v2 =	vld.idx.msk [tilespmem:v1+s16+$0x0], $0xffff  }
0x1ee: {  	v1 =	vld.idx.msk [tilespmem:v1+s18+$0x0], $0xffff  }
0x1ef: {  	s25 =	sand.u32 $0x7FF00, s21  }
0x1f0: {  	s23 =	sand.u32 $0x40, s23;
	s25 =	sadd.s32 $0x6400, s25  }
0x1f1: {  	s23 =	sor.u32 s23, s25  }
0x1f2: {  	[tilespmem:s23+$0x0] =	vst v2  }
0x1f3: {  	[tilespmem:s23+$0x80] =	vst v1  }
0x1f4: {  	v1 =	vld [tilespmem:s19+$0xFFFFFFF0];
	_ =	sdelay $0x1  }
0x1f5: {  	s29 =	sadd.s32 $0xFFFFFFE0, s5  }
0x1f6: {  	v2 =	vmov s29  }
0x1f7: {  	v2 =	vshll.u32 v2, $0x3  }
0x1f8: {  	v2 =	vor.u32 v0, v2;
	v3 =	vand.u32 $0xFFFFFFF8, v1  }
0x1f9: {  	v1 =	vand.u32 $0x7, v1;
	v2 =	vadd.s32 v2, v3  }
0x1fa: {  	v1 =	vor.u32 v1, v2;
	_ =	sdelay $0x4  }
0x1fb: {  	v2 =	vld.idx.msk [tilespmem:v1+s16+$0x0], $0xffff  }
0x1fc: {  	v1 =	vld.idx.msk [tilespmem:v1+s18+$0x0], $0xffff;
	_ =	sdelay $0x1  }
0x1fd: {  	s23 =	sand.u32 $0x50, s29  }
0x1fe: {  	s23 =	sor.u32 s23, s25  }
0x1ff: {  	[tilespmem:s23+$0x0] =	vst v2  }
0x200: {  	[tilespmem:s23+$0x80] =	vst v1  }
0x201: {  	v1 =	vld [tilespmem:s19+$0x0];
	_ =	sdelay $0x1  }
0x202: {  	s30 =	sadd.s32 $0xFFFFFFF0, s5  }
0x203: {  	v2 =	vmov s30  }
0x204: {  	v2 =	vshll.u32 v2, $0x3  }
0x205: {  	v2 =	vor.u32 v0, v2;
	v3 =	vand.u32 $0xFFFFFFF8, v1  }
0x206: {  	v1 =	vand.u32 $0x7, v1;
	v2 =	vadd.s32 v2, v3  }
0x207: {  	v1 =	vor.u32 v1, v2;
	_ =	sdelay $0x4  }
0x208: {  	v2 =	vld.idx.msk [tilespmem:v1+s16+$0x0], $0xffff  }
0x209: {  	v1 =	vld.idx.msk [tilespmem:v1+s18+$0x0], $0xffff;
	_ =	sdelay $0x1  }
0x20a: {  	s23 =	sand.u32 $0x60, s30  }
0x20b: {  	s23 =	sor.u32 s23, s25  }
0x20c: {  	[tilespmem:s23+$0x0] =	vst v2  }
0x20d: {  	[tilespmem:s23+$0x80] =	vst v1  }
0x20e: {  	v1 =	vld [tilespmem:s19+$0x10];
	_ =	sdelay $0x2  }
0x20f: {  	v2 =	vmov s5  }
0x210: {  	v2 =	vshll.u32 v2, $0x3  }
0x211: {  	v2 =	vor.u32 v0, v2;
	v3 =	vand.u32 $0xFFFFFFF8, v1  }
0x212: {  	v1 =	vand.u32 $0x7, v1;
	v2 =	vadd.s32 v2, v3  }
0x213: {  	v1 =	vor.u32 v1, v2;
	_ =	sdelay $0x4  }
0x214: {  	v2 =	vld.idx.msk [tilespmem:v1+s16+$0x0], $0xffff  }
0x215: {  	p1 =	sne.s32 s5, $0x270;
	v1 =	vld.idx.msk [tilespmem:v1+s18+$0x0], $0xffff  }
.Ltmp7:
0x216: {  	_ = 	snop;
	(pc) =	sbr.rel @p1 .LBB2_17-.Ltmp7, $4  }
0x217: {  	s31 =	sand.u32 $0x70, s5  }
0x218: {  	s23 =	sor.u32 s31, s25  }
0x219: {  	[tilespmem:s23+$0x0] =	vst v2  }
0x21a: {  	s21 =	sadd.s32 $0x80, s21;
	s5 =	sadd.s32 $0x40, s5;
	s19 =	sadd.s32 $0x40, s19;
	[tilespmem:s23+$0x80] =	vst v1  }
.Ltmp8:
0x21b: {  	(pc) =	sbr.rel @p0 .LBB2_22-.Ltmp8, $2  }
0x21c: {  	_ =	sdelay $0x2  }
0x21d: {  	s5 =	simm.s32 $0x0  }
0x21e: {  	s19 =	sadd.s32 $0x0, s13  }
0x21f: {  	s23 =	sadd.s32 $0x0, s15;
	s21 =	sadd.s32 $0x3200, s19  }
0x220: {  	s25 =	sadd.s32 $0xC80, s23;
	s21 =	sand.u32 $0xFF000, s21  }
0x221: {  	s25 =	sand.u32 $0x380, s25;
	s21 =	sshrl.u32 s21, $0x2  }
0x222: {  	s5 =	sand.u32 $0x40, s5;
	s21 =	sor.u32 s25, s21  }
0x223: {  	s5 =	sor.u32 s5, s21  }
0x224: {  	v1 =	vld [tilespmem:s5+$0x0];
	_ =	sdelay $0x4  }
0x225: {  	s30 =	sadd.s32 $0x3240, s19;
	v2 =	vshrl.u32 v1, $0x3  }
0x226: {  	s31 =	sadd.s32 $0xC90, s23;
	s21 =	simm.s32 $0x0;
	s5 =	sand.u32 $0xFF000, s30;
	v1 =	vand.u32 $0x7, v1;
	v3 =	vand.u32 $0x1FFFFFF0, v2  }
0x227: {  	s28 =	simm.s32 $0x10;
	s25 =	sand.u32 $0x380, s31;
	s5 =	sshrl.u32 s5, $0x2;
	[tilespmem:s21+$0x14280] =	vst v1;
	v2 =	vadd.s32 v2, v3  }
0x228: {  	s28 =	sand.u32 $0x50, s28;
	s5 =	sor.u32 s25, s5;
	[tilespmem:s21+$0x12E80] =	vst v2;
	v1 =	vadd.s32 $0x10, v2  }
0x229: {  	s5 =	sor.u32 s28, s5;
	[tilespmem:s21+$0x13880] =	vst v1  }
0x22a: {  	v1 =	vld [tilespmem:s5+$0x0];
	_ =	sdelay $0x4  }
0x22b: {  	s29 =	sadd.s32 $0x3280, s19;
	v2 =	vshrl.u32 v1, $0x3  }
0x22c: {  	s30 =	sadd.s32 $0xCA0, s23;
	s5 =	sand.u32 $0xFF000, s29;
	v1 =	vand.u32 $0x7, v1;
	v3 =	vand.u32 $0x1FFFFFF0, v2  }
0x22d: {  	s31 =	simm.s32 $0x20;
	s25 =	sand.u32 $0x380, s30;
	s5 =	sshrl.u32 s5, $0x2;
	[tilespmem:s21+$0x14290] =	vst v1;
	v2 =	vadd.s32 v2, v3  }
0x22e: {  	s28 =	sand.u32 $0x60, s31;
	s5 =	sor.u32 s25, s5;
	[tilespmem:s21+$0x12E90] =	vst v2;
	v1 =	vadd.s32 $0x10, v2  }
0x22f: {  	s5 =	sor.u32 s28, s5;
	[tilespmem:s21+$0x13890] =	vst v1  }
0x230: {  	v1 =	vld [tilespmem:s5+$0x0];
	_ =	sdelay $0x4  }
0x231: {  	s29 =	sadd.s32 $0x32C0, s19;
	v2 =	vshrl.u32 v1, $0x3  }
0x232: {  	s30 =	sadd.s32 $0xCB0, s23;
	s5 =	sand.u32 $0xFF000, s29;
	v1 =	vand.u32 $0x7, v1;
	v3 =	vand.u32 $0x1FFFFFF0, v2  }
0x233: {  	s31 =	simm.s32 $0x30;
	s19 =	sand.u32 $0x380, s30;
	s5 =	sshrl.u32 s5, $0x2;
	[tilespmem:s21+$0x142A0] =	vst v1;
	v1 =	vadd.s32 v2, v3  }
0x234: {  	s23 =	sand.u32 $0x70, s31;
	s5 =	sor.u32 s19, s5;
	[tilespmem:s21+$0x12EA0] =	vst v1;
	v1 =	vadd.s32 $0x10, v1  }
0x235: {  	s5 =	sor.u32 s23, s5;
	[tilespmem:s21+$0x138A0] =	vst v1  }
0x236: {  	v1 =	vld [tilespmem:s5+$0x0];
	_ =	sdelay $0x2  }
0x237: {  	s25 =	simm.s32 $0x100  }
0x238: {  	s19 =	simm.s32 $0x40;
	s23 =	sadd.s32 $0x100, s13;
	s5 =	simm.s32 $0x80  }
.LBB2_20:
0x239: {  	p1 =	sne.s32 s5, $0x240;
	s28 =	sadd.s32 s19, s15;
	s29 =	sadd.s32 $0x3200, s23;
	v2 =	vshrl.u32 v1, $0x3;
	v1 =	vand.u32 $0x7, v1  }
0x23a: {  	s30 =	sadd.s32 $0xC80, s28;
	s29 =	sand.u32 $0xFF000, s29;
	v3 =	vand.u32 $0x1FFFFFF0, v2;
	[tilespmem:s21+$0x142B0] =	vst v1  }
0x23b: {  	s30 =	sand.u32 $0x380, s30;
	s29 =	sshrl.u32 s29, $0x2;
	v1 =	vadd.s32 v2, v3  }
0x23c: {  	s31 =	sand.u32 $0x40, s19;
	s29 =	sor.u32 s30, s29;
	[tilespmem:s21+$0x12EB0] =	vst v1;
	v1 =	vadd.s32 $0x10, v1  }
0x23d: {  	s29 =	sor.u32 s31, s29;
	[tilespmem:s21+$0x138B0] =	vst v1  }
0x23e: {  	v1 =	vld [tilespmem:s29+$0x0];
	_ =	sdelay $0x4  }
0x23f: {  	s29 =	sadd.s32 $0x3240, s23;
	v2 =	vshrl.u32 v1, $0x3  }
0x240: {  	s30 =	sadd.s32 $0xC90, s28;
	s21 =	sshra.s32 s25, $0x2;
	s29 =	sand.u32 $0xFF000, s29;
	v1 =	vand.u32 $0x7, v1;
	v3 =	vand.u32 $0x1FFFFFF0, v2  }
0x241: {  	s31 =	sadd.s32 $0x10, s19;
	s30 =	sand.u32 $0x380, s30;
	s29 =	sshrl.u32 s29, $0x2;
	v2 =	vadd.s32 v2, v3;
	[tilespmem:s21+$0x14280] =	vst v1  }
0x242: {  	s31 =	sand.u32 $0x50, s31;
	s29 =	sor.u32 s30, s29;
	[tilespmem:s21+$0x12E80] =	vst v2;
	v1 =	vadd.s32 $0x10, v2  }
0x243: {  	s29 =	sor.u32 s31, s29;
	[tilespmem:s21+$0x13880] =	vst v1  }
0x244: {  	v1 =	vld [tilespmem:s29+$0x0];
	_ =	sdelay $0x4  }
0x245: {  	s29 =	sadd.s32 $0x3280, s23;
	v2 =	vshrl.u32 v1, $0x3  }
0x246: {  	s30 =	sadd.s32 $0xCA0, s28;
	s29 =	sand.u32 $0xFF000, s29;
	v1 =	vand.u32 $0x7, v1;
	v3 =	vand.u32 $0x1FFFFFF0, v2  }
0x247: {  	s31 =	sadd.s32 $0x20, s19;
	s30 =	sand.u32 $0x380, s30;
	s29 =	sshrl.u32 s29, $0x2;
	v2 =	vadd.s32 v2, v3;
	[tilespmem:s21+$0x14290] =	vst v1  }
0x248: {  	s31 =	sand.u32 $0x60, s31;
	s29 =	sor.u32 s30, s29;
	[tilespmem:s21+$0x12E90] =	vst v2;
	v1 =	vadd.s32 $0x10, v2  }
0x249: {  	s29 =	sor.u32 s31, s29;
	[tilespmem:s21+$0x13890] =	vst v1  }
0x24a: {  	v1 =	vld [tilespmem:s29+$0x0];
	_ =	sdelay $0x4  }
0x24b: {  	s23 =	sadd.s32 $0x32C0, s23;
	v2 =	vshrl.u32 v1, $0x3;
	v1 =	vand.u32 $0x7, v1  }
0x24c: {  	s28 =	sadd.s32 $0xCB0, s28;
	s23 =	sand.u32 $0xFF000, s23;
	v3 =	vand.u32 $0x1FFFFFF0, v2;
	[tilespmem:s21+$0x142A0] =	vst v1  }
0x24d: {  	s19 =	sadd.s32 $0x30, s19;
	s28 =	sand.u32 $0x380, s28;
	s23 =	sshrl.u32 s23, $0x2;
	v1 =	vadd.s32 v2, v3  }
0x24e: {  	s23 =	sor.u32 s28, s23;
	s29 =	sand.u32 $0x70, s19;
	s19 =	smov.u32 s5;
	[tilespmem:s21+$0x12EA0] =	vst v1;
	v1 =	vadd.s32 $0x10, v1  }
0x24f: {  	s23 =	sor.u32 s29, s23;
	[tilespmem:s21+$0x138A0] =	vst v1  }
.Ltmp9:
0x250: {  	v1 =	vld [tilespmem:s23+$0x0];
	(pc) =	sbr.rel @p1 .LBB2_20-.Ltmp9, $3  }
0x251: {  	_ =	sdelay $0x1  }
0x252: {  	s25 =	sadd.s32 $0x100, s25  }
0x253: {  	s5 =	sadd.s32 $0x40, s5;
	s23 =	sadd.s32 s25, s13  }
0x254: {  	s5 =	sadd.s32 s19, s15;
	s28 =	sadd.s32 $0x3200, s23;
	v2 =	vshrl.u32 v1, $0x3  }
0x255: {  	v1 =	vand.u32 $0x7, v1;
	s29 =	sadd.s32 $0xC80, s5;
	s28 =	sand.u32 $0xFF000, s28;
	v3 =	vand.u32 $0x1FFFFFF0, v2  }
0x256: {  	[tilespmem:s21+$0x142B0] =	vst v1;
	s29 =	sand.u32 $0x380, s29;
	s28 =	sshrl.u32 s28, $0x2;
	v1 =	vadd.s32 v2, v3  }
0x257: {  	s30 =	sand.u32 $0x40, s19;
	s28 =	sor.u32 s29, s28;
	[tilespmem:s21+$0x12EB0] =	vst v1;
	v1 =	vadd.s32 $0x10, v1  }
0x258: {  	s28 =	sor.u32 s30, s28;
	[tilespmem:s21+$0x138B0] =	vst v1  }
0x259: {  	v1 =	vld [tilespmem:s28+$0x0];
	_ =	sdelay $0x4  }
0x25a: {  	s29 =	sadd.s32 $0x3240, s23;
	v2 =	vshrl.u32 v1, $0x3  }
0x25b: {  	s25 =	sshra.s32 s25, $0x2;
	s30 =	sadd.s32 $0xC90, s5;
	s21 =	sand.u32 $0xFF000, s29;
	v1 =	vand.u32 $0x7, v1;
	v3 =	vand.u32 $0x1FFFFFF0, v2  }
0x25c: {  	s31 =	sadd.s32 $0x10, s19;
	s28 =	sand.u32 $0x380, s30;
	s21 =	sshrl.u32 s21, $0x2;
	[tilespmem:s25+$0x14280] =	vst v1;
	v2 =	vadd.s32 v2, v3  }
0x25d: {  	s29 =	sand.u32 $0x50, s31;
	s21 =	sor.u32 s28, s21;
	[tilespmem:s25+$0x12E80] =	vst v2;
	v1 =	vadd.s32 $0x10, v2  }
0x25e: {  	s21 =	sor.u32 s29, s21;
	[tilespmem:s25+$0x13880] =	vst v1  }
0x25f: {  	v1 =	vld [tilespmem:s21+$0x0];
	_ =	sdelay $0x4  }
0x260: {  	s29 =	sadd.s32 $0x3280, s23;
	v2 =	vshrl.u32 v1, $0x3  }
0x261: {  	s30 =	sadd.s32 $0xCA0, s5;
	s21 =	sand.u32 $0xFF000, s29;
	v1 =	vand.u32 $0x7, v1;
	v3 =	vand.u32 $0x1FFFFFF0, v2  }
0x262: {  	s31 =	sadd.s32 $0x20, s19;
	s28 =	sand.u32 $0x380, s30;
	s21 =	sshrl.u32 s21, $0x2;
	[tilespmem:s25+$0x14290] =	vst v1;
	v2 =	vadd.s32 v2, v3  }
0x263: {  	s29 =	sand.u32 $0x60, s31;
	s21 =	sor.u32 s28, s21;
	[tilespmem:s25+$0x12E90] =	vst v2;
	v1 =	vadd.s32 $0x10, v2  }
0x264: {  	s21 =	sor.u32 s29, s21;
	[tilespmem:s25+$0x13890] =	vst v1  }
0x265: {  	v1 =	vld [tilespmem:s21+$0x0];
	_ =	sdelay $0x4  }
0x266: {  	s28 =	sadd.s32 $0x32C0, s23;
	v2 =	vshrl.u32 v1, $0x3  }
0x267: {  	s5 =	sadd.s32 $0xCB0, s5;
	s21 =	sand.u32 $0xFF000, s28;
	v1 =	vand.u32 $0x7, v1;
	v3 =	vand.u32 $0x1FFFFFF0, v2  }
0x268: {  	s5 =	sand.u32 $0x380, s5;
	s29 =	sadd.s32 $0x30, s19;
	s21 =	sshrl.u32 s21, $0x2;
	[tilespmem:s25+$0x142A0] =	vst v1;
	v1 =	vadd.s32 v2, v3  }
0x269: {  	s19 =	sand.u32 $0x70, s29;
	s5 =	sor.u32 s5, s21;
	[tilespmem:s25+$0x12EA0] =	vst v1;
	v1 =	vadd.s32 $0x10, v1  }
0x26a: {  	s5 =	sor.u32 s19, s5;
	[tilespmem:s25+$0x138A0] =	vst v1  }
0x26b: {  	v1 =	vld [tilespmem:s5+$0x0];
	_ =	sdelay $0x4  }
0x26c: {  	v2 =	vshrl.u32 v1, $0x3  }
0x26d: {  	v1 =	vand.u32 $0x7, v1;
	v3 =	vand.u32 $0x1FFFFFF0, v2  }
0x26e: {  	[tilespmem:s25+$0x142B0] =	vst v1;
	v1 =	vadd.s32 v2, v3  }
0x26f: {  	[tilespmem:s25+$0x12EB0] =	vst v1;
	v1 =	vadd.s32 $0x10, v1  }
0x270: {  	s30 =	simm.s32 $0x12E80;
	[tilespmem:s25+$0x138B0] =	vst v1  }
0x271: {  	[tilespmem:s16], [sflag:$0x2] =	stream.indirect.gather [hbm4b:s3+s10], $0x8, s30, s10, $0xb8;
	[tilespmem:$0x1EA00] =	vst v63  }
0x272: {  	s31 =	simm.s32 $0x13880  }
0x273: {  	[tilespmem:s18], [sflag:$0x6] =	stream.indirect.gather [hbm4b:s3+s10], $0x8, s31, s10, $0xb8;
	[tilespmem:$0x1EA00] =	vst v63  }
.LBB2_22:
0x274: {  	_ =	swait.ge [sflag:s0], $0x1400  }
0x275: {  	[sflag:s0] =	ssyncset.done $0x0  }
0x276: {  	[sflag:s0] =	ssyncadd.s32 $0xFFFFEC00  }
0x277: {  	_ =	swait.ge [sflag:s1], $0x1400  }
0x278: {  	s5 =	simm.s32 $0x30;
	[sflag:s1] =	ssyncset.done $0x0  }
0x279: {  	s19 =	simm.s32 $0x14520;
	s21 =	smov.u32 s9;
	[sflag:s1] =	ssyncadd.s32 $0xFFFFEC00  }
.LBB2_23:
0x27a: {  	v1 =	vld [tilespmem:s19+$0xFFFFFFE0];
	_ =	sdelay $0x1  }
0x27b: {  	s23 =	sadd.s32 $0xFFFFFFD0, s5  }
0x27c: {  	v2 =	vmov s23  }
0x27d: {  	v2 =	vshll.u32 v2, $0x3  }
0x27e: {  	v2 =	vor.u32 v0, v2;
	v3 =	vand.u32 $0xFFFFFFF8, v1  }
0x27f: {  	v1 =	vand.u32 $0x7, v1;
	v2 =	vadd.s32 v2, v3  }
0x280: {  	v1 =	vor.u32 v1, v2;
	_ =	sdelay $0x4  }
0x281: {  	v2 =	vld.idx.msk [tilespmem:v1+s20+$0x0], $0xffff  }
0x282: {  	v1 =	vld.idx.msk [tilespmem:v1+s22+$0x0], $0xffff  }
0x283: {  	s25 =	sand.u32 $0x7FF00, s21  }
0x284: {  	s23 =	sand.u32 $0x40, s23;
	s25 =	sadd.s32 $0x6400, s25  }
0x285: {  	s23 =	sor.u32 s23, s25  }
0x286: {  	[tilespmem:s23+$0x0] =	vst v2  }
0x287: {  	[tilespmem:s23+$0x80] =	vst v1  }
0x288: {  	v1 =	vld [tilespmem:s19+$0xFFFFFFF0];
	_ =	sdelay $0x1  }
0x289: {  	s29 =	sadd.s32 $0xFFFFFFE0, s5  }
0x28a: {  	v2 =	vmov s29  }
0x28b: {  	v2 =	vshll.u32 v2, $0x3  }
0x28c: {  	v2 =	vor.u32 v0, v2;
	v3 =	vand.u32 $0xFFFFFFF8, v1  }
0x28d: {  	v1 =	vand.u32 $0x7, v1;
	v2 =	vadd.s32 v2, v3  }
0x28e: {  	v1 =	vor.u32 v1, v2;
	_ =	sdelay $0x4  }
0x28f: {  	v2 =	vld.idx.msk [tilespmem:v1+s20+$0x0], $0xffff  }
0x290: {  	v1 =	vld.idx.msk [tilespmem:v1+s22+$0x0], $0xffff;
	_ =	sdelay $0x1  }
0x291: {  	s23 =	sand.u32 $0x50, s29  }
0x292: {  	s23 =	sor.u32 s23, s25  }
0x293: {  	[tilespmem:s23+$0x0] =	vst v2  }
0x294: {  	[tilespmem:s23+$0x80] =	vst v1  }
0x295: {  	v1 =	vld [tilespmem:s19+$0x0];
	_ =	sdelay $0x1  }
0x296: {  	s30 =	sadd.s32 $0xFFFFFFF0, s5  }
0x297: {  	v2 =	vmov s30  }
0x298: {  	v2 =	vshll.u32 v2, $0x3  }
0x299: {  	v2 =	vor.u32 v0, v2;
	v3 =	vand.u32 $0xFFFFFFF8, v1  }
0x29a: {  	v1 =	vand.u32 $0x7, v1;
	v2 =	vadd.s32 v2, v3  }
0x29b: {  	v1 =	vor.u32 v1, v2;
	_ =	sdelay $0x4  }
0x29c: {  	v2 =	vld.idx.msk [tilespmem:v1+s20+$0x0], $0xffff  }
0x29d: {  	v1 =	vld.idx.msk [tilespmem:v1+s22+$0x0], $0xffff;
	_ =	sdelay $0x1  }
0x29e: {  	s23 =	sand.u32 $0x60, s30  }
0x29f: {  	s23 =	sor.u32 s23, s25  }
0x2a0: {  	[tilespmem:s23+$0x0] =	vst v2  }
0x2a1: {  	[tilespmem:s23+$0x80] =	vst v1  }
0x2a2: {  	v1 =	vld [tilespmem:s19+$0x10];
	_ =	sdelay $0x2  }
0x2a3: {  	v2 =	vmov s5  }
0x2a4: {  	v2 =	vshll.u32 v2, $0x3  }
0x2a5: {  	v2 =	vor.u32 v0, v2;
	v3 =	vand.u32 $0xFFFFFFF8, v1  }
0x2a6: {  	v1 =	vand.u32 $0x7, v1;
	v2 =	vadd.s32 v2, v3  }
0x2a7: {  	v1 =	vor.u32 v1, v2;
	_ =	sdelay $0x4  }
0x2a8: {  	v2 =	vld.idx.msk [tilespmem:v1+s20+$0x0], $0xffff  }
0x2a9: {  	p1 =	sne.s32 s5, $0x270;
	v1 =	vld.idx.msk [tilespmem:v1+s22+$0x0], $0xffff  }
.Ltmp10:
0x2aa: {  	_ = 	snop;
	(pc) =	sbr.rel @p1 .LBB2_23-.Ltmp10, $4  }
0x2ab: {  	s31 =	sand.u32 $0x70, s5  }
0x2ac: {  	s23 =	sor.u32 s31, s25  }
0x2ad: {  	[tilespmem:s23+$0x0] =	vst v2  }
0x2ae: {  	s21 =	sadd.s32 $0x80, s21;
	s5 =	sadd.s32 $0x40, s5;
	s19 =	sadd.s32 $0x40, s19;
	[tilespmem:s23+$0x80] =	vst v1  }
.Ltmp11:
0x2af: {  	(pc) =	sbr.rel @p0 .LBB2_28-.Ltmp11, $2  }
0x2b0: {  	_ =	sdelay $0x2  }
0x2b1: {  	s5 =	simm.s32 $0x0  }
0x2b2: {  	s19 =	sadd.s32 $0x0, s13  }
0x2b3: {  	s23 =	sadd.s32 $0x0, s15;
	s21 =	sadd.s32 $0x3C00, s19  }
0x2b4: {  	s25 =	sadd.s32 $0xF00, s23;
	s21 =	sand.u32 $0xFF000, s21  }
0x2b5: {  	s25 =	sand.u32 $0x380, s25;
	s21 =	sshrl.u32 s21, $0x2  }
0x2b6: {  	s5 =	sand.u32 $0x40, s5;
	s21 =	sor.u32 s25, s21  }
0x2b7: {  	s5 =	sor.u32 s5, s21  }
0x2b8: {  	v1 =	vld [tilespmem:s5+$0x0];
	_ =	sdelay $0x4  }
0x2b9: {  	s30 =	sadd.s32 $0x3C40, s19;
	v2 =	vshrl.u32 v1, $0x3  }
0x2ba: {  	s31 =	sadd.s32 $0xF10, s23;
	s21 =	simm.s32 $0x0;
	s5 =	sand.u32 $0xFF000, s30;
	v1 =	vand.u32 $0x7, v1;
	v3 =	vand.u32 $0x1FFFFFF0, v2  }
0x2bb: {  	s28 =	simm.s32 $0x10;
	s25 =	sand.u32 $0x380, s31;
	s5 =	sshrl.u32 s5, $0x2;
	[tilespmem:s21+$0x14500] =	vst v1;
	v2 =	vadd.s32 v2, v3  }
0x2bc: {  	s28 =	sand.u32 $0x50, s28;
	s5 =	sor.u32 s25, s5;
	[tilespmem:s21+$0x13100] =	vst v2;
	v1 =	vadd.s32 $0x10, v2  }
0x2bd: {  	s5 =	sor.u32 s28, s5;
	[tilespmem:s21+$0x13B00] =	vst v1  }
0x2be: {  	v1 =	vld [tilespmem:s5+$0x0];
	_ =	sdelay $0x4  }
0x2bf: {  	s29 =	sadd.s32 $0x3C80, s19;
	v2 =	vshrl.u32 v1, $0x3  }
0x2c0: {  	s30 =	sadd.s32 $0xF20, s23;
	s5 =	sand.u32 $0xFF000, s29;
	v1 =	vand.u32 $0x7, v1;
	v3 =	vand.u32 $0x1FFFFFF0, v2  }
0x2c1: {  	s31 =	simm.s32 $0x20;
	s25 =	sand.u32 $0x380, s30;
	s5 =	sshrl.u32 s5, $0x2;
	[tilespmem:s21+$0x14510] =	vst v1;
	v2 =	vadd.s32 v2, v3  }
0x2c2: {  	s28 =	sand.u32 $0x60, s31;
	s5 =	sor.u32 s25, s5;
	[tilespmem:s21+$0x13110] =	vst v2;
	v1 =	vadd.s32 $0x10, v2  }
0x2c3: {  	s5 =	sor.u32 s28, s5;
	[tilespmem:s21+$0x13B10] =	vst v1  }
0x2c4: {  	v1 =	vld [tilespmem:s5+$0x0];
	_ =	sdelay $0x4  }
0x2c5: {  	s29 =	sadd.s32 $0x3CC0, s19;
	v2 =	vshrl.u32 v1, $0x3  }
0x2c6: {  	s30 =	sadd.s32 $0xF30, s23;
	s5 =	sand.u32 $0xFF000, s29;
	v1 =	vand.u32 $0x7, v1;
	v3 =	vand.u32 $0x1FFFFFF0, v2  }
0x2c7: {  	s31 =	simm.s32 $0x30;
	s19 =	sand.u32 $0x380, s30;
	s5 =	sshrl.u32 s5, $0x2;
	[tilespmem:s21+$0x14520] =	vst v1;
	v1 =	vadd.s32 v2, v3  }
0x2c8: {  	s23 =	sand.u32 $0x70, s31;
	s5 =	sor.u32 s19, s5;
	[tilespmem:s21+$0x13120] =	vst v1;
	v1 =	vadd.s32 $0x10, v1  }
0x2c9: {  	s5 =	sor.u32 s23, s5;
	[tilespmem:s21+$0x13B20] =	vst v1  }
0x2ca: {  	v1 =	vld [tilespmem:s5+$0x0];
	_ =	sdelay $0x2  }
0x2cb: {  	s25 =	simm.s32 $0x100  }
0x2cc: {  	s19 =	simm.s32 $0x40;
	s23 =	sadd.s32 $0x100, s13;
	s5 =	simm.s32 $0x80  }
.LBB2_26:
0x2cd: {  	p0 =	sne.s32 s5, $0x240;
	s28 =	sadd.s32 s19, s15;
	s29 =	sadd.s32 $0x3C00, s23;
	v2 =	vshrl.u32 v1, $0x3;
	v1 =	vand.u32 $0x7, v1  }
0x2ce: {  	s30 =	sadd.s32 $0xF00, s28;
	s29 =	sand.u32 $0xFF000, s29;
	v3 =	vand.u32 $0x1FFFFFF0, v2;
	[tilespmem:s21+$0x14530] =	vst v1  }
0x2cf: {  	s30 =	sand.u32 $0x380, s30;
	s29 =	sshrl.u32 s29, $0x2;
	v1 =	vadd.s32 v2, v3  }
0x2d0: {  	s31 =	sand.u32 $0x40, s19;
	s29 =	sor.u32 s30, s29;
	[tilespmem:s21+$0x13130] =	vst v1;
	v1 =	vadd.s32 $0x10, v1  }
0x2d1: {  	s29 =	sor.u32 s31, s29;
	[tilespmem:s21+$0x13B30] =	vst v1  }
0x2d2: {  	v1 =	vld [tilespmem:s29+$0x0];
	_ =	sdelay $0x4  }
0x2d3: {  	s29 =	sadd.s32 $0x3C40, s23;
	v2 =	vshrl.u32 v1, $0x3  }
0x2d4: {  	s30 =	sadd.s32 $0xF10, s28;
	s21 =	sshra.s32 s25, $0x2;
	s29 =	sand.u32 $0xFF000, s29;
	v1 =	vand.u32 $0x7, v1;
	v3 =	vand.u32 $0x1FFFFFF0, v2  }
0x2d5: {  	s31 =	sadd.s32 $0x10, s19;
	s30 =	sand.u32 $0x380, s30;
	s29 =	sshrl.u32 s29, $0x2;
	v2 =	vadd.s32 v2, v3;
	[tilespmem:s21+$0x14500] =	vst v1  }
0x2d6: {  	s31 =	sand.u32 $0x50, s31;
	s29 =	sor.u32 s30, s29;
	[tilespmem:s21+$0x13100] =	vst v2;
	v1 =	vadd.s32 $0x10, v2  }
0x2d7: {  	s29 =	sor.u32 s31, s29;
	[tilespmem:s21+$0x13B00] =	vst v1  }
0x2d8: {  	v1 =	vld [tilespmem:s29+$0x0];
	_ =	sdelay $0x4  }
0x2d9: {  	s29 =	sadd.s32 $0x3C80, s23;
	v2 =	vshrl.u32 v1, $0x3  }
0x2da: {  	s30 =	sadd.s32 $0xF20, s28;
	s29 =	sand.u32 $0xFF000, s29;
	v1 =	vand.u32 $0x7, v1;
	v3 =	vand.u32 $0x1FFFFFF0, v2  }
0x2db: {  	s31 =	sadd.s32 $0x20, s19;
	s30 =	sand.u32 $0x380, s30;
	s29 =	sshrl.u32 s29, $0x2;
	v2 =	vadd.s32 v2, v3;
	[tilespmem:s21+$0x14510] =	vst v1  }
0x2dc: {  	s31 =	sand.u32 $0x60, s31;
	s29 =	sor.u32 s30, s29;
	[tilespmem:s21+$0x13110] =	vst v2;
	v1 =	vadd.s32 $0x10, v2  }
0x2dd: {  	s29 =	sor.u32 s31, s29;
	[tilespmem:s21+$0x13B10] =	vst v1  }
0x2de: {  	v1 =	vld [tilespmem:s29+$0x0];
	_ =	sdelay $0x4  }
0x2df: {  	s23 =	sadd.s32 $0x3CC0, s23;
	v2 =	vshrl.u32 v1, $0x3;
	v1 =	vand.u32 $0x7, v1  }
0x2e0: {  	s28 =	sadd.s32 $0xF30, s28;
	s23 =	sand.u32 $0xFF000, s23;
	v3 =	vand.u32 $0x1FFFFFF0, v2;
	[tilespmem:s21+$0x14520] =	vst v1  }
0x2e1: {  	s19 =	sadd.s32 $0x30, s19;
	s28 =	sand.u32 $0x380, s28;
	s23 =	sshrl.u32 s23, $0x2;
	v1 =	vadd.s32 v2, v3  }
0x2e2: {  	s23 =	sor.u32 s28, s23;
	s29 =	sand.u32 $0x70, s19;
	s19 =	smov.u32 s5;
	[tilespmem:s21+$0x13120] =	vst v1;
	v1 =	vadd.s32 $0x10, v1  }
0x2e3: {  	s23 =	sor.u32 s29, s23;
	[tilespmem:s21+$0x13B20] =	vst v1  }
.Ltmp12:
0x2e4: {  	v1 =	vld [tilespmem:s23+$0x0];
	(pc) =	sbr.rel @p0 .LBB2_26-.Ltmp12, $3  }
0x2e5: {  	_ =	sdelay $0x1  }
0x2e6: {  	s25 =	sadd.s32 $0x100, s25  }
0x2e7: {  	s5 =	sadd.s32 $0x40, s5;
	s23 =	sadd.s32 s25, s13  }
0x2e8: {  	s5 =	sadd.s32 s19, s15;
	s28 =	sadd.s32 $0x3C00, s23;
	v2 =	vshrl.u32 v1, $0x3  }
0x2e9: {  	v1 =	vand.u32 $0x7, v1;
	s29 =	sadd.s32 $0xF00, s5;
	s28 =	sand.u32 $0xFF000, s28;
	v3 =	vand.u32 $0x1FFFFFF0, v2  }
0x2ea: {  	[tilespmem:s21+$0x14530] =	vst v1;
	s29 =	sand.u32 $0x380, s29;
	s28 =	sshrl.u32 s28, $0x2;
	v1 =	vadd.s32 v2, v3  }
0x2eb: {  	s30 =	sand.u32 $0x40, s19;
	s28 =	sor.u32 s29, s28;
	[tilespmem:s21+$0x13130] =	vst v1;
	v1 =	vadd.s32 $0x10, v1  }
0x2ec: {  	s28 =	sor.u32 s30, s28;
	[tilespmem:s21+$0x13B30] =	vst v1  }
0x2ed: {  	v1 =	vld [tilespmem:s28+$0x0];
	_ =	sdelay $0x4  }
0x2ee: {  	s29 =	sadd.s32 $0x3C40, s23;
	v2 =	vshrl.u32 v1, $0x3  }
0x2ef: {  	s25 =	sshra.s32 s25, $0x2;
	s30 =	sadd.s32 $0xF10, s5;
	s21 =	sand.u32 $0xFF000, s29;
	v1 =	vand.u32 $0x7, v1;
	v3 =	vand.u32 $0x1FFFFFF0, v2  }
0x2f0: {  	s31 =	sadd.s32 $0x10, s19;
	s28 =	sand.u32 $0x380, s30;
	s21 =	sshrl.u32 s21, $0x2;
	[tilespmem:s25+$0x14500] =	vst v1;
	v2 =	vadd.s32 v2, v3  }
0x2f1: {  	s29 =	sand.u32 $0x50, s31;
	s21 =	sor.u32 s28, s21;
	[tilespmem:s25+$0x13100] =	vst v2;
	v1 =	vadd.s32 $0x10, v2  }
0x2f2: {  	s21 =	sor.u32 s29, s21;
	[tilespmem:s25+$0x13B00] =	vst v1  }
0x2f3: {  	v1 =	vld [tilespmem:s21+$0x0];
	_ =	sdelay $0x4  }
0x2f4: {  	s29 =	sadd.s32 $0x3C80, s23;
	v2 =	vshrl.u32 v1, $0x3  }
0x2f5: {  	s30 =	sadd.s32 $0xF20, s5;
	s21 =	sand.u32 $0xFF000, s29;
	v1 =	vand.u32 $0x7, v1;
	v3 =	vand.u32 $0x1FFFFFF0, v2  }
0x2f6: {  	s31 =	sadd.s32 $0x20, s19;
	s28 =	sand.u32 $0x380, s30;
	s21 =	sshrl.u32 s21, $0x2;
	[tilespmem:s25+$0x14510] =	vst v1;
	v2 =	vadd.s32 v2, v3  }
0x2f7: {  	s29 =	sand.u32 $0x60, s31;
	s21 =	sor.u32 s28, s21;
	[tilespmem:s25+$0x13110] =	vst v2;
	v1 =	vadd.s32 $0x10, v2  }
0x2f8: {  	s21 =	sor.u32 s29, s21;
	[tilespmem:s25+$0x13B10] =	vst v1  }
0x2f9: {  	v1 =	vld [tilespmem:s21+$0x0];
	_ =	sdelay $0x4  }
0x2fa: {  	s28 =	sadd.s32 $0x3CC0, s23;
	v2 =	vshrl.u32 v1, $0x3  }
0x2fb: {  	s5 =	sadd.s32 $0xF30, s5;
	s21 =	sand.u32 $0xFF000, s28;
	v1 =	vand.u32 $0x7, v1;
	v3 =	vand.u32 $0x1FFFFFF0, v2  }
0x2fc: {  	s5 =	sand.u32 $0x380, s5;
	s29 =	sadd.s32 $0x30, s19;
	s21 =	sshrl.u32 s21, $0x2;
	[tilespmem:s25+$0x14520] =	vst v1;
	v1 =	vadd.s32 v2, v3  }
0x2fd: {  	s19 =	sand.u32 $0x70, s29;
	s5 =	sor.u32 s5, s21;
	[tilespmem:s25+$0x13120] =	vst v1;
	v1 =	vadd.s32 $0x10, v1  }
0x2fe: {  	s5 =	sor.u32 s19, s5;
	[tilespmem:s25+$0x13B20] =	vst v1  }
0x2ff: {  	v1 =	vld [tilespmem:s5+$0x0];
	_ =	sdelay $0x4  }
0x300: {  	v2 =	vshrl.u32 v1, $0x3  }
0x301: {  	v1 =	vand.u32 $0x7, v1;
	v3 =	vand.u32 $0x1FFFFFF0, v2  }
0x302: {  	[tilespmem:s25+$0x14530] =	vst v1;
	v1 =	vadd.s32 v2, v3  }
0x303: {  	[tilespmem:s25+$0x13130] =	vst v1;
	v1 =	vadd.s32 $0x10, v1  }
0x304: {  	s30 =	simm.s32 $0x13100;
	[tilespmem:s25+$0x13B30] =	vst v1  }
0x305: {  	[tilespmem:s20], [sflag:$0x3] =	stream.indirect.gather [hbm4b:s3+s10], $0x8, s30, s10, $0xb8;
	[tilespmem:$0x1EA00] =	vst v63  }
0x306: {  	s31 =	simm.s32 $0x13B00  }
0x307: {  	[tilespmem:s22], [sflag:$0x7] =	stream.indirect.gather [hbm4b:s3+s10], $0x8, s31, s10, $0xb8;
	[tilespmem:$0x1EA00] =	vst v63  }
.LBB2_28:
0x308: {  	_ =	swait.ge [sflag:s7], $0x1400  }
0x309: {  	[sflag:s7] =	ssyncset.done $0x0  }
0x30a: {  	[sflag:s7] =	ssyncadd.s32 $0xFFFFEC00  }
0x30b: {  	_ =	swait.ge [sflag:s8], $0x1400  }
0x30c: {  	s5 =	simm.s32 $0x30;
	[sflag:s8] =	ssyncset.done $0x0  }
0x30d: {  	s19 =	simm.s32 $0x147A0;
	s21 =	smov.u32 s2;
	[sflag:s8] =	ssyncadd.s32 $0xFFFFEC00  }
.LBB2_29:
0x30e: {  	v1 =	vld [tilespmem:s19+$0xFFFFFFE0];
	_ =	sdelay $0x1  }
0x30f: {  	s23 =	sadd.s32 $0xFFFFFFD0, s5  }
0x310: {  	v2 =	vmov s23  }
0x311: {  	v2 =	vshll.u32 v2, $0x3  }
0x312: {  	v2 =	vor.u32 v0, v2;
	v3 =	vand.u32 $0xFFFFFFF8, v1  }
0x313: {  	v1 =	vand.u32 $0x7, v1;
	v2 =	vadd.s32 v2, v3  }
0x314: {  	v1 =	vor.u32 v1, v2;
	_ =	sdelay $0x4  }
0x315: {  	v2 =	vld.idx.msk [tilespmem:v1+s24+$0x0], $0xffff  }
0x316: {  	v1 =	vld.idx.msk [tilespmem:v1+s26+$0x0], $0xffff  }
0x317: {  	s25 =	sand.u32 $0x7FFFFF00, s21  }
0x318: {  	s23 =	sand.u32 $0x40, s23;
	s25 =	sadd.s32 $0x6400, s25  }
0x319: {  	s23 =	sor.u32 s23, s25  }
0x31a: {  	[tilespmem:s23+$0x0] =	vst v2  }
0x31b: {  	[tilespmem:s23+$0x80] =	vst v1  }
0x31c: {  	v1 =	vld [tilespmem:s19+$0xFFFFFFF0];
	_ =	sdelay $0x1  }
0x31d: {  	s29 =	sadd.s32 $0xFFFFFFE0, s5  }
0x31e: {  	v2 =	vmov s29  }
0x31f: {  	v2 =	vshll.u32 v2, $0x3  }
0x320: {  	v2 =	vor.u32 v0, v2;
	v3 =	vand.u32 $0xFFFFFFF8, v1  }
0x321: {  	v1 =	vand.u32 $0x7, v1;
	v2 =	vadd.s32 v2, v3  }
0x322: {  	v1 =	vor.u32 v1, v2;
	_ =	sdelay $0x4  }
0x323: {  	v2 =	vld.idx.msk [tilespmem:v1+s24+$0x0], $0xffff  }
0x324: {  	v1 =	vld.idx.msk [tilespmem:v1+s26+$0x0], $0xffff;
	_ =	sdelay $0x1  }
0x325: {  	s23 =	sand.u32 $0x50, s29  }
0x326: {  	s23 =	sor.u32 s23, s25  }
0x327: {  	[tilespmem:s23+$0x0] =	vst v2  }
0x328: {  	[tilespmem:s23+$0x80] =	vst v1  }
0x329: {  	v1 =	vld [tilespmem:s19+$0x0];
	_ =	sdelay $0x1  }
0x32a: {  	s30 =	sadd.s32 $0xFFFFFFF0, s5  }
0x32b: {  	v2 =	vmov s30  }
0x32c: {  	v2 =	vshll.u32 v2, $0x3  }
0x32d: {  	v2 =	vor.u32 v0, v2;
	v3 =	vand.u32 $0xFFFFFFF8, v1  }
0x32e: {  	v1 =	vand.u32 $0x7, v1;
	v2 =	vadd.s32 v2, v3  }
0x32f: {  	v1 =	vor.u32 v1, v2;
	_ =	sdelay $0x4  }
0x330: {  	v2 =	vld.idx.msk [tilespmem:v1+s24+$0x0], $0xffff  }
0x331: {  	v1 =	vld.idx.msk [tilespmem:v1+s26+$0x0], $0xffff;
	_ =	sdelay $0x1  }
0x332: {  	s23 =	sand.u32 $0x60, s30  }
0x333: {  	s23 =	sor.u32 s23, s25  }
0x334: {  	[tilespmem:s23+$0x0] =	vst v2  }
0x335: {  	[tilespmem:s23+$0x80] =	vst v1  }
0x336: {  	v1 =	vld [tilespmem:s19+$0x10];
	_ =	sdelay $0x2  }
0x337: {  	v2 =	vmov s5  }
0x338: {  	v2 =	vshll.u32 v2, $0x3  }
0x339: {  	v2 =	vor.u32 v0, v2;
	v3 =	vand.u32 $0xFFFFFFF8, v1  }
0x33a: {  	v1 =	vand.u32 $0x7, v1;
	v2 =	vadd.s32 v2, v3  }
0x33b: {  	v1 =	vor.u32 v1, v2;
	_ =	sdelay $0x4  }
0x33c: {  	v2 =	vld.idx.msk [tilespmem:v1+s24+$0x0], $0xffff  }
0x33d: {  	p0 =	sne.s32 s5, $0x270;
	v1 =	vld.idx.msk [tilespmem:v1+s26+$0x0], $0xffff  }
.Ltmp13:
0x33e: {  	_ = 	snop;
	(pc) =	sbr.rel @p0 .LBB2_29-.Ltmp13, $4  }
0x33f: {  	s31 =	sand.u32 $0x70, s5  }
0x340: {  	s23 =	sor.u32 s31, s25  }
0x341: {  	[tilespmem:s23+$0x0] =	vst v2  }
0x342: {  	s21 =	sadd.s32 $0x80, s21;
	s5 =	sadd.s32 $0x40, s5;
	s19 =	sadd.s32 $0x40, s19;
	[tilespmem:s23+$0x80] =	vst v1  }
0x343: {  	s17 =	sadd.s32 $0x1, s17  }
0x344: {  	p0 =	sne.s32 s17, $0xA  }
.Ltmp14:
0x345: {  	_ = 	snop;
	(pc) =	sbr.rel @p0 .LBB2_8-.Ltmp14, $4  }
0x346: {  	_ = 	snop  }
0x347: {  	s15 =	sadd.s32 $0xA00, s15  }
0x348: {  	s13 =	sadd.s32 $0x2800, s13;
	s4 =	sadd.s32 $0xA00, s4;
	s11 =	sadd.s32 $0x1400, s11  }
0x349: {  	s6 =	sadd.s32 $0x1400, s6;
	s9 =	sadd.s32 $0x1400, s9;
	s2 =	sadd.s32 $0x1400, s2  }
0x34a: {  	s2 =	rddreg [dreg:$0x4];
	s4 =	simm.s32 $0x100  }
0x34b: {  	s5 =	simm.s32 $0x2000;
	s6 =	simm.s32 $0x6400;
	s9 =	simm.s32 $0x9  }
0x34c: {  	[hbm4b:s2+s4] =	stream.strided.scatter [tilespmem:s6], [sflag:$0x9], $0xC800, s5, s4, $0x38;
	[tilespmem:$0x1EA00] =	vst v63  }
0x34d: {  	_ =	swait.ge [sflag:s9], $0xC800  }
0x34e: {  	s30 =	rddreg [dreg:$0x6]  }
0x34f: {  	s31 =	rddreg [dreg:$0x5];
	s4 =	sadd.s32 $0x1, s30  }
0x350: {  	p0 =	sne.s32 s4, s31  }
.Ltmp15:
0x351: {  	_ = 	snop;
	(pc) =	sbr.rel @p0 .LBB2_1-.Ltmp15, $3  }
0x352: {  	_ =	sdelay $0x1  }
0x353: {  	[sflag:s9] =	ssyncset.done $0x0  }
0x354: {  	[sflag:s9] =	ssyncadd.s32 $0xFFFF3800  }
0x355: {  	_ =	sfence.sel $0x180000  }
0x356: {  	[bflag:$0x0] =	sbarrier.arrive $0xFFFF  }
0x357: {  	_ =	strace $0x90000047  }
0x358: {  	s0 =	stileid.u32;
	[bflag:$0x2] =	sbarrier.arrive $0xFFFF  }
0x359: {  	p0 =	sne.s32 s0, $0x0;
	s0 =	rddreg [dreg:$0x2]  }
0x35a: {  	s0 =	sadd.s32 @!p0 $0x100000, s0  }
0x35b: {  	[sflag:s0] =	ssyncadd.tile.s32 @!p0 $0x1;
	_ =	shalt  }
.Lfunc_end2:
_tile_overlayer_lowered:
.L_overlay_start_2:
0x35c: {  	(tag) =	ssettag $0x2  }
0x35d: {  	s0 =	rddreg [dreg:$0x0];
	s2 =	stileid.u32  }
0x35e: {  	s1 =	rddreg [dreg:$0x1];
	p0 =	sne.s32 s2, $0x0  }
0x35f: {  	s3 =	rddreg [dreg:$0x2];
	[bflag:$0x3] =	sbarrier.arrive $0xFFFF;
	s2 =	simm.s32 @!p0 $0x1C09  }
0x360: {  	[timem:s3], [sflag:s2] =	dma.local @!p0 [hbm:s0], s1  }
0x361: {  	s0 =	simm.s32 @!p0 $0x9  }
0x362: {  	_ =	swait.ge @!p0 [sflag:s0], s1  }
0x363: {  	s1 =	ssub.s32 @!p0 $0x0, s1;
	[sflag:s0] =	ssyncset.done @!p0 $0x0  }
0x364: {  	[sflag:s0] =	ssyncadd.s32 @!p0 s1  }
0x365: {  	[bflag:$0x3] =	sbarrier.arrive $0xFFFF  }
0x366: {  	_ =	shalt  }

</sc_bundles>
